<compile_context>
chip_gen: v7x
topology: tpu7x:2x2x1
jax: 0.10.2.dev20260603
libtpu: 0.0.44.dev20260713+nightly
codegen_flags: <defaults>
</compile_context>

<pallas_src>
import functools

import jax
import jax.numpy as jnp
from jax import lax
from jax.experimental import pallas as pl
from jax.experimental.pallas import tpu as pltpu, tpu_sc as plsc

NUM_CLS = 1000
NI, NJ = 4096, 50
NIS = 16
IW = NI // NIS
JW = NJ // 2
CW = 200
NCH = NUM_CLS // CW
CHUNKS = JW * NCH
NBUF = 2

_mesh = plsc.VectorSubcoreMesh(core_axis_name="c", subcore_axis_name="s")


@functools.partial(
    pl.kernel,
    out_type=jax.ShapeDtypeStruct((NJ, NUM_CLS, NI), jnp.float32),
    mesh=_mesh,
    scratch_types=[
        pltpu.VMEM((JW * IW,), jnp.int32),
        pltpu.VMEM((NBUF, CW, IW), jnp.float32),
        pltpu.SemaphoreType.DMA,
        pltpu.SemaphoreType.DMA,
        pltpu.SemaphoreType.DMA,
    ],
    compiler_params=pltpu.CompilerParams(needs_layout_passes=False),
)
def _onehot_sc(xt_hbm, zeros_hbm, out_hbm, idx_v, buf_v, sem0, sem1, semz):
    wid = lax.axis_index("s") * 2 + lax.axis_index("c")
    i_base = (wid % NIS) * IW
    j_base = (wid // NIS) * JW
    sems = (sem0, sem1)

    idx_cps = [
        pltpu.make_async_copy(
            xt_hbm.at[pl.ds((j_base + jj) * NI + i_base, IW)],
            idx_v.at[pl.ds(jj * IW, IW)], semz)
        for jj in range(JW)
    ]
    for cp in idx_cps:
        cp.start()
    zcp = pltpu.make_async_copy(zeros_hbm, buf_v, sems[0])
    zcp.start()
    for cp in idx_cps:
        cp.wait()
    zcp.wait()

    iota16 = lax.iota(jnp.int32, 16)
    zeros16 = jnp.zeros((16,), jnp.float32)
    ones16 = jnp.ones((16,), jnp.float32)

    def set_chunk(m, slot, vals16):
        jj = m // NCH
        c0 = (m % NCH) * CW
        slot16 = jnp.full((16,), slot, jnp.int32)
        for g in range(IW // 16):
            i16 = g * 16 + iota16
            cols = idx_v[pl.ds(jj * IW + g * 16, 16)]
            rel = cols - c0
            mask = (rel >= 0) & (rel < CW)
            plsc.store_scatter(buf_v, [slot16, rel, i16], vals16, mask=mask)

    def dma(slot, m):
        jj = j_base + m // NCH
        c0 = (m % NCH) * CW
        return pltpu.make_async_copy(
            buf_v.at[slot],
            out_hbm.at[jj, pl.ds(c0, CW), pl.ds(i_base, IW)],
            sems[slot],
        )

    for b in range(NBUF):
        set_chunk(b, b, ones16)
        dma(b, b).start()

    def step(t, carry):
        g = t * NBUF
        for b in range(NBUF):
            m = g + b
            dma(b, m).wait()
            set_chunk(m - NBUF, b, zeros16)
            set_chunk(m, b, ones16)
            dma(b, m).start()
        return carry

    lax.fori_loop(1, CHUNKS // NBUF, step, 0)

    for m in range(NBUF * (CHUNKS // NBUF), CHUNKS):
        b = m % NBUF
        dma(b, m - NBUF).wait()
        set_chunk(m - NBUF, b, zeros16)
        set_chunk(m, b, ones16)
        dma(b, m).start()

    for b in range(NBUF):
        dma(b, CHUNKS - NBUF + b).wait()


def kernel(x):
    xt = x.astype(jnp.int32).T.reshape(NJ * NI)
    zeros = jnp.zeros((NBUF, CW, IW), jnp.float32)
    out = _onehot_sc(xt, zeros)
    return out.transpose(2, 0, 1)

# --- scband reference (transcript-rebuilt; emitter-appended) ---
"""Pipeline reference for scband-one-hot-embedding-71210557767987 (READ-ONLY COPY).

The authoritative reference and input builder live on the scoring server;
editing this copy changes nothing except your own understanding.
"""

import jax, jax.numpy as jnp
import numpy as np

NUM_CLASSES = 1000

def setup_inputs(seed: int = 0) -> dict:
    key = jax.random.key(seed)
    x = jax.random.randint(key, (4096, 50), 0, NUM_CLASSES, dtype=jnp.int64)
    return {"x": x}

def reference(x):
    # Faithful translation of OneHotEmbedding.forward:
    # if x.dim() > 2: return x; else one_hot(x, num_classes=hidden_size).float()
    if x.ndim > 2:
        return x
    return jax.nn.one_hot(x.astype(jnp.int32), NUM_CLASSES, dtype=jnp.float32)

if __name__ == "__main__":
    import jax
    _d = setup_inputs()
    print(jax.jit(kernel)(*tuple(_d.values())))

</pallas_src>

<mosaic_0001>
#map = affine_map<(d0, d1) -> (0)>
#map1 = affine_map<(d0, d1) -> (0, 0, 0)>
module attributes {stable_mosaic.version = 14 : i64} {
  func.func @_onehot_sc(%arg0: i32, %arg1: i32, %arg2: memref<204800xi32, #tpu.memory_space<hbm>>, %arg3: memref<2x200x256xf32, #tpu.memory_space<hbm>>, %arg4: memref<50x1000x4096xf32, #tpu.memory_space<hbm>>, %arg5: memref<6400xi32, #tpu.memory_space<vmem>>, %arg6: memref<2x200x256xf32, #tpu.memory_space<vmem>>, %arg7: memref<!tpu.dma_semaphore, #tpu.memory_space<semaphore_mem>>, %arg8: memref<!tpu.dma_semaphore, #tpu.memory_space<semaphore_mem>>, %arg9: memref<!tpu.dma_semaphore, #tpu.memory_space<semaphore_mem>>) attributes {dimension_semantics = [#tpu.dimension_semantics<core_parallel>, #tpu.dimension_semantics<subcore_parallel>], iteration_bounds = array<i64: 2, 16>, scalar_prefetch = 0 : i64, scratch_operands = 5 : i64, tpu.core_type = #tpu.core_type<sc_vector_subcore>, window_params = [{transform_indices = #map}, {transform_indices = #map1}, {transform_indices = #map1}]} {
    %mul3A = arith.constant 2 : i32
    %mul3A_0 = arith.muli %arg1, %mul3A : i32
    %add3A = arith.addi %mul3A_0, %arg0 : i32
    %jit3A = arith.constant 16 : i32
    %eq3A = arith.constant 0 : i32
    %eq3A_1 = arith.cmpi eq, %jit3A, %eq3A : i32
    %jit3A_2 = arith.constant 1 : i32
    %select_n3A = arith.select %eq3A_1, %jit3A_2, %jit3A : i32
    %rem3A = arith.remsi %add3A, %select_n3A : i32
    %ne3A = arith.constant 0 : i32
    %ne3A_3 = arith.cmpi ne, %rem3A, %ne3A : i32
    %lt3A = arith.constant 0 : i32
    %lt3A_4 = arith.cmpi slt, %rem3A, %lt3A : i32
    %lt3A_5 = arith.constant 0 : i32
    %lt3A_6 = arith.cmpi slt, %select_n3A, %lt3A_5 : i32
    %ne3A_7 = arith.xori %lt3A_4, %lt3A_6 : i1
    %and3A = arith.andi %ne3A_7, %ne3A_3 : i1
    %add3A_8 = arith.addi %rem3A, %select_n3A : i32
    %select_n3A_9 = arith.select %and3A, %add3A_8, %rem3A : i32
    %mul3A_10 = arith.constant 256 : i32
    %mul3A_11 = arith.muli %select_n3A_9, %mul3A_10 : i32
    %jit3A_12 = arith.constant 16 : i32
    %div3A = arith.divsi %add3A, %jit3A_12 : i32
    %sign3A = arith.constant 0 : i32
    %sign3A_13 = arith.cmpi sgt, %add3A, %sign3A : i32
    %sign3A_14 = arith.extui %sign3A_13 : i1 to i32
    %sign3A_15 = arith.constant 0 : i32
    %sign3A_16 = arith.cmpi slt, %add3A, %sign3A_15 : i32
    %sign3A_17 = arith.extui %sign3A_16 : i1 to i32
    %sign3A_18 = arith.subi %sign3A_14, %sign3A_17 : i32
    %sign3A_19 = arith.constant 0 : i32
    %sign3A_20 = arith.cmpi sgt, %jit3A_12, %sign3A_19 : i32
    %sign3A_21 = arith.extui %sign3A_20 : i1 to i32
    %sign3A_22 = arith.constant 0 : i32
    %sign3A_23 = arith.cmpi slt, %jit3A_12, %sign3A_22 : i32
    %sign3A_24 = arith.extui %sign3A_23 : i1 to i32
    %sign3A_25 = arith.subi %sign3A_21, %sign3A_24 : i32
    %ne3A_26 = arith.cmpi ne, %sign3A_18, %sign3A_25 : i32
    %rem3A_27 = arith.remsi %add3A, %jit3A_12 : i32
    %ne3A_28 = arith.constant 0 : i32
    %ne3A_29 = arith.cmpi ne, %rem3A_27, %ne3A_28 : i32
    %and3A_30 = arith.andi %ne3A_26, %ne3A_29 : i1
    %sub3A = arith.constant 1 : i32
    %sub3A_31 = arith.subi %div3A, %sub3A : i32
    %select_n3A_32 = arith.select %and3A_30, %sub3A_31, %div3A : i32
    %mul3A_33 = arith.constant 25 : i32
    %mul3A_34 = arith.muli %select_n3A_32, %mul3A_33 : i32
    %add3A_35 = arith.constant 0 : i32
    %add3A_36 = arith.addi %mul3A_34, %add3A_35 : i32
    %mul3A_37 = arith.constant 4096 : i32
    %mul3A_38 = arith.muli %add3A_36, %mul3A_37 : i32
    %add3A_39 = arith.addi %mul3A_38, %mul3A_11 : i32
    %add3A_40 = arith.constant 1 : i32
    %add3A_41 = arith.addi %mul3A_34, %add3A_40 : i32
    %mul3A_42 = arith.constant 4096 : i32
    %mul3A_43 = arith.muli %add3A_41, %mul3A_42 : i32
    %add3A_44 = arith.addi %mul3A_43, %mul3A_11 : i32
    %add3A_45 = arith.constant 2 : i32
    %add3A_46 = arith.addi %mul3A_34, %add3A_45 : i32
    %mul3A_47 = arith.constant 4096 : i32
    %mul3A_48 = arith.muli %add3A_46, %mul3A_47 : i32
    %add3A_49 = arith.addi %mul3A_48, %mul3A_11 : i32
    %add3A_50 = arith.constant 3 : i32
    %add3A_51 = arith.addi %mul3A_34, %add3A_50 : i32
    %mul3A_52 = arith.constant 4096 : i32
    %mul3A_53 = arith.muli %add3A_51, %mul3A_52 : i32
    %add3A_54 = arith.addi %mul3A_53, %mul3A_11 : i32
    %add3A_55 = arith.constant 4 : i32
    %add3A_56 = arith.addi %mul3A_34, %add3A_55 : i32
    %mul3A_57 = arith.constant 4096 : i32
    %mul3A_58 = arith.muli %add3A_56, %mul3A_57 : i32
    %add3A_59 = arith.addi %mul3A_58, %mul3A_11 : i32
    %add3A_60 = arith.constant 5 : i32
    %add3A_61 = arith.addi %mul3A_34, %add3A_60 : i32
    %mul3A_62 = arith.constant 4096 : i32
    %mul3A_63 = arith.muli %add3A_61, %mul3A_62 : i32
    %add3A_64 = arith.addi %mul3A_63, %mul3A_11 : i32
    %add3A_65 = arith.constant 6 : i32
    %add3A_66 = arith.addi %mul3A_34, %add3A_65 : i32
    %mul3A_67 = arith.constant 4096 : i32
    %mul3A_68 = arith.muli %add3A_66, %mul3A_67 : i32
    %add3A_69 = arith.addi %mul3A_68, %mul3A_11 : i32
    %add3A_70 = arith.constant 7 : i32
    %add3A_71 = arith.addi %mul3A_34, %add3A_70 : i32
    %mul3A_72 = arith.constant 4096 : i32
    %mul3A_73 = arith.muli %add3A_71, %mul3A_72 : i32
    %add3A_74 = arith.addi %mul3A_73, %mul3A_11 : i32
    %add3A_75 = arith.constant 8 : i32
    %add3A_76 = arith.addi %mul3A_34, %add3A_75 : i32
    %mul3A_77 = arith.constant 4096 : i32
    %mul3A_78 = arith.muli %add3A_76, %mul3A_77 : i32
    %add3A_79 = arith.addi %mul3A_78, %mul3A_11 : i32
    %add3A_80 = arith.constant 9 : i32
    %add3A_81 = arith.addi %mul3A_34, %add3A_80 : i32
    %mul3A_82 = arith.constant 4096 : i32
    %mul3A_83 = arith.muli %add3A_81, %mul3A_82 : i32
    %add3A_84 = arith.addi %mul3A_83, %mul3A_11 : i32
    %add3A_85 = arith.constant 10 : i32
    %add3A_86 = arith.addi %mul3A_34, %add3A_85 : i32
    %mul3A_87 = arith.constant 4096 : i32
    %mul3A_88 = arith.muli %add3A_86, %mul3A_87 : i32
    %add3A_89 = arith.addi %mul3A_88, %mul3A_11 : i32
    %add3A_90 = arith.constant 11 : i32
    %add3A_91 = arith.addi %mul3A_34, %add3A_90 : i32
    %mul3A_92 = arith.constant 4096 : i32
    %mul3A_93 = arith.muli %add3A_91, %mul3A_92 : i32
    %add3A_94 = arith.addi %mul3A_93, %mul3A_11 : i32
    %add3A_95 = arith.constant 12 : i32
    %add3A_96 = arith.addi %mul3A_34, %add3A_95 : i32
    %mul3A_97 = arith.constant 4096 : i32
    %mul3A_98 = arith.muli %add3A_96, %mul3A_97 : i32
    %add3A_99 = arith.addi %mul3A_98, %mul3A_11 : i32
    %add3A_100 = arith.constant 13 : i32
    %add3A_101 = arith.addi %mul3A_34, %add3A_100 : i32
    %mul3A_102 = arith.constant 4096 : i32
    %mul3A_103 = arith.muli %add3A_101, %mul3A_102 : i32
    %add3A_104 = arith.addi %mul3A_103, %mul3A_11 : i32
    %add3A_105 = arith.constant 14 : i32
    %add3A_106 = arith.addi %mul3A_34, %add3A_105 : i32
    %mul3A_107 = arith.constant 4096 : i32
    %mul3A_108 = arith.muli %add3A_106, %mul3A_107 : i32
    %add3A_109 = arith.addi %mul3A_108, %mul3A_11 : i32
    %add3A_110 = arith.constant 15 : i32
    %add3A_111 = arith.addi %mul3A_34, %add3A_110 : i32
    %mul3A_112 = arith.constant 4096 : i32
    %mul3A_113 = arith.muli %add3A_111, %mul3A_112 : i32
    %add3A_114 = arith.addi %mul3A_113, %mul3A_11 : i32
    %add3A_115 = arith.constant 16 : i32
    %add3A_116 = arith.addi %mul3A_34, %add3A_115 : i32
    %mul3A_117 = arith.constant 4096 : i32
    %mul3A_118 = arith.muli %add3A_116, %mul3A_117 : i32
    %add3A_119 = arith.addi %mul3A_118, %mul3A_11 : i32
    %add3A_120 = arith.constant 17 : i32
    %add3A_121 = arith.addi %mul3A_34, %add3A_120 : i32
    %mul3A_122 = arith.constant 4096 : i32
    %mul3A_123 = arith.muli %add3A_121, %mul3A_122 : i32
    %add3A_124 = arith.addi %mul3A_123, %mul3A_11 : i32
    %add3A_125 = arith.constant 18 : i32
    %add3A_126 = arith.addi %mul3A_34, %add3A_125 : i32
    %mul3A_127 = arith.constant 4096 : i32
    %mul3A_128 = arith.muli %add3A_126, %mul3A_127 : i32
    %add3A_129 = arith.addi %mul3A_128, %mul3A_11 : i32
    %add3A_130 = arith.constant 19 : i32
    %add3A_131 = arith.addi %mul3A_34, %add3A_130 : i32
    %mul3A_132 = arith.constant 4096 : i32
    %mul3A_133 = arith.muli %add3A_131, %mul3A_132 : i32
    %add3A_134 = arith.addi %mul3A_133, %mul3A_11 : i32
    %add3A_135 = arith.constant 20 : i32
    %add3A_136 = arith.addi %mul3A_34, %add3A_135 : i32
    %mul3A_137 = arith.constant 4096 : i32
    %mul3A_138 = arith.muli %add3A_136, %mul3A_137 : i32
    %add3A_139 = arith.addi %mul3A_138, %mul3A_11 : i32
    %add3A_140 = arith.constant 21 : i32
    %add3A_141 = arith.addi %mul3A_34, %add3A_140 : i32
    %mul3A_142 = arith.constant 4096 : i32
    %mul3A_143 = arith.muli %add3A_141, %mul3A_142 : i32
    %add3A_144 = arith.addi %mul3A_143, %mul3A_11 : i32
    %add3A_145 = arith.constant 22 : i32
    %add3A_146 = arith.addi %mul3A_34, %add3A_145 : i32
    %mul3A_147 = arith.constant 4096 : i32
    %mul3A_148 = arith.muli %add3A_146, %mul3A_147 : i32
    %add3A_149 = arith.addi %mul3A_148, %mul3A_11 : i32
    %add3A_150 = arith.constant 23 : i32
    %add3A_151 = arith.addi %mul3A_34, %add3A_150 : i32
    %mul3A_152 = arith.constant 4096 : i32
    %mul3A_153 = arith.muli %add3A_151, %mul3A_152 : i32
    %add3A_154 = arith.addi %mul3A_153, %mul3A_11 : i32
    %add3A_155 = arith.constant 24 : i32
    %add3A_156 = arith.addi %mul3A_34, %add3A_155 : i32
    %mul3A_157 = arith.constant 4096 : i32
    %mul3A_158 = arith.muli %add3A_156, %mul3A_157 : i32
    %add3A_159 = arith.addi %mul3A_158, %mul3A_11 : i32
    %dma_start3A = arith.constant 0 : i32
    %dma_start3A_160 = tpu.memref_slice %arg5[%dma_start3A] : memref<6400xi32, #tpu.memory_space<vmem>> -> memref<256xi32, #tpu.memory_space<vmem>>
    %dma_start3A_161 = tpu.memref_slice %arg2[%add3A_39] : memref<204800xi32, #tpu.memory_space<hbm>> -> memref<256xi32, #tpu.memory_space<hbm>>
    %dma_start3A_162 = arith.constant 0 : i32
    %dma_start3A_163 = tpu.memref_slice %arg5[%dma_start3A_162] : memref<6400xi32, #tpu.memory_space<vmem>> -> memref<256xi32, #tpu.memory_space<vmem>>
    %dma_start3A_164 = tpu.memref_slice %arg2[%add3A_39] : memref<204800xi32, #tpu.memory_space<hbm>> -> memref<256xi32, #tpu.memory_space<hbm>>
    tpu.enqueue_dma source(%dma_start3A_164 : memref<256xi32, #tpu.memory_space<hbm>>) target(%dma_start3A_163 : memref<256xi32, #tpu.memory_space<vmem>>) target_semaphore(%arg9 : memref<!tpu.dma_semaphore, #tpu.memory_space<semaphore_mem>>)
    %dma_start3A_165 = arith.constant 256 : i32
    %dma_start3A_166 = tpu.memref_slice %arg5[%dma_start3A_165] : memref<6400xi32, #tpu.memory_space<vmem>> -> memref<256xi32, #tpu.memory_space<vmem>>
    %dma_start3A_167 = tpu.memref_slice %arg2[%add3A_44] : memref<204800xi32, #tpu.memory_space<hbm>> -> memref<256xi32, #tpu.memory_space<hbm>>
    %dma_start3A_168 = arith.constant 256 : i32
    %dma_start3A_169 = tpu.memref_slice %arg5[%dma_start3A_168] : memref<6400xi32, #tpu.memory_space<vmem>> -> memref<256xi32, #tpu.memory_space<vmem>>
    %dma_start3A_170 = tpu.memref_slice %arg2[%add3A_44] : memref<204800xi32, #tpu.memory_space<hbm>> -> memref<256xi32, #tpu.memory_space<hbm>>
    tpu.enqueue_dma source(%dma_start3A_170 : memref<256xi32, #tpu.memory_space<hbm>>) target(%dma_start3A_169 : memref<256xi32, #tpu.memory_space<vmem>>) target_semaphore(%arg9 : memref<!tpu.dma_semaphore, #tpu.memory_space<semaphore_mem>>)
    %dma_start3A_171 = arith.constant 512 : i32
    %dma_start3A_172 = tpu.memref_slice %arg5[%dma_start3A_171] : memref<6400xi32, #tpu.memory_space<vmem>> -> memref<256xi32, #tpu.memory_space<vmem>>
    %dma_start3A_173 = tpu.memref_slice %arg2[%add3A_49] : memref<204800xi32, #tpu.memory_space<hbm>> -> memref<256xi32, #tpu.memory_space<hbm>>
    %dma_start3A_174 = arith.constant 512 : i32
    %dma_start3A_175 = tpu.memref_slice %arg5[%dma_start3A_174] : memref<6400xi32, #tpu.memory_space<vmem>> -> memref<256xi32, #tpu.memory_space<vmem>>
    %dma_start3A_176 = tpu.memref_slice %arg2[%add3A_49] : memref<204800xi32, #tpu.memory_space<hbm>> -> memref<256xi32, #tpu.memory_space<hbm>>
    tpu.enqueue_dma source(%dma_start3A_176 : memref<256xi32, #tpu.memory_space<hbm>>) target(%dma_start3A_175 : memref<256xi32, #tpu.memory_space<vmem>>) target_semaphore(%arg9 : memref<!tpu.dma_semaphore, #tpu.memory_space<semaphore_mem>>)
    %dma_start3A_177 = arith.constant 768 : i32
    %dma_start3A_178 = tpu.memref_slice %arg5[%dma_start3A_177] : memref<6400xi32, #tpu.memory_space<vmem>> -> memref<256xi32, #tpu.memory_space<vmem>>
    %dma_start3A_179 = tpu.memref_slice %arg2[%add3A_54] : memref<204800xi32, #tpu.memory_space<hbm>> -> memref<256xi32, #tpu.memory_space<hbm>>
    %dma_start3A_180 = arith.constant 768 : i32
    %dma_start3A_181 = tpu.memref_slice %arg5[%dma_start3A_180] : memref<6400xi32, #tpu.memory_space<vmem>> -> memref<256xi32, #tpu.memory_space<vmem>>
    %dma_start3A_182 = tpu.memref_slice %arg2[%add3A_54] : memref<204800xi32, #tpu.memory_space<hbm>> -> memref<256xi32, #tpu.memory_space<hbm>>
    tpu.enqueue_dma source(%dma_start3A_182 : memref<256xi32, #tpu.memory_space<hbm>>) target(%dma_start3A_181 : memref<256xi32, #tpu.memory_space<vmem>>) target_semaphore(%arg9 : memref<!tpu.dma_semaphore, #tpu.memory_space<semaphore_mem>>)
    %dma_start3A_183 = arith.constant 1024 : i32
    %dma_start3A_184 = tpu.memref_slice %arg5[%dma_start3A_183] : memref<6400xi32, #tpu.memory_space<vmem>> -> memref<256xi32, #tpu.memory_space<vmem>>
    %dma_start3A_185 = tpu.memref_slice %arg2[%add3A_59] : memref<204800xi32, #tpu.memory_space<hbm>> -> memref<256xi32, #tpu.memory_space<hbm>>
    %dma_start3A_186 = arith.constant 1024 : i32
    %dma_start3A_187 = tpu.memref_slice %arg5[%dma_start3A_186] : memref<6400xi32, #tpu.memory_space<vmem>> -> memref<256xi32, #tpu.memory_space<vmem>>
    %dma_start3A_188 = tpu.memref_slice %arg2[%add3A_59] : memref<204800xi32, #tpu.memory_space<hbm>> -> memref<256xi32, #tpu.memory_space<hbm>>
    tpu.enqueue_dma source(%dma_start3A_188 : memref<256xi32, #tpu.memory_space<hbm>>) target(%dma_start3A_187 : memref<256xi32, #tpu.memory_space<vmem>>) target_semaphore(%arg9 : memref<!tpu.dma_semaphore, #tpu.memory_space<semaphore_mem>>)
    %dma_start3A_189 = arith.constant 1280 : i32
    %dma_start3A_190 = tpu.memref_slice %arg5[%dma_start3A_189] : memref<6400xi32, #tpu.memory_space<vmem>> -> memref<256xi32, #tpu.memory_space<vmem>>
    %dma_start3A_191 = tpu.memref_slice %arg2[%add3A_64] : memref<204800xi32, #tpu.memory_space<hbm>> -> memref<256xi32, #tpu.memory_space<hbm>>
    %dma_start3A_192 = arith.constant 1280 : i32
    %dma_start3A_193 = tpu.memref_slice %arg5[%dma_start3A_192] : memref<6400xi32, #tpu.memory_space<vmem>> -> memref<256xi32, #tpu.memory_space<vmem>>
    %dma_start3A_194 = tpu.memref_slice %arg2[%add3A_64] : memref<204800xi32, #tpu.memory_space<hbm>> -> memref<256xi32, #tpu.memory_space<hbm>>
    tpu.enqueue_dma source(%dma_start3A_194 : memref<256xi32, #tpu.memory_space<hbm>>) target(%dma_start3A_193 : memref<256xi32, #tpu.memory_space<vmem>>) target_semaphore(%arg9 : memref<!tpu.dma_semaphore, #tpu.memory_space<semaphore_mem>>)
    %dma_start3A_195 = arith.constant 1536 : i32
    %dma_start3A_196 = tpu.memref_slice %arg5[%dma_start3A_195] : memref<6400xi32, #tpu.memory_space<vmem>> -> memref<256xi32, #tpu.memory_space<vmem>>
    %dma_start3A_197 = tpu.memref_slice %arg2[%add3A_69] : memref<204800xi32, #tpu.memory_space<hbm>> -> memref<256xi32, #tpu.memory_space<hbm>>
    %dma_start3A_198 = arith.constant 1536 : i32
    %dma_start3A_199 = tpu.memref_slice %arg5[%dma_start3A_198] : memref<6400xi32, #tpu.memory_space<vmem>> -> memref<256xi32, #tpu.memory_space<vmem>>
    %dma_start3A_200 = tpu.memref_slice %arg2[%add3A_69] : memref<204800xi32, #tpu.memory_space<hbm>> -> memref<256xi32, #tpu.memory_space<hbm>>
    tpu.enqueue_dma source(%dma_start3A_200 : memref<256xi32, #tpu.memory_space<hbm>>) target(%dma_start3A_199 : memref<256xi32, #tpu.memory_space<vmem>>) target_semaphore(%arg9 : memref<!tpu.dma_semaphore, #tpu.memory_space<semaphore_mem>>)
    %dma_start3A_201 = arith.constant 1792 : i32
    %dma_start3A_202 = tpu.memref_slice %arg5[%dma_start3A_201] : memref<6400xi32, #tpu.memory_space<vmem>> -> memref<256xi32, #tpu.memory_space<vmem>>
    %dma_start3A_203 = tpu.memref_slice %arg2[%add3A_74] : memref<204800xi32, #tpu.memory_space<hbm>> -> memref<256xi32, #tpu.memory_space<hbm>>
    %dma_start3A_204 = arith.constant 1792 : i32
    %dma_start3A_205 = tpu.memref_slice %arg5[%dma_start3A_204] : memref<6400xi32, #tpu.memory_space<vmem>> -> memref<256xi32, #tpu.memory_space<vmem>>
    %dma_start3A_206 = tpu.memref_slice %arg2[%add3A_74] : memref<204800xi32, #tpu.memory_space<hbm>> -> memref<256xi32, #tpu.memory_space<hbm>>
    tpu.enqueue_dma source(%dma_start3A_206 : memref<256xi32, #tpu.memory_space<hbm>>) target(%dma_start3A_205 : memref<256xi32, #tpu.memory_space<vmem>>) target_semaphore(%arg9 : memref<!tpu.dma_semaphore, #tpu.memory_space<semaphore_mem>>)
    %dma_start3A_207 = arith.constant 2048 : i32
    %dma_start3A_208 = tpu.memref_slice %arg5[%dma_start3A_207] : memref<6400xi32, #tpu.memory_space<vmem>> -> memref<256xi32, #tpu.memory_space<vmem>>
    %dma_start3A_209 = tpu.memref_slice %arg2[%add3A_79] : memref<204800xi32, #tpu.memory_space<hbm>> -> memref<256xi32, #tpu.memory_space<hbm>>
    %dma_start3A_210 = arith.constant 2048 : i32
    %dma_start3A_211 = tpu.memref_slice %arg5[%dma_start3A_210] : memref<6400xi32, #tpu.memory_space<vmem>> -> memref<256xi32, #tpu.memory_space<vmem>>
    %dma_start3A_212 = tpu.memref_slice %arg2[%add3A_79] : memref<204800xi32, #tpu.memory_space<hbm>> -> memref<256xi32, #tpu.memory_space<hbm>>
    tpu.enqueue_dma source(%dma_start3A_212 : memref<256xi32, #tpu.memory_space<hbm>>) target(%dma_start3A_211 : memref<256xi32, #tpu.memory_space<vmem>>) target_semaphore(%arg9 : memref<!tpu.dma_semaphore, #tpu.memory_space<semaphore_mem>>)
    %dma_start3A_213 = arith.constant 2304 : i32
    %dma_start3A_214 = tpu.memref_slice %arg5[%dma_start3A_213] : memref<6400xi32, #tpu.memory_space<vmem>> -> memref<256xi32, #tpu.memory_space<vmem>>
    %dma_start3A_215 = tpu.memref_slice %arg2[%add3A_84] : memref<204800xi32, #tpu.memory_space<hbm>> -> memref<256xi32, #tpu.memory_space<hbm>>
    %dma_start3A_216 = arith.constant 2304 : i32
    %dma_start3A_217 = tpu.memref_slice %arg5[%dma_start3A_216] : memref<6400xi32, #tpu.memory_space<vmem>> -> memref<256xi32, #tpu.memory_space<vmem>>
    %dma_start3A_218 = tpu.memref_slice %arg2[%add3A_84] : memref<204800xi32, #tpu.memory_space<hbm>> -> memref<256xi32, #tpu.memory_space<hbm>>
    tpu.enqueue_dma source(%dma_start3A_218 : memref<256xi32, #tpu.memory_space<hbm>>) target(%dma_start3A_217 : memref<256xi32, #tpu.memory_space<vmem>>) target_semaphore(%arg9 : memref<!tpu.dma_semaphore, #tpu.memory_space<semaphore_mem>>)
    %dma_start3A_219 = arith.constant 2560 : i32
    %dma_start3A_220 = tpu.memref_slice %arg5[%dma_start3A_219] : memref<6400xi32, #tpu.memory_space<vmem>> -> memref<256xi32, #tpu.memory_space<vmem>>
    %dma_start3A_221 = tpu.memref_slice %arg2[%add3A_89] : memref<204800xi32, #tpu.memory_space<hbm>> -> memref<256xi32, #tpu.memory_space<hbm>>
    %dma_start3A_222 = arith.constant 2560 : i32
    %dma_start3A_223 = tpu.memref_slice %arg5[%dma_start3A_222] : memref<6400xi32, #tpu.memory_space<vmem>> -> memref<256xi32, #tpu.memory_space<vmem>>
    %dma_start3A_224 = tpu.memref_slice %arg2[%add3A_89] : memref<204800xi32, #tpu.memory_space<hbm>> -> memref<256xi32, #tpu.memory_space<hbm>>
    tpu.enqueue_dma source(%dma_start3A_224 : memref<256xi32, #tpu.memory_space<hbm>>) target(%dma_start3A_223 : memref<256xi32, #tpu.memory_space<vmem>>) target_semaphore(%arg9 : memref<!tpu.dma_semaphore, #tpu.memory_space<semaphore_mem>>)
    %dma_start3A_225 = arith.constant 2816 : i32
    %dma_start3A_226 = tpu.memref_slice %arg5[%dma_start3A_225] : memref<6400xi32, #tpu.memory_space<vmem>> -> memref<256xi32, #tpu.memory_space<vmem>>
    %dma_start3A_227 = tpu.memref_slice %arg2[%add3A_94] : memref<204800xi32, #tpu.memory_space<hbm>> -> memref<256xi32, #tpu.memory_space<hbm>>
    %dma_start3A_228 = arith.constant 2816 : i32
    %dma_start3A_229 = tpu.memref_slice %arg5[%dma_start3A_228] : memref<6400xi32, #tpu.memory_space<vmem>> -> memref<256xi32, #tpu.memory_space<vmem>>
    %dma_start3A_230 = tpu.memref_slice %arg2[%add3A_94] : memref<204800xi32, #tpu.memory_space<hbm>> -> memref<256xi32, #tpu.memory_space<hbm>>
    tpu.enqueue_dma source(%dma_start3A_230 : memref<256xi32, #tpu.memory_space<hbm>>) target(%dma_start3A_229 : memref<256xi32, #tpu.memory_space<vmem>>) target_semaphore(%arg9 : memref<!tpu.dma_semaphore, #tpu.memory_space<semaphore_mem>>)
    %dma_start3A_231 = arith.constant 3072 : i32
    %dma_start3A_232 = tpu.memref_slice %arg5[%dma_start3A_231] : memref<6400xi32, #tpu.memory_space<vmem>> -> memref<256xi32, #tpu.memory_space<vmem>>
    %dma_start3A_233 = tpu.memref_slice %arg2[%add3A_99] : memref<204800xi32, #tpu.memory_space<hbm>> -> memref<256xi32, #tpu.memory_space<hbm>>
    %dma_start3A_234 = arith.constant 3072 : i32
    %dma_start3A_235 = tpu.memref_slice %arg5[%dma_start3A_234] : memref<6400xi32, #tpu.memory_space<vmem>> -> memref<256xi32, #tpu.memory_space<vmem>>
    %dma_start3A_236 = tpu.memref_slice %arg2[%add3A_99] : memref<204800xi32, #tpu.memory_space<hbm>> -> memref<256xi32, #tpu.memory_space<hbm>>
    tpu.enqueue_dma source(%dma_start3A_236 : memref<256xi32, #tpu.memory_space<hbm>>) target(%dma_start3A_235 : memref<256xi32, #tpu.memory_space<vmem>>) target_semaphore(%arg9 : memref<!tpu.dma_semaphore, #tpu.memory_space<semaphore_mem>>)
    %dma_start3A_237 = arith.constant 3328 : i32
    %dma_start3A_238 = tpu.memref_slice %arg5[%dma_start3A_237] : memref<6400xi32, #tpu.memory_space<vmem>> -> memref<256xi32, #tpu.memory_space<vmem>>
    %dma_start3A_239 = tpu.memref_slice %arg2[%add3A_104] : memref<204800xi32, #tpu.memory_space<hbm>> -> memref<256xi32, #tpu.memory_space<hbm>>
    %dma_start3A_240 = arith.constant 3328 : i32
    %dma_start3A_241 = tpu.memref_slice %arg5[%dma_start3A_240] : memref<6400xi32, #tpu.memory_space<vmem>> -> memref<256xi32, #tpu.memory_space<vmem>>
    %dma_start3A_242 = tpu.memref_slice %arg2[%add3A_104] : memref<204800xi32, #tpu.memory_space<hbm>> -> memref<256xi32, #tpu.memory_space<hbm>>
    tpu.enqueue_dma source(%dma_start3A_242 : memref<256xi32, #tpu.memory_space<hbm>>) target(%dma_start3A_241 : memref<256xi32, #tpu.memory_space<vmem>>) target_semaphore(%arg9 : memref<!tpu.dma_semaphore, #tpu.memory_space<semaphore_mem>>)
    %dma_start3A_243 = arith.constant 3584 : i32
    %dma_start3A_244 = tpu.memref_slice %arg5[%dma_start3A_243] : memref<6400xi32, #tpu.memory_space<vmem>> -> memref<256xi32, #tpu.memory_space<vmem>>
    %dma_start3A_245 = tpu.memref_slice %arg2[%add3A_109] : memref<204800xi32, #tpu.memory_space<hbm>> -> memref<256xi32, #tpu.memory_space<hbm>>
    %dma_start3A_246 = arith.constant 3584 : i32
    %dma_start3A_247 = tpu.memref_slice %arg5[%dma_start3A_246] : memref<6400xi32, #tpu.memory_space<vmem>> -> memref<256xi32, #tpu.memory_space<vmem>>
    %dma_start3A_248 = tpu.memref_slice %arg2[%add3A_109] : memref<204800xi32, #tpu.memory_space<hbm>> -> memref<256xi32, #tpu.memory_space<hbm>>
    tpu.enqueue_dma source(%dma_start3A_248 : memref<256xi32, #tpu.memory_space<hbm>>) target(%dma_start3A_247 : memref<256xi32, #tpu.memory_space<vmem>>) target_semaphore(%arg9 : memref<!tpu.dma_semaphore, #tpu.memory_space<semaphore_mem>>)
    %dma_start3A_249 = arith.constant 3840 : i32
    %dma_start3A_250 = tpu.memref_slice %arg5[%dma_start3A_249] : memref<6400xi32, #tpu.memory_space<vmem>> -> memref<256xi32, #tpu.memory_space<vmem>>
    %dma_start3A_251 = tpu.memref_slice %arg2[%add3A_114] : memref<204800xi32, #tpu.memory_space<hbm>> -> memref<256xi32, #tpu.memory_space<hbm>>
    %dma_start3A_252 = arith.constant 3840 : i32
    %dma_start3A_253 = tpu.memref_slice %arg5[%dma_start3A_252] : memref<6400xi32, #tpu.memory_space<vmem>> -> memref<256xi32, #tpu.memory_space<vmem>>
    %dma_start3A_254 = tpu.memref_slice %arg2[%add3A_114] : memref<204800xi32, #tpu.memory_space<hbm>> -> memref<256xi32, #tpu.memory_space<hbm>>
    tpu.enqueue_dma source(%dma_start3A_254 : memref<256xi32, #tpu.memory_space<hbm>>) target(%dma_start3A_253 : memref<256xi32, #tpu.memory_space<vmem>>) target_semaphore(%arg9 : memref<!tpu.dma_semaphore, #tpu.memory_space<semaphore_mem>>)
    %dma_start3A_255 = arith.constant 4096 : i32
    %dma_start3A_256 = tpu.memref_slice %arg5[%dma_start3A_255] : memref<6400xi32, #tpu.memory_space<vmem>> -> memref<256xi32, #tpu.memory_space<vmem>>
    %dma_start3A_257 = tpu.memref_slice %arg2[%add3A_119] : memref<204800xi32, #tpu.memory_space<hbm>> -> memref<256xi32, #tpu.memory_space<hbm>>
    %dma_start3A_258 = arith.constant 4096 : i32
    %dma_start3A_259 = tpu.memref_slice %arg5[%dma_start3A_258] : memref<6400xi32, #tpu.memory_space<vmem>> -> memref<256xi32, #tpu.memory_space<vmem>>
    %dma_start3A_260 = tpu.memref_slice %arg2[%add3A_119] : memref<204800xi32, #tpu.memory_space<hbm>> -> memref<256xi32, #tpu.memory_space<hbm>>
    tpu.enqueue_dma source(%dma_start3A_260 : memref<256xi32, #tpu.memory_space<hbm>>) target(%dma_start3A_259 : memref<256xi32, #tpu.memory_space<vmem>>) target_semaphore(%arg9 : memref<!tpu.dma_semaphore, #tpu.memory_space<semaphore_mem>>)
    %dma_start3A_261 = arith.constant 4352 : i32
    %dma_start3A_262 = tpu.memref_slice %arg5[%dma_start3A_261] : memref<6400xi32, #tpu.memory_space<vmem>> -> memref<256xi32, #tpu.memory_space<vmem>>
    %dma_start3A_263 = tpu.memref_slice %arg2[%add3A_124] : memref<204800xi32, #tpu.memory_space<hbm>> -> memref<256xi32, #tpu.memory_space<hbm>>
    %dma_start3A_264 = arith.constant 4352 : i32
    %dma_start3A_265 = tpu.memref_slice %arg5[%dma_start3A_264] : memref<6400xi32, #tpu.memory_space<vmem>> -> memref<256xi32, #tpu.memory_space<vmem>>
    %dma_start3A_266 = tpu.memref_slice %arg2[%add3A_124] : memref<204800xi32, #tpu.memory_space<hbm>> -> memref<256xi32, #tpu.memory_space<hbm>>
    tpu.enqueue_dma source(%dma_start3A_266 : memref<256xi32, #tpu.memory_space<hbm>>) target(%dma_start3A_265 : memref<256xi32, #tpu.memory_space<vmem>>) target_semaphore(%arg9 : memref<!tpu.dma_semaphore, #tpu.memory_space<semaphore_mem>>)
    %dma_start3A_267 = arith.constant 4608 : i32
    %dma_start3A_268 = tpu.memref_slice %arg5[%dma_start3A_267] : memref<6400xi32, #tpu.memory_space<vmem>> -> memref<256xi32, #tpu.memory_space<vmem>>
    %dma_start3A_269 = tpu.memref_slice %arg2[%add3A_129] : memref<204800xi32, #tpu.memory_space<hbm>> -> memref<256xi32, #tpu.memory_space<hbm>>
    %dma_start3A_270 = arith.constant 4608 : i32
    %dma_start3A_271 = tpu.memref_slice %arg5[%dma_start3A_270] : memref<6400xi32, #tpu.memory_space<vmem>> -> memref<256xi32, #tpu.memory_space<vmem>>
    %dma_start3A_272 = tpu.memref_slice %arg2[%add3A_129] : memref<204800xi32, #tpu.memory_space<hbm>> -> memref<256xi32, #tpu.memory_space<hbm>>
    tpu.enqueue_dma source(%dma_start3A_272 : memref<256xi32, #tpu.memory_space<hbm>>) target(%dma_start3A_271 : memref<256xi32, #tpu.memory_space<vmem>>) target_semaphore(%arg9 : memref<!tpu.dma_semaphore, #tpu.memory_space<semaphore_mem>>)
    %dma_start3A_273 = arith.constant 4864 : i32
    %dma_start3A_274 = tpu.memref_slice %arg5[%dma_start3A_273] : memref<6400xi32, #tpu.memory_space<vmem>> -> memref<256xi32, #tpu.memory_space<vmem>>
    %dma_start3A_275 = tpu.memref_slice %arg2[%add3A_134] : memref<204800xi32, #tpu.memory_space<hbm>> -> memref<256xi32, #tpu.memory_space<hbm>>
    %dma_start3A_276 = arith.constant 4864 : i32
    %dma_start3A_277 = tpu.memref_slice %arg5[%dma_start3A_276] : memref<6400xi32, #tpu.memory_space<vmem>> -> memref<256xi32, #tpu.memory_space<vmem>>
    %dma_start3A_278 = tpu.memref_slice %arg2[%add3A_134] : memref<204800xi32, #tpu.memory_space<hbm>> -> memref<256xi32, #tpu.memory_space<hbm>>
    tpu.enqueue_dma source(%dma_start3A_278 : memref<256xi32, #tpu.memory_space<hbm>>) target(%dma_start3A_277 : memref<256xi32, #tpu.memory_space<vmem>>) target_semaphore(%arg9 : memref<!tpu.dma_semaphore, #tpu.memory_space<semaphore_mem>>)
    %dma_start3A_279 = arith.constant 5120 : i32
    %dma_start3A_280 = tpu.memref_slice %arg5[%dma_start3A_279] : memref<6400xi32, #tpu.memory_space<vmem>> -> memref<256xi32, #tpu.memory_space<vmem>>
    %dma_start3A_281 = tpu.memref_slice %arg2[%add3A_139] : memref<204800xi32, #tpu.memory_space<hbm>> -> memref<256xi32, #tpu.memory_space<hbm>>
    %dma_start3A_282 = arith.constant 5120 : i32
    %dma_start3A_283 = tpu.memref_slice %arg5[%dma_start3A_282] : memref<6400xi32, #tpu.memory_space<vmem>> -> memref<256xi32, #tpu.memory_space<vmem>>
    %dma_start3A_284 = tpu.memref_slice %arg2[%add3A_139] : memref<204800xi32, #tpu.memory_space<hbm>> -> memref<256xi32, #tpu.memory_space<hbm>>
    tpu.enqueue_dma source(%dma_start3A_284 : memref<256xi32, #tpu.memory_space<hbm>>) target(%dma_start3A_283 : memref<256xi32, #tpu.memory_space<vmem>>) target_semaphore(%arg9 : memref<!tpu.dma_semaphore, #tpu.memory_space<semaphore_mem>>)
    %dma_start3A_285 = arith.constant 5376 : i32
    %dma_start3A_286 = tpu.memref_slice %arg5[%dma_start3A_285] : memref<6400xi32, #tpu.memory_space<vmem>> -> memref<256xi32, #tpu.memory_space<vmem>>
    %dma_start3A_287 = tpu.memref_slice %arg2[%add3A_144] : memref<204800xi32, #tpu.memory_space<hbm>> -> memref<256xi32, #tpu.memory_space<hbm>>
    %dma_start3A_288 = arith.constant 5376 : i32
    %dma_start3A_289 = tpu.memref_slice %arg5[%dma_start3A_288] : memref<6400xi32, #tpu.memory_space<vmem>> -> memref<256xi32, #tpu.memory_space<vmem>>
    %dma_start3A_290 = tpu.memref_slice %arg2[%add3A_144] : memref<204800xi32, #tpu.memory_space<hbm>> -> memref<256xi32, #tpu.memory_space<hbm>>
    tpu.enqueue_dma source(%dma_start3A_290 : memref<256xi32, #tpu.memory_space<hbm>>) target(%dma_start3A_289 : memref<256xi32, #tpu.memory_space<vmem>>) target_semaphore(%arg9 : memref<!tpu.dma_semaphore, #tpu.memory_space<semaphore_mem>>)
    %dma_start3A_291 = arith.constant 5632 : i32
    %dma_start3A_292 = tpu.memref_slice %arg5[%dma_start3A_291] : memref<6400xi32, #tpu.memory_space<vmem>> -> memref<256xi32, #tpu.memory_space<vmem>>
    %dma_start3A_293 = tpu.memref_slice %arg2[%add3A_149] : memref<204800xi32, #tpu.memory_space<hbm>> -> memref<256xi32, #tpu.memory_space<hbm>>
    %dma_start3A_294 = arith.constant 5632 : i32
    %dma_start3A_295 = tpu.memref_slice %arg5[%dma_start3A_294] : memref<6400xi32, #tpu.memory_space<vmem>> -> memref<256xi32, #tpu.memory_space<vmem>>
    %dma_start3A_296 = tpu.memref_slice %arg2[%add3A_149] : memref<204800xi32, #tpu.memory_space<hbm>> -> memref<256xi32, #tpu.memory_space<hbm>>
    tpu.enqueue_dma source(%dma_start3A_296 : memref<256xi32, #tpu.memory_space<hbm>>) target(%dma_start3A_295 : memref<256xi32, #tpu.memory_space<vmem>>) target_semaphore(%arg9 : memref<!tpu.dma_semaphore, #tpu.memory_space<semaphore_mem>>)
    %dma_start3A_297 = arith.constant 5888 : i32
    %dma_start3A_298 = tpu.memref_slice %arg5[%dma_start3A_297] : memref<6400xi32, #tpu.memory_space<vmem>> -> memref<256xi32, #tpu.memory_space<vmem>>
    %dma_start3A_299 = tpu.memref_slice %arg2[%add3A_154] : memref<204800xi32, #tpu.memory_space<hbm>> -> memref<256xi32, #tpu.memory_space<hbm>>
    %dma_start3A_300 = arith.constant 5888 : i32
    %dma_start3A_301 = tpu.memref_slice %arg5[%dma_start3A_300] : memref<6400xi32, #tpu.memory_space<vmem>> -> memref<256xi32, #tpu.memory_space<vmem>>
    %dma_start3A_302 = tpu.memref_slice %arg2[%add3A_154] : memref<204800xi32, #tpu.memory_space<hbm>> -> memref<256xi32, #tpu.memory_space<hbm>>
    tpu.enqueue_dma source(%dma_start3A_302 : memref<256xi32, #tpu.memory_space<hbm>>) target(%dma_start3A_301 : memref<256xi32, #tpu.memory_space<vmem>>) target_semaphore(%arg9 : memref<!tpu.dma_semaphore, #tpu.memory_space<semaphore_mem>>)
    %dma_start3A_303 = arith.constant 6144 : i32
    %dma_start3A_304 = tpu.memref_slice %arg5[%dma_start3A_303] : memref<6400xi32, #tpu.memory_space<vmem>> -> memref<256xi32, #tpu.memory_space<vmem>>
    %dma_start3A_305 = tpu.memref_slice %arg2[%add3A_159] : memref<204800xi32, #tpu.memory_space<hbm>> -> memref<256xi32, #tpu.memory_space<hbm>>
    %dma_start3A_306 = arith.constant 6144 : i32
    %dma_start3A_307 = tpu.memref_slice %arg5[%dma_start3A_306] : memref<6400xi32, #tpu.memory_space<vmem>> -> memref<256xi32, #tpu.memory_space<vmem>>
    %dma_start3A_308 = tpu.memref_slice %arg2[%add3A_159] : memref<204800xi32, #tpu.memory_space<hbm>> -> memref<256xi32, #tpu.memory_space<hbm>>
    tpu.enqueue_dma source(%dma_start3A_308 : memref<256xi32, #tpu.memory_space<hbm>>) target(%dma_start3A_307 : memref<256xi32, #tpu.memory_space<vmem>>) target_semaphore(%arg9 : memref<!tpu.dma_semaphore, #tpu.memory_space<semaphore_mem>>)
    tpu.enqueue_dma source(%arg3 : memref<2x200x256xf32, #tpu.memory_space<hbm>>) target(%arg6 : memref<2x200x256xf32, #tpu.memory_space<vmem>>) target_semaphore(%arg7 : memref<!tpu.dma_semaphore, #tpu.memory_space<semaphore_mem>>)
    %dma_wait3A = arith.constant 0 : i32
    %dma_wait3A_309 = tpu.memref_slice %arg5[%dma_wait3A] : memref<6400xi32, #tpu.memory_space<vmem>> -> memref<256xi32, #tpu.memory_space<vmem>>
    %dma_wait3A_310 = tpu.memref_slice %arg2[%add3A_39] : memref<204800xi32, #tpu.memory_space<hbm>> -> memref<256xi32, #tpu.memory_space<hbm>>
    %dma_wait3A_311 = arith.constant 0 : i32
    %dma_wait3A_312 = tpu.memref_slice %arg5[%dma_wait3A_311] : memref<6400xi32, #tpu.memory_space<vmem>> -> memref<256xi32, #tpu.memory_space<vmem>>
    %dma_wait3A_313 = tpu.memref_slice %arg2[%add3A_39] : memref<204800xi32, #tpu.memory_space<hbm>> -> memref<256xi32, #tpu.memory_space<hbm>>
    tpu.wait_dma2 semaphore(%arg9 : memref<!tpu.dma_semaphore, #tpu.memory_space<semaphore_mem>>) src(%dma_wait3A_313 : memref<256xi32, #tpu.memory_space<hbm>>) dst(%dma_wait3A_312 : memref<256xi32, #tpu.memory_space<vmem>>)
    %dma_wait3A_314 = arith.constant 256 : i32
    %dma_wait3A_315 = tpu.memref_slice %arg5[%dma_wait3A_314] : memref<6400xi32, #tpu.memory_space<vmem>> -> memref<256xi32, #tpu.memory_space<vmem>>
    %dma_wait3A_316 = tpu.memref_slice %arg2[%add3A_44] : memref<204800xi32, #tpu.memory_space<hbm>> -> memref<256xi32, #tpu.memory_space<hbm>>
    %dma_wait3A_317 = arith.constant 256 : i32
    %dma_wait3A_318 = tpu.memref_slice %arg5[%dma_wait3A_317] : memref<6400xi32, #tpu.memory_space<vmem>> -> memref<256xi32, #tpu.memory_space<vmem>>
    %dma_wait3A_319 = tpu.memref_slice %arg2[%add3A_44] : memref<204800xi32, #tpu.memory_space<hbm>> -> memref<256xi32, #tpu.memory_space<hbm>>
    tpu.wait_dma2 semaphore(%arg9 : memref<!tpu.dma_semaphore, #tpu.memory_space<semaphore_mem>>) src(%dma_wait3A_319 : memref<256xi32, #tpu.memory_space<hbm>>) dst(%dma_wait3A_318 : memref<256xi32, #tpu.memory_space<vmem>>)
    %dma_wait3A_320 = arith.constant 512 : i32
    %dma_wait3A_321 = tpu.memref_slice %arg5[%dma_wait3A_320] : memref<6400xi32, #tpu.memory_space<vmem>> -> memref<256xi32, #tpu.memory_space<vmem>>
    %dma_wait3A_322 = tpu.memref_slice %arg2[%add3A_49] : memref<204800xi32, #tpu.memory_space<hbm>> -> memref<256xi32, #tpu.memory_space<hbm>>
    %dma_wait3A_323 = arith.constant 512 : i32
    %dma_wait3A_324 = tpu.memref_slice %arg5[%dma_wait3A_323] : memref<6400xi32, #tpu.memory_space<vmem>> -> memref<256xi32, #tpu.memory_space<vmem>>
    %dma_wait3A_325 = tpu.memref_slice %arg2[%add3A_49] : memref<204800xi32, #tpu.memory_space<hbm>> -> memref<256xi32, #tpu.memory_space<hbm>>
    tpu.wait_dma2 semaphore(%arg9 : memref<!tpu.dma_semaphore, #tpu.memory_space<semaphore_mem>>) src(%dma_wait3A_325 : memref<256xi32, #tpu.memory_space<hbm>>) dst(%dma_wait3A_324 : memref<256xi32, #tpu.memory_space<vmem>>)
    %dma_wait3A_326 = arith.constant 768 : i32
    %dma_wait3A_327 = tpu.memref_slice %arg5[%dma_wait3A_326] : memref<6400xi32, #tpu.memory_space<vmem>> -> memref<256xi32, #tpu.memory_space<vmem>>
    %dma_wait3A_328 = tpu.memref_slice %arg2[%add3A_54] : memref<204800xi32, #tpu.memory_space<hbm>> -> memref<256xi32, #tpu.memory_space<hbm>>
    %dma_wait3A_329 = arith.constant 768 : i32
    %dma_wait3A_330 = tpu.memref_slice %arg5[%dma_wait3A_329] : memref<6400xi32, #tpu.memory_space<vmem>> -> memref<256xi32, #tpu.memory_space<vmem>>
    %dma_wait3A_331 = tpu.memref_slice %arg2[%add3A_54] : memref<204800xi32, #tpu.memory_space<hbm>> -> memref<256xi32, #tpu.memory_space<hbm>>
    tpu.wait_dma2 semaphore(%arg9 : memref<!tpu.dma_semaphore, #tpu.memory_space<semaphore_mem>>) src(%dma_wait3A_331 : memref<256xi32, #tpu.memory_space<hbm>>) dst(%dma_wait3A_330 : memref<256xi32, #tpu.memory_space<vmem>>)
    %dma_wait3A_332 = arith.constant 1024 : i32
    %dma_wait3A_333 = tpu.memref_slice %arg5[%dma_wait3A_332] : memref<6400xi32, #tpu.memory_space<vmem>> -> memref<256xi32, #tpu.memory_space<vmem>>
    %dma_wait3A_334 = tpu.memref_slice %arg2[%add3A_59] : memref<204800xi32, #tpu.memory_space<hbm>> -> memref<256xi32, #tpu.memory_space<hbm>>
    %dma_wait3A_335 = arith.constant 1024 : i32
    %dma_wait3A_336 = tpu.memref_slice %arg5[%dma_wait3A_335] : memref<6400xi32, #tpu.memory_space<vmem>> -> memref<256xi32, #tpu.memory_space<vmem>>
    %dma_wait3A_337 = tpu.memref_slice %arg2[%add3A_59] : memref<204800xi32, #tpu.memory_space<hbm>> -> memref<256xi32, #tpu.memory_space<hbm>>
    tpu.wait_dma2 semaphore(%arg9 : memref<!tpu.dma_semaphore, #tpu.memory_space<semaphore_mem>>) src(%dma_wait3A_337 : memref<256xi32, #tpu.memory_space<hbm>>) dst(%dma_wait3A_336 : memref<256xi32, #tpu.memory_space<vmem>>)
    %dma_wait3A_338 = arith.constant 1280 : i32
    %dma_wait3A_339 = tpu.memref_slice %arg5[%dma_wait3A_338] : memref<6400xi32, #tpu.memory_space<vmem>> -> memref<256xi32, #tpu.memory_space<vmem>>
    %dma_wait3A_340 = tpu.memref_slice %arg2[%add3A_64] : memref<204800xi32, #tpu.memory_space<hbm>> -> memref<256xi32, #tpu.memory_space<hbm>>
    %dma_wait3A_341 = arith.constant 1280 : i32
    %dma_wait3A_342 = tpu.memref_slice %arg5[%dma_wait3A_341] : memref<6400xi32, #tpu.memory_space<vmem>> -> memref<256xi32, #tpu.memory_space<vmem>>
    %dma_wait3A_343 = tpu.memref_slice %arg2[%add3A_64] : memref<204800xi32, #tpu.memory_space<hbm>> -> memref<256xi32, #tpu.memory_space<hbm>>
    tpu.wait_dma2 semaphore(%arg9 : memref<!tpu.dma_semaphore, #tpu.memory_space<semaphore_mem>>) src(%dma_wait3A_343 : memref<256xi32, #tpu.memory_space<hbm>>) dst(%dma_wait3A_342 : memref<256xi32, #tpu.memory_space<vmem>>)
    %dma_wait3A_344 = arith.constant 1536 : i32
    %dma_wait3A_345 = tpu.memref_slice %arg5[%dma_wait3A_344] : memref<6400xi32, #tpu.memory_space<vmem>> -> memref<256xi32, #tpu.memory_space<vmem>>
    %dma_wait3A_346 = tpu.memref_slice %arg2[%add3A_69] : memref<204800xi32, #tpu.memory_space<hbm>> -> memref<256xi32, #tpu.memory_space<hbm>>
    %dma_wait3A_347 = arith.constant 1536 : i32
    %dma_wait3A_348 = tpu.memref_slice %arg5[%dma_wait3A_347] : memref<6400xi32, #tpu.memory_space<vmem>> -> memref<256xi32, #tpu.memory_space<vmem>>
    %dma_wait3A_349 = tpu.memref_slice %arg2[%add3A_69] : memref<204800xi32, #tpu.memory_space<hbm>> -> memref<256xi32, #tpu.memory_space<hbm>>
    tpu.wait_dma2 semaphore(%arg9 : memref<!tpu.dma_semaphore, #tpu.memory_space<semaphore_mem>>) src(%dma_wait3A_349 : memref<256xi32, #tpu.memory_space<hbm>>) dst(%dma_wait3A_348 : memref<256xi32, #tpu.memory_space<vmem>>)
    %dma_wait3A_350 = arith.constant 1792 : i32
    %dma_wait3A_351 = tpu.memref_slice %arg5[%dma_wait3A_350] : memref<6400xi32, #tpu.memory_space<vmem>> -> memref<256xi32, #tpu.memory_space<vmem>>
    %dma_wait3A_352 = tpu.memref_slice %arg2[%add3A_74] : memref<204800xi32, #tpu.memory_space<hbm>> -> memref<256xi32, #tpu.memory_space<hbm>>
    %dma_wait3A_353 = arith.constant 1792 : i32
    %dma_wait3A_354 = tpu.memref_slice %arg5[%dma_wait3A_353] : memref<6400xi32, #tpu.memory_space<vmem>> -> memref<256xi32, #tpu.memory_space<vmem>>
    %dma_wait3A_355 = tpu.memref_slice %arg2[%add3A_74] : memref<204800xi32, #tpu.memory_space<hbm>> -> memref<256xi32, #tpu.memory_space<hbm>>
    tpu.wait_dma2 semaphore(%arg9 : memref<!tpu.dma_semaphore, #tpu.memory_space<semaphore_mem>>) src(%dma_wait3A_355 : memref<256xi32, #tpu.memory_space<hbm>>) dst(%dma_wait3A_354 : memref<256xi32, #tpu.memory_space<vmem>>)
    %dma_wait3A_356 = arith.constant 2048 : i32
    %dma_wait3A_357 = tpu.memref_slice %arg5[%dma_wait3A_356] : memref<6400xi32, #tpu.memory_space<vmem>> -> memref<256xi32, #tpu.memory_space<vmem>>
    %dma_wait3A_358 = tpu.memref_slice %arg2[%add3A_79] : memref<204800xi32, #tpu.memory_space<hbm>> -> memref<256xi32, #tpu.memory_space<hbm>>
    %dma_wait3A_359 = arith.constant 2048 : i32
    %dma_wait3A_360 = tpu.memref_slice %arg5[%dma_wait3A_359] : memref<6400xi32, #tpu.memory_space<vmem>> -> memref<256xi32, #tpu.memory_space<vmem>>
    %dma_wait3A_361 = tpu.memref_slice %arg2[%add3A_79] : memref<204800xi32, #tpu.memory_space<hbm>> -> memref<256xi32, #tpu.memory_space<hbm>>
    tpu.wait_dma2 semaphore(%arg9 : memref<!tpu.dma_semaphore, #tpu.memory_space<semaphore_mem>>) src(%dma_wait3A_361 : memref<256xi32, #tpu.memory_space<hbm>>) dst(%dma_wait3A_360 : memref<256xi32, #tpu.memory_space<vmem>>)
    %dma_wait3A_362 = arith.constant 2304 : i32
    %dma_wait3A_363 = tpu.memref_slice %arg5[%dma_wait3A_362] : memref<6400xi32, #tpu.memory_space<vmem>> -> memref<256xi32, #tpu.memory_space<vmem>>
    %dma_wait3A_364 = tpu.memref_slice %arg2[%add3A_84] : memref<204800xi32, #tpu.memory_space<hbm>> -> memref<256xi32, #tpu.memory_space<hbm>>
    %dma_wait3A_365 = arith.constant 2304 : i32
    %dma_wait3A_366 = tpu.memref_slice %arg5[%dma_wait3A_365] : memref<6400xi32, #tpu.memory_space<vmem>> -> memref<256xi32, #tpu.memory_space<vmem>>
    %dma_wait3A_367 = tpu.memref_slice %arg2[%add3A_84] : memref<204800xi32, #tpu.memory_space<hbm>> -> memref<256xi32, #tpu.memory_space<hbm>>
    tpu.wait_dma2 semaphore(%arg9 : memref<!tpu.dma_semaphore, #tpu.memory_space<semaphore_mem>>) src(%dma_wait3A_367 : memref<256xi32, #tpu.memory_space<hbm>>) dst(%dma_wait3A_366 : memref<256xi32, #tpu.memory_space<vmem>>)
    %dma_wait3A_368 = arith.constant 2560 : i32
    %dma_wait3A_369 = tpu.memref_slice %arg5[%dma_wait3A_368] : memref<6400xi32, #tpu.memory_space<vmem>> -> memref<256xi32, #tpu.memory_space<vmem>>
    %dma_wait3A_370 = tpu.memref_slice %arg2[%add3A_89] : memref<204800xi32, #tpu.memory_space<hbm>> -> memref<256xi32, #tpu.memory_space<hbm>>
    %dma_wait3A_371 = arith.constant 2560 : i32
    %dma_wait3A_372 = tpu.memref_slice %arg5[%dma_wait3A_371] : memref<6400xi32, #tpu.memory_space<vmem>> -> memref<256xi32, #tpu.memory_space<vmem>>
    %dma_wait3A_373 = tpu.memref_slice %arg2[%add3A_89] : memref<204800xi32, #tpu.memory_space<hbm>> -> memref<256xi32, #tpu.memory_space<hbm>>
    tpu.wait_dma2 semaphore(%arg9 : memref<!tpu.dma_semaphore, #tpu.memory_space<semaphore_mem>>) src(%dma_wait3A_373 : memref<256xi32, #tpu.memory_space<hbm>>) dst(%dma_wait3A_372 : memref<256xi32, #tpu.memory_space<vmem>>)
    %dma_wait3A_374 = arith.constant 2816 : i32
    %dma_wait3A_375 = tpu.memref_slice %arg5[%dma_wait3A_374] : memref<6400xi32, #tpu.memory_space<vmem>> -> memref<256xi32, #tpu.memory_space<vmem>>
    %dma_wait3A_376 = tpu.memref_slice %arg2[%add3A_94] : memref<204800xi32, #tpu.memory_space<hbm>> -> memref<256xi32, #tpu.memory_space<hbm>>
    %dma_wait3A_377 = arith.constant 2816 : i32
    %dma_wait3A_378 = tpu.memref_slice %arg5[%dma_wait3A_377] : memref<6400xi32, #tpu.memory_space<vmem>> -> memref<256xi32, #tpu.memory_space<vmem>>
    %dma_wait3A_379 = tpu.memref_slice %arg2[%add3A_94] : memref<204800xi32, #tpu.memory_space<hbm>> -> memref<256xi32, #tpu.memory_space<hbm>>
    tpu.wait_dma2 semaphore(%arg9 : memref<!tpu.dma_semaphore, #tpu.memory_space<semaphore_mem>>) src(%dma_wait3A_379 : memref<256xi32, #tpu.memory_space<hbm>>) dst(%dma_wait3A_378 : memref<256xi32, #tpu.memory_space<vmem>>)
    %dma_wait3A_380 = arith.constant 3072 : i32
    %dma_wait3A_381 = tpu.memref_slice %arg5[%dma_wait3A_380] : memref<6400xi32, #tpu.memory_space<vmem>> -> memref<256xi32, #tpu.memory_space<vmem>>
    %dma_wait3A_382 = tpu.memref_slice %arg2[%add3A_99] : memref<204800xi32, #tpu.memory_space<hbm>> -> memref<256xi32, #tpu.memory_space<hbm>>
    %dma_wait3A_383 = arith.constant 3072 : i32
    %dma_wait3A_384 = tpu.memref_slice %arg5[%dma_wait3A_383] : memref<6400xi32, #tpu.memory_space<vmem>> -> memref<256xi32, #tpu.memory_space<vmem>>
    %dma_wait3A_385 = tpu.memref_slice %arg2[%add3A_99] : memref<204800xi32, #tpu.memory_space<hbm>> -> memref<256xi32, #tpu.memory_space<hbm>>
    tpu.wait_dma2 semaphore(%arg9 : memref<!tpu.dma_semaphore, #tpu.memory_space<semaphore_mem>>) src(%dma_wait3A_385 : memref<256xi32, #tpu.memory_space<hbm>>) dst(%dma_wait3A_384 : memref<256xi32, #tpu.memory_space<vmem>>)
    %dma_wait3A_386 = arith.constant 3328 : i32
    %dma_wait3A_387 = tpu.memref_slice %arg5[%dma_wait3A_386] : memref<6400xi32, #tpu.memory_space<vmem>> -> memref<256xi32, #tpu.memory_space<vmem>>
    %dma_wait3A_388 = tpu.memref_slice %arg2[%add3A_104] : memref<204800xi32, #tpu.memory_space<hbm>> -> memref<256xi32, #tpu.memory_space<hbm>>
    %dma_wait3A_389 = arith.constant 3328 : i32
    %dma_wait3A_390 = tpu.memref_slice %arg5[%dma_wait3A_389] : memref<6400xi32, #tpu.memory_space<vmem>> -> memref<256xi32, #tpu.memory_space<vmem>>
    %dma_wait3A_391 = tpu.memref_slice %arg2[%add3A_104] : memref<204800xi32, #tpu.memory_space<hbm>> -> memref<256xi32, #tpu.memory_space<hbm>>
    tpu.wait_dma2 semaphore(%arg9 : memref<!tpu.dma_semaphore, #tpu.memory_space<semaphore_mem>>) src(%dma_wait3A_391 : memref<256xi32, #tpu.memory_space<hbm>>) dst(%dma_wait3A_390 : memref<256xi32, #tpu.memory_space<vmem>>)
    %dma_wait3A_392 = arith.constant 3584 : i32
    %dma_wait3A_393 = tpu.memref_slice %arg5[%dma_wait3A_392] : memref<6400xi32, #tpu.memory_space<vmem>> -> memref<256xi32, #tpu.memory_space<vmem>>
    %dma_wait3A_394 = tpu.memref_slice %arg2[%add3A_109] : memref<204800xi32, #tpu.memory_space<hbm>> -> memref<256xi32, #tpu.memory_space<hbm>>
    %dma_wait3A_395 = arith.constant 3584 : i32
    %dma_wait3A_396 = tpu.memref_slice %arg5[%dma_wait3A_395] : memref<6400xi32, #tpu.memory_space<vmem>> -> memref<256xi32, #tpu.memory_space<vmem>>
    %dma_wait3A_397 = tpu.memref_slice %arg2[%add3A_109] : memref<204800xi32, #tpu.memory_space<hbm>> -> memref<256xi32, #tpu.memory_space<hbm>>
    tpu.wait_dma2 semaphore(%arg9 : memref<!tpu.dma_semaphore, #tpu.memory_space<semaphore_mem>>) src(%dma_wait3A_397 : memref<256xi32, #tpu.memory_space<hbm>>) dst(%dma_wait3A_396 : memref<256xi32, #tpu.memory_space<vmem>>)
    %dma_wait3A_398 = arith.constant 3840 : i32
    %dma_wait3A_399 = tpu.memref_slice %arg5[%dma_wait3A_398] : memref<6400xi32, #tpu.memory_space<vmem>> -> memref<256xi32, #tpu.memory_space<vmem>>
    %dma_wait3A_400 = tpu.memref_slice %arg2[%add3A_114] : memref<204800xi32, #tpu.memory_space<hbm>> -> memref<256xi32, #tpu.memory_space<hbm>>
    %dma_wait3A_401 = arith.constant 3840 : i32
    %dma_wait3A_402 = tpu.memref_slice %arg5[%dma_wait3A_401] : memref<6400xi32, #tpu.memory_space<vmem>> -> memref<256xi32, #tpu.memory_space<vmem>>
    %dma_wait3A_403 = tpu.memref_slice %arg2[%add3A_114] : memref<204800xi32, #tpu.memory_space<hbm>> -> memref<256xi32, #tpu.memory_space<hbm>>
    tpu.wait_dma2 semaphore(%arg9 : memref<!tpu.dma_semaphore, #tpu.memory_space<semaphore_mem>>) src(%dma_wait3A_403 : memref<256xi32, #tpu.memory_space<hbm>>) dst(%dma_wait3A_402 : memref<256xi32, #tpu.memory_space<vmem>>)
    %dma_wait3A_404 = arith.constant 4096 : i32
    %dma_wait3A_405 = tpu.memref_slice %arg5[%dma_wait3A_404] : memref<6400xi32, #tpu.memory_space<vmem>> -> memref<256xi32, #tpu.memory_space<vmem>>
    %dma_wait3A_406 = tpu.memref_slice %arg2[%add3A_119] : memref<204800xi32, #tpu.memory_space<hbm>> -> memref<256xi32, #tpu.memory_space<hbm>>
    %dma_wait3A_407 = arith.constant 4096 : i32
    %dma_wait3A_408 = tpu.memref_slice %arg5[%dma_wait3A_407] : memref<6400xi32, #tpu.memory_space<vmem>> -> memref<256xi32, #tpu.memory_space<vmem>>
    %dma_wait3A_409 = tpu.memref_slice %arg2[%add3A_119] : memref<204800xi32, #tpu.memory_space<hbm>> -> memref<256xi32, #tpu.memory_space<hbm>>
    tpu.wait_dma2 semaphore(%arg9 : memref<!tpu.dma_semaphore, #tpu.memory_space<semaphore_mem>>) src(%dma_wait3A_409 : memref<256xi32, #tpu.memory_space<hbm>>) dst(%dma_wait3A_408 : memref<256xi32, #tpu.memory_space<vmem>>)
    %dma_wait3A_410 = arith.constant 4352 : i32
    %dma_wait3A_411 = tpu.memref_slice %arg5[%dma_wait3A_410] : memref<6400xi32, #tpu.memory_space<vmem>> -> memref<256xi32, #tpu.memory_space<vmem>>
    %dma_wait3A_412 = tpu.memref_slice %arg2[%add3A_124] : memref<204800xi32, #tpu.memory_space<hbm>> -> memref<256xi32, #tpu.memory_space<hbm>>
    %dma_wait3A_413 = arith.constant 4352 : i32
    %dma_wait3A_414 = tpu.memref_slice %arg5[%dma_wait3A_413] : memref<6400xi32, #tpu.memory_space<vmem>> -> memref<256xi32, #tpu.memory_space<vmem>>
    %dma_wait3A_415 = tpu.memref_slice %arg2[%add3A_124] : memref<204800xi32, #tpu.memory_space<hbm>> -> memref<256xi32, #tpu.memory_space<hbm>>
    tpu.wait_dma2 semaphore(%arg9 : memref<!tpu.dma_semaphore, #tpu.memory_space<semaphore_mem>>) src(%dma_wait3A_415 : memref<256xi32, #tpu.memory_space<hbm>>) dst(%dma_wait3A_414 : memref<256xi32, #tpu.memory_space<vmem>>)
    %dma_wait3A_416 = arith.constant 4608 : i32
    %dma_wait3A_417 = tpu.memref_slice %arg5[%dma_wait3A_416] : memref<6400xi32, #tpu.memory_space<vmem>> -> memref<256xi32, #tpu.memory_space<vmem>>
    %dma_wait3A_418 = tpu.memref_slice %arg2[%add3A_129] : memref<204800xi32, #tpu.memory_space<hbm>> -> memref<256xi32, #tpu.memory_space<hbm>>
    %dma_wait3A_419 = arith.constant 4608 : i32
    %dma_wait3A_420 = tpu.memref_slice %arg5[%dma_wait3A_419] : memref<6400xi32, #tpu.memory_space<vmem>> -> memref<256xi32, #tpu.memory_space<vmem>>
    %dma_wait3A_421 = tpu.memref_slice %arg2[%add3A_129] : memref<204800xi32, #tpu.memory_space<hbm>> -> memref<256xi32, #tpu.memory_space<hbm>>
    tpu.wait_dma2 semaphore(%arg9 : memref<!tpu.dma_semaphore, #tpu.memory_space<semaphore_mem>>) src(%dma_wait3A_421 : memref<256xi32, #tpu.memory_space<hbm>>) dst(%dma_wait3A_420 : memref<256xi32, #tpu.memory_space<vmem>>)
    %dma_wait3A_422 = arith.constant 4864 : i32
    %dma_wait3A_423 = tpu.memref_slice %arg5[%dma_wait3A_422] : memref<6400xi32, #tpu.memory_space<vmem>> -> memref<256xi32, #tpu.memory_space<vmem>>
    %dma_wait3A_424 = tpu.memref_slice %arg2[%add3A_134] : memref<204800xi32, #tpu.memory_space<hbm>> -> memref<256xi32, #tpu.memory_space<hbm>>
    %dma_wait3A_425 = arith.constant 4864 : i32
    %dma_wait3A_426 = tpu.memref_slice %arg5[%dma_wait3A_425] : memref<6400xi32, #tpu.memory_space<vmem>> -> memref<256xi32, #tpu.memory_space<vmem>>
    %dma_wait3A_427 = tpu.memref_slice %arg2[%add3A_134] : memref<204800xi32, #tpu.memory_space<hbm>> -> memref<256xi32, #tpu.memory_space<hbm>>
    tpu.wait_dma2 semaphore(%arg9 : memref<!tpu.dma_semaphore, #tpu.memory_space<semaphore_mem>>) src(%dma_wait3A_427 : memref<256xi32, #tpu.memory_space<hbm>>) dst(%dma_wait3A_426 : memref<256xi32, #tpu.memory_space<vmem>>)
    %dma_wait3A_428 = arith.constant 5120 : i32
    %dma_wait3A_429 = tpu.memref_slice %arg5[%dma_wait3A_428] : memref<6400xi32, #tpu.memory_space<vmem>> -> memref<256xi32, #tpu.memory_space<vmem>>
    %dma_wait3A_430 = tpu.memref_slice %arg2[%add3A_139] : memref<204800xi32, #tpu.memory_space<hbm>> -> memref<256xi32, #tpu.memory_space<hbm>>
    %dma_wait3A_431 = arith.constant 5120 : i32
    %dma_wait3A_432 = tpu.memref_slice %arg5[%dma_wait3A_431] : memref<6400xi32, #tpu.memory_space<vmem>> -> memref<256xi32, #tpu.memory_space<vmem>>
    %dma_wait3A_433 = tpu.memref_slice %arg2[%add3A_139] : memref<204800xi32, #tpu.memory_space<hbm>> -> memref<256xi32, #tpu.memory_space<hbm>>
    tpu.wait_dma2 semaphore(%arg9 : memref<!tpu.dma_semaphore, #tpu.memory_space<semaphore_mem>>) src(%dma_wait3A_433 : memref<256xi32, #tpu.memory_space<hbm>>) dst(%dma_wait3A_432 : memref<256xi32, #tpu.memory_space<vmem>>)
    %dma_wait3A_434 = arith.constant 5376 : i32
    %dma_wait3A_435 = tpu.memref_slice %arg5[%dma_wait3A_434] : memref<6400xi32, #tpu.memory_space<vmem>> -> memref<256xi32, #tpu.memory_space<vmem>>
    %dma_wait3A_436 = tpu.memref_slice %arg2[%add3A_144] : memref<204800xi32, #tpu.memory_space<hbm>> -> memref<256xi32, #tpu.memory_space<hbm>>
    %dma_wait3A_437 = arith.constant 5376 : i32
    %dma_wait3A_438 = tpu.memref_slice %arg5[%dma_wait3A_437] : memref<6400xi32, #tpu.memory_space<vmem>> -> memref<256xi32, #tpu.memory_space<vmem>>
    %dma_wait3A_439 = tpu.memref_slice %arg2[%add3A_144] : memref<204800xi32, #tpu.memory_space<hbm>> -> memref<256xi32, #tpu.memory_space<hbm>>
    tpu.wait_dma2 semaphore(%arg9 : memref<!tpu.dma_semaphore, #tpu.memory_space<semaphore_mem>>) src(%dma_wait3A_439 : memref<256xi32, #tpu.memory_space<hbm>>) dst(%dma_wait3A_438 : memref<256xi32, #tpu.memory_space<vmem>>)
    %dma_wait3A_440 = arith.constant 5632 : i32
    %dma_wait3A_441 = tpu.memref_slice %arg5[%dma_wait3A_440] : memref<6400xi32, #tpu.memory_space<vmem>> -> memref<256xi32, #tpu.memory_space<vmem>>
    %dma_wait3A_442 = tpu.memref_slice %arg2[%add3A_149] : memref<204800xi32, #tpu.memory_space<hbm>> -> memref<256xi32, #tpu.memory_space<hbm>>
    %dma_wait3A_443 = arith.constant 5632 : i32
    %dma_wait3A_444 = tpu.memref_slice %arg5[%dma_wait3A_443] : memref<6400xi32, #tpu.memory_space<vmem>> -> memref<256xi32, #tpu.memory_space<vmem>>
    %dma_wait3A_445 = tpu.memref_slice %arg2[%add3A_149] : memref<204800xi32, #tpu.memory_space<hbm>> -> memref<256xi32, #tpu.memory_space<hbm>>
    tpu.wait_dma2 semaphore(%arg9 : memref<!tpu.dma_semaphore, #tpu.memory_space<semaphore_mem>>) src(%dma_wait3A_445 : memref<256xi32, #tpu.memory_space<hbm>>) dst(%dma_wait3A_444 : memref<256xi32, #tpu.memory_space<vmem>>)
    %dma_wait3A_446 = arith.constant 5888 : i32
    %dma_wait3A_447 = tpu.memref_slice %arg5[%dma_wait3A_446] : memref<6400xi32, #tpu.memory_space<vmem>> -> memref<256xi32, #tpu.memory_space<vmem>>
    %dma_wait3A_448 = tpu.memref_slice %arg2[%add3A_154] : memref<204800xi32, #tpu.memory_space<hbm>> -> memref<256xi32, #tpu.memory_space<hbm>>
    %dma_wait3A_449 = arith.constant 5888 : i32
    %dma_wait3A_450 = tpu.memref_slice %arg5[%dma_wait3A_449] : memref<6400xi32, #tpu.memory_space<vmem>> -> memref<256xi32, #tpu.memory_space<vmem>>
    %dma_wait3A_451 = tpu.memref_slice %arg2[%add3A_154] : memref<204800xi32, #tpu.memory_space<hbm>> -> memref<256xi32, #tpu.memory_space<hbm>>
    tpu.wait_dma2 semaphore(%arg9 : memref<!tpu.dma_semaphore, #tpu.memory_space<semaphore_mem>>) src(%dma_wait3A_451 : memref<256xi32, #tpu.memory_space<hbm>>) dst(%dma_wait3A_450 : memref<256xi32, #tpu.memory_space<vmem>>)
    %dma_wait3A_452 = arith.constant 6144 : i32
    %dma_wait3A_453 = tpu.memref_slice %arg5[%dma_wait3A_452] : memref<6400xi32, #tpu.memory_space<vmem>> -> memref<256xi32, #tpu.memory_space<vmem>>
    %dma_wait3A_454 = tpu.memref_slice %arg2[%add3A_159] : memref<204800xi32, #tpu.memory_space<hbm>> -> memref<256xi32, #tpu.memory_space<hbm>>
    %dma_wait3A_455 = arith.constant 6144 : i32
    %dma_wait3A_456 = tpu.memref_slice %arg5[%dma_wait3A_455] : memref<6400xi32, #tpu.memory_space<vmem>> -> memref<256xi32, #tpu.memory_space<vmem>>
    %dma_wait3A_457 = tpu.memref_slice %arg2[%add3A_159] : memref<204800xi32, #tpu.memory_space<hbm>> -> memref<256xi32, #tpu.memory_space<hbm>>
    tpu.wait_dma2 semaphore(%arg9 : memref<!tpu.dma_semaphore, #tpu.memory_space<semaphore_mem>>) src(%dma_wait3A_457 : memref<256xi32, #tpu.memory_space<hbm>>) dst(%dma_wait3A_456 : memref<256xi32, #tpu.memory_space<vmem>>)
    tpu.wait_dma2 semaphore(%arg7 : memref<!tpu.dma_semaphore, #tpu.memory_space<semaphore_mem>>) src(%arg3 : memref<2x200x256xf32, #tpu.memory_space<hbm>>) dst(%arg6 : memref<2x200x256xf32, #tpu.memory_space<vmem>>)
    %iota3A = tpu.iota {dimensions = array<i32: 0>} : vector<16xi32>
    %broadcast_in_dim3A = arith.constant 0.000000e+00 : f32
    %broadcast_in_dim3A_458 = vector.broadcast %broadcast_in_dim3A : f32 to vector<16xf32>
    %broadcast_in_dim3A_459 = arith.constant 1.000000e+00 : f32
    %broadcast_in_dim3A_460 = vector.broadcast %broadcast_in_dim3A_459 : f32 to vector<16xf32>
    %broadcast_in_dim3A_461 = arith.constant 0 : i32
    %broadcast_in_dim3A_462 = vector.broadcast %broadcast_in_dim3A_461 : i32 to vector<16xi32>
    %add3A_463 = arith.constant 0 : i32
    %add3A_464 = vector.broadcast %add3A_463 : i32 to vector<16xi32>
    %add3A_465 = arith.addi %add3A_464, %iota3A : vector<16xi32>
    %get3A = arith.constant 0 : index
    %get3A_466 = tpu.vector_load %arg5[%get3A] {strides = array<i32>} : memref<6400xi32, #tpu.memory_space<vmem>>, vector<16xi32>,
    %sub3A_467 = arith.constant 0 : i32
    %sub3A_468 = vector.broadcast %sub3A_467 : i32 to vector<16xi32>
    %sub3A_469 = arith.subi %get3A_466, %sub3A_468 : vector<16xi32>
    %ge3A = arith.constant 0 : i32
    %ge3A_470 = vector.broadcast %ge3A : i32 to vector<16xi32>
    %ge3A_471 = arith.cmpi sge, %sub3A_469, %ge3A_470 : vector<16xi32>
    %lt3A_472 = arith.constant 200 : i32
    %lt3A_473 = vector.broadcast %lt3A_472 : i32 to vector<16xi32>
    %lt3A_474 = arith.cmpi slt, %sub3A_469, %lt3A_473 : vector<16xi32>
    %and3A_475 = arith.andi %ge3A_471, %lt3A_474 : vector<16xi1>
    tpu.vector_store_idx %arg6[%broadcast_in_dim3A_462, %sub3A_469, %add3A_465], %broadcast_in_dim3A_460 masked %and3A_475 : memref<2x200x256xf32, #tpu.memory_space<vmem>>[vector<16xi32>, vector<16xi32>, vector<16xi32>], vector<16xf32>, vector<16xi1>
    %add3A_476 = arith.constant 16 : i32
    %add3A_477 = vector.broadcast %add3A_476 : i32 to vector<16xi32>
    %add3A_478 = arith.addi %add3A_477, %iota3A : vector<16xi32>
    %get3A_479 = arith.constant 16 : index
    %get3A_480 = tpu.vector_load %arg5[%get3A_479] {strides = array<i32>} : memref<6400xi32, #tpu.memory_space<vmem>>, vector<16xi32>,
    %sub3A_481 = arith.constant 0 : i32
    %sub3A_482 = vector.broadcast %sub3A_481 : i32 to vector<16xi32>
    %sub3A_483 = arith.subi %get3A_480, %sub3A_482 : vector<16xi32>
    %ge3A_484 = arith.constant 0 : i32
    %ge3A_485 = vector.broadcast %ge3A_484 : i32 to vector<16xi32>
    %ge3A_486 = arith.cmpi sge, %sub3A_483, %ge3A_485 : vector<16xi32>
    %lt3A_487 = arith.constant 200 : i32
    %lt3A_488 = vector.broadcast %lt3A_487 : i32 to vector<16xi32>
    %lt3A_489 = arith.cmpi slt, %sub3A_483, %lt3A_488 : vector<16xi32>
    %and3A_490 = arith.andi %ge3A_486, %lt3A_489 : vector<16xi1>
    tpu.vector_store_idx %arg6[%broadcast_in_dim3A_462, %sub3A_483, %add3A_478], %broadcast_in_dim3A_460 masked %and3A_490 : memref<2x200x256xf32, #tpu.memory_space<vmem>>[vector<16xi32>, vector<16xi32>, vector<16xi32>], vector<16xf32>, vector<16xi1>
    %add3A_491 = arith.constant 32 : i32
    %add3A_492 = vector.broadcast %add3A_491 : i32 to vector<16xi32>
    %add3A_493 = arith.addi %add3A_492, %iota3A : vector<16xi32>
    %get3A_494 = arith.constant 32 : index
    %get3A_495 = tpu.vector_load %arg5[%get3A_494] {strides = array<i32>} : memref<6400xi32, #tpu.memory_space<vmem>>, vector<16xi32>,
    %sub3A_496 = arith.constant 0 : i32
    %sub3A_497 = vector.broadcast %sub3A_496 : i32 to vector<16xi32>
    %sub3A_498 = arith.subi %get3A_495, %sub3A_497 : vector<16xi32>
    %ge3A_499 = arith.constant 0 : i32
    %ge3A_500 = vector.broadcast %ge3A_499 : i32 to vector<16xi32>
    %ge3A_501 = arith.cmpi sge, %sub3A_498, %ge3A_500 : vector<16xi32>
    %lt3A_502 = arith.constant 200 : i32
    %lt3A_503 = vector.broadcast %lt3A_502 : i32 to vector<16xi32>
    %lt3A_504 = arith.cmpi slt, %sub3A_498, %lt3A_503 : vector<16xi32>
    %and3A_505 = arith.andi %ge3A_501, %lt3A_504 : vector<16xi1>
    tpu.vector_store_idx %arg6[%broadcast_in_dim3A_462, %sub3A_498, %add3A_493], %broadcast_in_dim3A_460 masked %and3A_505 : memref<2x200x256xf32, #tpu.memory_space<vmem>>[vector<16xi32>, vector<16xi32>, vector<16xi32>], vector<16xf32>, vector<16xi1>
    %add3A_506 = arith.constant 48 : i32
    %add3A_507 = vector.broadcast %add3A_506 : i32 to vector<16xi32>
    %add3A_508 = arith.addi %add3A_507, %iota3A : vector<16xi32>
    %get3A_509 = arith.constant 48 : index
    %get3A_510 = tpu.vector_load %arg5[%get3A_509] {strides = array<i32>} : memref<6400xi32, #tpu.memory_space<vmem>>, vector<16xi32>,
    %sub3A_511 = arith.constant 0 : i32
    %sub3A_512 = vector.broadcast %sub3A_511 : i32 to vector<16xi32>
    %sub3A_513 = arith.subi %get3A_510, %sub3A_512 : vector<16xi32>
    %ge3A_514 = arith.constant 0 : i32
    %ge3A_515 = vector.broadcast %ge3A_514 : i32 to vector<16xi32>
    %ge3A_516 = arith.cmpi sge, %sub3A_513, %ge3A_515 : vector<16xi32>
    %lt3A_517 = arith.constant 200 : i32
    %lt3A_518 = vector.broadcast %lt3A_517 : i32 to vector<16xi32>
    %lt3A_519 = arith.cmpi slt, %sub3A_513, %lt3A_518 : vector<16xi32>
    %and3A_520 = arith.andi %ge3A_516, %lt3A_519 : vector<16xi1>
    tpu.vector_store_idx %arg6[%broadcast_in_dim3A_462, %sub3A_513, %add3A_508], %broadcast_in_dim3A_460 masked %and3A_520 : memref<2x200x256xf32, #tpu.memory_space<vmem>>[vector<16xi32>, vector<16xi32>, vector<16xi32>], vector<16xf32>, vector<16xi1>
    %add3A_521 = arith.constant 64 : i32
    %add3A_522 = vector.broadcast %add3A_521 : i32 to vector<16xi32>
    %add3A_523 = arith.addi %add3A_522, %iota3A : vector<16xi32>
    %get3A_524 = arith.constant 64 : index
    %get3A_525 = tpu.vector_load %arg5[%get3A_524] {strides = array<i32>} : memref<6400xi32, #tpu.memory_space<vmem>>, vector<16xi32>,
    %sub3A_526 = arith.constant 0 : i32
    %sub3A_527 = vector.broadcast %sub3A_526 : i32 to vector<16xi32>
    %sub3A_528 = arith.subi %get3A_525, %sub3A_527 : vector<16xi32>
    %ge3A_529 = arith.constant 0 : i32
    %ge3A_530 = vector.broadcast %ge3A_529 : i32 to vector<16xi32>
    %ge3A_531 = arith.cmpi sge, %sub3A_528, %ge3A_530 : vector<16xi32>
    %lt3A_532 = arith.constant 200 : i32
    %lt3A_533 = vector.broadcast %lt3A_532 : i32 to vector<16xi32>
    %lt3A_534 = arith.cmpi slt, %sub3A_528, %lt3A_533 : vector<16xi32>
    %and3A_535 = arith.andi %ge3A_531, %lt3A_534 : vector<16xi1>
    tpu.vector_store_idx %arg6[%broadcast_in_dim3A_462, %sub3A_528, %add3A_523], %broadcast_in_dim3A_460 masked %and3A_535 : memref<2x200x256xf32, #tpu.memory_space<vmem>>[vector<16xi32>, vector<16xi32>, vector<16xi32>], vector<16xf32>, vector<16xi1>
    %add3A_536 = arith.constant 80 : i32
    %add3A_537 = vector.broadcast %add3A_536 : i32 to vector<16xi32>
    %add3A_538 = arith.addi %add3A_537, %iota3A : vector<16xi32>
    %get3A_539 = arith.constant 80 : index
    %get3A_540 = tpu.vector_load %arg5[%get3A_539] {strides = array<i32>} : memref<6400xi32, #tpu.memory_space<vmem>>, vector<16xi32>,
    %sub3A_541 = arith.constant 0 : i32
    %sub3A_542 = vector.broadcast %sub3A_541 : i32 to vector<16xi32>
    %sub3A_543 = arith.subi %get3A_540, %sub3A_542 : vector<16xi32>
    %ge3A_544 = arith.constant 0 : i32
    %ge3A_545 = vector.broadcast %ge3A_544 : i32 to vector<16xi32>
    %ge3A_546 = arith.cmpi sge, %sub3A_543, %ge3A_545 : vector<16xi32>
    %lt3A_547 = arith.constant 200 : i32
    %lt3A_548 = vector.broadcast %lt3A_547 : i32 to vector<16xi32>
    %lt3A_549 = arith.cmpi slt, %sub3A_543, %lt3A_548 : vector<16xi32>
    %and3A_550 = arith.andi %ge3A_546, %lt3A_549 : vector<16xi1>
    tpu.vector_store_idx %arg6[%broadcast_in_dim3A_462, %sub3A_543, %add3A_538], %broadcast_in_dim3A_460 masked %and3A_550 : memref<2x200x256xf32, #tpu.memory_space<vmem>>[vector<16xi32>, vector<16xi32>, vector<16xi32>], vector<16xf32>, vector<16xi1>
    %add3A_551 = arith.constant 96 : i32
    %add3A_552 = vector.broadcast %add3A_551 : i32 to vector<16xi32>
    %add3A_553 = arith.addi %add3A_552, %iota3A : vector<16xi32>
    %get3A_554 = arith.constant 96 : index
    %get3A_555 = tpu.vector_load %arg5[%get3A_554] {strides = array<i32>} : memref<6400xi32, #tpu.memory_space<vmem>>, vector<16xi32>,
    %sub3A_556 = arith.constant 0 : i32
    %sub3A_557 = vector.broadcast %sub3A_556 : i32 to vector<16xi32>
    %sub3A_558 = arith.subi %get3A_555, %sub3A_557 : vector<16xi32>
    %ge3A_559 = arith.constant 0 : i32
    %ge3A_560 = vector.broadcast %ge3A_559 : i32 to vector<16xi32>
    %ge3A_561 = arith.cmpi sge, %sub3A_558, %ge3A_560 : vector<16xi32>
    %lt3A_562 = arith.constant 200 : i32
    %lt3A_563 = vector.broadcast %lt3A_562 : i32 to vector<16xi32>
    %lt3A_564 = arith.cmpi slt, %sub3A_558, %lt3A_563 : vector<16xi32>
    %and3A_565 = arith.andi %ge3A_561, %lt3A_564 : vector<16xi1>
    tpu.vector_store_idx %arg6[%broadcast_in_dim3A_462, %sub3A_558, %add3A_553], %broadcast_in_dim3A_460 masked %and3A_565 : memref<2x200x256xf32, #tpu.memory_space<vmem>>[vector<16xi32>, vector<16xi32>, vector<16xi32>], vector<16xf32>, vector<16xi1>
    %add3A_566 = arith.constant 112 : i32
    %add3A_567 = vector.broadcast %add3A_566 : i32 to vector<16xi32>
    %add3A_568 = arith.addi %add3A_567, %iota3A : vector<16xi32>
    %get3A_569 = arith.constant 112 : index
    %get3A_570 = tpu.vector_load %arg5[%get3A_569] {strides = array<i32>} : memref<6400xi32, #tpu.memory_space<vmem>>, vector<16xi32>,
    %sub3A_571 = arith.constant 0 : i32
    %sub3A_572 = vector.broadcast %sub3A_571 : i32 to vector<16xi32>
    %sub3A_573 = arith.subi %get3A_570, %sub3A_572 : vector<16xi32>
    %ge3A_574 = arith.constant 0 : i32
    %ge3A_575 = vector.broadcast %ge3A_574 : i32 to vector<16xi32>
    %ge3A_576 = arith.cmpi sge, %sub3A_573, %ge3A_575 : vector<16xi32>
    %lt3A_577 = arith.constant 200 : i32
    %lt3A_578 = vector.broadcast %lt3A_577 : i32 to vector<16xi32>
    %lt3A_579 = arith.cmpi slt, %sub3A_573, %lt3A_578 : vector<16xi32>
    %and3A_580 = arith.andi %ge3A_576, %lt3A_579 : vector<16xi1>
    tpu.vector_store_idx %arg6[%broadcast_in_dim3A_462, %sub3A_573, %add3A_568], %broadcast_in_dim3A_460 masked %and3A_580 : memref<2x200x256xf32, #tpu.memory_space<vmem>>[vector<16xi32>, vector<16xi32>, vector<16xi32>], vector<16xf32>, vector<16xi1>
    %add3A_581 = arith.constant 128 : i32
    %add3A_582 = vector.broadcast %add3A_581 : i32 to vector<16xi32>
    %add3A_583 = arith.addi %add3A_582, %iota3A : vector<16xi32>
    %get3A_584 = arith.constant 128 : index
    %get3A_585 = tpu.vector_load %arg5[%get3A_584] {strides = array<i32>} : memref<6400xi32, #tpu.memory_space<vmem>>, vector<16xi32>,
    %sub3A_586 = arith.constant 0 : i32
    %sub3A_587 = vector.broadcast %sub3A_586 : i32 to vector<16xi32>
    %sub3A_588 = arith.subi %get3A_585, %sub3A_587 : vector<16xi32>
    %ge3A_589 = arith.constant 0 : i32
    %ge3A_590 = vector.broadcast %ge3A_589 : i32 to vector<16xi32>
    %ge3A_591 = arith.cmpi sge, %sub3A_588, %ge3A_590 : vector<16xi32>
    %lt3A_592 = arith.constant 200 : i32
    %lt3A_593 = vector.broadcast %lt3A_592 : i32 to vector<16xi32>
    %lt3A_594 = arith.cmpi slt, %sub3A_588, %lt3A_593 : vector<16xi32>
    %and3A_595 = arith.andi %ge3A_591, %lt3A_594 : vector<16xi1>
    tpu.vector_store_idx %arg6[%broadcast_in_dim3A_462, %sub3A_588, %add3A_583], %broadcast_in_dim3A_460 masked %and3A_595 : memref<2x200x256xf32, #tpu.memory_space<vmem>>[vector<16xi32>, vector<16xi32>, vector<16xi32>], vector<16xf32>, vector<16xi1>
    %add3A_596 = arith.constant 144 : i32
    %add3A_597 = vector.broadcast %add3A_596 : i32 to vector<16xi32>
    %add3A_598 = arith.addi %add3A_597, %iota3A : vector<16xi32>
    %get3A_599 = arith.constant 144 : index
    %get3A_600 = tpu.vector_load %arg5[%get3A_599] {strides = array<i32>} : memref<6400xi32, #tpu.memory_space<vmem>>, vector<16xi32>,
    %sub3A_601 = arith.constant 0 : i32
    %sub3A_602 = vector.broadcast %sub3A_601 : i32 to vector<16xi32>
    %sub3A_603 = arith.subi %get3A_600, %sub3A_602 : vector<16xi32>
    %ge3A_604 = arith.constant 0 : i32
    %ge3A_605 = vector.broadcast %ge3A_604 : i32 to vector<16xi32>
    %ge3A_606 = arith.cmpi sge, %sub3A_603, %ge3A_605 : vector<16xi32>
    %lt3A_607 = arith.constant 200 : i32
    %lt3A_608 = vector.broadcast %lt3A_607 : i32 to vector<16xi32>
    %lt3A_609 = arith.cmpi slt, %sub3A_603, %lt3A_608 : vector<16xi32>
    %and3A_610 = arith.andi %ge3A_606, %lt3A_609 : vector<16xi1>
    tpu.vector_store_idx %arg6[%broadcast_in_dim3A_462, %sub3A_603, %add3A_598], %broadcast_in_dim3A_460 masked %and3A_610 : memref<2x200x256xf32, #tpu.memory_space<vmem>>[vector<16xi32>, vector<16xi32>, vector<16xi32>], vector<16xf32>, vector<16xi1>
    %add3A_611 = arith.constant 160 : i32
    %add3A_612 = vector.broadcast %add3A_611 : i32 to vector<16xi32>
    %add3A_613 = arith.addi %add3A_612, %iota3A : vector<16xi32>
    %get3A_614 = arith.constant 160 : index
    %get3A_615 = tpu.vector_load %arg5[%get3A_614] {strides = array<i32>} : memref<6400xi32, #tpu.memory_space<vmem>>, vector<16xi32>,
    %sub3A_616 = arith.constant 0 : i32
    %sub3A_617 = vector.broadcast %sub3A_616 : i32 to vector<16xi32>
    %sub3A_618 = arith.subi %get3A_615, %sub3A_617 : vector<16xi32>
    %ge3A_619 = arith.constant 0 : i32
    %ge3A_620 = vector.broadcast %ge3A_619 : i32 to vector<16xi32>
    %ge3A_621 = arith.cmpi sge, %sub3A_618, %ge3A_620 : vector<16xi32>
    %lt3A_622 = arith.constant 200 : i32
    %lt3A_623 = vector.broadcast %lt3A_622 : i32 to vector<16xi32>
    %lt3A_624 = arith.cmpi slt, %sub3A_618, %lt3A_623 : vector<16xi32>
    %and3A_625 = arith.andi %ge3A_621, %lt3A_624 : vector<16xi1>
    tpu.vector_store_idx %arg6[%broadcast_in_dim3A_462, %sub3A_618, %add3A_613], %broadcast_in_dim3A_460 masked %and3A_625 : memref<2x200x256xf32, #tpu.memory_space<vmem>>[vector<16xi32>, vector<16xi32>, vector<16xi32>], vector<16xf32>, vector<16xi1>
    %add3A_626 = arith.constant 176 : i32
    %add3A_627 = vector.broadcast %add3A_626 : i32 to vector<16xi32>
    %add3A_628 = arith.addi %add3A_627, %iota3A : vector<16xi32>
    %get3A_629 = arith.constant 176 : index
    %get3A_630 = tpu.vector_load %arg5[%get3A_629] {strides = array<i32>} : memref<6400xi32, #tpu.memory_space<vmem>>, vector<16xi32>,
    %sub3A_631 = arith.constant 0 : i32
    %sub3A_632 = vector.broadcast %sub3A_631 : i32 to vector<16xi32>
    %sub3A_633 = arith.subi %get3A_630, %sub3A_632 : vector<16xi32>
    %ge3A_634 = arith.constant 0 : i32
    %ge3A_635 = vector.broadcast %ge3A_634 : i32 to vector<16xi32>
    %ge3A_636 = arith.cmpi sge, %sub3A_633, %ge3A_635 : vector<16xi32>
    %lt3A_637 = arith.constant 200 : i32
    %lt3A_638 = vector.broadcast %lt3A_637 : i32 to vector<16xi32>
    %lt3A_639 = arith.cmpi slt, %sub3A_633, %lt3A_638 : vector<16xi32>
    %and3A_640 = arith.andi %ge3A_636, %lt3A_639 : vector<16xi1>
    tpu.vector_store_idx %arg6[%broadcast_in_dim3A_462, %sub3A_633, %add3A_628], %broadcast_in_dim3A_460 masked %and3A_640 : memref<2x200x256xf32, #tpu.memory_space<vmem>>[vector<16xi32>, vector<16xi32>, vector<16xi32>], vector<16xf32>, vector<16xi1>
    %add3A_641 = arith.constant 192 : i32
    %add3A_642 = vector.broadcast %add3A_641 : i32 to vector<16xi32>
    %add3A_643 = arith.addi %add3A_642, %iota3A : vector<16xi32>
    %get3A_644 = arith.constant 192 : index
    %get3A_645 = tpu.vector_load %arg5[%get3A_644] {strides = array<i32>} : memref<6400xi32, #tpu.memory_space<vmem>>, vector<16xi32>,
    %sub3A_646 = arith.constant 0 : i32
    %sub3A_647 = vector.broadcast %sub3A_646 : i32 to vector<16xi32>
    %sub3A_648 = arith.subi %get3A_645, %sub3A_647 : vector<16xi32>
    %ge3A_649 = arith.constant 0 : i32
    %ge3A_650 = vector.broadcast %ge3A_649 : i32 to vector<16xi32>
    %ge3A_651 = arith.cmpi sge, %sub3A_648, %ge3A_650 : vector<16xi32>
    %lt3A_652 = arith.constant 200 : i32
    %lt3A_653 = vector.broadcast %lt3A_652 : i32 to vector<16xi32>
    %lt3A_654 = arith.cmpi slt, %sub3A_648, %lt3A_653 : vector<16xi32>
    %and3A_655 = arith.andi %ge3A_651, %lt3A_654 : vector<16xi1>
    tpu.vector_store_idx %arg6[%broadcast_in_dim3A_462, %sub3A_648, %add3A_643], %broadcast_in_dim3A_460 masked %and3A_655 : memref<2x200x256xf32, #tpu.memory_space<vmem>>[vector<16xi32>, vector<16xi32>, vector<16xi32>], vector<16xf32>, vector<16xi1>
    %add3A_656 = arith.constant 208 : i32
    %add3A_657 = vector.broadcast %add3A_656 : i32 to vector<16xi32>
    %add3A_658 = arith.addi %add3A_657, %iota3A : vector<16xi32>
    %get3A_659 = arith.constant 208 : index
    %get3A_660 = tpu.vector_load %arg5[%get3A_659] {strides = array<i32>} : memref<6400xi32, #tpu.memory_space<vmem>>, vector<16xi32>,
    %sub3A_661 = arith.constant 0 : i32
    %sub3A_662 = vector.broadcast %sub3A_661 : i32 to vector<16xi32>
    %sub3A_663 = arith.subi %get3A_660, %sub3A_662 : vector<16xi32>
    %ge3A_664 = arith.constant 0 : i32
    %ge3A_665 = vector.broadcast %ge3A_664 : i32 to vector<16xi32>
    %ge3A_666 = arith.cmpi sge, %sub3A_663, %ge3A_665 : vector<16xi32>
    %lt3A_667 = arith.constant 200 : i32
    %lt3A_668 = vector.broadcast %lt3A_667 : i32 to vector<16xi32>
    %lt3A_669 = arith.cmpi slt, %sub3A_663, %lt3A_668 : vector<16xi32>
    %and3A_670 = arith.andi %ge3A_666, %lt3A_669 : vector<16xi1>
    tpu.vector_store_idx %arg6[%broadcast_in_dim3A_462, %sub3A_663, %add3A_658], %broadcast_in_dim3A_460 masked %and3A_670 : memref<2x200x256xf32, #tpu.memory_space<vmem>>[vector<16xi32>, vector<16xi32>, vector<16xi32>], vector<16xf32>, vector<16xi1>
    %add3A_671 = arith.constant 224 : i32
    %add3A_672 = vector.broadcast %add3A_671 : i32 to vector<16xi32>
    %add3A_673 = arith.addi %add3A_672, %iota3A : vector<16xi32>
    %get3A_674 = arith.constant 224 : index
    %get3A_675 = tpu.vector_load %arg5[%get3A_674] {strides = array<i32>} : memref<6400xi32, #tpu.memory_space<vmem>>, vector<16xi32>,
    %sub3A_676 = arith.constant 0 : i32
    %sub3A_677 = vector.broadcast %sub3A_676 : i32 to vector<16xi32>
    %sub3A_678 = arith.subi %get3A_675, %sub3A_677 : vector<16xi32>
    %ge3A_679 = arith.constant 0 : i32
    %ge3A_680 = vector.broadcast %ge3A_679 : i32 to vector<16xi32>
    %ge3A_681 = arith.cmpi sge, %sub3A_678, %ge3A_680 : vector<16xi32>
    %lt3A_682 = arith.constant 200 : i32
    %lt3A_683 = vector.broadcast %lt3A_682 : i32 to vector<16xi32>
    %lt3A_684 = arith.cmpi slt, %sub3A_678, %lt3A_683 : vector<16xi32>
    %and3A_685 = arith.andi %ge3A_681, %lt3A_684 : vector<16xi1>
    tpu.vector_store_idx %arg6[%broadcast_in_dim3A_462, %sub3A_678, %add3A_673], %broadcast_in_dim3A_460 masked %and3A_685 : memref<2x200x256xf32, #tpu.memory_space<vmem>>[vector<16xi32>, vector<16xi32>, vector<16xi32>], vector<16xf32>, vector<16xi1>
    %add3A_686 = arith.constant 240 : i32
    %add3A_687 = vector.broadcast %add3A_686 : i32 to vector<16xi32>
    %add3A_688 = arith.addi %add3A_687, %iota3A : vector<16xi32>
    %get3A_689 = arith.constant 240 : index
    %get3A_690 = tpu.vector_load %arg5[%get3A_689] {strides = array<i32>} : memref<6400xi32, #tpu.memory_space<vmem>>, vector<16xi32>,
    %sub3A_691 = arith.constant 0 : i32
    %sub3A_692 = vector.broadcast %sub3A_691 : i32 to vector<16xi32>
    %sub3A_693 = arith.subi %get3A_690, %sub3A_692 : vector<16xi32>
    %ge3A_694 = arith.constant 0 : i32
    %ge3A_695 = vector.broadcast %ge3A_694 : i32 to vector<16xi32>
    %ge3A_696 = arith.cmpi sge, %sub3A_693, %ge3A_695 : vector<16xi32>
    %lt3A_697 = arith.constant 200 : i32
    %lt3A_698 = vector.broadcast %lt3A_697 : i32 to vector<16xi32>
    %lt3A_699 = arith.cmpi slt, %sub3A_693, %lt3A_698 : vector<16xi32>
    %and3A_700 = arith.andi %ge3A_696, %lt3A_699 : vector<16xi1>
    tpu.vector_store_idx %arg6[%broadcast_in_dim3A_462, %sub3A_693, %add3A_688], %broadcast_in_dim3A_460 masked %and3A_700 : memref<2x200x256xf32, #tpu.memory_space<vmem>>[vector<16xi32>, vector<16xi32>, vector<16xi32>], vector<16xf32>, vector<16xi1>
    %add3A_701 = arith.constant 0 : i32
    %add3A_702 = arith.addi %mul3A_34, %add3A_701 : i32
    %dma_start3A_703 = arith.constant 0 : i32
    %dma_start3A_704 = arith.constant 0 : i32
    %dma_start3A_705 = arith.constant 0 : i32
    %dma_start3A_706 = tpu.memref_slice %arg6[%dma_start3A_703, %dma_start3A_704, %dma_start3A_705] : memref<2x200x256xf32, #tpu.memory_space<vmem>> -> memref<1x200x256xf32, #tpu.memory_space<vmem>>
    %dma_start3A_707 = tpu.memref_squeeze %dma_start3A_706 : memref<1x200x256xf32, #tpu.memory_space<vmem>> -> memref<200x256xf32, #tpu.memory_space<vmem>>
    %dma_start3A_708 = arith.constant 0 : i32
    %dma_start3A_709 = tpu.memref_slice %arg4[%add3A_702, %dma_start3A_708, %mul3A_11] : memref<50x1000x4096xf32, #tpu.memory_space<hbm>> -> memref<1x200x256xf32, #tpu.memory_space<hbm>>
    %dma_start3A_710 = tpu.memref_squeeze %dma_start3A_709 : memref<1x200x256xf32, #tpu.memory_space<hbm>> -> memref<200x256xf32, #tpu.memory_space<hbm>>
    %dma_start3A_711 = arith.constant 0 : i32
    %dma_start3A_712 = tpu.memref_slice %arg4[%add3A_702, %dma_start3A_711, %mul3A_11] : memref<50x1000x4096xf32, #tpu.memory_space<hbm>> -> memref<1x200x256xf32, #tpu.memory_space<hbm>>
    %dma_start3A_713 = tpu.memref_squeeze %dma_start3A_712 : memref<1x200x256xf32, #tpu.memory_space<hbm>> -> memref<200x256xf32, #tpu.memory_space<hbm>>
    %dma_start3A_714 = arith.constant 0 : i32
    %dma_start3A_715 = arith.constant 0 : i32
    %dma_start3A_716 = tpu.memref_slice %arg6[%dma_start3A_703, %dma_start3A_714, %dma_start3A_715] : memref<2x200x256xf32, #tpu.memory_space<vmem>> -> memref<1x200x256xf32, #tpu.memory_space<vmem>>
    %dma_start3A_717 = tpu.memref_squeeze %dma_start3A_716 : memref<1x200x256xf32, #tpu.memory_space<vmem>> -> memref<200x256xf32, #tpu.memory_space<vmem>>
    tpu.enqueue_dma source(%dma_start3A_717 : memref<200x256xf32, #tpu.memory_space<vmem>>) target(%dma_start3A_713 : memref<200x256xf32, #tpu.memory_space<hbm>>) target_semaphore(%arg7 : memref<!tpu.dma_semaphore, #tpu.memory_space<semaphore_mem>>)
    %broadcast_in_dim3A_718 = arith.constant 1 : i32
    %broadcast_in_dim3A_719 = vector.broadcast %broadcast_in_dim3A_718 : i32 to vector<16xi32>
    %add3A_720 = arith.constant 0 : i32
    %add3A_721 = vector.broadcast %add3A_720 : i32 to vector<16xi32>
    %add3A_722 = arith.addi %add3A_721, %iota3A : vector<16xi32>
    %get3A_723 = arith.constant 0 : index
    %get3A_724 = tpu.vector_load %arg5[%get3A_723] {strides = array<i32>} : memref<6400xi32, #tpu.memory_space<vmem>>, vector<16xi32>,
    %sub3A_725 = arith.constant 200 : i32
    %sub3A_726 = vector.broadcast %sub3A_725 : i32 to vector<16xi32>
    %sub3A_727 = arith.subi %get3A_724, %sub3A_726 : vector<16xi32>
    %ge3A_728 = arith.constant 0 : i32
    %ge3A_729 = vector.broadcast %ge3A_728 : i32 to vector<16xi32>
    %ge3A_730 = arith.cmpi sge, %sub3A_727, %ge3A_729 : vector<16xi32>
    %lt3A_731 = arith.constant 200 : i32
    %lt3A_732 = vector.broadcast %lt3A_731 : i32 to vector<16xi32>
    %lt3A_733 = arith.cmpi slt, %sub3A_727, %lt3A_732 : vector<16xi32>
    %and3A_734 = arith.andi %ge3A_730, %lt3A_733 : vector<16xi1>
    tpu.vector_store_idx %arg6[%broadcast_in_dim3A_719, %sub3A_727, %add3A_722], %broadcast_in_dim3A_460 masked %and3A_734 : memref<2x200x256xf32, #tpu.memory_space<vmem>>[vector<16xi32>, vector<16xi32>, vector<16xi32>], vector<16xf32>, vector<16xi1>
    %add3A_735 = arith.constant 16 : i32
    %add3A_736 = vector.broadcast %add3A_735 : i32 to vector<16xi32>
    %add3A_737 = arith.addi %add3A_736, %iota3A : vector<16xi32>
    %get3A_738 = arith.constant 16 : index
    %get3A_739 = tpu.vector_load %arg5[%get3A_738] {strides = array<i32>} : memref<6400xi32, #tpu.memory_space<vmem>>, vector<16xi32>,
    %sub3A_740 = arith.constant 200 : i32
    %sub3A_741 = vector.broadcast %sub3A_740 : i32 to vector<16xi32>
    %sub3A_742 = arith.subi %get3A_739, %sub3A_741 : vector<16xi32>
    %ge3A_743 = arith.constant 0 : i32
    %ge3A_744 = vector.broadcast %ge3A_743 : i32 to vector<16xi32>
    %ge3A_745 = arith.cmpi sge, %sub3A_742, %ge3A_744 : vector<16xi32>
    %lt3A_746 = arith.constant 200 : i32
    %lt3A_747 = vector.broadcast %lt3A_746 : i32 to vector<16xi32>
    %lt3A_748 = arith.cmpi slt, %sub3A_742, %lt3A_747 : vector<16xi32>
    %and3A_749 = arith.andi %ge3A_745, %lt3A_748 : vector<16xi1>
    tpu.vector_store_idx %arg6[%broadcast_in_dim3A_719, %sub3A_742, %add3A_737], %broadcast_in_dim3A_460 masked %and3A_749 : memref<2x200x256xf32, #tpu.memory_space<vmem>>[vector<16xi32>, vector<16xi32>, vector<16xi32>], vector<16xf32>, vector<16xi1>
    %add3A_750 = arith.constant 32 : i32
    %add3A_751 = vector.broadcast %add3A_750 : i32 to vector<16xi32>
    %add3A_752 = arith.addi %add3A_751, %iota3A : vector<16xi32>
    %get3A_753 = arith.constant 32 : index
    %get3A_754 = tpu.vector_load %arg5[%get3A_753] {strides = array<i32>} : memref<6400xi32, #tpu.memory_space<vmem>>, vector<16xi32>,
    %sub3A_755 = arith.constant 200 : i32
    %sub3A_756 = vector.broadcast %sub3A_755 : i32 to vector<16xi32>
    %sub3A_757 = arith.subi %get3A_754, %sub3A_756 : vector<16xi32>
    %ge3A_758 = arith.constant 0 : i32
    %ge3A_759 = vector.broadcast %ge3A_758 : i32 to vector<16xi32>
    %ge3A_760 = arith.cmpi sge, %sub3A_757, %ge3A_759 : vector<16xi32>
    %lt3A_761 = arith.constant 200 : i32
    %lt3A_762 = vector.broadcast %lt3A_761 : i32 to vector<16xi32>
    %lt3A_763 = arith.cmpi slt, %sub3A_757, %lt3A_762 : vector<16xi32>
    %and3A_764 = arith.andi %ge3A_760, %lt3A_763 : vector<16xi1>
    tpu.vector_store_idx %arg6[%broadcast_in_dim3A_719, %sub3A_757, %add3A_752], %broadcast_in_dim3A_460 masked %and3A_764 : memref<2x200x256xf32, #tpu.memory_space<vmem>>[vector<16xi32>, vector<16xi32>, vector<16xi32>], vector<16xf32>, vector<16xi1>
    %add3A_765 = arith.constant 48 : i32
    %add3A_766 = vector.broadcast %add3A_765 : i32 to vector<16xi32>
    %add3A_767 = arith.addi %add3A_766, %iota3A : vector<16xi32>
    %get3A_768 = arith.constant 48 : index
    %get3A_769 = tpu.vector_load %arg5[%get3A_768] {strides = array<i32>} : memref<6400xi32, #tpu.memory_space<vmem>>, vector<16xi32>,
    %sub3A_770 = arith.constant 200 : i32
    %sub3A_771 = vector.broadcast %sub3A_770 : i32 to vector<16xi32>
    %sub3A_772 = arith.subi %get3A_769, %sub3A_771 : vector<16xi32>
    %ge3A_773 = arith.constant 0 : i32
    %ge3A_774 = vector.broadcast %ge3A_773 : i32 to vector<16xi32>
    %ge3A_775 = arith.cmpi sge, %sub3A_772, %ge3A_774 : vector<16xi32>
    %lt3A_776 = arith.constant 200 : i32
    %lt3A_777 = vector.broadcast %lt3A_776 : i32 to vector<16xi32>
    %lt3A_778 = arith.cmpi slt, %sub3A_772, %lt3A_777 : vector<16xi32>
    %and3A_779 = arith.andi %ge3A_775, %lt3A_778 : vector<16xi1>
    tpu.vector_store_idx %arg6[%broadcast_in_dim3A_719, %sub3A_772, %add3A_767], %broadcast_in_dim3A_460 masked %and3A_779 : memref<2x200x256xf32, #tpu.memory_space<vmem>>[vector<16xi32>, vector<16xi32>, vector<16xi32>], vector<16xf32>, vector<16xi1>
    %add3A_780 = arith.constant 64 : i32
    %add3A_781 = vector.broadcast %add3A_780 : i32 to vector<16xi32>
    %add3A_782 = arith.addi %add3A_781, %iota3A : vector<16xi32>
    %get3A_783 = arith.constant 64 : index
    %get3A_784 = tpu.vector_load %arg5[%get3A_783] {strides = array<i32>} : memref<6400xi32, #tpu.memory_space<vmem>>, vector<16xi32>,
    %sub3A_785 = arith.constant 200 : i32
    %sub3A_786 = vector.broadcast %sub3A_785 : i32 to vector<16xi32>
    %sub3A_787 = arith.subi %get3A_784, %sub3A_786 : vector<16xi32>
    %ge3A_788 = arith.constant 0 : i32
    %ge3A_789 = vector.broadcast %ge3A_788 : i32 to vector<16xi32>
    %ge3A_790 = arith.cmpi sge, %sub3A_787, %ge3A_789 : vector<16xi32>
    %lt3A_791 = arith.constant 200 : i32
    %lt3A_792 = vector.broadcast %lt3A_791 : i32 to vector<16xi32>
    %lt3A_793 = arith.cmpi slt, %sub3A_787, %lt3A_792 : vector<16xi32>
    %and3A_794 = arith.andi %ge3A_790, %lt3A_793 : vector<16xi1>
    tpu.vector_store_idx %arg6[%broadcast_in_dim3A_719, %sub3A_787, %add3A_782], %broadcast_in_dim3A_460 masked %and3A_794 : memref<2x200x256xf32, #tpu.memory_space<vmem>>[vector<16xi32>, vector<16xi32>, vector<16xi32>], vector<16xf32>, vector<16xi1>
    %add3A_795 = arith.constant 80 : i32
    %add3A_796 = vector.broadcast %add3A_795 : i32 to vector<16xi32>
    %add3A_797 = arith.addi %add3A_796, %iota3A : vector<16xi32>
    %get3A_798 = arith.constant 80 : index
    %get3A_799 = tpu.vector_load %arg5[%get3A_798] {strides = array<i32>} : memref<6400xi32, #tpu.memory_space<vmem>>, vector<16xi32>,
    %sub3A_800 = arith.constant 200 : i32
    %sub3A_801 = vector.broadcast %sub3A_800 : i32 to vector<16xi32>
    %sub3A_802 = arith.subi %get3A_799, %sub3A_801 : vector<16xi32>
    %ge3A_803 = arith.constant 0 : i32
    %ge3A_804 = vector.broadcast %ge3A_803 : i32 to vector<16xi32>
    %ge3A_805 = arith.cmpi sge, %sub3A_802, %ge3A_804 : vector<16xi32>
    %lt3A_806 = arith.constant 200 : i32
    %lt3A_807 = vector.broadcast %lt3A_806 : i32 to vector<16xi32>
    %lt3A_808 = arith.cmpi slt, %sub3A_802, %lt3A_807 : vector<16xi32>
    %and3A_809 = arith.andi %ge3A_805, %lt3A_808 : vector<16xi1>
    tpu.vector_store_idx %arg6[%broadcast_in_dim3A_719, %sub3A_802, %add3A_797], %broadcast_in_dim3A_460 masked %and3A_809 : memref<2x200x256xf32, #tpu.memory_space<vmem>>[vector<16xi32>, vector<16xi32>, vector<16xi32>], vector<16xf32>, vector<16xi1>
    %add3A_810 = arith.constant 96 : i32
    %add3A_811 = vector.broadcast %add3A_810 : i32 to vector<16xi32>
    %add3A_812 = arith.addi %add3A_811, %iota3A : vector<16xi32>
    %get3A_813 = arith.constant 96 : index
    %get3A_814 = tpu.vector_load %arg5[%get3A_813] {strides = array<i32>} : memref<6400xi32, #tpu.memory_space<vmem>>, vector<16xi32>,
    %sub3A_815 = arith.constant 200 : i32
    %sub3A_816 = vector.broadcast %sub3A_815 : i32 to vector<16xi32>
    %sub3A_817 = arith.subi %get3A_814, %sub3A_816 : vector<16xi32>
    %ge3A_818 = arith.constant 0 : i32
    %ge3A_819 = vector.broadcast %ge3A_818 : i32 to vector<16xi32>
    %ge3A_820 = arith.cmpi sge, %sub3A_817, %ge3A_819 : vector<16xi32>
    %lt3A_821 = arith.constant 200 : i32
    %lt3A_822 = vector.broadcast %lt3A_821 : i32 to vector<16xi32>
    %lt3A_823 = arith.cmpi slt, %sub3A_817, %lt3A_822 : vector<16xi32>
    %and3A_824 = arith.andi %ge3A_820, %lt3A_823 : vector<16xi1>
    tpu.vector_store_idx %arg6[%broadcast_in_dim3A_719, %sub3A_817, %add3A_812], %broadcast_in_dim3A_460 masked %and3A_824 : memref<2x200x256xf32, #tpu.memory_space<vmem>>[vector<16xi32>, vector<16xi32>, vector<16xi32>], vector<16xf32>, vector<16xi1>
    %add3A_825 = arith.constant 112 : i32
    %add3A_826 = vector.broadcast %add3A_825 : i32 to vector<16xi32>
    %add3A_827 = arith.addi %add3A_826, %iota3A : vector<16xi32>
    %get3A_828 = arith.constant 112 : index
    %get3A_829 = tpu.vector_load %arg5[%get3A_828] {strides = array<i32>} : memref<6400xi32, #tpu.memory_space<vmem>>, vector<16xi32>,
    %sub3A_830 = arith.constant 200 : i32
    %sub3A_831 = vector.broadcast %sub3A_830 : i32 to vector<16xi32>
    %sub3A_832 = arith.subi %get3A_829, %sub3A_831 : vector<16xi32>
    %ge3A_833 = arith.constant 0 : i32
    %ge3A_834 = vector.broadcast %ge3A_833 : i32 to vector<16xi32>
    %ge3A_835 = arith.cmpi sge, %sub3A_832, %ge3A_834 : vector<16xi32>
    %lt3A_836 = arith.constant 200 : i32
    %lt3A_837 = vector.broadcast %lt3A_836 : i32 to vector<16xi32>
    %lt3A_838 = arith.cmpi slt, %sub3A_832, %lt3A_837 : vector<16xi32>
    %and3A_839 = arith.andi %ge3A_835, %lt3A_838 : vector<16xi1>
    tpu.vector_store_idx %arg6[%broadcast_in_dim3A_719, %sub3A_832, %add3A_827], %broadcast_in_dim3A_460 masked %and3A_839 : memref<2x200x256xf32, #tpu.memory_space<vmem>>[vector<16xi32>, vector<16xi32>, vector<16xi32>], vector<16xf32>, vector<16xi1>
    %add3A_840 = arith.constant 128 : i32
    %add3A_841 = vector.broadcast %add3A_840 : i32 to vector<16xi32>
    %add3A_842 = arith.addi %add3A_841, %iota3A : vector<16xi32>
    %get3A_843 = arith.constant 128 : index
    %get3A_844 = tpu.vector_load %arg5[%get3A_843] {strides = array<i32>} : memref<6400xi32, #tpu.memory_space<vmem>>, vector<16xi32>,
    %sub3A_845 = arith.constant 200 : i32
    %sub3A_846 = vector.broadcast %sub3A_845 : i32 to vector<16xi32>
    %sub3A_847 = arith.subi %get3A_844, %sub3A_846 : vector<16xi32>
    %ge3A_848 = arith.constant 0 : i32
    %ge3A_849 = vector.broadcast %ge3A_848 : i32 to vector<16xi32>
    %ge3A_850 = arith.cmpi sge, %sub3A_847, %ge3A_849 : vector<16xi32>
    %lt3A_851 = arith.constant 200 : i32
    %lt3A_852 = vector.broadcast %lt3A_851 : i32 to vector<16xi32>
    %lt3A_853 = arith.cmpi slt, %sub3A_847, %lt3A_852 : vector<16xi32>
    %and3A_854 = arith.andi %ge3A_850, %lt3A_853 : vector<16xi1>
    tpu.vector_store_idx %arg6[%broadcast_in_dim3A_719, %sub3A_847, %add3A_842], %broadcast_in_dim3A_460 masked %and3A_854 : memref<2x200x256xf32, #tpu.memory_space<vmem>>[vector<16xi32>, vector<16xi32>, vector<16xi32>], vector<16xf32>, vector<16xi1>
    %add3A_855 = arith.constant 144 : i32
    %add3A_856 = vector.broadcast %add3A_855 : i32 to vector<16xi32>
    %add3A_857 = arith.addi %add3A_856, %iota3A : vector<16xi32>
    %get3A_858 = arith.constant 144 : index
    %get3A_859 = tpu.vector_load %arg5[%get3A_858] {strides = array<i32>} : memref<6400xi32, #tpu.memory_space<vmem>>, vector<16xi32>,
    %sub3A_860 = arith.constant 200 : i32
    %sub3A_861 = vector.broadcast %sub3A_860 : i32 to vector<16xi32>
    %sub3A_862 = arith.subi %get3A_859, %sub3A_861 : vector<16xi32>
    %ge3A_863 = arith.constant 0 : i32
    %ge3A_864 = vector.broadcast %ge3A_863 : i32 to vector<16xi32>
    %ge3A_865 = arith.cmpi sge, %sub3A_862, %ge3A_864 : vector<16xi32>
    %lt3A_866 = arith.constant 200 : i32
    %lt3A_867 = vector.broadcast %lt3A_866 : i32 to vector<16xi32>
    %lt3A_868 = arith.cmpi slt, %sub3A_862, %lt3A_867 : vector<16xi32>
    %and3A_869 = arith.andi %ge3A_865, %lt3A_868 : vector<16xi1>
    tpu.vector_store_idx %arg6[%broadcast_in_dim3A_719, %sub3A_862, %add3A_857], %broadcast_in_dim3A_460 masked %and3A_869 : memref<2x200x256xf32, #tpu.memory_space<vmem>>[vector<16xi32>, vector<16xi32>, vector<16xi32>], vector<16xf32>, vector<16xi1>
    %add3A_870 = arith.constant 160 : i32
    %add3A_871 = vector.broadcast %add3A_870 : i32 to vector<16xi32>
    %add3A_872 = arith.addi %add3A_871, %iota3A : vector<16xi32>
    %get3A_873 = arith.constant 160 : index
    %get3A_874 = tpu.vector_load %arg5[%get3A_873] {strides = array<i32>} : memref<6400xi32, #tpu.memory_space<vmem>>, vector<16xi32>,
    %sub3A_875 = arith.constant 200 : i32
    %sub3A_876 = vector.broadcast %sub3A_875 : i32 to vector<16xi32>
    %sub3A_877 = arith.subi %get3A_874, %sub3A_876 : vector<16xi32>
    %ge3A_878 = arith.constant 0 : i32
    %ge3A_879 = vector.broadcast %ge3A_878 : i32 to vector<16xi32>
    %ge3A_880 = arith.cmpi sge, %sub3A_877, %ge3A_879 : vector<16xi32>
    %lt3A_881 = arith.constant 200 : i32
    %lt3A_882 = vector.broadcast %lt3A_881 : i32 to vector<16xi32>
    %lt3A_883 = arith.cmpi slt, %sub3A_877, %lt3A_882 : vector<16xi32>
    %and3A_884 = arith.andi %ge3A_880, %lt3A_883 : vector<16xi1>
    tpu.vector_store_idx %arg6[%broadcast_in_dim3A_719, %sub3A_877, %add3A_872], %broadcast_in_dim3A_460 masked %and3A_884 : memref<2x200x256xf32, #tpu.memory_space<vmem>>[vector<16xi32>, vector<16xi32>, vector<16xi32>], vector<16xf32>, vector<16xi1>
    %add3A_885 = arith.constant 176 : i32
    %add3A_886 = vector.broadcast %add3A_885 : i32 to vector<16xi32>
    %add3A_887 = arith.addi %add3A_886, %iota3A : vector<16xi32>
    %get3A_888 = arith.constant 176 : index
    %get3A_889 = tpu.vector_load %arg5[%get3A_888] {strides = array<i32>} : memref<6400xi32, #tpu.memory_space<vmem>>, vector<16xi32>,
    %sub3A_890 = arith.constant 200 : i32
    %sub3A_891 = vector.broadcast %sub3A_890 : i32 to vector<16xi32>
    %sub3A_892 = arith.subi %get3A_889, %sub3A_891 : vector<16xi32>
    %ge3A_893 = arith.constant 0 : i32
    %ge3A_894 = vector.broadcast %ge3A_893 : i32 to vector<16xi32>
    %ge3A_895 = arith.cmpi sge, %sub3A_892, %ge3A_894 : vector<16xi32>
    %lt3A_896 = arith.constant 200 : i32
    %lt3A_897 = vector.broadcast %lt3A_896 : i32 to vector<16xi32>
    %lt3A_898 = arith.cmpi slt, %sub3A_892, %lt3A_897 : vector<16xi32>
    %and3A_899 = arith.andi %ge3A_895, %lt3A_898 : vector<16xi1>
    tpu.vector_store_idx %arg6[%broadcast_in_dim3A_719, %sub3A_892, %add3A_887], %broadcast_in_dim3A_460 masked %and3A_899 : memref<2x200x256xf32, #tpu.memory_space<vmem>>[vector<16xi32>, vector<16xi32>, vector<16xi32>], vector<16xf32>, vector<16xi1>
    %add3A_900 = arith.constant 192 : i32
    %add3A_901 = vector.broadcast %add3A_900 : i32 to vector<16xi32>
    %add3A_902 = arith.addi %add3A_901, %iota3A : vector<16xi32>
    %get3A_903 = arith.constant 192 : index
    %get3A_904 = tpu.vector_load %arg5[%get3A_903] {strides = array<i32>} : memref<6400xi32, #tpu.memory_space<vmem>>, vector<16xi32>,
    %sub3A_905 = arith.constant 200 : i32
    %sub3A_906 = vector.broadcast %sub3A_905 : i32 to vector<16xi32>
    %sub3A_907 = arith.subi %get3A_904, %sub3A_906 : vector<16xi32>
    %ge3A_908 = arith.constant 0 : i32
    %ge3A_909 = vector.broadcast %ge3A_908 : i32 to vector<16xi32>
    %ge3A_910 = arith.cmpi sge, %sub3A_907, %ge3A_909 : vector<16xi32>
    %lt3A_911 = arith.constant 200 : i32
    %lt3A_912 = vector.broadcast %lt3A_911 : i32 to vector<16xi32>
    %lt3A_913 = arith.cmpi slt, %sub3A_907, %lt3A_912 : vector<16xi32>
    %and3A_914 = arith.andi %ge3A_910, %lt3A_913 : vector<16xi1>
    tpu.vector_store_idx %arg6[%broadcast_in_dim3A_719, %sub3A_907, %add3A_902], %broadcast_in_dim3A_460 masked %and3A_914 : memref<2x200x256xf32, #tpu.memory_space<vmem>>[vector<16xi32>, vector<16xi32>, vector<16xi32>], vector<16xf32>, vector<16xi1>
    %add3A_915 = arith.constant 208 : i32
    %add3A_916 = vector.broadcast %add3A_915 : i32 to vector<16xi32>
    %add3A_917 = arith.addi %add3A_916, %iota3A : vector<16xi32>
    %get3A_918 = arith.constant 208 : index
    %get3A_919 = tpu.vector_load %arg5[%get3A_918] {strides = array<i32>} : memref<6400xi32, #tpu.memory_space<vmem>>, vector<16xi32>,
    %sub3A_920 = arith.constant 200 : i32
    %sub3A_921 = vector.broadcast %sub3A_920 : i32 to vector<16xi32>
    %sub3A_922 = arith.subi %get3A_919, %sub3A_921 : vector<16xi32>
    %ge3A_923 = arith.constant 0 : i32
    %ge3A_924 = vector.broadcast %ge3A_923 : i32 to vector<16xi32>
    %ge3A_925 = arith.cmpi sge, %sub3A_922, %ge3A_924 : vector<16xi32>
    %lt3A_926 = arith.constant 200 : i32
    %lt3A_927 = vector.broadcast %lt3A_926 : i32 to vector<16xi32>
    %lt3A_928 = arith.cmpi slt, %sub3A_922, %lt3A_927 : vector<16xi32>
    %and3A_929 = arith.andi %ge3A_925, %lt3A_928 : vector<16xi1>
    tpu.vector_store_idx %arg6[%broadcast_in_dim3A_719, %sub3A_922, %add3A_917], %broadcast_in_dim3A_460 masked %and3A_929 : memref<2x200x256xf32, #tpu.memory_space<vmem>>[vector<16xi32>, vector<16xi32>, vector<16xi32>], vector<16xf32>, vector<16xi1>
    %add3A_930 = arith.constant 224 : i32
    %add3A_931 = vector.broadcast %add3A_930 : i32 to vector<16xi32>
    %add3A_932 = arith.addi %add3A_931, %iota3A : vector<16xi32>
    %get3A_933 = arith.constant 224 : index
    %get3A_934 = tpu.vector_load %arg5[%get3A_933] {strides = array<i32>} : memref<6400xi32, #tpu.memory_space<vmem>>, vector<16xi32>,
    %sub3A_935 = arith.constant 200 : i32
    %sub3A_936 = vector.broadcast %sub3A_935 : i32 to vector<16xi32>
    %sub3A_937 = arith.subi %get3A_934, %sub3A_936 : vector<16xi32>
    %ge3A_938 = arith.constant 0 : i32
    %ge3A_939 = vector.broadcast %ge3A_938 : i32 to vector<16xi32>
    %ge3A_940 = arith.cmpi sge, %sub3A_937, %ge3A_939 : vector<16xi32>
    %lt3A_941 = arith.constant 200 : i32
    %lt3A_942 = vector.broadcast %lt3A_941 : i32 to vector<16xi32>
    %lt3A_943 = arith.cmpi slt, %sub3A_937, %lt3A_942 : vector<16xi32>
    %and3A_944 = arith.andi %ge3A_940, %lt3A_943 : vector<16xi1>
    tpu.vector_store_idx %arg6[%broadcast_in_dim3A_719, %sub3A_937, %add3A_932], %broadcast_in_dim3A_460 masked %and3A_944 : memref<2x200x256xf32, #tpu.memory_space<vmem>>[vector<16xi32>, vector<16xi32>, vector<16xi32>], vector<16xf32>, vector<16xi1>
    %add3A_945 = arith.constant 240 : i32
    %add3A_946 = vector.broadcast %add3A_945 : i32 to vector<16xi32>
    %add3A_947 = arith.addi %add3A_946, %iota3A : vector<16xi32>
    %get3A_948 = arith.constant 240 : index
    %get3A_949 = tpu.vector_load %arg5[%get3A_948] {strides = array<i32>} : memref<6400xi32, #tpu.memory_space<vmem>>, vector<16xi32>,
    %sub3A_950 = arith.constant 200 : i32
    %sub3A_951 = vector.broadcast %sub3A_950 : i32 to vector<16xi32>
    %sub3A_952 = arith.subi %get3A_949, %sub3A_951 : vector<16xi32>
    %ge3A_953 = arith.constant 0 : i32
    %ge3A_954 = vector.broadcast %ge3A_953 : i32 to vector<16xi32>
    %ge3A_955 = arith.cmpi sge, %sub3A_952, %ge3A_954 : vector<16xi32>
    %lt3A_956 = arith.constant 200 : i32
    %lt3A_957 = vector.broadcast %lt3A_956 : i32 to vector<16xi32>
    %lt3A_958 = arith.cmpi slt, %sub3A_952, %lt3A_957 : vector<16xi32>
    %and3A_959 = arith.andi %ge3A_955, %lt3A_958 : vector<16xi1>
    tpu.vector_store_idx %arg6[%broadcast_in_dim3A_719, %sub3A_952, %add3A_947], %broadcast_in_dim3A_460 masked %and3A_959 : memref<2x200x256xf32, #tpu.memory_space<vmem>>[vector<16xi32>, vector<16xi32>, vector<16xi32>], vector<16xf32>, vector<16xi1>
    %add3A_960 = arith.constant 0 : i32
    %add3A_961 = arith.addi %mul3A_34, %add3A_960 : i32
    %dma_start3A_962 = arith.constant 1 : i32
    %dma_start3A_963 = arith.constant 0 : i32
    %dma_start3A_964 = arith.constant 0 : i32
    %dma_start3A_965 = tpu.memref_slice %arg6[%dma_start3A_962, %dma_start3A_963, %dma_start3A_964] : memref<2x200x256xf32, #tpu.memory_space<vmem>> -> memref<1x200x256xf32, #tpu.memory_space<vmem>>
    %dma_start3A_966 = tpu.memref_squeeze %dma_start3A_965 : memref<1x200x256xf32, #tpu.memory_space<vmem>> -> memref<200x256xf32, #tpu.memory_space<vmem>>
    %dma_start3A_967 = arith.constant 200 : i32
    %dma_start3A_968 = tpu.memref_slice %arg4[%add3A_961, %dma_start3A_967, %mul3A_11] : memref<50x1000x4096xf32, #tpu.memory_space<hbm>> -> memref<1x200x256xf32, #tpu.memory_space<hbm>>
    %dma_start3A_969 = tpu.memref_squeeze %dma_start3A_968 : memref<1x200x256xf32, #tpu.memory_space<hbm>> -> memref<200x256xf32, #tpu.memory_space<hbm>>
    %dma_start3A_970 = arith.constant 200 : i32
    %dma_start3A_971 = tpu.memref_slice %arg4[%add3A_961, %dma_start3A_970, %mul3A_11] : memref<50x1000x4096xf32, #tpu.memory_space<hbm>> -> memref<1x200x256xf32, #tpu.memory_space<hbm>>
    %dma_start3A_972 = tpu.memref_squeeze %dma_start3A_971 : memref<1x200x256xf32, #tpu.memory_space<hbm>> -> memref<200x256xf32, #tpu.memory_space<hbm>>
    %dma_start3A_973 = arith.constant 0 : i32
    %dma_start3A_974 = arith.constant 0 : i32
    %dma_start3A_975 = tpu.memref_slice %arg6[%dma_start3A_962, %dma_start3A_973, %dma_start3A_974] : memref<2x200x256xf32, #tpu.memory_space<vmem>> -> memref<1x200x256xf32, #tpu.memory_space<vmem>>
    %dma_start3A_976 = tpu.memref_squeeze %dma_start3A_975 : memref<1x200x256xf32, #tpu.memory_space<vmem>> -> memref<200x256xf32, #tpu.memory_space<vmem>>
    tpu.enqueue_dma source(%dma_start3A_976 : memref<200x256xf32, #tpu.memory_space<vmem>>) target(%dma_start3A_972 : memref<200x256xf32, #tpu.memory_space<hbm>>) target_semaphore(%arg8 : memref<!tpu.dma_semaphore, #tpu.memory_space<semaphore_mem>>)
    %scan3A = arith.constant 0 : i32
    %scan3A_977 = arith.constant 1 : i32
    %scan3A_978 = arith.constant 61 : i32
    %scan3A_979 = arith.addi %scan3A_977, %scan3A_978 : i32
    %scan3A_980 = arith.constant 1 : i32
    scf.for %scan3A_1534 = %scan3A_977 to %scan3A_979 step %scan3A_980  : i32 {
      %mul3A_1535 = arith.constant 2 : i32
      %mul3A_1536 = arith.muli %scan3A_1534, %mul3A_1535 : i32
      %add3A_1537 = arith.constant 0 : i32
      %add3A_1538 = arith.addi %mul3A_1536, %add3A_1537 : i32
      %jit3A_1539 = arith.constant 5 : i32
      %div3A_1540 = arith.divsi %add3A_1538, %jit3A_1539 : i32
      %sign3A_1541 = arith.constant 0 : i32
      %sign3A_1542 = arith.cmpi sgt, %add3A_1538, %sign3A_1541 : i32
      %sign3A_1543 = arith.extui %sign3A_1542 : i1 to i32
      %sign3A_1544 = arith.constant 0 : i32
      %sign3A_1545 = arith.cmpi slt, %add3A_1538, %sign3A_1544 : i32
      %sign3A_1546 = arith.extui %sign3A_1545 : i1 to i32
      %sign3A_1547 = arith.subi %sign3A_1543, %sign3A_1546 : i32
      %sign3A_1548 = arith.constant 0 : i32
      %sign3A_1549 = arith.cmpi sgt, %jit3A_1539, %sign3A_1548 : i32
      %sign3A_1550 = arith.extui %sign3A_1549 : i1 to i32
      %sign3A_1551 = arith.constant 0 : i32
      %sign3A_1552 = arith.cmpi slt, %jit3A_1539, %sign3A_1551 : i32
      %sign3A_1553 = arith.extui %sign3A_1552 : i1 to i32
      %sign3A_1554 = arith.subi %sign3A_1550, %sign3A_1553 : i32
      %ne3A_1555 = arith.cmpi ne, %sign3A_1547, %sign3A_1554 : i32
      %rem3A_1556 = arith.remsi %add3A_1538, %jit3A_1539 : i32
      %ne3A_1557 = arith.constant 0 : i32
      %ne3A_1558 = arith.cmpi ne, %rem3A_1556, %ne3A_1557 : i32
      %and3A_1559 = arith.andi %ne3A_1555, %ne3A_1558 : i1
      %sub3A_1560 = arith.constant 1 : i32
      %sub3A_1561 = arith.subi %div3A_1540, %sub3A_1560 : i32
      %select_n3A_1562 = arith.select %and3A_1559, %sub3A_1561, %div3A_1540 : i32
      %add3A_1563 = arith.addi %mul3A_34, %select_n3A_1562 : i32
      %jit3A_1564 = arith.constant 5 : i32
      %eq3A_1565 = arith.constant 0 : i32
      %eq3A_1566 = arith.cmpi eq, %jit3A_1564, %eq3A_1565 : i32
      %jit3A_1567 = arith.constant 1 : i32
      %select_n3A_1568 = arith.select %eq3A_1566, %jit3A_1567, %jit3A_1564 : i32
      %rem3A_1569 = arith.remsi %add3A_1538, %select_n3A_1568 : i32
      %ne3A_1570 = arith.constant 0 : i32
      %ne3A_1571 = arith.cmpi ne, %rem3A_1569, %ne3A_1570 : i32
      %lt3A_1572 = arith.constant 0 : i32
      %lt3A_1573 = arith.cmpi slt, %rem3A_1569, %lt3A_1572 : i32
      %lt3A_1574 = arith.constant 0 : i32
      %lt3A_1575 = arith.cmpi slt, %select_n3A_1568, %lt3A_1574 : i32
      %ne3A_1576 = arith.xori %lt3A_1573, %lt3A_1575 : i1
      %and3A_1577 = arith.andi %ne3A_1576, %ne3A_1571 : i1
      %add3A_1578 = arith.addi %rem3A_1569, %select_n3A_1568 : i32
      %select_n3A_1579 = arith.select %and3A_1577, %add3A_1578, %rem3A_1569 : i32
      %mul3A_1580 = arith.constant 200 : i32
      %mul3A_1581 = arith.muli %select_n3A_1579, %mul3A_1580 : i32
      %dma_wait3A_1582 = arith.constant 0 : i32
      %dma_wait3A_1583 = arith.constant 0 : i32
      %dma_wait3A_1584 = arith.constant 0 : i32
      %dma_wait3A_1585 = tpu.memref_slice %arg6[%dma_wait3A_1582, %dma_wait3A_1583, %dma_wait3A_1584] : memref<2x200x256xf32, #tpu.memory_space<vmem>> -> memref<1x200x256xf32, #tpu.memory_space<vmem>>
      %dma_wait3A_1586 = tpu.memref_squeeze %dma_wait3A_1585 : memref<1x200x256xf32, #tpu.memory_space<vmem>> -> memref<200x256xf32, #tpu.memory_space<vmem>>
      %dma_wait3A_1587 = tpu.memref_slice %arg4[%add3A_1563, %mul3A_1581, %mul3A_11] : memref<50x1000x4096xf32, #tpu.memory_space<hbm>> -> memref<1x200x256xf32, #tpu.memory_space<hbm>>
      %dma_wait3A_1588 = tpu.memref_squeeze %dma_wait3A_1587 : memref<1x200x256xf32, #tpu.memory_space<hbm>> -> memref<200x256xf32, #tpu.memory_space<hbm>>
      %dma_wait3A_1589 = tpu.memref_slice %arg4[%add3A_1563, %mul3A_1581, %mul3A_11] : memref<50x1000x4096xf32, #tpu.memory_space<hbm>> -> memref<1x200x256xf32, #tpu.memory_space<hbm>>
      %dma_wait3A_1590 = tpu.memref_squeeze %dma_wait3A_1589 : memref<1x200x256xf32, #tpu.memory_space<hbm>> -> memref<200x256xf32, #tpu.memory_space<hbm>>
      %dma_wait3A_1591 = arith.constant 0 : i32
      %dma_wait3A_1592 = arith.constant 0 : i32
      %dma_wait3A_1593 = tpu.memref_slice %arg6[%dma_wait3A_1582, %dma_wait3A_1591, %dma_wait3A_1592] : memref<2x200x256xf32, #tpu.memory_space<vmem>> -> memref<1x200x256xf32, #tpu.memory_space<vmem>>
      %dma_wait3A_1594 = tpu.memref_squeeze %dma_wait3A_1593 : memref<1x200x256xf32, #tpu.memory_space<vmem>> -> memref<200x256xf32, #tpu.memory_space<vmem>>
      tpu.wait_dma2 semaphore(%arg7 : memref<!tpu.dma_semaphore, #tpu.memory_space<semaphore_mem>>) src(%dma_wait3A_1594 : memref<200x256xf32, #tpu.memory_space<vmem>>) dst(%dma_wait3A_1590 : memref<200x256xf32, #tpu.memory_space<hbm>>)
      %sub3A_1595 = arith.constant 2 : i32
      %sub3A_1596 = arith.subi %add3A_1538, %sub3A_1595 : i32
      %jit3A_1597 = arith.constant 5 : i32
      %div3A_1598 = arith.divsi %sub3A_1596, %jit3A_1597 : i32
      %sign3A_1599 = arith.constant 0 : i32
      %sign3A_1600 = arith.cmpi sgt, %sub3A_1596, %sign3A_1599 : i32
      %sign3A_1601 = arith.extui %sign3A_1600 : i1 to i32
      %sign3A_1602 = arith.constant 0 : i32
      %sign3A_1603 = arith.cmpi slt, %sub3A_1596, %sign3A_1602 : i32
      %sign3A_1604 = arith.extui %sign3A_1603 : i1 to i32
      %sign3A_1605 = arith.subi %sign3A_1601, %sign3A_1604 : i32
      %sign3A_1606 = arith.constant 0 : i32
      %sign3A_1607 = arith.cmpi sgt, %jit3A_1597, %sign3A_1606 : i32
      %sign3A_1608 = arith.extui %sign3A_1607 : i1 to i32
      %sign3A_1609 = arith.constant 0 : i32
      %sign3A_1610 = arith.cmpi slt, %jit3A_1597, %sign3A_1609 : i32
      %sign3A_1611 = arith.extui %sign3A_1610 : i1 to i32
      %sign3A_1612 = arith.subi %sign3A_1608, %sign3A_1611 : i32
      %ne3A_1613 = arith.cmpi ne, %sign3A_1605, %sign3A_1612 : i32
      %rem3A_1614 = arith.remsi %sub3A_1596, %jit3A_1597 : i32
      %ne3A_1615 = arith.constant 0 : i32
      %ne3A_1616 = arith.cmpi ne, %rem3A_1614, %ne3A_1615 : i32
      %and3A_1617 = arith.andi %ne3A_1613, %ne3A_1616 : i1
      %sub3A_1618 = arith.constant 1 : i32
      %sub3A_1619 = arith.subi %div3A_1598, %sub3A_1618 : i32
      %select_n3A_1620 = arith.select %and3A_1617, %sub3A_1619, %div3A_1598 : i32
      %jit3A_1621 = arith.constant 5 : i32
      %eq3A_1622 = arith.constant 0 : i32
      %eq3A_1623 = arith.cmpi eq, %jit3A_1621, %eq3A_1622 : i32
      %jit3A_1624 = arith.constant 1 : i32
      %select_n3A_1625 = arith.select %eq3A_1623, %jit3A_1624, %jit3A_1621 : i32
      %rem3A_1626 = arith.remsi %sub3A_1596, %select_n3A_1625 : i32
      %ne3A_1627 = arith.constant 0 : i32
      %ne3A_1628 = arith.cmpi ne, %rem3A_1626, %ne3A_1627 : i32
      %lt3A_1629 = arith.constant 0 : i32
      %lt3A_1630 = arith.cmpi slt, %rem3A_1626, %lt3A_1629 : i32
      %lt3A_1631 = arith.constant 0 : i32
      %lt3A_1632 = arith.cmpi slt, %select_n3A_1625, %lt3A_1631 : i32
      %ne3A_1633 = arith.xori %lt3A_1630, %lt3A_1632 : i1
      %and3A_1634 = arith.andi %ne3A_1633, %ne3A_1628 : i1
      %add3A_1635 = arith.addi %rem3A_1626, %select_n3A_1625 : i32
      %select_n3A_1636 = arith.select %and3A_1634, %add3A_1635, %rem3A_1626 : i32
      %mul3A_1637 = arith.constant 200 : i32
      %mul3A_1638 = arith.muli %select_n3A_1636, %mul3A_1637 : i32
      %broadcast_in_dim3A_1639 = arith.constant 0 : i32
      %broadcast_in_dim3A_1640 = vector.broadcast %broadcast_in_dim3A_1639 : i32 to vector<16xi32>
      %add3A_1641 = arith.constant 0 : i32
      %add3A_1642 = vector.broadcast %add3A_1641 : i32 to vector<16xi32>
      %add3A_1643 = arith.addi %add3A_1642, %iota3A : vector<16xi32>
      %mul3A_1644 = arith.constant 256 : i32
      %mul3A_1645 = arith.muli %select_n3A_1620, %mul3A_1644 : i32
      %add3A_1646 = arith.constant 0 : i32
      %add3A_1647 = arith.addi %mul3A_1645, %add3A_1646 : i32
      %get3A_1648 = arith.index_cast %add3A_1647 : i32 to index
      %get3A_1649 = tpu.vector_load %arg5[%get3A_1648] {strides = array<i32>} : memref<6400xi32, #tpu.memory_space<vmem>>, vector<16xi32>,
      %sub3A_1650 = vector.broadcast %mul3A_1638 : i32 to vector<16xi32>
      %sub3A_1651 = arith.subi %get3A_1649, %sub3A_1650 : vector<16xi32>
      %ge3A_1652 = arith.constant 0 : i32
      %ge3A_1653 = vector.broadcast %ge3A_1652 : i32 to vector<16xi32>
      %ge3A_1654 = arith.cmpi sge, %sub3A_1651, %ge3A_1653 : vector<16xi32>
      %lt3A_1655 = arith.constant 200 : i32
      %lt3A_1656 = vector.broadcast %lt3A_1655 : i32 to vector<16xi32>
      %lt3A_1657 = arith.cmpi slt, %sub3A_1651, %lt3A_1656 : vector<16xi32>
      %and3A_1658 = arith.andi %ge3A_1654, %lt3A_1657 : vector<16xi1>
      tpu.vector_store_idx %arg6[%broadcast_in_dim3A_1640, %sub3A_1651, %add3A_1643], %broadcast_in_dim3A_458 masked %and3A_1658 : memref<2x200x256xf32, #tpu.memory_space<vmem>>[vector<16xi32>, vector<16xi32>, vector<16xi32>], vector<16xf32>, vector<16xi1>
      %add3A_1659 = arith.constant 16 : i32
      %add3A_1660 = vector.broadcast %add3A_1659 : i32 to vector<16xi32>
      %add3A_1661 = arith.addi %add3A_1660, %iota3A : vector<16xi32>
      %mul3A_1662 = arith.constant 256 : i32
      %mul3A_1663 = arith.muli %select_n3A_1620, %mul3A_1662 : i32
      %add3A_1664 = arith.constant 16 : i32
      %add3A_1665 = arith.addi %mul3A_1663, %add3A_1664 : i32
      %get3A_1666 = arith.index_cast %add3A_1665 : i32 to index
      %get3A_1667 = tpu.vector_load %arg5[%get3A_1666] {strides = array<i32>} : memref<6400xi32, #tpu.memory_space<vmem>>, vector<16xi32>,
      %sub3A_1668 = vector.broadcast %mul3A_1638 : i32 to vector<16xi32>
      %sub3A_1669 = arith.subi %get3A_1667, %sub3A_1668 : vector<16xi32>
      %ge3A_1670 = arith.constant 0 : i32
      %ge3A_1671 = vector.broadcast %ge3A_1670 : i32 to vector<16xi32>
      %ge3A_1672 = arith.cmpi sge, %sub3A_1669, %ge3A_1671 : vector<16xi32>
      %lt3A_1673 = arith.constant 200 : i32
      %lt3A_1674 = vector.broadcast %lt3A_1673 : i32 to vector<16xi32>
      %lt3A_1675 = arith.cmpi slt, %sub3A_1669, %lt3A_1674 : vector<16xi32>
      %and3A_1676 = arith.andi %ge3A_1672, %lt3A_1675 : vector<16xi1>
      tpu.vector_store_idx %arg6[%broadcast_in_dim3A_1640, %sub3A_1669, %add3A_1661], %broadcast_in_dim3A_458 masked %and3A_1676 : memref<2x200x256xf32, #tpu.memory_space<vmem>>[vector<16xi32>, vector<16xi32>, vector<16xi32>], vector<16xf32>, vector<16xi1>
      %add3A_1677 = arith.constant 32 : i32
      %add3A_1678 = vector.broadcast %add3A_1677 : i32 to vector<16xi32>
      %add3A_1679 = arith.addi %add3A_1678, %iota3A : vector<16xi32>
      %mul3A_1680 = arith.constant 256 : i32
      %mul3A_1681 = arith.muli %select_n3A_1620, %mul3A_1680 : i32
      %add3A_1682 = arith.constant 32 : i32
      %add3A_1683 = arith.addi %mul3A_1681, %add3A_1682 : i32
      %get3A_1684 = arith.index_cast %add3A_1683 : i32 to index
      %get3A_1685 = tpu.vector_load %arg5[%get3A_1684] {strides = array<i32>} : memref<6400xi32, #tpu.memory_space<vmem>>, vector<16xi32>,
      %sub3A_1686 = vector.broadcast %mul3A_1638 : i32 to vector<16xi32>
      %sub3A_1687 = arith.subi %get3A_1685, %sub3A_1686 : vector<16xi32>
      %ge3A_1688 = arith.constant 0 : i32
      %ge3A_1689 = vector.broadcast %ge3A_1688 : i32 to vector<16xi32>
      %ge3A_1690 = arith.cmpi sge, %sub3A_1687, %ge3A_1689 : vector<16xi32>
      %lt3A_1691 = arith.constant 200 : i32
      %lt3A_1692 = vector.broadcast %lt3A_1691 : i32 to vector<16xi32>
      %lt3A_1693 = arith.cmpi slt, %sub3A_1687, %lt3A_1692 : vector<16xi32>
      %and3A_1694 = arith.andi %ge3A_1690, %lt3A_1693 : vector<16xi1>
      tpu.vector_store_idx %arg6[%broadcast_in_dim3A_1640, %sub3A_1687, %add3A_1679], %broadcast_in_dim3A_458 masked %and3A_1694 : memref<2x200x256xf32, #tpu.memory_space<vmem>>[vector<16xi32>, vector<16xi32>, vector<16xi32>], vector<16xf32>, vector<16xi1>
      %add3A_1695 = arith.constant 48 : i32
      %add3A_1696 = vector.broadcast %add3A_1695 : i32 to vector<16xi32>
      %add3A_1697 = arith.addi %add3A_1696, %iota3A : vector<16xi32>
      %mul3A_1698 = arith.constant 256 : i32
      %mul3A_1699 = arith.muli %select_n3A_1620, %mul3A_1698 : i32
      %add3A_1700 = arith.constant 48 : i32
      %add3A_1701 = arith.addi %mul3A_1699, %add3A_1700 : i32
      %get3A_1702 = arith.index_cast %add3A_1701 : i32 to index
      %get3A_1703 = tpu.vector_load %arg5[%get3A_1702] {strides = array<i32>} : memref<6400xi32, #tpu.memory_space<vmem>>, vector<16xi32>,
      %sub3A_1704 = vector.broadcast %mul3A_1638 : i32 to vector<16xi32>
      %sub3A_1705 = arith.subi %get3A_1703, %sub3A_1704 : vector<16xi32>
      %ge3A_1706 = arith.constant 0 : i32
      %ge3A_1707 = vector.broadcast %ge3A_1706 : i32 to vector<16xi32>
      %ge3A_1708 = arith.cmpi sge, %sub3A_1705, %ge3A_1707 : vector<16xi32>
      %lt3A_1709 = arith.constant 200 : i32
      %lt3A_1710 = vector.broadcast %lt3A_1709 : i32 to vector<16xi32>
      %lt3A_1711 = arith.cmpi slt, %sub3A_1705, %lt3A_1710 : vector<16xi32>
      %and3A_1712 = arith.andi %ge3A_1708, %lt3A_1711 : vector<16xi1>
      tpu.vector_store_idx %arg6[%broadcast_in_dim3A_1640, %sub3A_1705, %add3A_1697], %broadcast_in_dim3A_458 masked %and3A_1712 : memref<2x200x256xf32, #tpu.memory_space<vmem>>[vector<16xi32>, vector<16xi32>, vector<16xi32>], vector<16xf32>, vector<16xi1>
      %add3A_1713 = arith.constant 64 : i32
      %add3A_1714 = vector.broadcast %add3A_1713 : i32 to vector<16xi32>
      %add3A_1715 = arith.addi %add3A_1714, %iota3A : vector<16xi32>
      %mul3A_1716 = arith.constant 256 : i32
      %mul3A_1717 = arith.muli %select_n3A_1620, %mul3A_1716 : i32
      %add3A_1718 = arith.constant 64 : i32
      %add3A_1719 = arith.addi %mul3A_1717, %add3A_1718 : i32
      %get3A_1720 = arith.index_cast %add3A_1719 : i32 to index
      %get3A_1721 = tpu.vector_load %arg5[%get3A_1720] {strides = array<i32>} : memref<6400xi32, #tpu.memory_space<vmem>>, vector<16xi32>,
      %sub3A_1722 = vector.broadcast %mul3A_1638 : i32 to vector<16xi32>
      %sub3A_1723 = arith.subi %get3A_1721, %sub3A_1722 : vector<16xi32>
      %ge3A_1724 = arith.constant 0 : i32
      %ge3A_1725 = vector.broadcast %ge3A_1724 : i32 to vector<16xi32>
      %ge3A_1726 = arith.cmpi sge, %sub3A_1723, %ge3A_1725 : vector<16xi32>
      %lt3A_1727 = arith.constant 200 : i32
      %lt3A_1728 = vector.broadcast %lt3A_1727 : i32 to vector<16xi32>
      %lt3A_1729 = arith.cmpi slt, %sub3A_1723, %lt3A_1728 : vector<16xi32>
      %and3A_1730 = arith.andi %ge3A_1726, %lt3A_1729 : vector<16xi1>
      tpu.vector_store_idx %arg6[%broadcast_in_dim3A_1640, %sub3A_1723, %add3A_1715], %broadcast_in_dim3A_458 masked %and3A_1730 : memref<2x200x256xf32, #tpu.memory_space<vmem>>[vector<16xi32>, vector<16xi32>, vector<16xi32>], vector<16xf32>, vector<16xi1>
      %add3A_1731 = arith.constant 80 : i32
      %add3A_1732 = vector.broadcast %add3A_1731 : i32 to vector<16xi32>
      %add3A_1733 = arith.addi %add3A_1732, %iota3A : vector<16xi32>
      %mul3A_1734 = arith.constant 256 : i32
      %mul3A_1735 = arith.muli %select_n3A_1620, %mul3A_1734 : i32
      %add3A_1736 = arith.constant 80 : i32
      %add3A_1737 = arith.addi %mul3A_1735, %add3A_1736 : i32
      %get3A_1738 = arith.index_cast %add3A_1737 : i32 to index
      %get3A_1739 = tpu.vector_load %arg5[%get3A_1738] {strides = array<i32>} : memref<6400xi32, #tpu.memory_space<vmem>>, vector<16xi32>,
      %sub3A_1740 = vector.broadcast %mul3A_1638 : i32 to vector<16xi32>
      %sub3A_1741 = arith.subi %get3A_1739, %sub3A_1740 : vector<16xi32>
      %ge3A_1742 = arith.constant 0 : i32
      %ge3A_1743 = vector.broadcast %ge3A_1742 : i32 to vector<16xi32>
      %ge3A_1744 = arith.cmpi sge, %sub3A_1741, %ge3A_1743 : vector<16xi32>
      %lt3A_1745 = arith.constant 200 : i32
      %lt3A_1746 = vector.broadcast %lt3A_1745 : i32 to vector<16xi32>
      %lt3A_1747 = arith.cmpi slt, %sub3A_1741, %lt3A_1746 : vector<16xi32>
      %and3A_1748 = arith.andi %ge3A_1744, %lt3A_1747 : vector<16xi1>
      tpu.vector_store_idx %arg6[%broadcast_in_dim3A_1640, %sub3A_1741, %add3A_1733], %broadcast_in_dim3A_458 masked %and3A_1748 : memref<2x200x256xf32, #tpu.memory_space<vmem>>[vector<16xi32>, vector<16xi32>, vector<16xi32>], vector<16xf32>, vector<16xi1>
      %add3A_1749 = arith.constant 96 : i32
      %add3A_1750 = vector.broadcast %add3A_1749 : i32 to vector<16xi32>
      %add3A_1751 = arith.addi %add3A_1750, %iota3A : vector<16xi32>
      %mul3A_1752 = arith.constant 256 : i32
      %mul3A_1753 = arith.muli %select_n3A_1620, %mul3A_1752 : i32
      %add3A_1754 = arith.constant 96 : i32
      %add3A_1755 = arith.addi %mul3A_1753, %add3A_1754 : i32
      %get3A_1756 = arith.index_cast %add3A_1755 : i32 to index
      %get3A_1757 = tpu.vector_load %arg5[%get3A_1756] {strides = array<i32>} : memref<6400xi32, #tpu.memory_space<vmem>>, vector<16xi32>,
      %sub3A_1758 = vector.broadcast %mul3A_1638 : i32 to vector<16xi32>
      %sub3A_1759 = arith.subi %get3A_1757, %sub3A_1758 : vector<16xi32>
      %ge3A_1760 = arith.constant 0 : i32
      %ge3A_1761 = vector.broadcast %ge3A_1760 : i32 to vector<16xi32>
      %ge3A_1762 = arith.cmpi sge, %sub3A_1759, %ge3A_1761 : vector<16xi32>
      %lt3A_1763 = arith.constant 200 : i32
      %lt3A_1764 = vector.broadcast %lt3A_1763 : i32 to vector<16xi32>
      %lt3A_1765 = arith.cmpi slt, %sub3A_1759, %lt3A_1764 : vector<16xi32>
      %and3A_1766 = arith.andi %ge3A_1762, %lt3A_1765 : vector<16xi1>
      tpu.vector_store_idx %arg6[%broadcast_in_dim3A_1640, %sub3A_1759, %add3A_1751], %broadcast_in_dim3A_458 masked %and3A_1766 : memref<2x200x256xf32, #tpu.memory_space<vmem>>[vector<16xi32>, vector<16xi32>, vector<16xi32>], vector<16xf32>, vector<16xi1>
      %add3A_1767 = arith.constant 112 : i32
      %add3A_1768 = vector.broadcast %add3A_1767 : i32 to vector<16xi32>
      %add3A_1769 = arith.addi %add3A_1768, %iota3A : vector<16xi32>
      %mul3A_1770 = arith.constant 256 : i32
      %mul3A_1771 = arith.muli %select_n3A_1620, %mul3A_1770 : i32
      %add3A_1772 = arith.constant 112 : i32
      %add3A_1773 = arith.addi %mul3A_1771, %add3A_1772 : i32
      %get3A_1774 = arith.index_cast %add3A_1773 : i32 to index
      %get3A_1775 = tpu.vector_load %arg5[%get3A_1774] {strides = array<i32>} : memref<6400xi32, #tpu.memory_space<vmem>>, vector<16xi32>,
      %sub3A_1776 = vector.broadcast %mul3A_1638 : i32 to vector<16xi32>
      %sub3A_1777 = arith.subi %get3A_1775, %sub3A_1776 : vector<16xi32>
      %ge3A_1778 = arith.constant 0 : i32
      %ge3A_1779 = vector.broadcast %ge3A_1778 : i32 to vector<16xi32>
      %ge3A_1780 = arith.cmpi sge, %sub3A_1777, %ge3A_1779 : vector<16xi32>
      %lt3A_1781 = arith.constant 200 : i32
      %lt3A_1782 = vector.broadcast %lt3A_1781 : i32 to vector<16xi32>
      %lt3A_1783 = arith.cmpi slt, %sub3A_1777, %lt3A_1782 : vector<16xi32>
      %and3A_1784 = arith.andi %ge3A_1780, %lt3A_1783 : vector<16xi1>
      tpu.vector_store_idx %arg6[%broadcast_in_dim3A_1640, %sub3A_1777, %add3A_1769], %broadcast_in_dim3A_458 masked %and3A_1784 : memref<2x200x256xf32, #tpu.memory_space<vmem>>[vector<16xi32>, vector<16xi32>, vector<16xi32>], vector<16xf32>, vector<16xi1>
      %add3A_1785 = arith.constant 128 : i32
      %add3A_1786 = vector.broadcast %add3A_1785 : i32 to vector<16xi32>
      %add3A_1787 = arith.addi %add3A_1786, %iota3A : vector<16xi32>
      %mul3A_1788 = arith.constant 256 : i32
      %mul3A_1789 = arith.muli %select_n3A_1620, %mul3A_1788 : i32
      %add3A_1790 = arith.constant 128 : i32
      %add3A_1791 = arith.addi %mul3A_1789, %add3A_1790 : i32
      %get3A_1792 = arith.index_cast %add3A_1791 : i32 to index
      %get3A_1793 = tpu.vector_load %arg5[%get3A_1792] {strides = array<i32>} : memref<6400xi32, #tpu.memory_space<vmem>>, vector<16xi32>,
      %sub3A_1794 = vector.broadcast %mul3A_1638 : i32 to vector<16xi32>
      %sub3A_1795 = arith.subi %get3A_1793, %sub3A_1794 : vector<16xi32>
      %ge3A_1796 = arith.constant 0 : i32
      %ge3A_1797 = vector.broadcast %ge3A_1796 : i32 to vector<16xi32>
      %ge3A_1798 = arith.cmpi sge, %sub3A_1795, %ge3A_1797 : vector<16xi32>
      %lt3A_1799 = arith.constant 200 : i32
      %lt3A_1800 = vector.broadcast %lt3A_1799 : i32 to vector<16xi32>
      %lt3A_1801 = arith.cmpi slt, %sub3A_1795, %lt3A_1800 : vector<16xi32>
      %and3A_1802 = arith.andi %ge3A_1798, %lt3A_1801 : vector<16xi1>
      tpu.vector_store_idx %arg6[%broadcast_in_dim3A_1640, %sub3A_1795, %add3A_1787], %broadcast_in_dim3A_458 masked %and3A_1802 : memref<2x200x256xf32, #tpu.memory_space<vmem>>[vector<16xi32>, vector<16xi32>, vector<16xi32>], vector<16xf32>, vector<16xi1>
      %add3A_1803 = arith.constant 144 : i32
      %add3A_1804 = vector.broadcast %add3A_1803 : i32 to vector<16xi32>
      %add3A_1805 = arith.addi %add3A_1804, %iota3A : vector<16xi32>
      %mul3A_1806 = arith.constant 256 : i32
      %mul3A_1807 = arith.muli %select_n3A_1620, %mul3A_1806 : i32
      %add3A_1808 = arith.constant 144 : i32
      %add3A_1809 = arith.addi %mul3A_1807, %add3A_1808 : i32
      %get3A_1810 = arith.index_cast %add3A_1809 : i32 to index
      %get3A_1811 = tpu.vector_load %arg5[%get3A_1810] {strides = array<i32>} : memref<6400xi32, #tpu.memory_space<vmem>>, vector<16xi32>,
      %sub3A_1812 = vector.broadcast %mul3A_1638 : i32 to vector<16xi32>
      %sub3A_1813 = arith.subi %get3A_1811, %sub3A_1812 : vector<16xi32>
      %ge3A_1814 = arith.constant 0 : i32
      %ge3A_1815 = vector.broadcast %ge3A_1814 : i32 to vector<16xi32>
      %ge3A_1816 = arith.cmpi sge, %sub3A_1813, %ge3A_1815 : vector<16xi32>
      %lt3A_1817 = arith.constant 200 : i32
      %lt3A_1818 = vector.broadcast %lt3A_1817 : i32 to vector<16xi32>
      %lt3A_1819 = arith.cmpi slt, %sub3A_1813, %lt3A_1818 : vector<16xi32>
      %and3A_1820 = arith.andi %ge3A_1816, %lt3A_1819 : vector<16xi1>
      tpu.vector_store_idx %arg6[%broadcast_in_dim3A_1640, %sub3A_1813, %add3A_1805], %broadcast_in_dim3A_458 masked %and3A_1820 : memref<2x200x256xf32, #tpu.memory_space<vmem>>[vector<16xi32>, vector<16xi32>, vector<16xi32>], vector<16xf32>, vector<16xi1>
      %add3A_1821 = arith.constant 160 : i32
      %add3A_1822 = vector.broadcast %add3A_1821 : i32 to vector<16xi32>
      %add3A_1823 = arith.addi %add3A_1822, %iota3A : vector<16xi32>
      %mul3A_1824 = arith.constant 256 : i32
      %mul3A_1825 = arith.muli %select_n3A_1620, %mul3A_1824 : i32
      %add3A_1826 = arith.constant 160 : i32
      %add3A_1827 = arith.addi %mul3A_1825, %add3A_1826 : i32
      %get3A_1828 = arith.index_cast %add3A_1827 : i32 to index
      %get3A_1829 = tpu.vector_load %arg5[%get3A_1828] {strides = array<i32>} : memref<6400xi32, #tpu.memory_space<vmem>>, vector<16xi32>,
      %sub3A_1830 = vector.broadcast %mul3A_1638 : i32 to vector<16xi32>
      %sub3A_1831 = arith.subi %get3A_1829, %sub3A_1830 : vector<16xi32>
      %ge3A_1832 = arith.constant 0 : i32
      %ge3A_1833 = vector.broadcast %ge3A_1832 : i32 to vector<16xi32>
      %ge3A_1834 = arith.cmpi sge, %sub3A_1831, %ge3A_1833 : vector<16xi32>
      %lt3A_1835 = arith.constant 200 : i32
      %lt3A_1836 = vector.broadcast %lt3A_1835 : i32 to vector<16xi32>
      %lt3A_1837 = arith.cmpi slt, %sub3A_1831, %lt3A_1836 : vector<16xi32>
      %and3A_1838 = arith.andi %ge3A_1834, %lt3A_1837 : vector<16xi1>
      tpu.vector_store_idx %arg6[%broadcast_in_dim3A_1640, %sub3A_1831, %add3A_1823], %broadcast_in_dim3A_458 masked %and3A_1838 : memref<2x200x256xf32, #tpu.memory_space<vmem>>[vector<16xi32>, vector<16xi32>, vector<16xi32>], vector<16xf32>, vector<16xi1>
      %add3A_1839 = arith.constant 176 : i32
      %add3A_1840 = vector.broadcast %add3A_1839 : i32 to vector<16xi32>
      %add3A_1841 = arith.addi %add3A_1840, %iota3A : vector<16xi32>
      %mul3A_1842 = arith.constant 256 : i32
      %mul3A_1843 = arith.muli %select_n3A_1620, %mul3A_1842 : i32
      %add3A_1844 = arith.constant 176 : i32
      %add3A_1845 = arith.addi %mul3A_1843, %add3A_1844 : i32
      %get3A_1846 = arith.index_cast %add3A_1845 : i32 to index
      %get3A_1847 = tpu.vector_load %arg5[%get3A_1846] {strides = array<i32>} : memref<6400xi32, #tpu.memory_space<vmem>>, vector<16xi32>,
      %sub3A_1848 = vector.broadcast %mul3A_1638 : i32 to vector<16xi32>
      %sub3A_1849 = arith.subi %get3A_1847, %sub3A_1848 : vector<16xi32>
      %ge3A_1850 = arith.constant 0 : i32
      %ge3A_1851 = vector.broadcast %ge3A_1850 : i32 to vector<16xi32>
      %ge3A_1852 = arith.cmpi sge, %sub3A_1849, %ge3A_1851 : vector<16xi32>
      %lt3A_1853 = arith.constant 200 : i32
      %lt3A_1854 = vector.broadcast %lt3A_1853 : i32 to vector<16xi32>
      %lt3A_1855 = arith.cmpi slt, %sub3A_1849, %lt3A_1854 : vector<16xi32>
      %and3A_1856 = arith.andi %ge3A_1852, %lt3A_1855 : vector<16xi1>
      tpu.vector_store_idx %arg6[%broadcast_in_dim3A_1640, %sub3A_1849, %add3A_1841], %broadcast_in_dim3A_458 masked %and3A_1856 : memref<2x200x256xf32, #tpu.memory_space<vmem>>[vector<16xi32>, vector<16xi32>, vector<16xi32>], vector<16xf32>, vector<16xi1>
      %add3A_1857 = arith.constant 192 : i32
      %add3A_1858 = vector.broadcast %add3A_1857 : i32 to vector<16xi32>
      %add3A_1859 = arith.addi %add3A_1858, %iota3A : vector<16xi32>
      %mul3A_1860 = arith.constant 256 : i32
      %mul3A_1861 = arith.muli %select_n3A_1620, %mul3A_1860 : i32
      %add3A_1862 = arith.constant 192 : i32
      %add3A_1863 = arith.addi %mul3A_1861, %add3A_1862 : i32
      %get3A_1864 = arith.index_cast %add3A_1863 : i32 to index
      %get3A_1865 = tpu.vector_load %arg5[%get3A_1864] {strides = array<i32>} : memref<6400xi32, #tpu.memory_space<vmem>>, vector<16xi32>,
      %sub3A_1866 = vector.broadcast %mul3A_1638 : i32 to vector<16xi32>
      %sub3A_1867 = arith.subi %get3A_1865, %sub3A_1866 : vector<16xi32>
      %ge3A_1868 = arith.constant 0 : i32
      %ge3A_1869 = vector.broadcast %ge3A_1868 : i32 to vector<16xi32>
      %ge3A_1870 = arith.cmpi sge, %sub3A_1867, %ge3A_1869 : vector<16xi32>
      %lt3A_1871 = arith.constant 200 : i32
      %lt3A_1872 = vector.broadcast %lt3A_1871 : i32 to vector<16xi32>
      %lt3A_1873 = arith.cmpi slt, %sub3A_1867, %lt3A_1872 : vector<16xi32>
      %and3A_1874 = arith.andi %ge3A_1870, %lt3A_1873 : vector<16xi1>
      tpu.vector_store_idx %arg6[%broadcast_in_dim3A_1640, %sub3A_1867, %add3A_1859], %broadcast_in_dim3A_458 masked %and3A_1874 : memref<2x200x256xf32, #tpu.memory_space<vmem>>[vector<16xi32>, vector<16xi32>, vector<16xi32>], vector<16xf32>, vector<16xi1>
      %add3A_1875 = arith.constant 208 : i32
      %add3A_1876 = vector.broadcast %add3A_1875 : i32 to vector<16xi32>
      %add3A_1877 = arith.addi %add3A_1876, %iota3A : vector<16xi32>
      %mul3A_1878 = arith.constant 256 : i32
      %mul3A_1879 = arith.muli %select_n3A_1620, %mul3A_1878 : i32
      %add3A_1880 = arith.constant 208 : i32
      %add3A_1881 = arith.addi %mul3A_1879, %add3A_1880 : i32
      %get3A_1882 = arith.index_cast %add3A_1881 : i32 to index
      %get3A_1883 = tpu.vector_load %arg5[%get3A_1882] {strides = array<i32>} : memref<6400xi32, #tpu.memory_space<vmem>>, vector<16xi32>,
      %sub3A_1884 = vector.broadcast %mul3A_1638 : i32 to vector<16xi32>
      %sub3A_1885 = arith.subi %get3A_1883, %sub3A_1884 : vector<16xi32>
      %ge3A_1886 = arith.constant 0 : i32
      %ge3A_1887 = vector.broadcast %ge3A_1886 : i32 to vector<16xi32>
      %ge3A_1888 = arith.cmpi sge, %sub3A_1885, %ge3A_1887 : vector<16xi32>
      %lt3A_1889 = arith.constant 200 : i32
      %lt3A_1890 = vector.broadcast %lt3A_1889 : i32 to vector<16xi32>
      %lt3A_1891 = arith.cmpi slt, %sub3A_1885, %lt3A_1890 : vector<16xi32>
      %and3A_1892 = arith.andi %ge3A_1888, %lt3A_1891 : vector<16xi1>
      tpu.vector_store_idx %arg6[%broadcast_in_dim3A_1640, %sub3A_1885, %add3A_1877], %broadcast_in_dim3A_458 masked %and3A_1892 : memref<2x200x256xf32, #tpu.memory_space<vmem>>[vector<16xi32>, vector<16xi32>, vector<16xi32>], vector<16xf32>, vector<16xi1>
      %add3A_1893 = arith.constant 224 : i32
      %add3A_1894 = vector.broadcast %add3A_1893 : i32 to vector<16xi32>
      %add3A_1895 = arith.addi %add3A_1894, %iota3A : vector<16xi32>
      %mul3A_1896 = arith.constant 256 : i32
      %mul3A_1897 = arith.muli %select_n3A_1620, %mul3A_1896 : i32
      %add3A_1898 = arith.constant 224 : i32
      %add3A_1899 = arith.addi %mul3A_1897, %add3A_1898 : i32
      %get3A_1900 = arith.index_cast %add3A_1899 : i32 to index
      %get3A_1901 = tpu.vector_load %arg5[%get3A_1900] {strides = array<i32>} : memref<6400xi32, #tpu.memory_space<vmem>>, vector<16xi32>,
      %sub3A_1902 = vector.broadcast %mul3A_1638 : i32 to vector<16xi32>
      %sub3A_1903 = arith.subi %get3A_1901, %sub3A_1902 : vector<16xi32>
      %ge3A_1904 = arith.constant 0 : i32
      %ge3A_1905 = vector.broadcast %ge3A_1904 : i32 to vector<16xi32>
      %ge3A_1906 = arith.cmpi sge, %sub3A_1903, %ge3A_1905 : vector<16xi32>
      %lt3A_1907 = arith.constant 200 : i32
      %lt3A_1908 = vector.broadcast %lt3A_1907 : i32 to vector<16xi32>
      %lt3A_1909 = arith.cmpi slt, %sub3A_1903, %lt3A_1908 : vector<16xi32>
      %and3A_1910 = arith.andi %ge3A_1906, %lt3A_1909 : vector<16xi1>
      tpu.vector_store_idx %arg6[%broadcast_in_dim3A_1640, %sub3A_1903, %add3A_1895], %broadcast_in_dim3A_458 masked %and3A_1910 : memref<2x200x256xf32, #tpu.memory_space<vmem>>[vector<16xi32>, vector<16xi32>, vector<16xi32>], vector<16xf32>, vector<16xi1>
      %add3A_1911 = arith.constant 240 : i32
      %add3A_1912 = vector.broadcast %add3A_1911 : i32 to vector<16xi32>
      %add3A_1913 = arith.addi %add3A_1912, %iota3A : vector<16xi32>
      %mul3A_1914 = arith.constant 256 : i32
      %mul3A_1915 = arith.muli %select_n3A_1620, %mul3A_1914 : i32
      %add3A_1916 = arith.constant 240 : i32
      %add3A_1917 = arith.addi %mul3A_1915, %add3A_1916 : i32
      %get3A_1918 = arith.index_cast %add3A_1917 : i32 to index
      %get3A_1919 = tpu.vector_load %arg5[%get3A_1918] {strides = array<i32>} : memref<6400xi32, #tpu.memory_space<vmem>>, vector<16xi32>,
      %sub3A_1920 = vector.broadcast %mul3A_1638 : i32 to vector<16xi32>
      %sub3A_1921 = arith.subi %get3A_1919, %sub3A_1920 : vector<16xi32>
      %ge3A_1922 = arith.constant 0 : i32
      %ge3A_1923 = vector.broadcast %ge3A_1922 : i32 to vector<16xi32>
      %ge3A_1924 = arith.cmpi sge, %sub3A_1921, %ge3A_1923 : vector<16xi32>
      %lt3A_1925 = arith.constant 200 : i32
      %lt3A_1926 = vector.broadcast %lt3A_1925 : i32 to vector<16xi32>
      %lt3A_1927 = arith.cmpi slt, %sub3A_1921, %lt3A_1926 : vector<16xi32>
      %and3A_1928 = arith.andi %ge3A_1924, %lt3A_1927 : vector<16xi1>
      tpu.vector_store_idx %arg6[%broadcast_in_dim3A_1640, %sub3A_1921, %add3A_1913], %broadcast_in_dim3A_458 masked %and3A_1928 : memref<2x200x256xf32, #tpu.memory_space<vmem>>[vector<16xi32>, vector<16xi32>, vector<16xi32>], vector<16xf32>, vector<16xi1>
      %jit3A_1929 = arith.constant 5 : i32
      %div3A_1930 = arith.divsi %add3A_1538, %jit3A_1929 : i32
      %sign3A_1931 = arith.constant 0 : i32
      %sign3A_1932 = arith.cmpi sgt, %add3A_1538, %sign3A_1931 : i32
      %sign3A_1933 = arith.extui %sign3A_1932 : i1 to i32
      %sign3A_1934 = arith.constant 0 : i32
      %sign3A_1935 = arith.cmpi slt, %add3A_1538, %sign3A_1934 : i32
      %sign3A_1936 = arith.extui %sign3A_1935 : i1 to i32
      %sign3A_1937 = arith.subi %sign3A_1933, %sign3A_1936 : i32
      %sign3A_1938 = arith.constant 0 : i32
      %sign3A_1939 = arith.cmpi sgt, %jit3A_1929, %sign3A_1938 : i32
      %sign3A_1940 = arith.extui %sign3A_1939 : i1 to i32
      %sign3A_1941 = arith.constant 0 : i32
      %sign3A_1942 = arith.cmpi slt, %jit3A_1929, %sign3A_1941 : i32
      %sign3A_1943 = arith.extui %sign3A_1942 : i1 to i32
      %sign3A_1944 = arith.subi %sign3A_1940, %sign3A_1943 : i32
      %ne3A_1945 = arith.cmpi ne, %sign3A_1937, %sign3A_1944 : i32
      %rem3A_1946 = arith.remsi %add3A_1538, %jit3A_1929 : i32
      %ne3A_1947 = arith.constant 0 : i32
      %ne3A_1948 = arith.cmpi ne, %rem3A_1946, %ne3A_1947 : i32
      %and3A_1949 = arith.andi %ne3A_1945, %ne3A_1948 : i1
      %sub3A_1950 = arith.constant 1 : i32
      %sub3A_1951 = arith.subi %div3A_1930, %sub3A_1950 : i32
      %select_n3A_1952 = arith.select %and3A_1949, %sub3A_1951, %div3A_1930 : i32
      %jit3A_1953 = arith.constant 5 : i32
      %eq3A_1954 = arith.constant 0 : i32
      %eq3A_1955 = arith.cmpi eq, %jit3A_1953, %eq3A_1954 : i32
      %jit3A_1956 = arith.constant 1 : i32
      %select_n3A_1957 = arith.select %eq3A_1955, %jit3A_1956, %jit3A_1953 : i32
      %rem3A_1958 = arith.remsi %add3A_1538, %select_n3A_1957 : i32
      %ne3A_1959 = arith.constant 0 : i32
      %ne3A_1960 = arith.cmpi ne, %rem3A_1958, %ne3A_1959 : i32
      %lt3A_1961 = arith.constant 0 : i32
      %lt3A_1962 = arith.cmpi slt, %rem3A_1958, %lt3A_1961 : i32
      %lt3A_1963 = arith.constant 0 : i32
      %lt3A_1964 = arith.cmpi slt, %select_n3A_1957, %lt3A_1963 : i32
      %ne3A_1965 = arith.xori %lt3A_1962, %lt3A_1964 : i1
      %and3A_1966 = arith.andi %ne3A_1965, %ne3A_1960 : i1
      %add3A_1967 = arith.addi %rem3A_1958, %select_n3A_1957 : i32
      %select_n3A_1968 = arith.select %and3A_1966, %add3A_1967, %rem3A_1958 : i32
      %mul3A_1969 = arith.constant 200 : i32
      %mul3A_1970 = arith.muli %select_n3A_1968, %mul3A_1969 : i32
      %broadcast_in_dim3A_1971 = arith.constant 0 : i32
      %broadcast_in_dim3A_1972 = vector.broadcast %broadcast_in_dim3A_1971 : i32 to vector<16xi32>
      %add3A_1973 = arith.constant 0 : i32
      %add3A_1974 = vector.broadcast %add3A_1973 : i32 to vector<16xi32>
      %add3A_1975 = arith.addi %add3A_1974, %iota3A : vector<16xi32>
      %mul3A_1976 = arith.constant 256 : i32
      %mul3A_1977 = arith.muli %select_n3A_1952, %mul3A_1976 : i32
      %add3A_1978 = arith.constant 0 : i32
      %add3A_1979 = arith.addi %mul3A_1977, %add3A_1978 : i32
      %get3A_1980 = arith.index_cast %add3A_1979 : i32 to index
      %get3A_1981 = tpu.vector_load %arg5[%get3A_1980] {strides = array<i32>} : memref<6400xi32, #tpu.memory_space<vmem>>, vector<16xi32>,
      %sub3A_1982 = vector.broadcast %mul3A_1970 : i32 to vector<16xi32>
      %sub3A_1983 = arith.subi %get3A_1981, %sub3A_1982 : vector<16xi32>
      %ge3A_1984 = arith.constant 0 : i32
      %ge3A_1985 = vector.broadcast %ge3A_1984 : i32 to vector<16xi32>
      %ge3A_1986 = arith.cmpi sge, %sub3A_1983, %ge3A_1985 : vector<16xi32>
      %lt3A_1987 = arith.constant 200 : i32
      %lt3A_1988 = vector.broadcast %lt3A_1987 : i32 to vector<16xi32>
      %lt3A_1989 = arith.cmpi slt, %sub3A_1983, %lt3A_1988 : vector<16xi32>
      %and3A_1990 = arith.andi %ge3A_1986, %lt3A_1989 : vector<16xi1>
      tpu.vector_store_idx %arg6[%broadcast_in_dim3A_1972, %sub3A_1983, %add3A_1975], %broadcast_in_dim3A_460 masked %and3A_1990 : memref<2x200x256xf32, #tpu.memory_space<vmem>>[vector<16xi32>, vector<16xi32>, vector<16xi32>], vector<16xf32>, vector<16xi1>
      %add3A_1991 = arith.constant 16 : i32
      %add3A_1992 = vector.broadcast %add3A_1991 : i32 to vector<16xi32>
      %add3A_1993 = arith.addi %add3A_1992, %iota3A : vector<16xi32>
      %mul3A_1994 = arith.constant 256 : i32
      %mul3A_1995 = arith.muli %select_n3A_1952, %mul3A_1994 : i32
      %add3A_1996 = arith.constant 16 : i32
      %add3A_1997 = arith.addi %mul3A_1995, %add3A_1996 : i32
      %get3A_1998 = arith.index_cast %add3A_1997 : i32 to index
      %get3A_1999 = tpu.vector_load %arg5[%get3A_1998] {strides = array<i32>} : memref<6400xi32, #tpu.memory_space<vmem>>, vector<16xi32>,
      %sub3A_2000 = vector.broadcast %mul3A_1970 : i32 to vector<16xi32>
      %sub3A_2001 = arith.subi %get3A_1999, %sub3A_2000 : vector<16xi32>
      %ge3A_2002 = arith.constant 0 : i32
      %ge3A_2003 = vector.broadcast %ge3A_2002 : i32 to vector<16xi32>
      %ge3A_2004 = arith.cmpi sge, %sub3A_2001, %ge3A_2003 : vector<16xi32>
      %lt3A_2005 = arith.constant 200 : i32
      %lt3A_2006 = vector.broadcast %lt3A_2005 : i32 to vector<16xi32>
      %lt3A_2007 = arith.cmpi slt, %sub3A_2001, %lt3A_2006 : vector<16xi32>
      %and3A_2008 = arith.andi %ge3A_2004, %lt3A_2007 : vector<16xi1>
      tpu.vector_store_idx %arg6[%broadcast_in_dim3A_1972, %sub3A_2001, %add3A_1993], %broadcast_in_dim3A_460 masked %and3A_2008 : memref<2x200x256xf32, #tpu.memory_space<vmem>>[vector<16xi32>, vector<16xi32>, vector<16xi32>], vector<16xf32>, vector<16xi1>
      %add3A_2009 = arith.constant 32 : i32
      %add3A_2010 = vector.broadcast %add3A_2009 : i32 to vector<16xi32>
      %add3A_2011 = arith.addi %add3A_2010, %iota3A : vector<16xi32>
      %mul3A_2012 = arith.constant 256 : i32
      %mul3A_2013 = arith.muli %select_n3A_1952, %mul3A_2012 : i32
      %add3A_2014 = arith.constant 32 : i32
      %add3A_2015 = arith.addi %mul3A_2013, %add3A_2014 : i32
      %get3A_2016 = arith.index_cast %add3A_2015 : i32 to index
      %get3A_2017 = tpu.vector_load %arg5[%get3A_2016] {strides = array<i32>} : memref<6400xi32, #tpu.memory_space<vmem>>, vector<16xi32>,
      %sub3A_2018 = vector.broadcast %mul3A_1970 : i32 to vector<16xi32>
      %sub3A_2019 = arith.subi %get3A_2017, %sub3A_2018 : vector<16xi32>
      %ge3A_2020 = arith.constant 0 : i32
      %ge3A_2021 = vector.broadcast %ge3A_2020 : i32 to vector<16xi32>
      %ge3A_2022 = arith.cmpi sge, %sub3A_2019, %ge3A_2021 : vector<16xi32>
      %lt3A_2023 = arith.constant 200 : i32
      %lt3A_2024 = vector.broadcast %lt3A_2023 : i32 to vector<16xi32>
      %lt3A_2025 = arith.cmpi slt, %sub3A_2019, %lt3A_2024 : vector<16xi32>
      %and3A_2026 = arith.andi %ge3A_2022, %lt3A_2025 : vector<16xi1>
      tpu.vector_store_idx %arg6[%broadcast_in_dim3A_1972, %sub3A_2019, %add3A_2011], %broadcast_in_dim3A_460 masked %and3A_2026 : memref<2x200x256xf32, #tpu.memory_space<vmem>>[vector<16xi32>, vector<16xi32>, vector<16xi32>], vector<16xf32>, vector<16xi1>
      %add3A_2027 = arith.constant 48 : i32
      %add3A_2028 = vector.broadcast %add3A_2027 : i32 to vector<16xi32>
      %add3A_2029 = arith.addi %add3A_2028, %iota3A : vector<16xi32>
      %mul3A_2030 = arith.constant 256 : i32
      %mul3A_2031 = arith.muli %select_n3A_1952, %mul3A_2030 : i32
      %add3A_2032 = arith.constant 48 : i32
      %add3A_2033 = arith.addi %mul3A_2031, %add3A_2032 : i32
      %get3A_2034 = arith.index_cast %add3A_2033 : i32 to index
      %get3A_2035 = tpu.vector_load %arg5[%get3A_2034] {strides = array<i32>} : memref<6400xi32, #tpu.memory_space<vmem>>, vector<16xi32>,
      %sub3A_2036 = vector.broadcast %mul3A_1970 : i32 to vector<16xi32>
      %sub3A_2037 = arith.subi %get3A_2035, %sub3A_2036 : vector<16xi32>
      %ge3A_2038 = arith.constant 0 : i32
      %ge3A_2039 = vector.broadcast %ge3A_2038 : i32 to vector<16xi32>
      %ge3A_2040 = arith.cmpi sge, %sub3A_2037, %ge3A_2039 : vector<16xi32>
      %lt3A_2041 = arith.constant 200 : i32
      %lt3A_2042 = vector.broadcast %lt3A_2041 : i32 to vector<16xi32>
      %lt3A_2043 = arith.cmpi slt, %sub3A_2037, %lt3A_2042 : vector<16xi32>
      %and3A_2044 = arith.andi %ge3A_2040, %lt3A_2043 : vector<16xi1>
      tpu.vector_store_idx %arg6[%broadcast_in_dim3A_1972, %sub3A_2037, %add3A_2029], %broadcast_in_dim3A_460 masked %and3A_2044 : memref<2x200x256xf32, #tpu.memory_space<vmem>>[vector<16xi32>, vector<16xi32>, vector<16xi32>], vector<16xf32>, vector<16xi1>
      %add3A_2045 = arith.constant 64 : i32
      %add3A_2046 = vector.broadcast %add3A_2045 : i32 to vector<16xi32>
      %add3A_2047 = arith.addi %add3A_2046, %iota3A : vector<16xi32>
      %mul3A_2048 = arith.constant 256 : i32
      %mul3A_2049 = arith.muli %select_n3A_1952, %mul3A_2048 : i32
      %add3A_2050 = arith.constant 64 : i32
      %add3A_2051 = arith.addi %mul3A_2049, %add3A_2050 : i32
      %get3A_2052 = arith.index_cast %add3A_2051 : i32 to index
      %get3A_2053 = tpu.vector_load %arg5[%get3A_2052] {strides = array<i32>} : memref<6400xi32, #tpu.memory_space<vmem>>, vector<16xi32>,
      %sub3A_2054 = vector.broadcast %mul3A_1970 : i32 to vector<16xi32>
      %sub3A_2055 = arith.subi %get3A_2053, %sub3A_2054 : vector<16xi32>
      %ge3A_2056 = arith.constant 0 : i32
      %ge3A_2057 = vector.broadcast %ge3A_2056 : i32 to vector<16xi32>
      %ge3A_2058 = arith.cmpi sge, %sub3A_2055, %ge3A_2057 : vector<16xi32>
      %lt3A_2059 = arith.constant 200 : i32
      %lt3A_2060 = vector.broadcast %lt3A_2059 : i32 to vector<16xi32>
      %lt3A_2061 = arith.cmpi slt, %sub3A_2055, %lt3A_2060 : vector<16xi32>
      %and3A_2062 = arith.andi %ge3A_2058, %lt3A_2061 : vector<16xi1>
      tpu.vector_store_idx %arg6[%broadcast_in_dim3A_1972, %sub3A_2055, %add3A_2047], %broadcast_in_dim3A_460 masked %and3A_2062 : memref<2x200x256xf32, #tpu.memory_space<vmem>>[vector<16xi32>, vector<16xi32>, vector<16xi32>], vector<16xf32>, vector<16xi1>
      %add3A_2063 = arith.constant 80 : i32
      %add3A_2064 = vector.broadcast %add3A_2063 : i32 to vector<16xi32>
      %add3A_2065 = arith.addi %add3A_2064, %iota3A : vector<16xi32>
      %mul3A_2066 = arith.constant 256 : i32
      %mul3A_2067 = arith.muli %select_n3A_1952, %mul3A_2066 : i32
      %add3A_2068 = arith.constant 80 : i32
      %add3A_2069 = arith.addi %mul3A_2067, %add3A_2068 : i32
      %get3A_2070 = arith.index_cast %add3A_2069 : i32 to index
      %get3A_2071 = tpu.vector_load %arg5[%get3A_2070] {strides = array<i32>} : memref<6400xi32, #tpu.memory_space<vmem>>, vector<16xi32>,
      %sub3A_2072 = vector.broadcast %mul3A_1970 : i32 to vector<16xi32>
      %sub3A_2073 = arith.subi %get3A_2071, %sub3A_2072 : vector<16xi32>
      %ge3A_2074 = arith.constant 0 : i32
      %ge3A_2075 = vector.broadcast %ge3A_2074 : i32 to vector<16xi32>
      %ge3A_2076 = arith.cmpi sge, %sub3A_2073, %ge3A_2075 : vector<16xi32>
      %lt3A_2077 = arith.constant 200 : i32
      %lt3A_2078 = vector.broadcast %lt3A_2077 : i32 to vector<16xi32>
      %lt3A_2079 = arith.cmpi slt, %sub3A_2073, %lt3A_2078 : vector<16xi32>
      %and3A_2080 = arith.andi %ge3A_2076, %lt3A_2079 : vector<16xi1>
      tpu.vector_store_idx %arg6[%broadcast_in_dim3A_1972, %sub3A_2073, %add3A_2065], %broadcast_in_dim3A_460 masked %and3A_2080 : memref<2x200x256xf32, #tpu.memory_space<vmem>>[vector<16xi32>, vector<16xi32>, vector<16xi32>], vector<16xf32>, vector<16xi1>
      %add3A_2081 = arith.constant 96 : i32
      %add3A_2082 = vector.broadcast %add3A_2081 : i32 to vector<16xi32>
      %add3A_2083 = arith.addi %add3A_2082, %iota3A : vector<16xi32>
      %mul3A_2084 = arith.constant 256 : i32
      %mul3A_2085 = arith.muli %select_n3A_1952, %mul3A_2084 : i32
      %add3A_2086 = arith.constant 96 : i32
      %add3A_2087 = arith.addi %mul3A_2085, %add3A_2086 : i32
      %get3A_2088 = arith.index_cast %add3A_2087 : i32 to index
      %get3A_2089 = tpu.vector_load %arg5[%get3A_2088] {strides = array<i32>} : memref<6400xi32, #tpu.memory_space<vmem>>, vector<16xi32>,
      %sub3A_2090 = vector.broadcast %mul3A_1970 : i32 to vector<16xi32>
      %sub3A_2091 = arith.subi %get3A_2089, %sub3A_2090 : vector<16xi32>
      %ge3A_2092 = arith.constant 0 : i32
      %ge3A_2093 = vector.broadcast %ge3A_2092 : i32 to vector<16xi32>
      %ge3A_2094 = arith.cmpi sge, %sub3A_2091, %ge3A_2093 : vector<16xi32>
      %lt3A_2095 = arith.constant 200 : i32
      %lt3A_2096 = vector.broadcast %lt3A_2095 : i32 to vector<16xi32>
      %lt3A_2097 = arith.cmpi slt, %sub3A_2091, %lt3A_2096 : vector<16xi32>
      %and3A_2098 = arith.andi %ge3A_2094, %lt3A_2097 : vector<16xi1>
      tpu.vector_store_idx %arg6[%broadcast_in_dim3A_1972, %sub3A_2091, %add3A_2083], %broadcast_in_dim3A_460 masked %and3A_2098 : memref<2x200x256xf32, #tpu.memory_space<vmem>>[vector<16xi32>, vector<16xi32>, vector<16xi32>], vector<16xf32>, vector<16xi1>
      %add3A_2099 = arith.constant 112 : i32
      %add3A_2100 = vector.broadcast %add3A_2099 : i32 to vector<16xi32>
      %add3A_2101 = arith.addi %add3A_2100, %iota3A : vector<16xi32>
      %mul3A_2102 = arith.constant 256 : i32
      %mul3A_2103 = arith.muli %select_n3A_1952, %mul3A_2102 : i32
      %add3A_2104 = arith.constant 112 : i32
      %add3A_2105 = arith.addi %mul3A_2103, %add3A_2104 : i32
      %get3A_2106 = arith.index_cast %add3A_2105 : i32 to index
      %get3A_2107 = tpu.vector_load %arg5[%get3A_2106] {strides = array<i32>} : memref<6400xi32, #tpu.memory_space<vmem>>, vector<16xi32>,
      %sub3A_2108 = vector.broadcast %mul3A_1970 : i32 to vector<16xi32>
      %sub3A_2109 = arith.subi %get3A_2107, %sub3A_2108 : vector<16xi32>
      %ge3A_2110 = arith.constant 0 : i32
      %ge3A_2111 = vector.broadcast %ge3A_2110 : i32 to vector<16xi32>
      %ge3A_2112 = arith.cmpi sge, %sub3A_2109, %ge3A_2111 : vector<16xi32>
      %lt3A_2113 = arith.constant 200 : i32
      %lt3A_2114 = vector.broadcast %lt3A_2113 : i32 to vector<16xi32>
      %lt3A_2115 = arith.cmpi slt, %sub3A_2109, %lt3A_2114 : vector<16xi32>
      %and3A_2116 = arith.andi %ge3A_2112, %lt3A_2115 : vector<16xi1>
      tpu.vector_store_idx %arg6[%broadcast_in_dim3A_1972, %sub3A_2109, %add3A_2101], %broadcast_in_dim3A_460 masked %and3A_2116 : memref<2x200x256xf32, #tpu.memory_space<vmem>>[vector<16xi32>, vector<16xi32>, vector<16xi32>], vector<16xf32>, vector<16xi1>
      %add3A_2117 = arith.constant 128 : i32
      %add3A_2118 = vector.broadcast %add3A_2117 : i32 to vector<16xi32>
      %add3A_2119 = arith.addi %add3A_2118, %iota3A : vector<16xi32>
      %mul3A_2120 = arith.constant 256 : i32
      %mul3A_2121 = arith.muli %select_n3A_1952, %mul3A_2120 : i32
      %add3A_2122 = arith.constant 128 : i32
      %add3A_2123 = arith.addi %mul3A_2121, %add3A_2122 : i32
      %get3A_2124 = arith.index_cast %add3A_2123 : i32 to index
      %get3A_2125 = tpu.vector_load %arg5[%get3A_2124] {strides = array<i32>} : memref<6400xi32, #tpu.memory_space<vmem>>, vector<16xi32>,
      %sub3A_2126 = vector.broadcast %mul3A_1970 : i32 to vector<16xi32>
      %sub3A_2127 = arith.subi %get3A_2125, %sub3A_2126 : vector<16xi32>
      %ge3A_2128 = arith.constant 0 : i32
      %ge3A_2129 = vector.broadcast %ge3A_2128 : i32 to vector<16xi32>
      %ge3A_2130 = arith.cmpi sge, %sub3A_2127, %ge3A_2129 : vector<16xi32>
      %lt3A_2131 = arith.constant 200 : i32
      %lt3A_2132 = vector.broadcast %lt3A_2131 : i32 to vector<16xi32>
      %lt3A_2133 = arith.cmpi slt, %sub3A_2127, %lt3A_2132 : vector<16xi32>
      %and3A_2134 = arith.andi %ge3A_2130, %lt3A_2133 : vector<16xi1>
      tpu.vector_store_idx %arg6[%broadcast_in_dim3A_1972, %sub3A_2127, %add3A_2119], %broadcast_in_dim3A_460 masked %and3A_2134 : memref<2x200x256xf32, #tpu.memory_space<vmem>>[vector<16xi32>, vector<16xi32>, vector<16xi32>], vector<16xf32>, vector<16xi1>
      %add3A_2135 = arith.constant 144 : i32
      %add3A_2136 = vector.broadcast %add3A_2135 : i32 to vector<16xi32>
      %add3A_2137 = arith.addi %add3A_2136, %iota3A : vector<16xi32>
      %mul3A_2138 = arith.constant 256 : i32
      %mul3A_2139 = arith.muli %select_n3A_1952, %mul3A_2138 : i32
      %add3A_2140 = arith.constant 144 : i32
      %add3A_2141 = arith.addi %mul3A_2139, %add3A_2140 : i32
      %get3A_2142 = arith.index_cast %add3A_2141 : i32 to index
      %get3A_2143 = tpu.vector_load %arg5[%get3A_2142] {strides = array<i32>} : memref<6400xi32, #tpu.memory_space<vmem>>, vector<16xi32>,
      %sub3A_2144 = vector.broadcast %mul3A_1970 : i32 to vector<16xi32>
      %sub3A_2145 = arith.subi %get3A_2143, %sub3A_2144 : vector<16xi32>
      %ge3A_2146 = arith.constant 0 : i32
      %ge3A_2147 = vector.broadcast %ge3A_2146 : i32 to vector<16xi32>
      %ge3A_2148 = arith.cmpi sge, %sub3A_2145, %ge3A_2147 : vector<16xi32>
      %lt3A_2149 = arith.constant 200 : i32
      %lt3A_2150 = vector.broadcast %lt3A_2149 : i32 to vector<16xi32>
      %lt3A_2151 = arith.cmpi slt, %sub3A_2145, %lt3A_2150 : vector<16xi32>
      %and3A_2152 = arith.andi %ge3A_2148, %lt3A_2151 : vector<16xi1>
      tpu.vector_store_idx %arg6[%broadcast_in_dim3A_1972, %sub3A_2145, %add3A_2137], %broadcast_in_dim3A_460 masked %and3A_2152 : memref<2x200x256xf32, #tpu.memory_space<vmem>>[vector<16xi32>, vector<16xi32>, vector<16xi32>], vector<16xf32>, vector<16xi1>
      %add3A_2153 = arith.constant 160 : i32
      %add3A_2154 = vector.broadcast %add3A_2153 : i32 to vector<16xi32>
      %add3A_2155 = arith.addi %add3A_2154, %iota3A : vector<16xi32>
      %mul3A_2156 = arith.constant 256 : i32
      %mul3A_2157 = arith.muli %select_n3A_1952, %mul3A_2156 : i32
      %add3A_2158 = arith.constant 160 : i32
      %add3A_2159 = arith.addi %mul3A_2157, %add3A_2158 : i32
      %get3A_2160 = arith.index_cast %add3A_2159 : i32 to index
      %get3A_2161 = tpu.vector_load %arg5[%get3A_2160] {strides = array<i32>} : memref<6400xi32, #tpu.memory_space<vmem>>, vector<16xi32>,
      %sub3A_2162 = vector.broadcast %mul3A_1970 : i32 to vector<16xi32>
      %sub3A_2163 = arith.subi %get3A_2161, %sub3A_2162 : vector<16xi32>
      %ge3A_2164 = arith.constant 0 : i32
      %ge3A_2165 = vector.broadcast %ge3A_2164 : i32 to vector<16xi32>
      %ge3A_2166 = arith.cmpi sge, %sub3A_2163, %ge3A_2165 : vector<16xi32>
      %lt3A_2167 = arith.constant 200 : i32
      %lt3A_2168 = vector.broadcast %lt3A_2167 : i32 to vector<16xi32>
      %lt3A_2169 = arith.cmpi slt, %sub3A_2163, %lt3A_2168 : vector<16xi32>
      %and3A_2170 = arith.andi %ge3A_2166, %lt3A_2169 : vector<16xi1>
      tpu.vector_store_idx %arg6[%broadcast_in_dim3A_1972, %sub3A_2163, %add3A_2155], %broadcast_in_dim3A_460 masked %and3A_2170 : memref<2x200x256xf32, #tpu.memory_space<vmem>>[vector<16xi32>, vector<16xi32>, vector<16xi32>], vector<16xf32>, vector<16xi1>
      %add3A_2171 = arith.constant 176 : i32
      %add3A_2172 = vector.broadcast %add3A_2171 : i32 to vector<16xi32>
      %add3A_2173 = arith.addi %add3A_2172, %iota3A : vector<16xi32>
      %mul3A_2174 = arith.constant 256 : i32
      %mul3A_2175 = arith.muli %select_n3A_1952, %mul3A_2174 : i32
      %add3A_2176 = arith.constant 176 : i32
      %add3A_2177 = arith.addi %mul3A_2175, %add3A_2176 : i32
      %get3A_2178 = arith.index_cast %add3A_2177 : i32 to index
      %get3A_2179 = tpu.vector_load %arg5[%get3A_2178] {strides = array<i32>} : memref<6400xi32, #tpu.memory_space<vmem>>, vector<16xi32>,
      %sub3A_2180 = vector.broadcast %mul3A_1970 : i32 to vector<16xi32>
      %sub3A_2181 = arith.subi %get3A_2179, %sub3A_2180 : vector<16xi32>
      %ge3A_2182 = arith.constant 0 : i32
      %ge3A_2183 = vector.broadcast %ge3A_2182 : i32 to vector<16xi32>
      %ge3A_2184 = arith.cmpi sge, %sub3A_2181, %ge3A_2183 : vector<16xi32>
      %lt3A_2185 = arith.constant 200 : i32
      %lt3A_2186 = vector.broadcast %lt3A_2185 : i32 to vector<16xi32>
      %lt3A_2187 = arith.cmpi slt, %sub3A_2181, %lt3A_2186 : vector<16xi32>
      %and3A_2188 = arith.andi %ge3A_2184, %lt3A_2187 : vector<16xi1>
      tpu.vector_store_idx %arg6[%broadcast_in_dim3A_1972, %sub3A_2181, %add3A_2173], %broadcast_in_dim3A_460 masked %and3A_2188 : memref<2x200x256xf32, #tpu.memory_space<vmem>>[vector<16xi32>, vector<16xi32>, vector<16xi32>], vector<16xf32>, vector<16xi1>
      %add3A_2189 = arith.constant 192 : i32
      %add3A_2190 = vector.broadcast %add3A_2189 : i32 to vector<16xi32>
      %add3A_2191 = arith.addi %add3A_2190, %iota3A : vector<16xi32>
      %mul3A_2192 = arith.constant 256 : i32
      %mul3A_2193 = arith.muli %select_n3A_1952, %mul3A_2192 : i32
      %add3A_2194 = arith.constant 192 : i32
      %add3A_2195 = arith.addi %mul3A_2193, %add3A_2194 : i32
      %get3A_2196 = arith.index_cast %add3A_2195 : i32 to index
      %get3A_2197 = tpu.vector_load %arg5[%get3A_2196] {strides = array<i32>} : memref<6400xi32, #tpu.memory_space<vmem>>, vector<16xi32>,
      %sub3A_2198 = vector.broadcast %mul3A_1970 : i32 to vector<16xi32>
      %sub3A_2199 = arith.subi %get3A_2197, %sub3A_2198 : vector<16xi32>
      %ge3A_2200 = arith.constant 0 : i32
      %ge3A_2201 = vector.broadcast %ge3A_2200 : i32 to vector<16xi32>
      %ge3A_2202 = arith.cmpi sge, %sub3A_2199, %ge3A_2201 : vector<16xi32>
      %lt3A_2203 = arith.constant 200 : i32
      %lt3A_2204 = vector.broadcast %lt3A_2203 : i32 to vector<16xi32>
      %lt3A_2205 = arith.cmpi slt, %sub3A_2199, %lt3A_2204 : vector<16xi32>
      %and3A_2206 = arith.andi %ge3A_2202, %lt3A_2205 : vector<16xi1>
      tpu.vector_store_idx %arg6[%broadcast_in_dim3A_1972, %sub3A_2199, %add3A_2191], %broadcast_in_dim3A_460 masked %and3A_2206 : memref<2x200x256xf32, #tpu.memory_space<vmem>>[vector<16xi32>, vector<16xi32>, vector<16xi32>], vector<16xf32>, vector<16xi1>
      %add3A_2207 = arith.constant 208 : i32
      %add3A_2208 = vector.broadcast %add3A_2207 : i32 to vector<16xi32>
      %add3A_2209 = arith.addi %add3A_2208, %iota3A : vector<16xi32>
      %mul3A_2210 = arith.constant 256 : i32
      %mul3A_2211 = arith.muli %select_n3A_1952, %mul3A_2210 : i32
      %add3A_2212 = arith.constant 208 : i32
      %add3A_2213 = arith.addi %mul3A_2211, %add3A_2212 : i32
      %get3A_2214 = arith.index_cast %add3A_2213 : i32 to index
      %get3A_2215 = tpu.vector_load %arg5[%get3A_2214] {strides = array<i32>} : memref<6400xi32, #tpu.memory_space<vmem>>, vector<16xi32>,
      %sub3A_2216 = vector.broadcast %mul3A_1970 : i32 to vector<16xi32>
      %sub3A_2217 = arith.subi %get3A_2215, %sub3A_2216 : vector<16xi32>
      %ge3A_2218 = arith.constant 0 : i32
      %ge3A_2219 = vector.broadcast %ge3A_2218 : i32 to vector<16xi32>
      %ge3A_2220 = arith.cmpi sge, %sub3A_2217, %ge3A_2219 : vector<16xi32>
      %lt3A_2221 = arith.constant 200 : i32
      %lt3A_2222 = vector.broadcast %lt3A_2221 : i32 to vector<16xi32>
      %lt3A_2223 = arith.cmpi slt, %sub3A_2217, %lt3A_2222 : vector<16xi32>
      %and3A_2224 = arith.andi %ge3A_2220, %lt3A_2223 : vector<16xi1>
      tpu.vector_store_idx %arg6[%broadcast_in_dim3A_1972, %sub3A_2217, %add3A_2209], %broadcast_in_dim3A_460 masked %and3A_2224 : memref<2x200x256xf32, #tpu.memory_space<vmem>>[vector<16xi32>, vector<16xi32>, vector<16xi32>], vector<16xf32>, vector<16xi1>
      %add3A_2225 = arith.constant 224 : i32
      %add3A_2226 = vector.broadcast %add3A_2225 : i32 to vector<16xi32>
      %add3A_2227 = arith.addi %add3A_2226, %iota3A : vector<16xi32>
      %mul3A_2228 = arith.constant 256 : i32
      %mul3A_2229 = arith.muli %select_n3A_1952, %mul3A_2228 : i32
      %add3A_2230 = arith.constant 224 : i32
      %add3A_2231 = arith.addi %mul3A_2229, %add3A_2230 : i32
      %get3A_2232 = arith.index_cast %add3A_2231 : i32 to index
      %get3A_2233 = tpu.vector_load %arg5[%get3A_2232] {strides = array<i32>} : memref<6400xi32, #tpu.memory_space<vmem>>, vector<16xi32>,
      %sub3A_2234 = vector.broadcast %mul3A_1970 : i32 to vector<16xi32>
      %sub3A_2235 = arith.subi %get3A_2233, %sub3A_2234 : vector<16xi32>
      %ge3A_2236 = arith.constant 0 : i32
      %ge3A_2237 = vector.broadcast %ge3A_2236 : i32 to vector<16xi32>
      %ge3A_2238 = arith.cmpi sge, %sub3A_2235, %ge3A_2237 : vector<16xi32>
      %lt3A_2239 = arith.constant 200 : i32
      %lt3A_2240 = vector.broadcast %lt3A_2239 : i32 to vector<16xi32>
      %lt3A_2241 = arith.cmpi slt, %sub3A_2235, %lt3A_2240 : vector<16xi32>
      %and3A_2242 = arith.andi %ge3A_2238, %lt3A_2241 : vector<16xi1>
      tpu.vector_store_idx %arg6[%broadcast_in_dim3A_1972, %sub3A_2235, %add3A_2227], %broadcast_in_dim3A_460 masked %and3A_2242 : memref<2x200x256xf32, #tpu.memory_space<vmem>>[vector<16xi32>, vector<16xi32>, vector<16xi32>], vector<16xf32>, vector<16xi1>
      %add3A_2243 = arith.constant 240 : i32
      %add3A_2244 = vector.broadcast %add3A_2243 : i32 to vector<16xi32>
      %add3A_2245 = arith.addi %add3A_2244, %iota3A : vector<16xi32>
      %mul3A_2246 = arith.constant 256 : i32
      %mul3A_2247 = arith.muli %select_n3A_1952, %mul3A_2246 : i32
      %add3A_2248 = arith.constant 240 : i32
      %add3A_2249 = arith.addi %mul3A_2247, %add3A_2248 : i32
      %get3A_2250 = arith.index_cast %add3A_2249 : i32 to index
      %get3A_2251 = tpu.vector_load %arg5[%get3A_2250] {strides = array<i32>} : memref<6400xi32, #tpu.memory_space<vmem>>, vector<16xi32>,
      %sub3A_2252 = vector.broadcast %mul3A_1970 : i32 to vector<16xi32>
      %sub3A_2253 = arith.subi %get3A_2251, %sub3A_2252 : vector<16xi32>
      %ge3A_2254 = arith.constant 0 : i32
      %ge3A_2255 = vector.broadcast %ge3A_2254 : i32 to vector<16xi32>
      %ge3A_2256 = arith.cmpi sge, %sub3A_2253, %ge3A_2255 : vector<16xi32>
      %lt3A_2257 = arith.constant 200 : i32
      %lt3A_2258 = vector.broadcast %lt3A_2257 : i32 to vector<16xi32>
      %lt3A_2259 = arith.cmpi slt, %sub3A_2253, %lt3A_2258 : vector<16xi32>
      %and3A_2260 = arith.andi %ge3A_2256, %lt3A_2259 : vector<16xi1>
      tpu.vector_store_idx %arg6[%broadcast_in_dim3A_1972, %sub3A_2253, %add3A_2245], %broadcast_in_dim3A_460 masked %and3A_2260 : memref<2x200x256xf32, #tpu.memory_space<vmem>>[vector<16xi32>, vector<16xi32>, vector<16xi32>], vector<16xf32>, vector<16xi1>
      %jit3A_2261 = arith.constant 5 : i32
      %div3A_2262 = arith.divsi %add3A_1538, %jit3A_2261 : i32
      %sign3A_2263 = arith.constant 0 : i32
      %sign3A_2264 = arith.cmpi sgt, %add3A_1538, %sign3A_2263 : i32
      %sign3A_2265 = arith.extui %sign3A_2264 : i1 to i32
      %sign3A_2266 = arith.constant 0 : i32
      %sign3A_2267 = arith.cmpi slt, %add3A_1538, %sign3A_2266 : i32
      %sign3A_2268 = arith.extui %sign3A_2267 : i1 to i32
      %sign3A_2269 = arith.subi %sign3A_2265, %sign3A_2268 : i32
      %sign3A_2270 = arith.constant 0 : i32
      %sign3A_2271 = arith.cmpi sgt, %jit3A_2261, %sign3A_2270 : i32
      %sign3A_2272 = arith.extui %sign3A_2271 : i1 to i32
      %sign3A_2273 = arith.constant 0 : i32
      %sign3A_2274 = arith.cmpi slt, %jit3A_2261, %sign3A_2273 : i32
      %sign3A_2275 = arith.extui %sign3A_2274 : i1 to i32
      %sign3A_2276 = arith.subi %sign3A_2272, %sign3A_2275 : i32
      %ne3A_2277 = arith.cmpi ne, %sign3A_2269, %sign3A_2276 : i32
      %rem3A_2278 = arith.remsi %add3A_1538, %jit3A_2261 : i32
      %ne3A_2279 = arith.constant 0 : i32
      %ne3A_2280 = arith.cmpi ne, %rem3A_2278, %ne3A_2279 : i32
      %and3A_2281 = arith.andi %ne3A_2277, %ne3A_2280 : i1
      %sub3A_2282 = arith.constant 1 : i32
      %sub3A_2283 = arith.subi %div3A_2262, %sub3A_2282 : i32
      %select_n3A_2284 = arith.select %and3A_2281, %sub3A_2283, %div3A_2262 : i32
      %add3A_2285 = arith.addi %mul3A_34, %select_n3A_2284 : i32
      %jit3A_2286 = arith.constant 5 : i32
      %eq3A_2287 = arith.constant 0 : i32
      %eq3A_2288 = arith.cmpi eq, %jit3A_2286, %eq3A_2287 : i32
      %jit3A_2289 = arith.constant 1 : i32
      %select_n3A_2290 = arith.select %eq3A_2288, %jit3A_2289, %jit3A_2286 : i32
      %rem3A_2291 = arith.remsi %add3A_1538, %select_n3A_2290 : i32
      %ne3A_2292 = arith.constant 0 : i32
      %ne3A_2293 = arith.cmpi ne, %rem3A_2291, %ne3A_2292 : i32
      %lt3A_2294 = arith.constant 0 : i32
      %lt3A_2295 = arith.cmpi slt, %rem3A_2291, %lt3A_2294 : i32
      %lt3A_2296 = arith.constant 0 : i32
      %lt3A_2297 = arith.cmpi slt, %select_n3A_2290, %lt3A_2296 : i32
      %ne3A_2298 = arith.xori %lt3A_2295, %lt3A_2297 : i1
      %and3A_2299 = arith.andi %ne3A_2298, %ne3A_2293 : i1
      %add3A_2300 = arith.addi %rem3A_2291, %select_n3A_2290 : i32
      %select_n3A_2301 = arith.select %and3A_2299, %add3A_2300, %rem3A_2291 : i32
      %mul3A_2302 = arith.constant 200 : i32
      %mul3A_2303 = arith.muli %select_n3A_2301, %mul3A_2302 : i32
      %dma_start3A_2304 = arith.constant 0 : i32
      %dma_start3A_2305 = arith.constant 0 : i32
      %dma_start3A_2306 = arith.constant 0 : i32
      %dma_start3A_2307 = tpu.memref_slice %arg6[%dma_start3A_2304, %dma_start3A_2305, %dma_start3A_2306] : memref<2x200x256xf32, #tpu.memory_space<vmem>> -> memref<1x200x256xf32, #tpu.memory_space<vmem>>
      %dma_start3A_2308 = tpu.memref_squeeze %dma_start3A_2307 : memref<1x200x256xf32, #tpu.memory_space<vmem>> -> memref<200x256xf32, #tpu.memory_space<vmem>>
      %dma_start3A_2309 = tpu.memref_slice %arg4[%add3A_2285, %mul3A_2303, %mul3A_11] : memref<50x1000x4096xf32, #tpu.memory_space<hbm>> -> memref<1x200x256xf32, #tpu.memory_space<hbm>>
      %dma_start3A_2310 = tpu.memref_squeeze %dma_start3A_2309 : memref<1x200x256xf32, #tpu.memory_space<hbm>> -> memref<200x256xf32, #tpu.memory_space<hbm>>
      %dma_start3A_2311 = tpu.memref_slice %arg4[%add3A_2285, %mul3A_2303, %mul3A_11] : memref<50x1000x4096xf32, #tpu.memory_space<hbm>> -> memref<1x200x256xf32, #tpu.memory_space<hbm>>
      %dma_start3A_2312 = tpu.memref_squeeze %dma_start3A_2311 : memref<1x200x256xf32, #tpu.memory_space<hbm>> -> memref<200x256xf32, #tpu.memory_space<hbm>>
      %dma_start3A_2313 = arith.constant 0 : i32
      %dma_start3A_2314 = arith.constant 0 : i32
      %dma_start3A_2315 = tpu.memref_slice %arg6[%dma_start3A_2304, %dma_start3A_2313, %dma_start3A_2314] : memref<2x200x256xf32, #tpu.memory_space<vmem>> -> memref<1x200x256xf32, #tpu.memory_space<vmem>>
      %dma_start3A_2316 = tpu.memref_squeeze %dma_start3A_2315 : memref<1x200x256xf32, #tpu.memory_space<vmem>> -> memref<200x256xf32, #tpu.memory_space<vmem>>
      tpu.enqueue_dma source(%dma_start3A_2316 : memref<200x256xf32, #tpu.memory_space<vmem>>) target(%dma_start3A_2312 : memref<200x256xf32, #tpu.memory_space<hbm>>) target_semaphore(%arg7 : memref<!tpu.dma_semaphore, #tpu.memory_space<semaphore_mem>>)
      %add3A_2317 = arith.constant 1 : i32
      %add3A_2318 = arith.addi %mul3A_1536, %add3A_2317 : i32
      %jit3A_2319 = arith.constant 5 : i32
      %div3A_2320 = arith.divsi %add3A_2318, %jit3A_2319 : i32
      %sign3A_2321 = arith.constant 0 : i32
      %sign3A_2322 = arith.cmpi sgt, %add3A_2318, %sign3A_2321 : i32
      %sign3A_2323 = arith.extui %sign3A_2322 : i1 to i32
      %sign3A_2324 = arith.constant 0 : i32
      %sign3A_2325 = arith.cmpi slt, %add3A_2318, %sign3A_2324 : i32
      %sign3A_2326 = arith.extui %sign3A_2325 : i1 to i32
      %sign3A_2327 = arith.subi %sign3A_2323, %sign3A_2326 : i32
      %sign3A_2328 = arith.constant 0 : i32
      %sign3A_2329 = arith.cmpi sgt, %jit3A_2319, %sign3A_2328 : i32
      %sign3A_2330 = arith.extui %sign3A_2329 : i1 to i32
      %sign3A_2331 = arith.constant 0 : i32
      %sign3A_2332 = arith.cmpi slt, %jit3A_2319, %sign3A_2331 : i32
      %sign3A_2333 = arith.extui %sign3A_2332 : i1 to i32
      %sign3A_2334 = arith.subi %sign3A_2330, %sign3A_2333 : i32
      %ne3A_2335 = arith.cmpi ne, %sign3A_2327, %sign3A_2334 : i32
      %rem3A_2336 = arith.remsi %add3A_2318, %jit3A_2319 : i32
      %ne3A_2337 = arith.constant 0 : i32
      %ne3A_2338 = arith.cmpi ne, %rem3A_2336, %ne3A_2337 : i32
      %and3A_2339 = arith.andi %ne3A_2335, %ne3A_2338 : i1
      %sub3A_2340 = arith.constant 1 : i32
      %sub3A_2341 = arith.subi %div3A_2320, %sub3A_2340 : i32
      %select_n3A_2342 = arith.select %and3A_2339, %sub3A_2341, %div3A_2320 : i32
      %add3A_2343 = arith.addi %mul3A_34, %select_n3A_2342 : i32
      %jit3A_2344 = arith.constant 5 : i32
      %eq3A_2345 = arith.constant 0 : i32
      %eq3A_2346 = arith.cmpi eq, %jit3A_2344, %eq3A_2345 : i32
      %jit3A_2347 = arith.constant 1 : i32
      %select_n3A_2348 = arith.select %eq3A_2346, %jit3A_2347, %jit3A_2344 : i32
      %rem3A_2349 = arith.remsi %add3A_2318, %select_n3A_2348 : i32
      %ne3A_2350 = arith.constant 0 : i32
      %ne3A_2351 = arith.cmpi ne, %rem3A_2349, %ne3A_2350 : i32
      %lt3A_2352 = arith.constant 0 : i32
      %lt3A_2353 = arith.cmpi slt, %rem3A_2349, %lt3A_2352 : i32
      %lt3A_2354 = arith.constant 0 : i32
      %lt3A_2355 = arith.cmpi slt, %select_n3A_2348, %lt3A_2354 : i32
      %ne3A_2356 = arith.xori %lt3A_2353, %lt3A_2355 : i1
      %and3A_2357 = arith.andi %ne3A_2356, %ne3A_2351 : i1
      %add3A_2358 = arith.addi %rem3A_2349, %select_n3A_2348 : i32
      %select_n3A_2359 = arith.select %and3A_2357, %add3A_2358, %rem3A_2349 : i32
      %mul3A_2360 = arith.constant 200 : i32
      %mul3A_2361 = arith.muli %select_n3A_2359, %mul3A_2360 : i32
      %dma_wait3A_2362 = arith.constant 1 : i32
      %dma_wait3A_2363 = arith.constant 0 : i32
      %dma_wait3A_2364 = arith.constant 0 : i32
      %dma_wait3A_2365 = tpu.memref_slice %arg6[%dma_wait3A_2362, %dma_wait3A_2363, %dma_wait3A_2364] : memref<2x200x256xf32, #tpu.memory_space<vmem>> -> memref<1x200x256xf32, #tpu.memory_space<vmem>>
      %dma_wait3A_2366 = tpu.memref_squeeze %dma_wait3A_2365 : memref<1x200x256xf32, #tpu.memory_space<vmem>> -> memref<200x256xf32, #tpu.memory_space<vmem>>
      %dma_wait3A_2367 = tpu.memref_slice %arg4[%add3A_2343, %mul3A_2361, %mul3A_11] : memref<50x1000x4096xf32, #tpu.memory_space<hbm>> -> memref<1x200x256xf32, #tpu.memory_space<hbm>>
      %dma_wait3A_2368 = tpu.memref_squeeze %dma_wait3A_2367 : memref<1x200x256xf32, #tpu.memory_space<hbm>> -> memref<200x256xf32, #tpu.memory_space<hbm>>
      %dma_wait3A_2369 = tpu.memref_slice %arg4[%add3A_2343, %mul3A_2361, %mul3A_11] : memref<50x1000x4096xf32, #tpu.memory_space<hbm>> -> memref<1x200x256xf32, #tpu.memory_space<hbm>>
      %dma_wait3A_2370 = tpu.memref_squeeze %dma_wait3A_2369 : memref<1x200x256xf32, #tpu.memory_space<hbm>> -> memref<200x256xf32, #tpu.memory_space<hbm>>
      %dma_wait3A_2371 = arith.constant 0 : i32
      %dma_wait3A_2372 = arith.constant 0 : i32
      %dma_wait3A_2373 = tpu.memref_slice %arg6[%dma_wait3A_2362, %dma_wait3A_2371, %dma_wait3A_2372] : memref<2x200x256xf32, #tpu.memory_space<vmem>> -> memref<1x200x256xf32, #tpu.memory_space<vmem>>
      %dma_wait3A_2374 = tpu.memref_squeeze %dma_wait3A_2373 : memref<1x200x256xf32, #tpu.memory_space<vmem>> -> memref<200x256xf32, #tpu.memory_space<vmem>>
      tpu.wait_dma2 semaphore(%arg8 : memref<!tpu.dma_semaphore, #tpu.memory_space<semaphore_mem>>) src(%dma_wait3A_2374 : memref<200x256xf32, #tpu.memory_space<vmem>>) dst(%dma_wait3A_2370 : memref<200x256xf32, #tpu.memory_space<hbm>>)
      %sub3A_2375 = arith.constant 2 : i32
      %sub3A_2376 = arith.subi %add3A_2318, %sub3A_2375 : i32
      %jit3A_2377 = arith.constant 5 : i32
      %div3A_2378 = arith.divsi %sub3A_2376, %jit3A_2377 : i32
      %sign3A_2379 = arith.constant 0 : i32
      %sign3A_2380 = arith.cmpi sgt, %sub3A_2376, %sign3A_2379 : i32
      %sign3A_2381 = arith.extui %sign3A_2380 : i1 to i32
      %sign3A_2382 = arith.constant 0 : i32
      %sign3A_2383 = arith.cmpi slt, %sub3A_2376, %sign3A_2382 : i32
      %sign3A_2384 = arith.extui %sign3A_2383 : i1 to i32
      %sign3A_2385 = arith.subi %sign3A_2381, %sign3A_2384 : i32
      %sign3A_2386 = arith.constant 0 : i32
      %sign3A_2387 = arith.cmpi sgt, %jit3A_2377, %sign3A_2386 : i32
      %sign3A_2388 = arith.extui %sign3A_2387 : i1 to i32
      %sign3A_2389 = arith.constant 0 : i32
      %sign3A_2390 = arith.cmpi slt, %jit3A_2377, %sign3A_2389 : i32
      %sign3A_2391 = arith.extui %sign3A_2390 : i1 to i32
      %sign3A_2392 = arith.subi %sign3A_2388, %sign3A_2391 : i32
      %ne3A_2393 = arith.cmpi ne, %sign3A_2385, %sign3A_2392 : i32
      %rem3A_2394 = arith.remsi %sub3A_2376, %jit3A_2377 : i32
      %ne3A_2395 = arith.constant 0 : i32
      %ne3A_2396 = arith.cmpi ne, %rem3A_2394, %ne3A_2395 : i32
      %and3A_2397 = arith.andi %ne3A_2393, %ne3A_2396 : i1
      %sub3A_2398 = arith.constant 1 : i32
      %sub3A_2399 = arith.subi %div3A_2378, %sub3A_2398 : i32
      %select_n3A_2400 = arith.select %and3A_2397, %sub3A_2399, %div3A_2378 : i32
      %jit3A_2401 = arith.constant 5 : i32
      %eq3A_2402 = arith.constant 0 : i32
      %eq3A_2403 = arith.cmpi eq, %jit3A_2401, %eq3A_2402 : i32
      %jit3A_2404 = arith.constant 1 : i32
      %select_n3A_2405 = arith.select %eq3A_2403, %jit3A_2404, %jit3A_2401 : i32
      %rem3A_2406 = arith.remsi %sub3A_2376, %select_n3A_2405 : i32
      %ne3A_2407 = arith.constant 0 : i32
      %ne3A_2408 = arith.cmpi ne, %rem3A_2406, %ne3A_2407 : i32
      %lt3A_2409 = arith.constant 0 : i32
      %lt3A_2410 = arith.cmpi slt, %rem3A_2406, %lt3A_2409 : i32
      %lt3A_2411 = arith.constant 0 : i32
      %lt3A_2412 = arith.cmpi slt, %select_n3A_2405, %lt3A_2411 : i32
      %ne3A_2413 = arith.xori %lt3A_2410, %lt3A_2412 : i1
      %and3A_2414 = arith.andi %ne3A_2413, %ne3A_2408 : i1
      %add3A_2415 = arith.addi %rem3A_2406, %select_n3A_2405 : i32
      %select_n3A_2416 = arith.select %and3A_2414, %add3A_2415, %rem3A_2406 : i32
      %mul3A_2417 = arith.constant 200 : i32
      %mul3A_2418 = arith.muli %select_n3A_2416, %mul3A_2417 : i32
      %broadcast_in_dim3A_2419 = arith.constant 1 : i32
      %broadcast_in_dim3A_2420 = vector.broadcast %broadcast_in_dim3A_2419 : i32 to vector<16xi32>
      %add3A_2421 = arith.constant 0 : i32
      %add3A_2422 = vector.broadcast %add3A_2421 : i32 to vector<16xi32>
      %add3A_2423 = arith.addi %add3A_2422, %iota3A : vector<16xi32>
      %mul3A_2424 = arith.constant 256 : i32
      %mul3A_2425 = arith.muli %select_n3A_2400, %mul3A_2424 : i32
      %add3A_2426 = arith.constant 0 : i32
      %add3A_2427 = arith.addi %mul3A_2425, %add3A_2426 : i32
      %get3A_2428 = arith.index_cast %add3A_2427 : i32 to index
      %get3A_2429 = tpu.vector_load %arg5[%get3A_2428] {strides = array<i32>} : memref<6400xi32, #tpu.memory_space<vmem>>, vector<16xi32>,
      %sub3A_2430 = vector.broadcast %mul3A_2418 : i32 to vector<16xi32>
      %sub3A_2431 = arith.subi %get3A_2429, %sub3A_2430 : vector<16xi32>
      %ge3A_2432 = arith.constant 0 : i32
      %ge3A_2433 = vector.broadcast %ge3A_2432 : i32 to vector<16xi32>
      %ge3A_2434 = arith.cmpi sge, %sub3A_2431, %ge3A_2433 : vector<16xi32>
      %lt3A_2435 = arith.constant 200 : i32
      %lt3A_2436 = vector.broadcast %lt3A_2435 : i32 to vector<16xi32>
      %lt3A_2437 = arith.cmpi slt, %sub3A_2431, %lt3A_2436 : vector<16xi32>
      %and3A_2438 = arith.andi %ge3A_2434, %lt3A_2437 : vector<16xi1>
      tpu.vector_store_idx %arg6[%broadcast_in_dim3A_2420, %sub3A_2431, %add3A_2423], %broadcast_in_dim3A_458 masked %and3A_2438 : memref<2x200x256xf32, #tpu.memory_space<vmem>>[vector<16xi32>, vector<16xi32>, vector<16xi32>], vector<16xf32>, vector<16xi1>
      %add3A_2439 = arith.constant 16 : i32
      %add3A_2440 = vector.broadcast %add3A_2439 : i32 to vector<16xi32>
      %add3A_2441 = arith.addi %add3A_2440, %iota3A : vector<16xi32>
      %mul3A_2442 = arith.constant 256 : i32
      %mul3A_2443 = arith.muli %select_n3A_2400, %mul3A_2442 : i32
      %add3A_2444 = arith.constant 16 : i32
      %add3A_2445 = arith.addi %mul3A_2443, %add3A_2444 : i32
      %get3A_2446 = arith.index_cast %add3A_2445 : i32 to index
      %get3A_2447 = tpu.vector_load %arg5[%get3A_2446] {strides = array<i32>} : memref<6400xi32, #tpu.memory_space<vmem>>, vector<16xi32>,
      %sub3A_2448 = vector.broadcast %mul3A_2418 : i32 to vector<16xi32>
      %sub3A_2449 = arith.subi %get3A_2447, %sub3A_2448 : vector<16xi32>
      %ge3A_2450 = arith.constant 0 : i32
      %ge3A_2451 = vector.broadcast %ge3A_2450 : i32 to vector<16xi32>
      %ge3A_2452 = arith.cmpi sge, %sub3A_2449, %ge3A_2451 : vector<16xi32>
      %lt3A_2453 = arith.constant 200 : i32
      %lt3A_2454 = vector.broadcast %lt3A_2453 : i32 to vector<16xi32>
      %lt3A_2455 = arith.cmpi slt, %sub3A_2449, %lt3A_2454 : vector<16xi32>
      %and3A_2456 = arith.andi %ge3A_2452, %lt3A_2455 : vector<16xi1>
      tpu.vector_store_idx %arg6[%broadcast_in_dim3A_2420, %sub3A_2449, %add3A_2441], %broadcast_in_dim3A_458 masked %and3A_2456 : memref<2x200x256xf32, #tpu.memory_space<vmem>>[vector<16xi32>, vector<16xi32>, vector<16xi32>], vector<16xf32>, vector<16xi1>
      %add3A_2457 = arith.constant 32 : i32
      %add3A_2458 = vector.broadcast %add3A_2457 : i32 to vector<16xi32>
      %add3A_2459 = arith.addi %add3A_2458, %iota3A : vector<16xi32>
      %mul3A_2460 = arith.constant 256 : i32
      %mul3A_2461 = arith.muli %select_n3A_2400, %mul3A_2460 : i32
      %add3A_2462 = arith.constant 32 : i32
      %add3A_2463 = arith.addi %mul3A_2461, %add3A_2462 : i32
      %get3A_2464 = arith.index_cast %add3A_2463 : i32 to index
      %get3A_2465 = tpu.vector_load %arg5[%get3A_2464] {strides = array<i32>} : memref<6400xi32, #tpu.memory_space<vmem>>, vector<16xi32>,
      %sub3A_2466 = vector.broadcast %mul3A_2418 : i32 to vector<16xi32>
      %sub3A_2467 = arith.subi %get3A_2465, %sub3A_2466 : vector<16xi32>
      %ge3A_2468 = arith.constant 0 : i32
      %ge3A_2469 = vector.broadcast %ge3A_2468 : i32 to vector<16xi32>
      %ge3A_2470 = arith.cmpi sge, %sub3A_2467, %ge3A_2469 : vector<16xi32>
      %lt3A_2471 = arith.constant 200 : i32
      %lt3A_2472 = vector.broadcast %lt3A_2471 : i32 to vector<16xi32>
      %lt3A_2473 = arith.cmpi slt, %sub3A_2467, %lt3A_2472 : vector<16xi32>
      %and3A_2474 = arith.andi %ge3A_2470, %lt3A_2473 : vector<16xi1>
      tpu.vector_store_idx %arg6[%broadcast_in_dim3A_2420, %sub3A_2467, %add3A_2459], %broadcast_in_dim3A_458 masked %and3A_2474 : memref<2x200x256xf32, #tpu.memory_space<vmem>>[vector<16xi32>, vector<16xi32>, vector<16xi32>], vector<16xf32>, vector<16xi1>
      %add3A_2475 = arith.constant 48 : i32
      %add3A_2476 = vector.broadcast %add3A_2475 : i32 to vector<16xi32>
      %add3A_2477 = arith.addi %add3A_2476, %iota3A : vector<16xi32>
      %mul3A_2478 = arith.constant 256 : i32
      %mul3A_2479 = arith.muli %select_n3A_2400, %mul3A_2478 : i32
      %add3A_2480 = arith.constant 48 : i32
      %add3A_2481 = arith.addi %mul3A_2479, %add3A_2480 : i32
      %get3A_2482 = arith.index_cast %add3A_2481 : i32 to index
      %get3A_2483 = tpu.vector_load %arg5[%get3A_2482] {strides = array<i32>} : memref<6400xi32, #tpu.memory_space<vmem>>, vector<16xi32>,
      %sub3A_2484 = vector.broadcast %mul3A_2418 : i32 to vector<16xi32>
      %sub3A_2485 = arith.subi %get3A_2483, %sub3A_2484 : vector<16xi32>
      %ge3A_2486 = arith.constant 0 : i32
      %ge3A_2487 = vector.broadcast %ge3A_2486 : i32 to vector<16xi32>
      %ge3A_2488 = arith.cmpi sge, %sub3A_2485, %ge3A_2487 : vector<16xi32>
      %lt3A_2489 = arith.constant 200 : i32
      %lt3A_2490 = vector.broadcast %lt3A_2489 : i32 to vector<16xi32>
      %lt3A_2491 = arith.cmpi slt, %sub3A_2485, %lt3A_2490 : vector<16xi32>
      %and3A_2492 = arith.andi %ge3A_2488, %lt3A_2491 : vector<16xi1>
      tpu.vector_store_idx %arg6[%broadcast_in_dim3A_2420, %sub3A_2485, %add3A_2477], %broadcast_in_dim3A_458 masked %and3A_2492 : memref<2x200x256xf32, #tpu.memory_space<vmem>>[vector<16xi32>, vector<16xi32>, vector<16xi32>], vector<16xf32>, vector<16xi1>
      %add3A_2493 = arith.constant 64 : i32
      %add3A_2494 = vector.broadcast %add3A_2493 : i32 to vector<16xi32>
      %add3A_2495 = arith.addi %add3A_2494, %iota3A : vector<16xi32>
      %mul3A_2496 = arith.constant 256 : i32
      %mul3A_2497 = arith.muli %select_n3A_2400, %mul3A_2496 : i32
      %add3A_2498 = arith.constant 64 : i32
      %add3A_2499 = arith.addi %mul3A_2497, %add3A_2498 : i32
      %get3A_2500 = arith.index_cast %add3A_2499 : i32 to index
      %get3A_2501 = tpu.vector_load %arg5[%get3A_2500] {strides = array<i32>} : memref<6400xi32, #tpu.memory_space<vmem>>, vector<16xi32>,
      %sub3A_2502 = vector.broadcast %mul3A_2418 : i32 to vector<16xi32>
      %sub3A_2503 = arith.subi %get3A_2501, %sub3A_2502 : vector<16xi32>
      %ge3A_2504 = arith.constant 0 : i32
      %ge3A_2505 = vector.broadcast %ge3A_2504 : i32 to vector<16xi32>
      %ge3A_2506 = arith.cmpi sge, %sub3A_2503, %ge3A_2505 : vector<16xi32>
      %lt3A_2507 = arith.constant 200 : i32
      %lt3A_2508 = vector.broadcast %lt3A_2507 : i32 to vector<16xi32>
      %lt3A_2509 = arith.cmpi slt, %sub3A_2503, %lt3A_2508 : vector<16xi32>
      %and3A_2510 = arith.andi %ge3A_2506, %lt3A_2509 : vector<16xi1>
      tpu.vector_store_idx %arg6[%broadcast_in_dim3A_2420, %sub3A_2503, %add3A_2495], %broadcast_in_dim3A_458 masked %and3A_2510 : memref<2x200x256xf32, #tpu.memory_space<vmem>>[vector<16xi32>, vector<16xi32>, vector<16xi32>], vector<16xf32>, vector<16xi1>
      %add3A_2511 = arith.constant 80 : i32
      %add3A_2512 = vector.broadcast %add3A_2511 : i32 to vector<16xi32>
      %add3A_2513 = arith.addi %add3A_2512, %iota3A : vector<16xi32>
      %mul3A_2514 = arith.constant 256 : i32
      %mul3A_2515 = arith.muli %select_n3A_2400, %mul3A_2514 : i32
      %add3A_2516 = arith.constant 80 : i32
      %add3A_2517 = arith.addi %mul3A_2515, %add3A_2516 : i32
      %get3A_2518 = arith.index_cast %add3A_2517 : i32 to index
      %get3A_2519 = tpu.vector_load %arg5[%get3A_2518] {strides = array<i32>} : memref<6400xi32, #tpu.memory_space<vmem>>, vector<16xi32>,
      %sub3A_2520 = vector.broadcast %mul3A_2418 : i32 to vector<16xi32>
      %sub3A_2521 = arith.subi %get3A_2519, %sub3A_2520 : vector<16xi32>
      %ge3A_2522 = arith.constant 0 : i32
      %ge3A_2523 = vector.broadcast %ge3A_2522 : i32 to vector<16xi32>
      %ge3A_2524 = arith.cmpi sge, %sub3A_2521, %ge3A_2523 : vector<16xi32>
      %lt3A_2525 = arith.constant 200 : i32
      %lt3A_2526 = vector.broadcast %lt3A_2525 : i32 to vector<16xi32>
      %lt3A_2527 = arith.cmpi slt, %sub3A_2521, %lt3A_2526 : vector<16xi32>
      %and3A_2528 = arith.andi %ge3A_2524, %lt3A_2527 : vector<16xi1>
      tpu.vector_store_idx %arg6[%broadcast_in_dim3A_2420, %sub3A_2521, %add3A_2513], %broadcast_in_dim3A_458 masked %and3A_2528 : memref<2x200x256xf32, #tpu.memory_space<vmem>>[vector<16xi32>, vector<16xi32>, vector<16xi32>], vector<16xf32>, vector<16xi1>
      %add3A_2529 = arith.constant 96 : i32
      %add3A_2530 = vector.broadcast %add3A_2529 : i32 to vector<16xi32>
      %add3A_2531 = arith.addi %add3A_2530, %iota3A : vector<16xi32>
      %mul3A_2532 = arith.constant 256 : i32
      %mul3A_2533 = arith.muli %select_n3A_2400, %mul3A_2532 : i32
      %add3A_2534 = arith.constant 96 : i32
      %add3A_2535 = arith.addi %mul3A_2533, %add3A_2534 : i32
      %get3A_2536 = arith.index_cast %add3A_2535 : i32 to index
      %get3A_2537 = tpu.vector_load %arg5[%get3A_2536] {strides = array<i32>} : memref<6400xi32, #tpu.memory_space<vmem>>, vector<16xi32>,
      %sub3A_2538 = vector.broadcast %mul3A_2418 : i32 to vector<16xi32>
      %sub3A_2539 = arith.subi %get3A_2537, %sub3A_2538 : vector<16xi32>
      %ge3A_2540 = arith.constant 0 : i32
      %ge3A_2541 = vector.broadcast %ge3A_2540 : i32 to vector<16xi32>
      %ge3A_2542 = arith.cmpi sge, %sub3A_2539, %ge3A_2541 : vector<16xi32>
      %lt3A_2543 = arith.constant 200 : i32
      %lt3A_2544 = vector.broadcast %lt3A_2543 : i32 to vector<16xi32>
      %lt3A_2545 = arith.cmpi slt, %sub3A_2539, %lt3A_2544 : vector<16xi32>
      %and3A_2546 = arith.andi %ge3A_2542, %lt3A_2545 : vector<16xi1>
      tpu.vector_store_idx %arg6[%broadcast_in_dim3A_2420, %sub3A_2539, %add3A_2531], %broadcast_in_dim3A_458 masked %and3A_2546 : memref<2x200x256xf32, #tpu.memory_space<vmem>>[vector<16xi32>, vector<16xi32>, vector<16xi32>], vector<16xf32>, vector<16xi1>
      %add3A_2547 = arith.constant 112 : i32
      %add3A_2548 = vector.broadcast %add3A_2547 : i32 to vector<16xi32>
      %add3A_2549 = arith.addi %add3A_2548, %iota3A : vector<16xi32>
      %mul3A_2550 = arith.constant 256 : i32
      %mul3A_2551 = arith.muli %select_n3A_2400, %mul3A_2550 : i32
      %add3A_2552 = arith.constant 112 : i32
      %add3A_2553 = arith.addi %mul3A_2551, %add3A_2552 : i32
      %get3A_2554 = arith.index_cast %add3A_2553 : i32 to index
      %get3A_2555 = tpu.vector_load %arg5[%get3A_2554] {strides = array<i32>} : memref<6400xi32, #tpu.memory_space<vmem>>, vector<16xi32>,
      %sub3A_2556 = vector.broadcast %mul3A_2418 : i32 to vector<16xi32>
      %sub3A_2557 = arith.subi %get3A_2555, %sub3A_2556 : vector<16xi32>
      %ge3A_2558 = arith.constant 0 : i32
      %ge3A_2559 = vector.broadcast %ge3A_2558 : i32 to vector<16xi32>
      %ge3A_2560 = arith.cmpi sge, %sub3A_2557, %ge3A_2559 : vector<16xi32>
      %lt3A_2561 = arith.constant 200 : i32
      %lt3A_2562 = vector.broadcast %lt3A_2561 : i32 to vector<16xi32>
      %lt3A_2563 = arith.cmpi slt, %sub3A_2557, %lt3A_2562 : vector<16xi32>
      %and3A_2564 = arith.andi %ge3A_2560, %lt3A_2563 : vector<16xi1>
      tpu.vector_store_idx %arg6[%broadcast_in_dim3A_2420, %sub3A_2557, %add3A_2549], %broadcast_in_dim3A_458 masked %and3A_2564 : memref<2x200x256xf32, #tpu.memory_space<vmem>>[vector<16xi32>, vector<16xi32>, vector<16xi32>], vector<16xf32>, vector<16xi1>
      %add3A_2565 = arith.constant 128 : i32
      %add3A_2566 = vector.broadcast %add3A_2565 : i32 to vector<16xi32>
      %add3A_2567 = arith.addi %add3A_2566, %iota3A : vector<16xi32>
      %mul3A_2568 = arith.constant 256 : i32
      %mul3A_2569 = arith.muli %select_n3A_2400, %mul3A_2568 : i32
      %add3A_2570 = arith.constant 128 : i32
      %add3A_2571 = arith.addi %mul3A_2569, %add3A_2570 : i32
      %get3A_2572 = arith.index_cast %add3A_2571 : i32 to index
      %get3A_2573 = tpu.vector_load %arg5[%get3A_2572] {strides = array<i32>} : memref<6400xi32, #tpu.memory_space<vmem>>, vector<16xi32>,
      %sub3A_2574 = vector.broadcast %mul3A_2418 : i32 to vector<16xi32>
      %sub3A_2575 = arith.subi %get3A_2573, %sub3A_2574 : vector<16xi32>
      %ge3A_2576 = arith.constant 0 : i32
      %ge3A_2577 = vector.broadcast %ge3A_2576 : i32 to vector<16xi32>
      %ge3A_2578 = arith.cmpi sge, %sub3A_2575, %ge3A_2577 : vector<16xi32>
      %lt3A_2579 = arith.constant 200 : i32
      %lt3A_2580 = vector.broadcast %lt3A_2579 : i32 to vector<16xi32>
      %lt3A_2581 = arith.cmpi slt, %sub3A_2575, %lt3A_2580 : vector<16xi32>
      %and3A_2582 = arith.andi %ge3A_2578, %lt3A_2581 : vector<16xi1>
      tpu.vector_store_idx %arg6[%broadcast_in_dim3A_2420, %sub3A_2575, %add3A_2567], %broadcast_in_dim3A_458 masked %and3A_2582 : memref<2x200x256xf32, #tpu.memory_space<vmem>>[vector<16xi32>, vector<16xi32>, vector<16xi32>], vector<16xf32>, vector<16xi1>
      %add3A_2583 = arith.constant 144 : i32
      %add3A_2584 = vector.broadcast %add3A_2583 : i32 to vector<16xi32>
      %add3A_2585 = arith.addi %add3A_2584, %iota3A : vector<16xi32>
      %mul3A_2586 = arith.constant 256 : i32
      %mul3A_2587 = arith.muli %select_n3A_2400, %mul3A_2586 : i32
      %add3A_2588 = arith.constant 144 : i32
      %add3A_2589 = arith.addi %mul3A_2587, %add3A_2588 : i32
      %get3A_2590 = arith.index_cast %add3A_2589 : i32 to index
      %get3A_2591 = tpu.vector_load %arg5[%get3A_2590] {strides = array<i32>} : memref<6400xi32, #tpu.memory_space<vmem>>, vector<16xi32>,
      %sub3A_2592 = vector.broadcast %mul3A_2418 : i32 to vector<16xi32>
      %sub3A_2593 = arith.subi %get3A_2591, %sub3A_2592 : vector<16xi32>
      %ge3A_2594 = arith.constant 0 : i32
      %ge3A_2595 = vector.broadcast %ge3A_2594 : i32 to vector<16xi32>
      %ge3A_2596 = arith.cmpi sge, %sub3A_2593, %ge3A_2595 : vector<16xi32>
      %lt3A_2597 = arith.constant 200 : i32
      %lt3A_2598 = vector.broadcast %lt3A_2597 : i32 to vector<16xi32>
      %lt3A_2599 = arith.cmpi slt, %sub3A_2593, %lt3A_2598 : vector<16xi32>
      %and3A_2600 = arith.andi %ge3A_2596, %lt3A_2599 : vector<16xi1>
      tpu.vector_store_idx %arg6[%broadcast_in_dim3A_2420, %sub3A_2593, %add3A_2585], %broadcast_in_dim3A_458 masked %and3A_2600 : memref<2x200x256xf32, #tpu.memory_space<vmem>>[vector<16xi32>, vector<16xi32>, vector<16xi32>], vector<16xf32>, vector<16xi1>
      %add3A_2601 = arith.constant 160 : i32
      %add3A_2602 = vector.broadcast %add3A_2601 : i32 to vector<16xi32>
      %add3A_2603 = arith.addi %add3A_2602, %iota3A : vector<16xi32>
      %mul3A_2604 = arith.constant 256 : i32
      %mul3A_2605 = arith.muli %select_n3A_2400, %mul3A_2604 : i32
      %add3A_2606 = arith.constant 160 : i32
      %add3A_2607 = arith.addi %mul3A_2605, %add3A_2606 : i32
      %get3A_2608 = arith.index_cast %add3A_2607 : i32 to index
      %get3A_2609 = tpu.vector_load %arg5[%get3A_2608] {strides = array<i32>} : memref<6400xi32, #tpu.memory_space<vmem>>, vector<16xi32>,
      %sub3A_2610 = vector.broadcast %mul3A_2418 : i32 to vector<16xi32>
      %sub3A_2611 = arith.subi %get3A_2609, %sub3A_2610 : vector<16xi32>
      %ge3A_2612 = arith.constant 0 : i32
      %ge3A_2613 = vector.broadcast %ge3A_2612 : i32 to vector<16xi32>
      %ge3A_2614 = arith.cmpi sge, %sub3A_2611, %ge3A_2613 : vector<16xi32>
      %lt3A_2615 = arith.constant 200 : i32
      %lt3A_2616 = vector.broadcast %lt3A_2615 : i32 to vector<16xi32>
      %lt3A_2617 = arith.cmpi slt, %sub3A_2611, %lt3A_2616 : vector<16xi32>
      %and3A_2618 = arith.andi %ge3A_2614, %lt3A_2617 : vector<16xi1>
      tpu.vector_store_idx %arg6[%broadcast_in_dim3A_2420, %sub3A_2611, %add3A_2603], %broadcast_in_dim3A_458 masked %and3A_2618 : memref<2x200x256xf32, #tpu.memory_space<vmem>>[vector<16xi32>, vector<16xi32>, vector<16xi32>], vector<16xf32>, vector<16xi1>
      %add3A_2619 = arith.constant 176 : i32
      %add3A_2620 = vector.broadcast %add3A_2619 : i32 to vector<16xi32>
      %add3A_2621 = arith.addi %add3A_2620, %iota3A : vector<16xi32>
      %mul3A_2622 = arith.constant 256 : i32
      %mul3A_2623 = arith.muli %select_n3A_2400, %mul3A_2622 : i32
      %add3A_2624 = arith.constant 176 : i32
      %add3A_2625 = arith.addi %mul3A_2623, %add3A_2624 : i32
      %get3A_2626 = arith.index_cast %add3A_2625 : i32 to index
      %get3A_2627 = tpu.vector_load %arg5[%get3A_2626] {strides = array<i32>} : memref<6400xi32, #tpu.memory_space<vmem>>, vector<16xi32>,
      %sub3A_2628 = vector.broadcast %mul3A_2418 : i32 to vector<16xi32>
      %sub3A_2629 = arith.subi %get3A_2627, %sub3A_2628 : vector<16xi32>
      %ge3A_2630 = arith.constant 0 : i32
      %ge3A_2631 = vector.broadcast %ge3A_2630 : i32 to vector<16xi32>
      %ge3A_2632 = arith.cmpi sge, %sub3A_2629, %ge3A_2631 : vector<16xi32>
      %lt3A_2633 = arith.constant 200 : i32
      %lt3A_2634 = vector.broadcast %lt3A_2633 : i32 to vector<16xi32>
      %lt3A_2635 = arith.cmpi slt, %sub3A_2629, %lt3A_2634 : vector<16xi32>
      %and3A_2636 = arith.andi %ge3A_2632, %lt3A_2635 : vector<16xi1>
      tpu.vector_store_idx %arg6[%broadcast_in_dim3A_2420, %sub3A_2629, %add3A_2621], %broadcast_in_dim3A_458 masked %and3A_2636 : memref<2x200x256xf32, #tpu.memory_space<vmem>>[vector<16xi32>, vector<16xi32>, vector<16xi32>], vector<16xf32>, vector<16xi1>
      %add3A_2637 = arith.constant 192 : i32
      %add3A_2638 = vector.broadcast %add3A_2637 : i32 to vector<16xi32>
      %add3A_2639 = arith.addi %add3A_2638, %iota3A : vector<16xi32>
      %mul3A_2640 = arith.constant 256 : i32
      %mul3A_2641 = arith.muli %select_n3A_2400, %mul3A_2640 : i32
      %add3A_2642 = arith.constant 192 : i32
      %add3A_2643 = arith.addi %mul3A_2641, %add3A_2642 : i32
      %get3A_2644 = arith.index_cast %add3A_2643 : i32 to index
      %get3A_2645 = tpu.vector_load %arg5[%get3A_2644] {strides = array<i32>} : memref<6400xi32, #tpu.memory_space<vmem>>, vector<16xi32>,
      %sub3A_2646 = vector.broadcast %mul3A_2418 : i32 to vector<16xi32>
      %sub3A_2647 = arith.subi %get3A_2645, %sub3A_2646 : vector<16xi32>
      %ge3A_2648 = arith.constant 0 : i32
      %ge3A_2649 = vector.broadcast %ge3A_2648 : i32 to vector<16xi32>
      %ge3A_2650 = arith.cmpi sge, %sub3A_2647, %ge3A_2649 : vector<16xi32>
      %lt3A_2651 = arith.constant 200 : i32
      %lt3A_2652 = vector.broadcast %lt3A_2651 : i32 to vector<16xi32>
      %lt3A_2653 = arith.cmpi slt, %sub3A_2647, %lt3A_2652 : vector<16xi32>
      %and3A_2654 = arith.andi %ge3A_2650, %lt3A_2653 : vector<16xi1>
      tpu.vector_store_idx %arg6[%broadcast_in_dim3A_2420, %sub3A_2647, %add3A_2639], %broadcast_in_dim3A_458 masked %and3A_2654 : memref<2x200x256xf32, #tpu.memory_space<vmem>>[vector<16xi32>, vector<16xi32>, vector<16xi32>], vector<16xf32>, vector<16xi1>
      %add3A_2655 = arith.constant 208 : i32
      %add3A_2656 = vector.broadcast %add3A_2655 : i32 to vector<16xi32>
      %add3A_2657 = arith.addi %add3A_2656, %iota3A : vector<16xi32>
      %mul3A_2658 = arith.constant 256 : i32
      %mul3A_2659 = arith.muli %select_n3A_2400, %mul3A_2658 : i32
      %add3A_2660 = arith.constant 208 : i32
      %add3A_2661 = arith.addi %mul3A_2659, %add3A_2660 : i32
      %get3A_2662 = arith.index_cast %add3A_2661 : i32 to index
      %get3A_2663 = tpu.vector_load %arg5[%get3A_2662] {strides = array<i32>} : memref<6400xi32, #tpu.memory_space<vmem>>, vector<16xi32>,
      %sub3A_2664 = vector.broadcast %mul3A_2418 : i32 to vector<16xi32>
      %sub3A_2665 = arith.subi %get3A_2663, %sub3A_2664 : vector<16xi32>
      %ge3A_2666 = arith.constant 0 : i32
      %ge3A_2667 = vector.broadcast %ge3A_2666 : i32 to vector<16xi32>
      %ge3A_2668 = arith.cmpi sge, %sub3A_2665, %ge3A_2667 : vector<16xi32>
      %lt3A_2669 = arith.constant 200 : i32
      %lt3A_2670 = vector.broadcast %lt3A_2669 : i32 to vector<16xi32>
      %lt3A_2671 = arith.cmpi slt, %sub3A_2665, %lt3A_2670 : vector<16xi32>
      %and3A_2672 = arith.andi %ge3A_2668, %lt3A_2671 : vector<16xi1>
      tpu.vector_store_idx %arg6[%broadcast_in_dim3A_2420, %sub3A_2665, %add3A_2657], %broadcast_in_dim3A_458 masked %and3A_2672 : memref<2x200x256xf32, #tpu.memory_space<vmem>>[vector<16xi32>, vector<16xi32>, vector<16xi32>], vector<16xf32>, vector<16xi1>
      %add3A_2673 = arith.constant 224 : i32
      %add3A_2674 = vector.broadcast %add3A_2673 : i32 to vector<16xi32>
      %add3A_2675 = arith.addi %add3A_2674, %iota3A : vector<16xi32>
      %mul3A_2676 = arith.constant 256 : i32
      %mul3A_2677 = arith.muli %select_n3A_2400, %mul3A_2676 : i32
      %add3A_2678 = arith.constant 224 : i32
      %add3A_2679 = arith.addi %mul3A_2677, %add3A_2678 : i32
      %get3A_2680 = arith.index_cast %add3A_2679 : i32 to index
      %get3A_2681 = tpu.vector_load %arg5[%get3A_2680] {strides = array<i32>} : memref<6400xi32, #tpu.memory_space<vmem>>, vector<16xi32>,
      %sub3A_2682 = vector.broadcast %mul3A_2418 : i32 to vector<16xi32>
      %sub3A_2683 = arith.subi %get3A_2681, %sub3A_2682 : vector<16xi32>
      %ge3A_2684 = arith.constant 0 : i32
      %ge3A_2685 = vector.broadcast %ge3A_2684 : i32 to vector<16xi32>
      %ge3A_2686 = arith.cmpi sge, %sub3A_2683, %ge3A_2685 : vector<16xi32>
      %lt3A_2687 = arith.constant 200 : i32
      %lt3A_2688 = vector.broadcast %lt3A_2687 : i32 to vector<16xi32>
      %lt3A_2689 = arith.cmpi slt, %sub3A_2683, %lt3A_2688 : vector<16xi32>
      %and3A_2690 = arith.andi %ge3A_2686, %lt3A_2689 : vector<16xi1>
      tpu.vector_store_idx %arg6[%broadcast_in_dim3A_2420, %sub3A_2683, %add3A_2675], %broadcast_in_dim3A_458 masked %and3A_2690 : memref<2x200x256xf32, #tpu.memory_space<vmem>>[vector<16xi32>, vector<16xi32>, vector<16xi32>], vector<16xf32>, vector<16xi1>
      %add3A_2691 = arith.constant 240 : i32
      %add3A_2692 = vector.broadcast %add3A_2691 : i32 to vector<16xi32>
      %add3A_2693 = arith.addi %add3A_2692, %iota3A : vector<16xi32>
      %mul3A_2694 = arith.constant 256 : i32
      %mul3A_2695 = arith.muli %select_n3A_2400, %mul3A_2694 : i32
      %add3A_2696 = arith.constant 240 : i32
      %add3A_2697 = arith.addi %mul3A_2695, %add3A_2696 : i32
      %get3A_2698 = arith.index_cast %add3A_2697 : i32 to index
      %get3A_2699 = tpu.vector_load %arg5[%get3A_2698] {strides = array<i32>} : memref<6400xi32, #tpu.memory_space<vmem>>, vector<16xi32>,
      %sub3A_2700 = vector.broadcast %mul3A_2418 : i32 to vector<16xi32>
      %sub3A_2701 = arith.subi %get3A_2699, %sub3A_2700 : vector<16xi32>
      %ge3A_2702 = arith.constant 0 : i32
      %ge3A_2703 = vector.broadcast %ge3A_2702 : i32 to vector<16xi32>
      %ge3A_2704 = arith.cmpi sge, %sub3A_2701, %ge3A_2703 : vector<16xi32>
      %lt3A_2705 = arith.constant 200 : i32
      %lt3A_2706 = vector.broadcast %lt3A_2705 : i32 to vector<16xi32>
      %lt3A_2707 = arith.cmpi slt, %sub3A_2701, %lt3A_2706 : vector<16xi32>
      %and3A_2708 = arith.andi %ge3A_2704, %lt3A_2707 : vector<16xi1>
      tpu.vector_store_idx %arg6[%broadcast_in_dim3A_2420, %sub3A_2701, %add3A_2693], %broadcast_in_dim3A_458 masked %and3A_2708 : memref<2x200x256xf32, #tpu.memory_space<vmem>>[vector<16xi32>, vector<16xi32>, vector<16xi32>], vector<16xf32>, vector<16xi1>
      %jit3A_2709 = arith.constant 5 : i32
      %div3A_2710 = arith.divsi %add3A_2318, %jit3A_2709 : i32
      %sign3A_2711 = arith.constant 0 : i32
      %sign3A_2712 = arith.cmpi sgt, %add3A_2318, %sign3A_2711 : i32
      %sign3A_2713 = arith.extui %sign3A_2712 : i1 to i32
      %sign3A_2714 = arith.constant 0 : i32
      %sign3A_2715 = arith.cmpi slt, %add3A_2318, %sign3A_2714 : i32
      %sign3A_2716 = arith.extui %sign3A_2715 : i1 to i32
      %sign3A_2717 = arith.subi %sign3A_2713, %sign3A_2716 : i32
      %sign3A_2718 = arith.constant 0 : i32
      %sign3A_2719 = arith.cmpi sgt, %jit3A_2709, %sign3A_2718 : i32
      %sign3A_2720 = arith.extui %sign3A_2719 : i1 to i32
      %sign3A_2721 = arith.constant 0 : i32
      %sign3A_2722 = arith.cmpi slt, %jit3A_2709, %sign3A_2721 : i32
      %sign3A_2723 = arith.extui %sign3A_2722 : i1 to i32
      %sign3A_2724 = arith.subi %sign3A_2720, %sign3A_2723 : i32
      %ne3A_2725 = arith.cmpi ne, %sign3A_2717, %sign3A_2724 : i32
      %rem3A_2726 = arith.remsi %add3A_2318, %jit3A_2709 : i32
      %ne3A_2727 = arith.constant 0 : i32
      %ne3A_2728 = arith.cmpi ne, %rem3A_2726, %ne3A_2727 : i32
      %and3A_2729 = arith.andi %ne3A_2725, %ne3A_2728 : i1
      %sub3A_2730 = arith.constant 1 : i32
      %sub3A_2731 = arith.subi %div3A_2710, %sub3A_2730 : i32
      %select_n3A_2732 = arith.select %and3A_2729, %sub3A_2731, %div3A_2710 : i32
      %jit3A_2733 = arith.constant 5 : i32
      %eq3A_2734 = arith.constant 0 : i32
      %eq3A_2735 = arith.cmpi eq, %jit3A_2733, %eq3A_2734 : i32
      %jit3A_2736 = arith.constant 1 : i32
      %select_n3A_2737 = arith.select %eq3A_2735, %jit3A_2736, %jit3A_2733 : i32
      %rem3A_2738 = arith.remsi %add3A_2318, %select_n3A_2737 : i32
      %ne3A_2739 = arith.constant 0 : i32
      %ne3A_2740 = arith.cmpi ne, %rem3A_2738, %ne3A_2739 : i32
      %lt3A_2741 = arith.constant 0 : i32
      %lt3A_2742 = arith.cmpi slt, %rem3A_2738, %lt3A_2741 : i32
      %lt3A_2743 = arith.constant 0 : i32
      %lt3A_2744 = arith.cmpi slt, %select_n3A_2737, %lt3A_2743 : i32
      %ne3A_2745 = arith.xori %lt3A_2742, %lt3A_2744 : i1
      %and3A_2746 = arith.andi %ne3A_2745, %ne3A_2740 : i1
      %add3A_2747 = arith.addi %rem3A_2738, %select_n3A_2737 : i32
      %select_n3A_2748 = arith.select %and3A_2746, %add3A_2747, %rem3A_2738 : i32
      %mul3A_2749 = arith.constant 200 : i32
      %mul3A_2750 = arith.muli %select_n3A_2748, %mul3A_2749 : i32
      %broadcast_in_dim3A_2751 = arith.constant 1 : i32
      %broadcast_in_dim3A_2752 = vector.broadcast %broadcast_in_dim3A_2751 : i32 to vector<16xi32>
      %add3A_2753 = arith.constant 0 : i32
      %add3A_2754 = vector.broadcast %add3A_2753 : i32 to vector<16xi32>
      %add3A_2755 = arith.addi %add3A_2754, %iota3A : vector<16xi32>
      %mul3A_2756 = arith.constant 256 : i32
      %mul3A_2757 = arith.muli %select_n3A_2732, %mul3A_2756 : i32
      %add3A_2758 = arith.constant 0 : i32
      %add3A_2759 = arith.addi %mul3A_2757, %add3A_2758 : i32
      %get3A_2760 = arith.index_cast %add3A_2759 : i32 to index
      %get3A_2761 = tpu.vector_load %arg5[%get3A_2760] {strides = array<i32>} : memref<6400xi32, #tpu.memory_space<vmem>>, vector<16xi32>,
      %sub3A_2762 = vector.broadcast %mul3A_2750 : i32 to vector<16xi32>
      %sub3A_2763 = arith.subi %get3A_2761, %sub3A_2762 : vector<16xi32>
      %ge3A_2764 = arith.constant 0 : i32
      %ge3A_2765 = vector.broadcast %ge3A_2764 : i32 to vector<16xi32>
      %ge3A_2766 = arith.cmpi sge, %sub3A_2763, %ge3A_2765 : vector<16xi32>
      %lt3A_2767 = arith.constant 200 : i32
      %lt3A_2768 = vector.broadcast %lt3A_2767 : i32 to vector<16xi32>
      %lt3A_2769 = arith.cmpi slt, %sub3A_2763, %lt3A_2768 : vector<16xi32>
      %and3A_2770 = arith.andi %ge3A_2766, %lt3A_2769 : vector<16xi1>
      tpu.vector_store_idx %arg6[%broadcast_in_dim3A_2752, %sub3A_2763, %add3A_2755], %broadcast_in_dim3A_460 masked %and3A_2770 : memref<2x200x256xf32, #tpu.memory_space<vmem>>[vector<16xi32>, vector<16xi32>, vector<16xi32>], vector<16xf32>, vector<16xi1>
      %add3A_2771 = arith.constant 16 : i32
      %add3A_2772 = vector.broadcast %add3A_2771 : i32 to vector<16xi32>
      %add3A_2773 = arith.addi %add3A_2772, %iota3A : vector<16xi32>
      %mul3A_2774 = arith.constant 256 : i32
      %mul3A_2775 = arith.muli %select_n3A_2732, %mul3A_2774 : i32
      %add3A_2776 = arith.constant 16 : i32
      %add3A_2777 = arith.addi %mul3A_2775, %add3A_2776 : i32
      %get3A_2778 = arith.index_cast %add3A_2777 : i32 to index
      %get3A_2779 = tpu.vector_load %arg5[%get3A_2778] {strides = array<i32>} : memref<6400xi32, #tpu.memory_space<vmem>>, vector<16xi32>,
      %sub3A_2780 = vector.broadcast %mul3A_2750 : i32 to vector<16xi32>
      %sub3A_2781 = arith.subi %get3A_2779, %sub3A_2780 : vector<16xi32>
      %ge3A_2782 = arith.constant 0 : i32
      %ge3A_2783 = vector.broadcast %ge3A_2782 : i32 to vector<16xi32>
      %ge3A_2784 = arith.cmpi sge, %sub3A_2781, %ge3A_2783 : vector<16xi32>
      %lt3A_2785 = arith.constant 200 : i32
      %lt3A_2786 = vector.broadcast %lt3A_2785 : i32 to vector<16xi32>
      %lt3A_2787 = arith.cmpi slt, %sub3A_2781, %lt3A_2786 : vector<16xi32>
      %and3A_2788 = arith.andi %ge3A_2784, %lt3A_2787 : vector<16xi1>
      tpu.vector_store_idx %arg6[%broadcast_in_dim3A_2752, %sub3A_2781, %add3A_2773], %broadcast_in_dim3A_460 masked %and3A_2788 : memref<2x200x256xf32, #tpu.memory_space<vmem>>[vector<16xi32>, vector<16xi32>, vector<16xi32>], vector<16xf32>, vector<16xi1>
      %add3A_2789 = arith.constant 32 : i32
      %add3A_2790 = vector.broadcast %add3A_2789 : i32 to vector<16xi32>
      %add3A_2791 = arith.addi %add3A_2790, %iota3A : vector<16xi32>
      %mul3A_2792 = arith.constant 256 : i32
      %mul3A_2793 = arith.muli %select_n3A_2732, %mul3A_2792 : i32
      %add3A_2794 = arith.constant 32 : i32
      %add3A_2795 = arith.addi %mul3A_2793, %add3A_2794 : i32
      %get3A_2796 = arith.index_cast %add3A_2795 : i32 to index
      %get3A_2797 = tpu.vector_load %arg5[%get3A_2796] {strides = array<i32>} : memref<6400xi32, #tpu.memory_space<vmem>>, vector<16xi32>,
      %sub3A_2798 = vector.broadcast %mul3A_2750 : i32 to vector<16xi32>
      %sub3A_2799 = arith.subi %get3A_2797, %sub3A_2798 : vector<16xi32>
      %ge3A_2800 = arith.constant 0 : i32
      %ge3A_2801 = vector.broadcast %ge3A_2800 : i32 to vector<16xi32>
      %ge3A_2802 = arith.cmpi sge, %sub3A_2799, %ge3A_2801 : vector<16xi32>
      %lt3A_2803 = arith.constant 200 : i32
      %lt3A_2804 = vector.broadcast %lt3A_2803 : i32 to vector<16xi32>
      %lt3A_2805 = arith.cmpi slt, %sub3A_2799, %lt3A_2804 : vector<16xi32>
      %and3A_2806 = arith.andi %ge3A_2802, %lt3A_2805 : vector<16xi1>
      tpu.vector_store_idx %arg6[%broadcast_in_dim3A_2752, %sub3A_2799, %add3A_2791], %broadcast_in_dim3A_460 masked %and3A_2806 : memref<2x200x256xf32, #tpu.memory_space<vmem>>[vector<16xi32>, vector<16xi32>, vector<16xi32>], vector<16xf32>, vector<16xi1>
      %add3A_2807 = arith.constant 48 : i32
      %add3A_2808 = vector.broadcast %add3A_2807 : i32 to vector<16xi32>
      %add3A_2809 = arith.addi %add3A_2808, %iota3A : vector<16xi32>
      %mul3A_2810 = arith.constant 256 : i32
      %mul3A_2811 = arith.muli %select_n3A_2732, %mul3A_2810 : i32
      %add3A_2812 = arith.constant 48 : i32
      %add3A_2813 = arith.addi %mul3A_2811, %add3A_2812 : i32
      %get3A_2814 = arith.index_cast %add3A_2813 : i32 to index
      %get3A_2815 = tpu.vector_load %arg5[%get3A_2814] {strides = array<i32>} : memref<6400xi32, #tpu.memory_space<vmem>>, vector<16xi32>,
      %sub3A_2816 = vector.broadcast %mul3A_2750 : i32 to vector<16xi32>
      %sub3A_2817 = arith.subi %get3A_2815, %sub3A_2816 : vector<16xi32>
      %ge3A_2818 = arith.constant 0 : i32
      %ge3A_2819 = vector.broadcast %ge3A_2818 : i32 to vector<16xi32>
      %ge3A_2820 = arith.cmpi sge, %sub3A_2817, %ge3A_2819 : vector<16xi32>
      %lt3A_2821 = arith.constant 200 : i32
      %lt3A_2822 = vector.broadcast %lt3A_2821 : i32 to vector<16xi32>
      %lt3A_2823 = arith.cmpi slt, %sub3A_2817, %lt3A_2822 : vector<16xi32>
      %and3A_2824 = arith.andi %ge3A_2820, %lt3A_2823 : vector<16xi1>
      tpu.vector_store_idx %arg6[%broadcast_in_dim3A_2752, %sub3A_2817, %add3A_2809], %broadcast_in_dim3A_460 masked %and3A_2824 : memref<2x200x256xf32, #tpu.memory_space<vmem>>[vector<16xi32>, vector<16xi32>, vector<16xi32>], vector<16xf32>, vector<16xi1>
      %add3A_2825 = arith.constant 64 : i32
      %add3A_2826 = vector.broadcast %add3A_2825 : i32 to vector<16xi32>
      %add3A_2827 = arith.addi %add3A_2826, %iota3A : vector<16xi32>
      %mul3A_2828 = arith.constant 256 : i32
      %mul3A_2829 = arith.muli %select_n3A_2732, %mul3A_2828 : i32
      %add3A_2830 = arith.constant 64 : i32
      %add3A_2831 = arith.addi %mul3A_2829, %add3A_2830 : i32
      %get3A_2832 = arith.index_cast %add3A_2831 : i32 to index
      %get3A_2833 = tpu.vector_load %arg5[%get3A_2832] {strides = array<i32>} : memref<6400xi32, #tpu.memory_space<vmem>>, vector<16xi32>,
      %sub3A_2834 = vector.broadcast %mul3A_2750 : i32 to vector<16xi32>
      %sub3A_2835 = arith.subi %get3A_2833, %sub3A_2834 : vector<16xi32>
      %ge3A_2836 = arith.constant 0 : i32
      %ge3A_2837 = vector.broadcast %ge3A_2836 : i32 to vector<16xi32>
      %ge3A_2838 = arith.cmpi sge, %sub3A_2835, %ge3A_2837 : vector<16xi32>
      %lt3A_2839 = arith.constant 200 : i32
      %lt3A_2840 = vector.broadcast %lt3A_2839 : i32 to vector<16xi32>
      %lt3A_2841 = arith.cmpi slt, %sub3A_2835, %lt3A_2840 : vector<16xi32>
      %and3A_2842 = arith.andi %ge3A_2838, %lt3A_2841 : vector<16xi1>
      tpu.vector_store_idx %arg6[%broadcast_in_dim3A_2752, %sub3A_2835, %add3A_2827], %broadcast_in_dim3A_460 masked %and3A_2842 : memref<2x200x256xf32, #tpu.memory_space<vmem>>[vector<16xi32>, vector<16xi32>, vector<16xi32>], vector<16xf32>, vector<16xi1>
      %add3A_2843 = arith.constant 80 : i32
      %add3A_2844 = vector.broadcast %add3A_2843 : i32 to vector<16xi32>
      %add3A_2845 = arith.addi %add3A_2844, %iota3A : vector<16xi32>
      %mul3A_2846 = arith.constant 256 : i32
      %mul3A_2847 = arith.muli %select_n3A_2732, %mul3A_2846 : i32
      %add3A_2848 = arith.constant 80 : i32
      %add3A_2849 = arith.addi %mul3A_2847, %add3A_2848 : i32
      %get3A_2850 = arith.index_cast %add3A_2849 : i32 to index
      %get3A_2851 = tpu.vector_load %arg5[%get3A_2850] {strides = array<i32>} : memref<6400xi32, #tpu.memory_space<vmem>>, vector<16xi32>,
      %sub3A_2852 = vector.broadcast %mul3A_2750 : i32 to vector<16xi32>
      %sub3A_2853 = arith.subi %get3A_2851, %sub3A_2852 : vector<16xi32>
      %ge3A_2854 = arith.constant 0 : i32
      %ge3A_2855 = vector.broadcast %ge3A_2854 : i32 to vector<16xi32>
      %ge3A_2856 = arith.cmpi sge, %sub3A_2853, %ge3A_2855 : vector<16xi32>
      %lt3A_2857 = arith.constant 200 : i32
      %lt3A_2858 = vector.broadcast %lt3A_2857 : i32 to vector<16xi32>
      %lt3A_2859 = arith.cmpi slt, %sub3A_2853, %lt3A_2858 : vector<16xi32>
      %and3A_2860 = arith.andi %ge3A_2856, %lt3A_2859 : vector<16xi1>
      tpu.vector_store_idx %arg6[%broadcast_in_dim3A_2752, %sub3A_2853, %add3A_2845], %broadcast_in_dim3A_460 masked %and3A_2860 : memref<2x200x256xf32, #tpu.memory_space<vmem>>[vector<16xi32>, vector<16xi32>, vector<16xi32>], vector<16xf32>, vector<16xi1>
      %add3A_2861 = arith.constant 96 : i32
      %add3A_2862 = vector.broadcast %add3A_2861 : i32 to vector<16xi32>
      %add3A_2863 = arith.addi %add3A_2862, %iota3A : vector<16xi32>
      %mul3A_2864 = arith.constant 256 : i32
      %mul3A_2865 = arith.muli %select_n3A_2732, %mul3A_2864 : i32
      %add3A_2866 = arith.constant 96 : i32
      %add3A_2867 = arith.addi %mul3A_2865, %add3A_2866 : i32
      %get3A_2868 = arith.index_cast %add3A_2867 : i32 to index
      %get3A_2869 = tpu.vector_load %arg5[%get3A_2868] {strides = array<i32>} : memref<6400xi32, #tpu.memory_space<vmem>>, vector<16xi32>,
      %sub3A_2870 = vector.broadcast %mul3A_2750 : i32 to vector<16xi32>
      %sub3A_2871 = arith.subi %get3A_2869, %sub3A_2870 : vector<16xi32>
      %ge3A_2872 = arith.constant 0 : i32
      %ge3A_2873 = vector.broadcast %ge3A_2872 : i32 to vector<16xi32>
      %ge3A_2874 = arith.cmpi sge, %sub3A_2871, %ge3A_2873 : vector<16xi32>
      %lt3A_2875 = arith.constant 200 : i32
      %lt3A_2876 = vector.broadcast %lt3A_2875 : i32 to vector<16xi32>
      %lt3A_2877 = arith.cmpi slt, %sub3A_2871, %lt3A_2876 : vector<16xi32>
      %and3A_2878 = arith.andi %ge3A_2874, %lt3A_2877 : vector<16xi1>
      tpu.vector_store_idx %arg6[%broadcast_in_dim3A_2752, %sub3A_2871, %add3A_2863], %broadcast_in_dim3A_460 masked %and3A_2878 : memref<2x200x256xf32, #tpu.memory_space<vmem>>[vector<16xi32>, vector<16xi32>, vector<16xi32>], vector<16xf32>, vector<16xi1>
      %add3A_2879 = arith.constant 112 : i32
      %add3A_2880 = vector.broadcast %add3A_2879 : i32 to vector<16xi32>
      %add3A_2881 = arith.addi %add3A_2880, %iota3A : vector<16xi32>
      %mul3A_2882 = arith.constant 256 : i32
      %mul3A_2883 = arith.muli %select_n3A_2732, %mul3A_2882 : i32
      %add3A_2884 = arith.constant 112 : i32
      %add3A_2885 = arith.addi %mul3A_2883, %add3A_2884 : i32
      %get3A_2886 = arith.index_cast %add3A_2885 : i32 to index
      %get3A_2887 = tpu.vector_load %arg5[%get3A_2886] {strides = array<i32>} : memref<6400xi32, #tpu.memory_space<vmem>>, vector<16xi32>,
      %sub3A_2888 = vector.broadcast %mul3A_2750 : i32 to vector<16xi32>
      %sub3A_2889 = arith.subi %get3A_2887, %sub3A_2888 : vector<16xi32>
      %ge3A_2890 = arith.constant 0 : i32
      %ge3A_2891 = vector.broadcast %ge3A_2890 : i32 to vector<16xi32>
      %ge3A_2892 = arith.cmpi sge, %sub3A_2889, %ge3A_2891 : vector<16xi32>
      %lt3A_2893 = arith.constant 200 : i32
      %lt3A_2894 = vector.broadcast %lt3A_2893 : i32 to vector<16xi32>
      %lt3A_2895 = arith.cmpi slt, %sub3A_2889, %lt3A_2894 : vector<16xi32>
      %and3A_2896 = arith.andi %ge3A_2892, %lt3A_2895 : vector<16xi1>
      tpu.vector_store_idx %arg6[%broadcast_in_dim3A_2752, %sub3A_2889, %add3A_2881], %broadcast_in_dim3A_460 masked %and3A_2896 : memref<2x200x256xf32, #tpu.memory_space<vmem>>[vector<16xi32>, vector<16xi32>, vector<16xi32>], vector<16xf32>, vector<16xi1>
      %add3A_2897 = arith.constant 128 : i32
      %add3A_2898 = vector.broadcast %add3A_2897 : i32 to vector<16xi32>
      %add3A_2899 = arith.addi %add3A_2898, %iota3A : vector<16xi32>
      %mul3A_2900 = arith.constant 256 : i32
      %mul3A_2901 = arith.muli %select_n3A_2732, %mul3A_2900 : i32
      %add3A_2902 = arith.constant 128 : i32
      %add3A_2903 = arith.addi %mul3A_2901, %add3A_2902 : i32
      %get3A_2904 = arith.index_cast %add3A_2903 : i32 to index
      %get3A_2905 = tpu.vector_load %arg5[%get3A_2904] {strides = array<i32>} : memref<6400xi32, #tpu.memory_space<vmem>>, vector<16xi32>,
      %sub3A_2906 = vector.broadcast %mul3A_2750 : i32 to vector<16xi32>
      %sub3A_2907 = arith.subi %get3A_2905, %sub3A_2906 : vector<16xi32>
      %ge3A_2908 = arith.constant 0 : i32
      %ge3A_2909 = vector.broadcast %ge3A_2908 : i32 to vector<16xi32>
      %ge3A_2910 = arith.cmpi sge, %sub3A_2907, %ge3A_2909 : vector<16xi32>
      %lt3A_2911 = arith.constant 200 : i32
      %lt3A_2912 = vector.broadcast %lt3A_2911 : i32 to vector<16xi32>
      %lt3A_2913 = arith.cmpi slt, %sub3A_2907, %lt3A_2912 : vector<16xi32>
      %and3A_2914 = arith.andi %ge3A_2910, %lt3A_2913 : vector<16xi1>
      tpu.vector_store_idx %arg6[%broadcast_in_dim3A_2752, %sub3A_2907, %add3A_2899], %broadcast_in_dim3A_460 masked %and3A_2914 : memref<2x200x256xf32, #tpu.memory_space<vmem>>[vector<16xi32>, vector<16xi32>, vector<16xi32>], vector<16xf32>, vector<16xi1>
      %add3A_2915 = arith.constant 144 : i32
      %add3A_2916 = vector.broadcast %add3A_2915 : i32 to vector<16xi32>
      %add3A_2917 = arith.addi %add3A_2916, %iota3A : vector<16xi32>
      %mul3A_2918 = arith.constant 256 : i32
      %mul3A_2919 = arith.muli %select_n3A_2732, %mul3A_2918 : i32
      %add3A_2920 = arith.constant 144 : i32
      %add3A_2921 = arith.addi %mul3A_2919, %add3A_2920 : i32
      %get3A_2922 = arith.index_cast %add3A_2921 : i32 to index
      %get3A_2923 = tpu.vector_load %arg5[%get3A_2922] {strides = array<i32>} : memref<6400xi32, #tpu.memory_space<vmem>>, vector<16xi32>,
      %sub3A_2924 = vector.broadcast %mul3A_2750 : i32 to vector<16xi32>
      %sub3A_2925 = arith.subi %get3A_2923, %sub3A_2924 : vector<16xi32>
      %ge3A_2926 = arith.constant 0 : i32
      %ge3A_2927 = vector.broadcast %ge3A_2926 : i32 to vector<16xi32>
      %ge3A_2928 = arith.cmpi sge, %sub3A_2925, %ge3A_2927 : vector<16xi32>
      %lt3A_2929 = arith.constant 200 : i32
      %lt3A_2930 = vector.broadcast %lt3A_2929 : i32 to vector<16xi32>
      %lt3A_2931 = arith.cmpi slt, %sub3A_2925, %lt3A_2930 : vector<16xi32>
      %and3A_2932 = arith.andi %ge3A_2928, %lt3A_2931 : vector<16xi1>
      tpu.vector_store_idx %arg6[%broadcast_in_dim3A_2752, %sub3A_2925, %add3A_2917], %broadcast_in_dim3A_460 masked %and3A_2932 : memref<2x200x256xf32, #tpu.memory_space<vmem>>[vector<16xi32>, vector<16xi32>, vector<16xi32>], vector<16xf32>, vector<16xi1>
      %add3A_2933 = arith.constant 160 : i32
      %add3A_2934 = vector.broadcast %add3A_2933 : i32 to vector<16xi32>
      %add3A_2935 = arith.addi %add3A_2934, %iota3A : vector<16xi32>
      %mul3A_2936 = arith.constant 256 : i32
      %mul3A_2937 = arith.muli %select_n3A_2732, %mul3A_2936 : i32
      %add3A_2938 = arith.constant 160 : i32
      %add3A_2939 = arith.addi %mul3A_2937, %add3A_2938 : i32
      %get3A_2940 = arith.index_cast %add3A_2939 : i32 to index
      %get3A_2941 = tpu.vector_load %arg5[%get3A_2940] {strides = array<i32>} : memref<6400xi32, #tpu.memory_space<vmem>>, vector<16xi32>,
      %sub3A_2942 = vector.broadcast %mul3A_2750 : i32 to vector<16xi32>
      %sub3A_2943 = arith.subi %get3A_2941, %sub3A_2942 : vector<16xi32>
      %ge3A_2944 = arith.constant 0 : i32
      %ge3A_2945 = vector.broadcast %ge3A_2944 : i32 to vector<16xi32>
      %ge3A_2946 = arith.cmpi sge, %sub3A_2943, %ge3A_2945 : vector<16xi32>
      %lt3A_2947 = arith.constant 200 : i32
      %lt3A_2948 = vector.broadcast %lt3A_2947 : i32 to vector<16xi32>
      %lt3A_2949 = arith.cmpi slt, %sub3A_2943, %lt3A_2948 : vector<16xi32>
      %and3A_2950 = arith.andi %ge3A_2946, %lt3A_2949 : vector<16xi1>
      tpu.vector_store_idx %arg6[%broadcast_in_dim3A_2752, %sub3A_2943, %add3A_2935], %broadcast_in_dim3A_460 masked %and3A_2950 : memref<2x200x256xf32, #tpu.memory_space<vmem>>[vector<16xi32>, vector<16xi32>, vector<16xi32>], vector<16xf32>, vector<16xi1>
      %add3A_2951 = arith.constant 176 : i32
      %add3A_2952 = vector.broadcast %add3A_2951 : i32 to vector<16xi32>
      %add3A_2953 = arith.addi %add3A_2952, %iota3A : vector<16xi32>
      %mul3A_2954 = arith.constant 256 : i32
      %mul3A_2955 = arith.muli %select_n3A_2732, %mul3A_2954 : i32
      %add3A_2956 = arith.constant 176 : i32
      %add3A_2957 = arith.addi %mul3A_2955, %add3A_2956 : i32
      %get3A_2958 = arith.index_cast %add3A_2957 : i32 to index
      %get3A_2959 = tpu.vector_load %arg5[%get3A_2958] {strides = array<i32>} : memref<6400xi32, #tpu.memory_space<vmem>>, vector<16xi32>,
      %sub3A_2960 = vector.broadcast %mul3A_2750 : i32 to vector<16xi32>
      %sub3A_2961 = arith.subi %get3A_2959, %sub3A_2960 : vector<16xi32>
      %ge3A_2962 = arith.constant 0 : i32
      %ge3A_2963 = vector.broadcast %ge3A_2962 : i32 to vector<16xi32>
      %ge3A_2964 = arith.cmpi sge, %sub3A_2961, %ge3A_2963 : vector<16xi32>
      %lt3A_2965 = arith.constant 200 : i32
      %lt3A_2966 = vector.broadcast %lt3A_2965 : i32 to vector<16xi32>
      %lt3A_2967 = arith.cmpi slt, %sub3A_2961, %lt3A_2966 : vector<16xi32>
      %and3A_2968 = arith.andi %ge3A_2964, %lt3A_2967 : vector<16xi1>
      tpu.vector_store_idx %arg6[%broadcast_in_dim3A_2752, %sub3A_2961, %add3A_2953], %broadcast_in_dim3A_460 masked %and3A_2968 : memref<2x200x256xf32, #tpu.memory_space<vmem>>[vector<16xi32>, vector<16xi32>, vector<16xi32>], vector<16xf32>, vector<16xi1>
      %add3A_2969 = arith.constant 192 : i32
      %add3A_2970 = vector.broadcast %add3A_2969 : i32 to vector<16xi32>
      %add3A_2971 = arith.addi %add3A_2970, %iota3A : vector<16xi32>
      %mul3A_2972 = arith.constant 256 : i32
      %mul3A_2973 = arith.muli %select_n3A_2732, %mul3A_2972 : i32
      %add3A_2974 = arith.constant 192 : i32
      %add3A_2975 = arith.addi %mul3A_2973, %add3A_2974 : i32
      %get3A_2976 = arith.index_cast %add3A_2975 : i32 to index
      %get3A_2977 = tpu.vector_load %arg5[%get3A_2976] {strides = array<i32>} : memref<6400xi32, #tpu.memory_space<vmem>>, vector<16xi32>,
      %sub3A_2978 = vector.broadcast %mul3A_2750 : i32 to vector<16xi32>
      %sub3A_2979 = arith.subi %get3A_2977, %sub3A_2978 : vector<16xi32>
      %ge3A_2980 = arith.constant 0 : i32
      %ge3A_2981 = vector.broadcast %ge3A_2980 : i32 to vector<16xi32>
      %ge3A_2982 = arith.cmpi sge, %sub3A_2979, %ge3A_2981 : vector<16xi32>
      %lt3A_2983 = arith.constant 200 : i32
      %lt3A_2984 = vector.broadcast %lt3A_2983 : i32 to vector<16xi32>
      %lt3A_2985 = arith.cmpi slt, %sub3A_2979, %lt3A_2984 : vector<16xi32>
      %and3A_2986 = arith.andi %ge3A_2982, %lt3A_2985 : vector<16xi1>
      tpu.vector_store_idx %arg6[%broadcast_in_dim3A_2752, %sub3A_2979, %add3A_2971], %broadcast_in_dim3A_460 masked %and3A_2986 : memref<2x200x256xf32, #tpu.memory_space<vmem>>[vector<16xi32>, vector<16xi32>, vector<16xi32>], vector<16xf32>, vector<16xi1>
      %add3A_2987 = arith.constant 208 : i32
      %add3A_2988 = vector.broadcast %add3A_2987 : i32 to vector<16xi32>
      %add3A_2989 = arith.addi %add3A_2988, %iota3A : vector<16xi32>
      %mul3A_2990 = arith.constant 256 : i32
      %mul3A_2991 = arith.muli %select_n3A_2732, %mul3A_2990 : i32
      %add3A_2992 = arith.constant 208 : i32
      %add3A_2993 = arith.addi %mul3A_2991, %add3A_2992 : i32
      %get3A_2994 = arith.index_cast %add3A_2993 : i32 to index
      %get3A_2995 = tpu.vector_load %arg5[%get3A_2994] {strides = array<i32>} : memref<6400xi32, #tpu.memory_space<vmem>>, vector<16xi32>,
      %sub3A_2996 = vector.broadcast %mul3A_2750 : i32 to vector<16xi32>
      %sub3A_2997 = arith.subi %get3A_2995, %sub3A_2996 : vector<16xi32>
      %ge3A_2998 = arith.constant 0 : i32
      %ge3A_2999 = vector.broadcast %ge3A_2998 : i32 to vector<16xi32>
      %ge3A_3000 = arith.cmpi sge, %sub3A_2997, %ge3A_2999 : vector<16xi32>
      %lt3A_3001 = arith.constant 200 : i32
      %lt3A_3002 = vector.broadcast %lt3A_3001 : i32 to vector<16xi32>
      %lt3A_3003 = arith.cmpi slt, %sub3A_2997, %lt3A_3002 : vector<16xi32>
      %and3A_3004 = arith.andi %ge3A_3000, %lt3A_3003 : vector<16xi1>
      tpu.vector_store_idx %arg6[%broadcast_in_dim3A_2752, %sub3A_2997, %add3A_2989], %broadcast_in_dim3A_460 masked %and3A_3004 : memref<2x200x256xf32, #tpu.memory_space<vmem>>[vector<16xi32>, vector<16xi32>, vector<16xi32>], vector<16xf32>, vector<16xi1>
      %add3A_3005 = arith.constant 224 : i32
      %add3A_3006 = vector.broadcast %add3A_3005 : i32 to vector<16xi32>
      %add3A_3007 = arith.addi %add3A_3006, %iota3A : vector<16xi32>
      %mul3A_3008 = arith.constant 256 : i32
      %mul3A_3009 = arith.muli %select_n3A_2732, %mul3A_3008 : i32
      %add3A_3010 = arith.constant 224 : i32
      %add3A_3011 = arith.addi %mul3A_3009, %add3A_3010 : i32
      %get3A_3012 = arith.index_cast %add3A_3011 : i32 to index
      %get3A_3013 = tpu.vector_load %arg5[%get3A_3012] {strides = array<i32>} : memref<6400xi32, #tpu.memory_space<vmem>>, vector<16xi32>,
      %sub3A_3014 = vector.broadcast %mul3A_2750 : i32 to vector<16xi32>
      %sub3A_3015 = arith.subi %get3A_3013, %sub3A_3014 : vector<16xi32>
      %ge3A_3016 = arith.constant 0 : i32
      %ge3A_3017 = vector.broadcast %ge3A_3016 : i32 to vector<16xi32>
      %ge3A_3018 = arith.cmpi sge, %sub3A_3015, %ge3A_3017 : vector<16xi32>
      %lt3A_3019 = arith.constant 200 : i32
      %lt3A_3020 = vector.broadcast %lt3A_3019 : i32 to vector<16xi32>
      %lt3A_3021 = arith.cmpi slt, %sub3A_3015, %lt3A_3020 : vector<16xi32>
      %and3A_3022 = arith.andi %ge3A_3018, %lt3A_3021 : vector<16xi1>
      tpu.vector_store_idx %arg6[%broadcast_in_dim3A_2752, %sub3A_3015, %add3A_3007], %broadcast_in_dim3A_460 masked %and3A_3022 : memref<2x200x256xf32, #tpu.memory_space<vmem>>[vector<16xi32>, vector<16xi32>, vector<16xi32>], vector<16xf32>, vector<16xi1>
      %add3A_3023 = arith.constant 240 : i32
      %add3A_3024 = vector.broadcast %add3A_3023 : i32 to vector<16xi32>
      %add3A_3025 = arith.addi %add3A_3024, %iota3A : vector<16xi32>
      %mul3A_3026 = arith.constant 256 : i32
      %mul3A_3027 = arith.muli %select_n3A_2732, %mul3A_3026 : i32
      %add3A_3028 = arith.constant 240 : i32
      %add3A_3029 = arith.addi %mul3A_3027, %add3A_3028 : i32
      %get3A_3030 = arith.index_cast %add3A_3029 : i32 to index
      %get3A_3031 = tpu.vector_load %arg5[%get3A_3030] {strides = array<i32>} : memref<6400xi32, #tpu.memory_space<vmem>>, vector<16xi32>,
      %sub3A_3032 = vector.broadcast %mul3A_2750 : i32 to vector<16xi32>
      %sub3A_3033 = arith.subi %get3A_3031, %sub3A_3032 : vector<16xi32>
      %ge3A_3034 = arith.constant 0 : i32
      %ge3A_3035 = vector.broadcast %ge3A_3034 : i32 to vector<16xi32>
      %ge3A_3036 = arith.cmpi sge, %sub3A_3033, %ge3A_3035 : vector<16xi32>
      %lt3A_3037 = arith.constant 200 : i32
      %lt3A_3038 = vector.broadcast %lt3A_3037 : i32 to vector<16xi32>
      %lt3A_3039 = arith.cmpi slt, %sub3A_3033, %lt3A_3038 : vector<16xi32>
      %and3A_3040 = arith.andi %ge3A_3036, %lt3A_3039 : vector<16xi1>
      tpu.vector_store_idx %arg6[%broadcast_in_dim3A_2752, %sub3A_3033, %add3A_3025], %broadcast_in_dim3A_460 masked %and3A_3040 : memref<2x200x256xf32, #tpu.memory_space<vmem>>[vector<16xi32>, vector<16xi32>, vector<16xi32>], vector<16xf32>, vector<16xi1>
      %jit3A_3041 = arith.constant 5 : i32
      %div3A_3042 = arith.divsi %add3A_2318, %jit3A_3041 : i32
      %sign3A_3043 = arith.constant 0 : i32
      %sign3A_3044 = arith.cmpi sgt, %add3A_2318, %sign3A_3043 : i32
      %sign3A_3045 = arith.extui %sign3A_3044 : i1 to i32
      %sign3A_3046 = arith.constant 0 : i32
      %sign3A_3047 = arith.cmpi slt, %add3A_2318, %sign3A_3046 : i32
      %sign3A_3048 = arith.extui %sign3A_3047 : i1 to i32
      %sign3A_3049 = arith.subi %sign3A_3045, %sign3A_3048 : i32
      %sign3A_3050 = arith.constant 0 : i32
      %sign3A_3051 = arith.cmpi sgt, %jit3A_3041, %sign3A_3050 : i32
      %sign3A_3052 = arith.extui %sign3A_3051 : i1 to i32
      %sign3A_3053 = arith.constant 0 : i32
      %sign3A_3054 = arith.cmpi slt, %jit3A_3041, %sign3A_3053 : i32
      %sign3A_3055 = arith.extui %sign3A_3054 : i1 to i32
      %sign3A_3056 = arith.subi %sign3A_3052, %sign3A_3055 : i32
      %ne3A_3057 = arith.cmpi ne, %sign3A_3049, %sign3A_3056 : i32
      %rem3A_3058 = arith.remsi %add3A_2318, %jit3A_3041 : i32
      %ne3A_3059 = arith.constant 0 : i32
      %ne3A_3060 = arith.cmpi ne, %rem3A_3058, %ne3A_3059 : i32
      %and3A_3061 = arith.andi %ne3A_3057, %ne3A_3060 : i1
      %sub3A_3062 = arith.constant 1 : i32
      %sub3A_3063 = arith.subi %div3A_3042, %sub3A_3062 : i32
      %select_n3A_3064 = arith.select %and3A_3061, %sub3A_3063, %div3A_3042 : i32
      %add3A_3065 = arith.addi %mul3A_34, %select_n3A_3064 : i32
      %jit3A_3066 = arith.constant 5 : i32
      %eq3A_3067 = arith.constant 0 : i32
      %eq3A_3068 = arith.cmpi eq, %jit3A_3066, %eq3A_3067 : i32
      %jit3A_3069 = arith.constant 1 : i32
      %select_n3A_3070 = arith.select %eq3A_3068, %jit3A_3069, %jit3A_3066 : i32
      %rem3A_3071 = arith.remsi %add3A_2318, %select_n3A_3070 : i32
      %ne3A_3072 = arith.constant 0 : i32
      %ne3A_3073 = arith.cmpi ne, %rem3A_3071, %ne3A_3072 : i32
      %lt3A_3074 = arith.constant 0 : i32
      %lt3A_3075 = arith.cmpi slt, %rem3A_3071, %lt3A_3074 : i32
      %lt3A_3076 = arith.constant 0 : i32
      %lt3A_3077 = arith.cmpi slt, %select_n3A_3070, %lt3A_3076 : i32
      %ne3A_3078 = arith.xori %lt3A_3075, %lt3A_3077 : i1
      %and3A_3079 = arith.andi %ne3A_3078, %ne3A_3073 : i1
      %add3A_3080 = arith.addi %rem3A_3071, %select_n3A_3070 : i32
      %select_n3A_3081 = arith.select %and3A_3079, %add3A_3080, %rem3A_3071 : i32
      %mul3A_3082 = arith.constant 200 : i32
      %mul3A_3083 = arith.muli %select_n3A_3081, %mul3A_3082 : i32
      %dma_start3A_3084 = arith.constant 1 : i32
      %dma_start3A_3085 = arith.constant 0 : i32
      %dma_start3A_3086 = arith.constant 0 : i32
      %dma_start3A_3087 = tpu.memref_slice %arg6[%dma_start3A_3084, %dma_start3A_3085, %dma_start3A_3086] : memref<2x200x256xf32, #tpu.memory_space<vmem>> -> memref<1x200x256xf32, #tpu.memory_space<vmem>>
      %dma_start3A_3088 = tpu.memref_squeeze %dma_start3A_3087 : memref<1x200x256xf32, #tpu.memory_space<vmem>> -> memref<200x256xf32, #tpu.memory_space<vmem>>
      %dma_start3A_3089 = tpu.memref_slice %arg4[%add3A_3065, %mul3A_3083, %mul3A_11] : memref<50x1000x4096xf32, #tpu.memory_space<hbm>> -> memref<1x200x256xf32, #tpu.memory_space<hbm>>
      %dma_start3A_3090 = tpu.memref_squeeze %dma_start3A_3089 : memref<1x200x256xf32, #tpu.memory_space<hbm>> -> memref<200x256xf32, #tpu.memory_space<hbm>>
      %dma_start3A_3091 = tpu.memref_slice %arg4[%add3A_3065, %mul3A_3083, %mul3A_11] : memref<50x1000x4096xf32, #tpu.memory_space<hbm>> -> memref<1x200x256xf32, #tpu.memory_space<hbm>>
      %dma_start3A_3092 = tpu.memref_squeeze %dma_start3A_3091 : memref<1x200x256xf32, #tpu.memory_space<hbm>> -> memref<200x256xf32, #tpu.memory_space<hbm>>
      %dma_start3A_3093 = arith.constant 0 : i32
      %dma_start3A_3094 = arith.constant 0 : i32
      %dma_start3A_3095 = tpu.memref_slice %arg6[%dma_start3A_3084, %dma_start3A_3093, %dma_start3A_3094] : memref<2x200x256xf32, #tpu.memory_space<vmem>> -> memref<1x200x256xf32, #tpu.memory_space<vmem>>
      %dma_start3A_3096 = tpu.memref_squeeze %dma_start3A_3095 : memref<1x200x256xf32, #tpu.memory_space<vmem>> -> memref<200x256xf32, #tpu.memory_space<vmem>>
      tpu.enqueue_dma source(%dma_start3A_3096 : memref<200x256xf32, #tpu.memory_space<vmem>>) target(%dma_start3A_3092 : memref<200x256xf32, #tpu.memory_space<hbm>>) target_semaphore(%arg8 : memref<!tpu.dma_semaphore, #tpu.memory_space<semaphore_mem>>)
    }
    %scan3A_981 = arith.constant 61 : i32
    %add3A_982 = arith.constant 24 : i32
    %add3A_983 = arith.addi %mul3A_34, %add3A_982 : i32
    %dma_wait3A_984 = arith.constant 0 : i32
    %dma_wait3A_985 = arith.constant 0 : i32
    %dma_wait3A_986 = arith.constant 0 : i32
    %dma_wait3A_987 = tpu.memref_slice %arg6[%dma_wait3A_984, %dma_wait3A_985, %dma_wait3A_986] : memref<2x200x256xf32, #tpu.memory_space<vmem>> -> memref<1x200x256xf32, #tpu.memory_space<vmem>>
    %dma_wait3A_988 = tpu.memref_squeeze %dma_wait3A_987 : memref<1x200x256xf32, #tpu.memory_space<vmem>> -> memref<200x256xf32, #tpu.memory_space<vmem>>
    %dma_wait3A_989 = arith.constant 400 : i32
    %dma_wait3A_990 = tpu.memref_slice %arg4[%add3A_983, %dma_wait3A_989, %mul3A_11] : memref<50x1000x4096xf32, #tpu.memory_space<hbm>> -> memref<1x200x256xf32, #tpu.memory_space<hbm>>
    %dma_wait3A_991 = tpu.memref_squeeze %dma_wait3A_990 : memref<1x200x256xf32, #tpu.memory_space<hbm>> -> memref<200x256xf32, #tpu.memory_space<hbm>>
    %dma_wait3A_992 = arith.constant 400 : i32
    %dma_wait3A_993 = tpu.memref_slice %arg4[%add3A_983, %dma_wait3A_992, %mul3A_11] : memref<50x1000x4096xf32, #tpu.memory_space<hbm>> -> memref<1x200x256xf32, #tpu.memory_space<hbm>>
    %dma_wait3A_994 = tpu.memref_squeeze %dma_wait3A_993 : memref<1x200x256xf32, #tpu.memory_space<hbm>> -> memref<200x256xf32, #tpu.memory_space<hbm>>
    %dma_wait3A_995 = arith.constant 0 : i32
    %dma_wait3A_996 = arith.constant 0 : i32
    %dma_wait3A_997 = tpu.memref_slice %arg6[%dma_wait3A_984, %dma_wait3A_995, %dma_wait3A_996] : memref<2x200x256xf32, #tpu.memory_space<vmem>> -> memref<1x200x256xf32, #tpu.memory_space<vmem>>
    %dma_wait3A_998 = tpu.memref_squeeze %dma_wait3A_997 : memref<1x200x256xf32, #tpu.memory_space<vmem>> -> memref<200x256xf32, #tpu.memory_space<vmem>>
    tpu.wait_dma2 semaphore(%arg7 : memref<!tpu.dma_semaphore, #tpu.memory_space<semaphore_mem>>) src(%dma_wait3A_998 : memref<200x256xf32, #tpu.memory_space<vmem>>) dst(%dma_wait3A_994 : memref<200x256xf32, #tpu.memory_space<hbm>>)
    %broadcast_in_dim3A_999 = arith.constant 0 : i32
    %broadcast_in_dim3A_1000 = vector.broadcast %broadcast_in_dim3A_999 : i32 to vector<16xi32>
    %add3A_1001 = arith.constant 0 : i32
    %add3A_1002 = vector.broadcast %add3A_1001 : i32 to vector<16xi32>
    %add3A_1003 = arith.addi %add3A_1002, %iota3A : vector<16xi32>
    %get3A_1004 = arith.constant 6144 : index
    %get3A_1005 = tpu.vector_load %arg5[%get3A_1004] {strides = array<i32>} : memref<6400xi32, #tpu.memory_space<vmem>>, vector<16xi32>,
    %sub3A_1006 = arith.constant 400 : i32
    %sub3A_1007 = vector.broadcast %sub3A_1006 : i32 to vector<16xi32>
    %sub3A_1008 = arith.subi %get3A_1005, %sub3A_1007 : vector<16xi32>
    %ge3A_1009 = arith.constant 0 : i32
    %ge3A_1010 = vector.broadcast %ge3A_1009 : i32 to vector<16xi32>
    %ge3A_1011 = arith.cmpi sge, %sub3A_1008, %ge3A_1010 : vector<16xi32>
    %lt3A_1012 = arith.constant 200 : i32
    %lt3A_1013 = vector.broadcast %lt3A_1012 : i32 to vector<16xi32>
    %lt3A_1014 = arith.cmpi slt, %sub3A_1008, %lt3A_1013 : vector<16xi32>
    %and3A_1015 = arith.andi %ge3A_1011, %lt3A_1014 : vector<16xi1>
    tpu.vector_store_idx %arg6[%broadcast_in_dim3A_1000, %sub3A_1008, %add3A_1003], %broadcast_in_dim3A_458 masked %and3A_1015 : memref<2x200x256xf32, #tpu.memory_space<vmem>>[vector<16xi32>, vector<16xi32>, vector<16xi32>], vector<16xf32>, vector<16xi1>
    %add3A_1016 = arith.constant 16 : i32
    %add3A_1017 = vector.broadcast %add3A_1016 : i32 to vector<16xi32>
    %add3A_1018 = arith.addi %add3A_1017, %iota3A : vector<16xi32>
    %get3A_1019 = arith.constant 6160 : index
    %get3A_1020 = tpu.vector_load %arg5[%get3A_1019] {strides = array<i32>} : memref<6400xi32, #tpu.memory_space<vmem>>, vector<16xi32>,
    %sub3A_1021 = arith.constant 400 : i32
    %sub3A_1022 = vector.broadcast %sub3A_1021 : i32 to vector<16xi32>
    %sub3A_1023 = arith.subi %get3A_1020, %sub3A_1022 : vector<16xi32>
    %ge3A_1024 = arith.constant 0 : i32
    %ge3A_1025 = vector.broadcast %ge3A_1024 : i32 to vector<16xi32>
    %ge3A_1026 = arith.cmpi sge, %sub3A_1023, %ge3A_1025 : vector<16xi32>
    %lt3A_1027 = arith.constant 200 : i32
    %lt3A_1028 = vector.broadcast %lt3A_1027 : i32 to vector<16xi32>
    %lt3A_1029 = arith.cmpi slt, %sub3A_1023, %lt3A_1028 : vector<16xi32>
    %and3A_1030 = arith.andi %ge3A_1026, %lt3A_1029 : vector<16xi1>
    tpu.vector_store_idx %arg6[%broadcast_in_dim3A_1000, %sub3A_1023, %add3A_1018], %broadcast_in_dim3A_458 masked %and3A_1030 : memref<2x200x256xf32, #tpu.memory_space<vmem>>[vector<16xi32>, vector<16xi32>, vector<16xi32>], vector<16xf32>, vector<16xi1>
    %add3A_1031 = arith.constant 32 : i32
    %add3A_1032 = vector.broadcast %add3A_1031 : i32 to vector<16xi32>
    %add3A_1033 = arith.addi %add3A_1032, %iota3A : vector<16xi32>
    %get3A_1034 = arith.constant 6176 : index
    %get3A_1035 = tpu.vector_load %arg5[%get3A_1034] {strides = array<i32>} : memref<6400xi32, #tpu.memory_space<vmem>>, vector<16xi32>,
    %sub3A_1036 = arith.constant 400 : i32
    %sub3A_1037 = vector.broadcast %sub3A_1036 : i32 to vector<16xi32>
    %sub3A_1038 = arith.subi %get3A_1035, %sub3A_1037 : vector<16xi32>
    %ge3A_1039 = arith.constant 0 : i32
    %ge3A_1040 = vector.broadcast %ge3A_1039 : i32 to vector<16xi32>
    %ge3A_1041 = arith.cmpi sge, %sub3A_1038, %ge3A_1040 : vector<16xi32>
    %lt3A_1042 = arith.constant 200 : i32
    %lt3A_1043 = vector.broadcast %lt3A_1042 : i32 to vector<16xi32>
    %lt3A_1044 = arith.cmpi slt, %sub3A_1038, %lt3A_1043 : vector<16xi32>
    %and3A_1045 = arith.andi %ge3A_1041, %lt3A_1044 : vector<16xi1>
    tpu.vector_store_idx %arg6[%broadcast_in_dim3A_1000, %sub3A_1038, %add3A_1033], %broadcast_in_dim3A_458 masked %and3A_1045 : memref<2x200x256xf32, #tpu.memory_space<vmem>>[vector<16xi32>, vector<16xi32>, vector<16xi32>], vector<16xf32>, vector<16xi1>
    %add3A_1046 = arith.constant 48 : i32
    %add3A_1047 = vector.broadcast %add3A_1046 : i32 to vector<16xi32>
    %add3A_1048 = arith.addi %add3A_1047, %iota3A : vector<16xi32>
    %get3A_1049 = arith.constant 6192 : index
    %get3A_1050 = tpu.vector_load %arg5[%get3A_1049] {strides = array<i32>} : memref<6400xi32, #tpu.memory_space<vmem>>, vector<16xi32>,
    %sub3A_1051 = arith.constant 400 : i32
    %sub3A_1052 = vector.broadcast %sub3A_1051 : i32 to vector<16xi32>
    %sub3A_1053 = arith.subi %get3A_1050, %sub3A_1052 : vector<16xi32>
    %ge3A_1054 = arith.constant 0 : i32
    %ge3A_1055 = vector.broadcast %ge3A_1054 : i32 to vector<16xi32>
    %ge3A_1056 = arith.cmpi sge, %sub3A_1053, %ge3A_1055 : vector<16xi32>
    %lt3A_1057 = arith.constant 200 : i32
    %lt3A_1058 = vector.broadcast %lt3A_1057 : i32 to vector<16xi32>
    %lt3A_1059 = arith.cmpi slt, %sub3A_1053, %lt3A_1058 : vector<16xi32>
    %and3A_1060 = arith.andi %ge3A_1056, %lt3A_1059 : vector<16xi1>
    tpu.vector_store_idx %arg6[%broadcast_in_dim3A_1000, %sub3A_1053, %add3A_1048], %broadcast_in_dim3A_458 masked %and3A_1060 : memref<2x200x256xf32, #tpu.memory_space<vmem>>[vector<16xi32>, vector<16xi32>, vector<16xi32>], vector<16xf32>, vector<16xi1>
    %add3A_1061 = arith.constant 64 : i32
    %add3A_1062 = vector.broadcast %add3A_1061 : i32 to vector<16xi32>
    %add3A_1063 = arith.addi %add3A_1062, %iota3A : vector<16xi32>
    %get3A_1064 = arith.constant 6208 : index
    %get3A_1065 = tpu.vector_load %arg5[%get3A_1064] {strides = array<i32>} : memref<6400xi32, #tpu.memory_space<vmem>>, vector<16xi32>,
    %sub3A_1066 = arith.constant 400 : i32
    %sub3A_1067 = vector.broadcast %sub3A_1066 : i32 to vector<16xi32>
    %sub3A_1068 = arith.subi %get3A_1065, %sub3A_1067 : vector<16xi32>
    %ge3A_1069 = arith.constant 0 : i32
    %ge3A_1070 = vector.broadcast %ge3A_1069 : i32 to vector<16xi32>
    %ge3A_1071 = arith.cmpi sge, %sub3A_1068, %ge3A_1070 : vector<16xi32>
    %lt3A_1072 = arith.constant 200 : i32
    %lt3A_1073 = vector.broadcast %lt3A_1072 : i32 to vector<16xi32>
    %lt3A_1074 = arith.cmpi slt, %sub3A_1068, %lt3A_1073 : vector<16xi32>
    %and3A_1075 = arith.andi %ge3A_1071, %lt3A_1074 : vector<16xi1>
    tpu.vector_store_idx %arg6[%broadcast_in_dim3A_1000, %sub3A_1068, %add3A_1063], %broadcast_in_dim3A_458 masked %and3A_1075 : memref<2x200x256xf32, #tpu.memory_space<vmem>>[vector<16xi32>, vector<16xi32>, vector<16xi32>], vector<16xf32>, vector<16xi1>
    %add3A_1076 = arith.constant 80 : i32
    %add3A_1077 = vector.broadcast %add3A_1076 : i32 to vector<16xi32>
    %add3A_1078 = arith.addi %add3A_1077, %iota3A : vector<16xi32>
    %get3A_1079 = arith.constant 6224 : index
    %get3A_1080 = tpu.vector_load %arg5[%get3A_1079] {strides = array<i32>} : memref<6400xi32, #tpu.memory_space<vmem>>, vector<16xi32>,
    %sub3A_1081 = arith.constant 400 : i32
    %sub3A_1082 = vector.broadcast %sub3A_1081 : i32 to vector<16xi32>
    %sub3A_1083 = arith.subi %get3A_1080, %sub3A_1082 : vector<16xi32>
    %ge3A_1084 = arith.constant 0 : i32
    %ge3A_1085 = vector.broadcast %ge3A_1084 : i32 to vector<16xi32>
    %ge3A_1086 = arith.cmpi sge, %sub3A_1083, %ge3A_1085 : vector<16xi32>
    %lt3A_1087 = arith.constant 200 : i32
    %lt3A_1088 = vector.broadcast %lt3A_1087 : i32 to vector<16xi32>
    %lt3A_1089 = arith.cmpi slt, %sub3A_1083, %lt3A_1088 : vector<16xi32>
    %and3A_1090 = arith.andi %ge3A_1086, %lt3A_1089 : vector<16xi1>
    tpu.vector_store_idx %arg6[%broadcast_in_dim3A_1000, %sub3A_1083, %add3A_1078], %broadcast_in_dim3A_458 masked %and3A_1090 : memref<2x200x256xf32, #tpu.memory_space<vmem>>[vector<16xi32>, vector<16xi32>, vector<16xi32>], vector<16xf32>, vector<16xi1>
    %add3A_1091 = arith.constant 96 : i32
    %add3A_1092 = vector.broadcast %add3A_1091 : i32 to vector<16xi32>
    %add3A_1093 = arith.addi %add3A_1092, %iota3A : vector<16xi32>
    %get3A_1094 = arith.constant 6240 : index
    %get3A_1095 = tpu.vector_load %arg5[%get3A_1094] {strides = array<i32>} : memref<6400xi32, #tpu.memory_space<vmem>>, vector<16xi32>,
    %sub3A_1096 = arith.constant 400 : i32
    %sub3A_1097 = vector.broadcast %sub3A_1096 : i32 to vector<16xi32>
    %sub3A_1098 = arith.subi %get3A_1095, %sub3A_1097 : vector<16xi32>
    %ge3A_1099 = arith.constant 0 : i32
    %ge3A_1100 = vector.broadcast %ge3A_1099 : i32 to vector<16xi32>
    %ge3A_1101 = arith.cmpi sge, %sub3A_1098, %ge3A_1100 : vector<16xi32>
    %lt3A_1102 = arith.constant 200 : i32
    %lt3A_1103 = vector.broadcast %lt3A_1102 : i32 to vector<16xi32>
    %lt3A_1104 = arith.cmpi slt, %sub3A_1098, %lt3A_1103 : vector<16xi32>
    %and3A_1105 = arith.andi %ge3A_1101, %lt3A_1104 : vector<16xi1>
    tpu.vector_store_idx %arg6[%broadcast_in_dim3A_1000, %sub3A_1098, %add3A_1093], %broadcast_in_dim3A_458 masked %and3A_1105 : memref<2x200x256xf32, #tpu.memory_space<vmem>>[vector<16xi32>, vector<16xi32>, vector<16xi32>], vector<16xf32>, vector<16xi1>
    %add3A_1106 = arith.constant 112 : i32
    %add3A_1107 = vector.broadcast %add3A_1106 : i32 to vector<16xi32>
    %add3A_1108 = arith.addi %add3A_1107, %iota3A : vector<16xi32>
    %get3A_1109 = arith.constant 6256 : index
    %get3A_1110 = tpu.vector_load %arg5[%get3A_1109] {strides = array<i32>} : memref<6400xi32, #tpu.memory_space<vmem>>, vector<16xi32>,
    %sub3A_1111 = arith.constant 400 : i32
    %sub3A_1112 = vector.broadcast %sub3A_1111 : i32 to vector<16xi32>
    %sub3A_1113 = arith.subi %get3A_1110, %sub3A_1112 : vector<16xi32>
    %ge3A_1114 = arith.constant 0 : i32
    %ge3A_1115 = vector.broadcast %ge3A_1114 : i32 to vector<16xi32>
    %ge3A_1116 = arith.cmpi sge, %sub3A_1113, %ge3A_1115 : vector<16xi32>
    %lt3A_1117 = arith.constant 200 : i32
    %lt3A_1118 = vector.broadcast %lt3A_1117 : i32 to vector<16xi32>
    %lt3A_1119 = arith.cmpi slt, %sub3A_1113, %lt3A_1118 : vector<16xi32>
    %and3A_1120 = arith.andi %ge3A_1116, %lt3A_1119 : vector<16xi1>
    tpu.vector_store_idx %arg6[%broadcast_in_dim3A_1000, %sub3A_1113, %add3A_1108], %broadcast_in_dim3A_458 masked %and3A_1120 : memref<2x200x256xf32, #tpu.memory_space<vmem>>[vector<16xi32>, vector<16xi32>, vector<16xi32>], vector<16xf32>, vector<16xi1>
    %add3A_1121 = arith.constant 128 : i32
    %add3A_1122 = vector.broadcast %add3A_1121 : i32 to vector<16xi32>
    %add3A_1123 = arith.addi %add3A_1122, %iota3A : vector<16xi32>
    %get3A_1124 = arith.constant 6272 : index
    %get3A_1125 = tpu.vector_load %arg5[%get3A_1124] {strides = array<i32>} : memref<6400xi32, #tpu.memory_space<vmem>>, vector<16xi32>,
    %sub3A_1126 = arith.constant 400 : i32
    %sub3A_1127 = vector.broadcast %sub3A_1126 : i32 to vector<16xi32>
    %sub3A_1128 = arith.subi %get3A_1125, %sub3A_1127 : vector<16xi32>
    %ge3A_1129 = arith.constant 0 : i32
    %ge3A_1130 = vector.broadcast %ge3A_1129 : i32 to vector<16xi32>
    %ge3A_1131 = arith.cmpi sge, %sub3A_1128, %ge3A_1130 : vector<16xi32>
    %lt3A_1132 = arith.constant 200 : i32
    %lt3A_1133 = vector.broadcast %lt3A_1132 : i32 to vector<16xi32>
    %lt3A_1134 = arith.cmpi slt, %sub3A_1128, %lt3A_1133 : vector<16xi32>
    %and3A_1135 = arith.andi %ge3A_1131, %lt3A_1134 : vector<16xi1>
    tpu.vector_store_idx %arg6[%broadcast_in_dim3A_1000, %sub3A_1128, %add3A_1123], %broadcast_in_dim3A_458 masked %and3A_1135 : memref<2x200x256xf32, #tpu.memory_space<vmem>>[vector<16xi32>, vector<16xi32>, vector<16xi32>], vector<16xf32>, vector<16xi1>
    %add3A_1136 = arith.constant 144 : i32
    %add3A_1137 = vector.broadcast %add3A_1136 : i32 to vector<16xi32>
    %add3A_1138 = arith.addi %add3A_1137, %iota3A : vector<16xi32>
    %get3A_1139 = arith.constant 6288 : index
    %get3A_1140 = tpu.vector_load %arg5[%get3A_1139] {strides = array<i32>} : memref<6400xi32, #tpu.memory_space<vmem>>, vector<16xi32>,
    %sub3A_1141 = arith.constant 400 : i32
    %sub3A_1142 = vector.broadcast %sub3A_1141 : i32 to vector<16xi32>
    %sub3A_1143 = arith.subi %get3A_1140, %sub3A_1142 : vector<16xi32>
    %ge3A_1144 = arith.constant 0 : i32
    %ge3A_1145 = vector.broadcast %ge3A_1144 : i32 to vector<16xi32>
    %ge3A_1146 = arith.cmpi sge, %sub3A_1143, %ge3A_1145 : vector<16xi32>
    %lt3A_1147 = arith.constant 200 : i32
    %lt3A_1148 = vector.broadcast %lt3A_1147 : i32 to vector<16xi32>
    %lt3A_1149 = arith.cmpi slt, %sub3A_1143, %lt3A_1148 : vector<16xi32>
    %and3A_1150 = arith.andi %ge3A_1146, %lt3A_1149 : vector<16xi1>
    tpu.vector_store_idx %arg6[%broadcast_in_dim3A_1000, %sub3A_1143, %add3A_1138], %broadcast_in_dim3A_458 masked %and3A_1150 : memref<2x200x256xf32, #tpu.memory_space<vmem>>[vector<16xi32>, vector<16xi32>, vector<16xi32>], vector<16xf32>, vector<16xi1>
    %add3A_1151 = arith.constant 160 : i32
    %add3A_1152 = vector.broadcast %add3A_1151 : i32 to vector<16xi32>
    %add3A_1153 = arith.addi %add3A_1152, %iota3A : vector<16xi32>
    %get3A_1154 = arith.constant 6304 : index
    %get3A_1155 = tpu.vector_load %arg5[%get3A_1154] {strides = array<i32>} : memref<6400xi32, #tpu.memory_space<vmem>>, vector<16xi32>,
    %sub3A_1156 = arith.constant 400 : i32
    %sub3A_1157 = vector.broadcast %sub3A_1156 : i32 to vector<16xi32>
    %sub3A_1158 = arith.subi %get3A_1155, %sub3A_1157 : vector<16xi32>
    %ge3A_1159 = arith.constant 0 : i32
    %ge3A_1160 = vector.broadcast %ge3A_1159 : i32 to vector<16xi32>
    %ge3A_1161 = arith.cmpi sge, %sub3A_1158, %ge3A_1160 : vector<16xi32>
    %lt3A_1162 = arith.constant 200 : i32
    %lt3A_1163 = vector.broadcast %lt3A_1162 : i32 to vector<16xi32>
    %lt3A_1164 = arith.cmpi slt, %sub3A_1158, %lt3A_1163 : vector<16xi32>
    %and3A_1165 = arith.andi %ge3A_1161, %lt3A_1164 : vector<16xi1>
    tpu.vector_store_idx %arg6[%broadcast_in_dim3A_1000, %sub3A_1158, %add3A_1153], %broadcast_in_dim3A_458 masked %and3A_1165 : memref<2x200x256xf32, #tpu.memory_space<vmem>>[vector<16xi32>, vector<16xi32>, vector<16xi32>], vector<16xf32>, vector<16xi1>
    %add3A_1166 = arith.constant 176 : i32
    %add3A_1167 = vector.broadcast %add3A_1166 : i32 to vector<16xi32>
    %add3A_1168 = arith.addi %add3A_1167, %iota3A : vector<16xi32>
    %get3A_1169 = arith.constant 6320 : index
    %get3A_1170 = tpu.vector_load %arg5[%get3A_1169] {strides = array<i32>} : memref<6400xi32, #tpu.memory_space<vmem>>, vector<16xi32>,
    %sub3A_1171 = arith.constant 400 : i32
    %sub3A_1172 = vector.broadcast %sub3A_1171 : i32 to vector<16xi32>
    %sub3A_1173 = arith.subi %get3A_1170, %sub3A_1172 : vector<16xi32>
    %ge3A_1174 = arith.constant 0 : i32
    %ge3A_1175 = vector.broadcast %ge3A_1174 : i32 to vector<16xi32>
    %ge3A_1176 = arith.cmpi sge, %sub3A_1173, %ge3A_1175 : vector<16xi32>
    %lt3A_1177 = arith.constant 200 : i32
    %lt3A_1178 = vector.broadcast %lt3A_1177 : i32 to vector<16xi32>
    %lt3A_1179 = arith.cmpi slt, %sub3A_1173, %lt3A_1178 : vector<16xi32>
    %and3A_1180 = arith.andi %ge3A_1176, %lt3A_1179 : vector<16xi1>
    tpu.vector_store_idx %arg6[%broadcast_in_dim3A_1000, %sub3A_1173, %add3A_1168], %broadcast_in_dim3A_458 masked %and3A_1180 : memref<2x200x256xf32, #tpu.memory_space<vmem>>[vector<16xi32>, vector<16xi32>, vector<16xi32>], vector<16xf32>, vector<16xi1>
    %add3A_1181 = arith.constant 192 : i32
    %add3A_1182 = vector.broadcast %add3A_1181 : i32 to vector<16xi32>
    %add3A_1183 = arith.addi %add3A_1182, %iota3A : vector<16xi32>
    %get3A_1184 = arith.constant 6336 : index
    %get3A_1185 = tpu.vector_load %arg5[%get3A_1184] {strides = array<i32>} : memref<6400xi32, #tpu.memory_space<vmem>>, vector<16xi32>,
    %sub3A_1186 = arith.constant 400 : i32
    %sub3A_1187 = vector.broadcast %sub3A_1186 : i32 to vector<16xi32>
    %sub3A_1188 = arith.subi %get3A_1185, %sub3A_1187 : vector<16xi32>
    %ge3A_1189 = arith.constant 0 : i32
    %ge3A_1190 = vector.broadcast %ge3A_1189 : i32 to vector<16xi32>
    %ge3A_1191 = arith.cmpi sge, %sub3A_1188, %ge3A_1190 : vector<16xi32>
    %lt3A_1192 = arith.constant 200 : i32
    %lt3A_1193 = vector.broadcast %lt3A_1192 : i32 to vector<16xi32>
    %lt3A_1194 = arith.cmpi slt, %sub3A_1188, %lt3A_1193 : vector<16xi32>
    %and3A_1195 = arith.andi %ge3A_1191, %lt3A_1194 : vector<16xi1>
    tpu.vector_store_idx %arg6[%broadcast_in_dim3A_1000, %sub3A_1188, %add3A_1183], %broadcast_in_dim3A_458 masked %and3A_1195 : memref<2x200x256xf32, #tpu.memory_space<vmem>>[vector<16xi32>, vector<16xi32>, vector<16xi32>], vector<16xf32>, vector<16xi1>
    %add3A_1196 = arith.constant 208 : i32
    %add3A_1197 = vector.broadcast %add3A_1196 : i32 to vector<16xi32>
    %add3A_1198 = arith.addi %add3A_1197, %iota3A : vector<16xi32>
    %get3A_1199 = arith.constant 6352 : index
    %get3A_1200 = tpu.vector_load %arg5[%get3A_1199] {strides = array<i32>} : memref<6400xi32, #tpu.memory_space<vmem>>, vector<16xi32>,
    %sub3A_1201 = arith.constant 400 : i32
    %sub3A_1202 = vector.broadcast %sub3A_1201 : i32 to vector<16xi32>
    %sub3A_1203 = arith.subi %get3A_1200, %sub3A_1202 : vector<16xi32>
    %ge3A_1204 = arith.constant 0 : i32
    %ge3A_1205 = vector.broadcast %ge3A_1204 : i32 to vector<16xi32>
    %ge3A_1206 = arith.cmpi sge, %sub3A_1203, %ge3A_1205 : vector<16xi32>
    %lt3A_1207 = arith.constant 200 : i32
    %lt3A_1208 = vector.broadcast %lt3A_1207 : i32 to vector<16xi32>
    %lt3A_1209 = arith.cmpi slt, %sub3A_1203, %lt3A_1208 : vector<16xi32>
    %and3A_1210 = arith.andi %ge3A_1206, %lt3A_1209 : vector<16xi1>
    tpu.vector_store_idx %arg6[%broadcast_in_dim3A_1000, %sub3A_1203, %add3A_1198], %broadcast_in_dim3A_458 masked %and3A_1210 : memref<2x200x256xf32, #tpu.memory_space<vmem>>[vector<16xi32>, vector<16xi32>, vector<16xi32>], vector<16xf32>, vector<16xi1>
    %add3A_1211 = arith.constant 224 : i32
    %add3A_1212 = vector.broadcast %add3A_1211 : i32 to vector<16xi32>
    %add3A_1213 = arith.addi %add3A_1212, %iota3A : vector<16xi32>
    %get3A_1214 = arith.constant 6368 : index
    %get3A_1215 = tpu.vector_load %arg5[%get3A_1214] {strides = array<i32>} : memref<6400xi32, #tpu.memory_space<vmem>>, vector<16xi32>,
    %sub3A_1216 = arith.constant 400 : i32
    %sub3A_1217 = vector.broadcast %sub3A_1216 : i32 to vector<16xi32>
    %sub3A_1218 = arith.subi %get3A_1215, %sub3A_1217 : vector<16xi32>
    %ge3A_1219 = arith.constant 0 : i32
    %ge3A_1220 = vector.broadcast %ge3A_1219 : i32 to vector<16xi32>
    %ge3A_1221 = arith.cmpi sge, %sub3A_1218, %ge3A_1220 : vector<16xi32>
    %lt3A_1222 = arith.constant 200 : i32
    %lt3A_1223 = vector.broadcast %lt3A_1222 : i32 to vector<16xi32>
    %lt3A_1224 = arith.cmpi slt, %sub3A_1218, %lt3A_1223 : vector<16xi32>
    %and3A_1225 = arith.andi %ge3A_1221, %lt3A_1224 : vector<16xi1>
    tpu.vector_store_idx %arg6[%broadcast_in_dim3A_1000, %sub3A_1218, %add3A_1213], %broadcast_in_dim3A_458 masked %and3A_1225 : memref<2x200x256xf32, #tpu.memory_space<vmem>>[vector<16xi32>, vector<16xi32>, vector<16xi32>], vector<16xf32>, vector<16xi1>
    %add3A_1226 = arith.constant 240 : i32
    %add3A_1227 = vector.broadcast %add3A_1226 : i32 to vector<16xi32>
    %add3A_1228 = arith.addi %add3A_1227, %iota3A : vector<16xi32>
    %get3A_1229 = arith.constant 6384 : index
    %get3A_1230 = tpu.vector_load %arg5[%get3A_1229] {strides = array<i32>} : memref<6400xi32, #tpu.memory_space<vmem>>, vector<16xi32>,
    %sub3A_1231 = arith.constant 400 : i32
    %sub3A_1232 = vector.broadcast %sub3A_1231 : i32 to vector<16xi32>
    %sub3A_1233 = arith.subi %get3A_1230, %sub3A_1232 : vector<16xi32>
    %ge3A_1234 = arith.constant 0 : i32
    %ge3A_1235 = vector.broadcast %ge3A_1234 : i32 to vector<16xi32>
    %ge3A_1236 = arith.cmpi sge, %sub3A_1233, %ge3A_1235 : vector<16xi32>
    %lt3A_1237 = arith.constant 200 : i32
    %lt3A_1238 = vector.broadcast %lt3A_1237 : i32 to vector<16xi32>
    %lt3A_1239 = arith.cmpi slt, %sub3A_1233, %lt3A_1238 : vector<16xi32>
    %and3A_1240 = arith.andi %ge3A_1236, %lt3A_1239 : vector<16xi1>
    tpu.vector_store_idx %arg6[%broadcast_in_dim3A_1000, %sub3A_1233, %add3A_1228], %broadcast_in_dim3A_458 masked %and3A_1240 : memref<2x200x256xf32, #tpu.memory_space<vmem>>[vector<16xi32>, vector<16xi32>, vector<16xi32>], vector<16xf32>, vector<16xi1>
    %broadcast_in_dim3A_1241 = arith.constant 0 : i32
    %broadcast_in_dim3A_1242 = vector.broadcast %broadcast_in_dim3A_1241 : i32 to vector<16xi32>
    %add3A_1243 = arith.constant 0 : i32
    %add3A_1244 = vector.broadcast %add3A_1243 : i32 to vector<16xi32>
    %add3A_1245 = arith.addi %add3A_1244, %iota3A : vector<16xi32>
    %get3A_1246 = arith.constant 6144 : index
    %get3A_1247 = tpu.vector_load %arg5[%get3A_1246] {strides = array<i32>} : memref<6400xi32, #tpu.memory_space<vmem>>, vector<16xi32>,
    %sub3A_1248 = arith.constant 800 : i32
    %sub3A_1249 = vector.broadcast %sub3A_1248 : i32 to vector<16xi32>
    %sub3A_1250 = arith.subi %get3A_1247, %sub3A_1249 : vector<16xi32>
    %ge3A_1251 = arith.constant 0 : i32
    %ge3A_1252 = vector.broadcast %ge3A_1251 : i32 to vector<16xi32>
    %ge3A_1253 = arith.cmpi sge, %sub3A_1250, %ge3A_1252 : vector<16xi32>
    %lt3A_1254 = arith.constant 200 : i32
    %lt3A_1255 = vector.broadcast %lt3A_1254 : i32 to vector<16xi32>
    %lt3A_1256 = arith.cmpi slt, %sub3A_1250, %lt3A_1255 : vector<16xi32>
    %and3A_1257 = arith.andi %ge3A_1253, %lt3A_1256 : vector<16xi1>
    tpu.vector_store_idx %arg6[%broadcast_in_dim3A_1242, %sub3A_1250, %add3A_1245], %broadcast_in_dim3A_460 masked %and3A_1257 : memref<2x200x256xf32, #tpu.memory_space<vmem>>[vector<16xi32>, vector<16xi32>, vector<16xi32>], vector<16xf32>, vector<16xi1>
    %add3A_1258 = arith.constant 16 : i32
    %add3A_1259 = vector.broadcast %add3A_1258 : i32 to vector<16xi32>
    %add3A_1260 = arith.addi %add3A_1259, %iota3A : vector<16xi32>
    %get3A_1261 = arith.constant 6160 : index
    %get3A_1262 = tpu.vector_load %arg5[%get3A_1261] {strides = array<i32>} : memref<6400xi32, #tpu.memory_space<vmem>>, vector<16xi32>,
    %sub3A_1263 = arith.constant 800 : i32
    %sub3A_1264 = vector.broadcast %sub3A_1263 : i32 to vector<16xi32>
    %sub3A_1265 = arith.subi %get3A_1262, %sub3A_1264 : vector<16xi32>
    %ge3A_1266 = arith.constant 0 : i32
    %ge3A_1267 = vector.broadcast %ge3A_1266 : i32 to vector<16xi32>
    %ge3A_1268 = arith.cmpi sge, %sub3A_1265, %ge3A_1267 : vector<16xi32>
    %lt3A_1269 = arith.constant 200 : i32
    %lt3A_1270 = vector.broadcast %lt3A_1269 : i32 to vector<16xi32>
    %lt3A_1271 = arith.cmpi slt, %sub3A_1265, %lt3A_1270 : vector<16xi32>
    %and3A_1272 = arith.andi %ge3A_1268, %lt3A_1271 : vector<16xi1>
    tpu.vector_store_idx %arg6[%broadcast_in_dim3A_1242, %sub3A_1265, %add3A_1260], %broadcast_in_dim3A_460 masked %and3A_1272 : memref<2x200x256xf32, #tpu.memory_space<vmem>>[vector<16xi32>, vector<16xi32>, vector<16xi32>], vector<16xf32>, vector<16xi1>
    %add3A_1273 = arith.constant 32 : i32
    %add3A_1274 = vector.broadcast %add3A_1273 : i32 to vector<16xi32>
    %add3A_1275 = arith.addi %add3A_1274, %iota3A : vector<16xi32>
    %get3A_1276 = arith.constant 6176 : index
    %get3A_1277 = tpu.vector_load %arg5[%get3A_1276] {strides = array<i32>} : memref<6400xi32, #tpu.memory_space<vmem>>, vector<16xi32>,
    %sub3A_1278 = arith.constant 800 : i32
    %sub3A_1279 = vector.broadcast %sub3A_1278 : i32 to vector<16xi32>
    %sub3A_1280 = arith.subi %get3A_1277, %sub3A_1279 : vector<16xi32>
    %ge3A_1281 = arith.constant 0 : i32
    %ge3A_1282 = vector.broadcast %ge3A_1281 : i32 to vector<16xi32>
    %ge3A_1283 = arith.cmpi sge, %sub3A_1280, %ge3A_1282 : vector<16xi32>
    %lt3A_1284 = arith.constant 200 : i32
    %lt3A_1285 = vector.broadcast %lt3A_1284 : i32 to vector<16xi32>
    %lt3A_1286 = arith.cmpi slt, %sub3A_1280, %lt3A_1285 : vector<16xi32>
    %and3A_1287 = arith.andi %ge3A_1283, %lt3A_1286 : vector<16xi1>
    tpu.vector_store_idx %arg6[%broadcast_in_dim3A_1242, %sub3A_1280, %add3A_1275], %broadcast_in_dim3A_460 masked %and3A_1287 : memref<2x200x256xf32, #tpu.memory_space<vmem>>[vector<16xi32>, vector<16xi32>, vector<16xi32>], vector<16xf32>, vector<16xi1>
    %add3A_1288 = arith.constant 48 : i32
    %add3A_1289 = vector.broadcast %add3A_1288 : i32 to vector<16xi32>
    %add3A_1290 = arith.addi %add3A_1289, %iota3A : vector<16xi32>
    %get3A_1291 = arith.constant 6192 : index
    %get3A_1292 = tpu.vector_load %arg5[%get3A_1291] {strides = array<i32>} : memref<6400xi32, #tpu.memory_space<vmem>>, vector<16xi32>,
    %sub3A_1293 = arith.constant 800 : i32
    %sub3A_1294 = vector.broadcast %sub3A_1293 : i32 to vector<16xi32>
    %sub3A_1295 = arith.subi %get3A_1292, %sub3A_1294 : vector<16xi32>
    %ge3A_1296 = arith.constant 0 : i32
    %ge3A_1297 = vector.broadcast %ge3A_1296 : i32 to vector<16xi32>
    %ge3A_1298 = arith.cmpi sge, %sub3A_1295, %ge3A_1297 : vector<16xi32>
    %lt3A_1299 = arith.constant 200 : i32
    %lt3A_1300 = vector.broadcast %lt3A_1299 : i32 to vector<16xi32>
    %lt3A_1301 = arith.cmpi slt, %sub3A_1295, %lt3A_1300 : vector<16xi32>
    %and3A_1302 = arith.andi %ge3A_1298, %lt3A_1301 : vector<16xi1>
    tpu.vector_store_idx %arg6[%broadcast_in_dim3A_1242, %sub3A_1295, %add3A_1290], %broadcast_in_dim3A_460 masked %and3A_1302 : memref<2x200x256xf32, #tpu.memory_space<vmem>>[vector<16xi32>, vector<16xi32>, vector<16xi32>], vector<16xf32>, vector<16xi1>
    %add3A_1303 = arith.constant 64 : i32
    %add3A_1304 = vector.broadcast %add3A_1303 : i32 to vector<16xi32>
    %add3A_1305 = arith.addi %add3A_1304, %iota3A : vector<16xi32>
    %get3A_1306 = arith.constant 6208 : index
    %get3A_1307 = tpu.vector_load %arg5[%get3A_1306] {strides = array<i32>} : memref<6400xi32, #tpu.memory_space<vmem>>, vector<16xi32>,
    %sub3A_1308 = arith.constant 800 : i32
    %sub3A_1309 = vector.broadcast %sub3A_1308 : i32 to vector<16xi32>
    %sub3A_1310 = arith.subi %get3A_1307, %sub3A_1309 : vector<16xi32>
    %ge3A_1311 = arith.constant 0 : i32
    %ge3A_1312 = vector.broadcast %ge3A_1311 : i32 to vector<16xi32>
    %ge3A_1313 = arith.cmpi sge, %sub3A_1310, %ge3A_1312 : vector<16xi32>
    %lt3A_1314 = arith.constant 200 : i32
    %lt3A_1315 = vector.broadcast %lt3A_1314 : i32 to vector<16xi32>
    %lt3A_1316 = arith.cmpi slt, %sub3A_1310, %lt3A_1315 : vector<16xi32>
    %and3A_1317 = arith.andi %ge3A_1313, %lt3A_1316 : vector<16xi1>
    tpu.vector_store_idx %arg6[%broadcast_in_dim3A_1242, %sub3A_1310, %add3A_1305], %broadcast_in_dim3A_460 masked %and3A_1317 : memref<2x200x256xf32, #tpu.memory_space<vmem>>[vector<16xi32>, vector<16xi32>, vector<16xi32>], vector<16xf32>, vector<16xi1>
    %add3A_1318 = arith.constant 80 : i32
    %add3A_1319 = vector.broadcast %add3A_1318 : i32 to vector<16xi32>
    %add3A_1320 = arith.addi %add3A_1319, %iota3A : vector<16xi32>
    %get3A_1321 = arith.constant 6224 : index
    %get3A_1322 = tpu.vector_load %arg5[%get3A_1321] {strides = array<i32>} : memref<6400xi32, #tpu.memory_space<vmem>>, vector<16xi32>,
    %sub3A_1323 = arith.constant 800 : i32
    %sub3A_1324 = vector.broadcast %sub3A_1323 : i32 to vector<16xi32>
    %sub3A_1325 = arith.subi %get3A_1322, %sub3A_1324 : vector<16xi32>
    %ge3A_1326 = arith.constant 0 : i32
    %ge3A_1327 = vector.broadcast %ge3A_1326 : i32 to vector<16xi32>
    %ge3A_1328 = arith.cmpi sge, %sub3A_1325, %ge3A_1327 : vector<16xi32>
    %lt3A_1329 = arith.constant 200 : i32
    %lt3A_1330 = vector.broadcast %lt3A_1329 : i32 to vector<16xi32>
    %lt3A_1331 = arith.cmpi slt, %sub3A_1325, %lt3A_1330 : vector<16xi32>
    %and3A_1332 = arith.andi %ge3A_1328, %lt3A_1331 : vector<16xi1>
    tpu.vector_store_idx %arg6[%broadcast_in_dim3A_1242, %sub3A_1325, %add3A_1320], %broadcast_in_dim3A_460 masked %and3A_1332 : memref<2x200x256xf32, #tpu.memory_space<vmem>>[vector<16xi32>, vector<16xi32>, vector<16xi32>], vector<16xf32>, vector<16xi1>
    %add3A_1333 = arith.constant 96 : i32
    %add3A_1334 = vector.broadcast %add3A_1333 : i32 to vector<16xi32>
    %add3A_1335 = arith.addi %add3A_1334, %iota3A : vector<16xi32>
    %get3A_1336 = arith.constant 6240 : index
    %get3A_1337 = tpu.vector_load %arg5[%get3A_1336] {strides = array<i32>} : memref<6400xi32, #tpu.memory_space<vmem>>, vector<16xi32>,
    %sub3A_1338 = arith.constant 800 : i32
    %sub3A_1339 = vector.broadcast %sub3A_1338 : i32 to vector<16xi32>
    %sub3A_1340 = arith.subi %get3A_1337, %sub3A_1339 : vector<16xi32>
    %ge3A_1341 = arith.constant 0 : i32
    %ge3A_1342 = vector.broadcast %ge3A_1341 : i32 to vector<16xi32>
    %ge3A_1343 = arith.cmpi sge, %sub3A_1340, %ge3A_1342 : vector<16xi32>
    %lt3A_1344 = arith.constant 200 : i32
    %lt3A_1345 = vector.broadcast %lt3A_1344 : i32 to vector<16xi32>
    %lt3A_1346 = arith.cmpi slt, %sub3A_1340, %lt3A_1345 : vector<16xi32>
    %and3A_1347 = arith.andi %ge3A_1343, %lt3A_1346 : vector<16xi1>
    tpu.vector_store_idx %arg6[%broadcast_in_dim3A_1242, %sub3A_1340, %add3A_1335], %broadcast_in_dim3A_460 masked %and3A_1347 : memref<2x200x256xf32, #tpu.memory_space<vmem>>[vector<16xi32>, vector<16xi32>, vector<16xi32>], vector<16xf32>, vector<16xi1>
    %add3A_1348 = arith.constant 112 : i32
    %add3A_1349 = vector.broadcast %add3A_1348 : i32 to vector<16xi32>
    %add3A_1350 = arith.addi %add3A_1349, %iota3A : vector<16xi32>
    %get3A_1351 = arith.constant 6256 : index
    %get3A_1352 = tpu.vector_load %arg5[%get3A_1351] {strides = array<i32>} : memref<6400xi32, #tpu.memory_space<vmem>>, vector<16xi32>,
    %sub3A_1353 = arith.constant 800 : i32
    %sub3A_1354 = vector.broadcast %sub3A_1353 : i32 to vector<16xi32>
    %sub3A_1355 = arith.subi %get3A_1352, %sub3A_1354 : vector<16xi32>
    %ge3A_1356 = arith.constant 0 : i32
    %ge3A_1357 = vector.broadcast %ge3A_1356 : i32 to vector<16xi32>
    %ge3A_1358 = arith.cmpi sge, %sub3A_1355, %ge3A_1357 : vector<16xi32>
    %lt3A_1359 = arith.constant 200 : i32
    %lt3A_1360 = vector.broadcast %lt3A_1359 : i32 to vector<16xi32>
    %lt3A_1361 = arith.cmpi slt, %sub3A_1355, %lt3A_1360 : vector<16xi32>
    %and3A_1362 = arith.andi %ge3A_1358, %lt3A_1361 : vector<16xi1>
    tpu.vector_store_idx %arg6[%broadcast_in_dim3A_1242, %sub3A_1355, %add3A_1350], %broadcast_in_dim3A_460 masked %and3A_1362 : memref<2x200x256xf32, #tpu.memory_space<vmem>>[vector<16xi32>, vector<16xi32>, vector<16xi32>], vector<16xf32>, vector<16xi1>
    %add3A_1363 = arith.constant 128 : i32
    %add3A_1364 = vector.broadcast %add3A_1363 : i32 to vector<16xi32>
    %add3A_1365 = arith.addi %add3A_1364, %iota3A : vector<16xi32>
    %get3A_1366 = arith.constant 6272 : index
    %get3A_1367 = tpu.vector_load %arg5[%get3A_1366] {strides = array<i32>} : memref<6400xi32, #tpu.memory_space<vmem>>, vector<16xi32>,
    %sub3A_1368 = arith.constant 800 : i32
    %sub3A_1369 = vector.broadcast %sub3A_1368 : i32 to vector<16xi32>
    %sub3A_1370 = arith.subi %get3A_1367, %sub3A_1369 : vector<16xi32>
    %ge3A_1371 = arith.constant 0 : i32
    %ge3A_1372 = vector.broadcast %ge3A_1371 : i32 to vector<16xi32>
    %ge3A_1373 = arith.cmpi sge, %sub3A_1370, %ge3A_1372 : vector<16xi32>
    %lt3A_1374 = arith.constant 200 : i32
    %lt3A_1375 = vector.broadcast %lt3A_1374 : i32 to vector<16xi32>
    %lt3A_1376 = arith.cmpi slt, %sub3A_1370, %lt3A_1375 : vector<16xi32>
    %and3A_1377 = arith.andi %ge3A_1373, %lt3A_1376 : vector<16xi1>
    tpu.vector_store_idx %arg6[%broadcast_in_dim3A_1242, %sub3A_1370, %add3A_1365], %broadcast_in_dim3A_460 masked %and3A_1377 : memref<2x200x256xf32, #tpu.memory_space<vmem>>[vector<16xi32>, vector<16xi32>, vector<16xi32>], vector<16xf32>, vector<16xi1>
    %add3A_1378 = arith.constant 144 : i32
    %add3A_1379 = vector.broadcast %add3A_1378 : i32 to vector<16xi32>
    %add3A_1380 = arith.addi %add3A_1379, %iota3A : vector<16xi32>
    %get3A_1381 = arith.constant 6288 : index
    %get3A_1382 = tpu.vector_load %arg5[%get3A_1381] {strides = array<i32>} : memref<6400xi32, #tpu.memory_space<vmem>>, vector<16xi32>,
    %sub3A_1383 = arith.constant 800 : i32
    %sub3A_1384 = vector.broadcast %sub3A_1383 : i32 to vector<16xi32>
    %sub3A_1385 = arith.subi %get3A_1382, %sub3A_1384 : vector<16xi32>
    %ge3A_1386 = arith.constant 0 : i32
    %ge3A_1387 = vector.broadcast %ge3A_1386 : i32 to vector<16xi32>
    %ge3A_1388 = arith.cmpi sge, %sub3A_1385, %ge3A_1387 : vector<16xi32>
    %lt3A_1389 = arith.constant 200 : i32
    %lt3A_1390 = vector.broadcast %lt3A_1389 : i32 to vector<16xi32>
    %lt3A_1391 = arith.cmpi slt, %sub3A_1385, %lt3A_1390 : vector<16xi32>
    %and3A_1392 = arith.andi %ge3A_1388, %lt3A_1391 : vector<16xi1>
    tpu.vector_store_idx %arg6[%broadcast_in_dim3A_1242, %sub3A_1385, %add3A_1380], %broadcast_in_dim3A_460 masked %and3A_1392 : memref<2x200x256xf32, #tpu.memory_space<vmem>>[vector<16xi32>, vector<16xi32>, vector<16xi32>], vector<16xf32>, vector<16xi1>
    %add3A_1393 = arith.constant 160 : i32
    %add3A_1394 = vector.broadcast %add3A_1393 : i32 to vector<16xi32>
    %add3A_1395 = arith.addi %add3A_1394, %iota3A : vector<16xi32>
    %get3A_1396 = arith.constant 6304 : index
    %get3A_1397 = tpu.vector_load %arg5[%get3A_1396] {strides = array<i32>} : memref<6400xi32, #tpu.memory_space<vmem>>, vector<16xi32>,
    %sub3A_1398 = arith.constant 800 : i32
    %sub3A_1399 = vector.broadcast %sub3A_1398 : i32 to vector<16xi32>
    %sub3A_1400 = arith.subi %get3A_1397, %sub3A_1399 : vector<16xi32>
    %ge3A_1401 = arith.constant 0 : i32
    %ge3A_1402 = vector.broadcast %ge3A_1401 : i32 to vector<16xi32>
    %ge3A_1403 = arith.cmpi sge, %sub3A_1400, %ge3A_1402 : vector<16xi32>
    %lt3A_1404 = arith.constant 200 : i32
    %lt3A_1405 = vector.broadcast %lt3A_1404 : i32 to vector<16xi32>
    %lt3A_1406 = arith.cmpi slt, %sub3A_1400, %lt3A_1405 : vector<16xi32>
    %and3A_1407 = arith.andi %ge3A_1403, %lt3A_1406 : vector<16xi1>
    tpu.vector_store_idx %arg6[%broadcast_in_dim3A_1242, %sub3A_1400, %add3A_1395], %broadcast_in_dim3A_460 masked %and3A_1407 : memref<2x200x256xf32, #tpu.memory_space<vmem>>[vector<16xi32>, vector<16xi32>, vector<16xi32>], vector<16xf32>, vector<16xi1>
    %add3A_1408 = arith.constant 176 : i32
    %add3A_1409 = vector.broadcast %add3A_1408 : i32 to vector<16xi32>
    %add3A_1410 = arith.addi %add3A_1409, %iota3A : vector<16xi32>
    %get3A_1411 = arith.constant 6320 : index
    %get3A_1412 = tpu.vector_load %arg5[%get3A_1411] {strides = array<i32>} : memref<6400xi32, #tpu.memory_space<vmem>>, vector<16xi32>,
    %sub3A_1413 = arith.constant 800 : i32
    %sub3A_1414 = vector.broadcast %sub3A_1413 : i32 to vector<16xi32>
    %sub3A_1415 = arith.subi %get3A_1412, %sub3A_1414 : vector<16xi32>
    %ge3A_1416 = arith.constant 0 : i32
    %ge3A_1417 = vector.broadcast %ge3A_1416 : i32 to vector<16xi32>
    %ge3A_1418 = arith.cmpi sge, %sub3A_1415, %ge3A_1417 : vector<16xi32>
    %lt3A_1419 = arith.constant 200 : i32
    %lt3A_1420 = vector.broadcast %lt3A_1419 : i32 to vector<16xi32>
    %lt3A_1421 = arith.cmpi slt, %sub3A_1415, %lt3A_1420 : vector<16xi32>
    %and3A_1422 = arith.andi %ge3A_1418, %lt3A_1421 : vector<16xi1>
    tpu.vector_store_idx %arg6[%broadcast_in_dim3A_1242, %sub3A_1415, %add3A_1410], %broadcast_in_dim3A_460 masked %and3A_1422 : memref<2x200x256xf32, #tpu.memory_space<vmem>>[vector<16xi32>, vector<16xi32>, vector<16xi32>], vector<16xf32>, vector<16xi1>
    %add3A_1423 = arith.constant 192 : i32
    %add3A_1424 = vector.broadcast %add3A_1423 : i32 to vector<16xi32>
    %add3A_1425 = arith.addi %add3A_1424, %iota3A : vector<16xi32>
    %get3A_1426 = arith.constant 6336 : index
    %get3A_1427 = tpu.vector_load %arg5[%get3A_1426] {strides = array<i32>} : memref<6400xi32, #tpu.memory_space<vmem>>, vector<16xi32>,
    %sub3A_1428 = arith.constant 800 : i32
    %sub3A_1429 = vector.broadcast %sub3A_1428 : i32 to vector<16xi32>
    %sub3A_1430 = arith.subi %get3A_1427, %sub3A_1429 : vector<16xi32>
    %ge3A_1431 = arith.constant 0 : i32
    %ge3A_1432 = vector.broadcast %ge3A_1431 : i32 to vector<16xi32>
    %ge3A_1433 = arith.cmpi sge, %sub3A_1430, %ge3A_1432 : vector<16xi32>
    %lt3A_1434 = arith.constant 200 : i32
    %lt3A_1435 = vector.broadcast %lt3A_1434 : i32 to vector<16xi32>
    %lt3A_1436 = arith.cmpi slt, %sub3A_1430, %lt3A_1435 : vector<16xi32>
    %and3A_1437 = arith.andi %ge3A_1433, %lt3A_1436 : vector<16xi1>
    tpu.vector_store_idx %arg6[%broadcast_in_dim3A_1242, %sub3A_1430, %add3A_1425], %broadcast_in_dim3A_460 masked %and3A_1437 : memref<2x200x256xf32, #tpu.memory_space<vmem>>[vector<16xi32>, vector<16xi32>, vector<16xi32>], vector<16xf32>, vector<16xi1>
    %add3A_1438 = arith.constant 208 : i32
    %add3A_1439 = vector.broadcast %add3A_1438 : i32 to vector<16xi32>
    %add3A_1440 = arith.addi %add3A_1439, %iota3A : vector<16xi32>
    %get3A_1441 = arith.constant 6352 : index
    %get3A_1442 = tpu.vector_load %arg5[%get3A_1441] {strides = array<i32>} : memref<6400xi32, #tpu.memory_space<vmem>>, vector<16xi32>,
    %sub3A_1443 = arith.constant 800 : i32
    %sub3A_1444 = vector.broadcast %sub3A_1443 : i32 to vector<16xi32>
    %sub3A_1445 = arith.subi %get3A_1442, %sub3A_1444 : vector<16xi32>
    %ge3A_1446 = arith.constant 0 : i32
    %ge3A_1447 = vector.broadcast %ge3A_1446 : i32 to vector<16xi32>
    %ge3A_1448 = arith.cmpi sge, %sub3A_1445, %ge3A_1447 : vector<16xi32>
    %lt3A_1449 = arith.constant 200 : i32
    %lt3A_1450 = vector.broadcast %lt3A_1449 : i32 to vector<16xi32>
    %lt3A_1451 = arith.cmpi slt, %sub3A_1445, %lt3A_1450 : vector<16xi32>
    %and3A_1452 = arith.andi %ge3A_1448, %lt3A_1451 : vector<16xi1>
    tpu.vector_store_idx %arg6[%broadcast_in_dim3A_1242, %sub3A_1445, %add3A_1440], %broadcast_in_dim3A_460 masked %and3A_1452 : memref<2x200x256xf32, #tpu.memory_space<vmem>>[vector<16xi32>, vector<16xi32>, vector<16xi32>], vector<16xf32>, vector<16xi1>
    %add3A_1453 = arith.constant 224 : i32
    %add3A_1454 = vector.broadcast %add3A_1453 : i32 to vector<16xi32>
    %add3A_1455 = arith.addi %add3A_1454, %iota3A : vector<16xi32>
    %get3A_1456 = arith.constant 6368 : index
    %get3A_1457 = tpu.vector_load %arg5[%get3A_1456] {strides = array<i32>} : memref<6400xi32, #tpu.memory_space<vmem>>, vector<16xi32>,
    %sub3A_1458 = arith.constant 800 : i32
    %sub3A_1459 = vector.broadcast %sub3A_1458 : i32 to vector<16xi32>
    %sub3A_1460 = arith.subi %get3A_1457, %sub3A_1459 : vector<16xi32>
    %ge3A_1461 = arith.constant 0 : i32
    %ge3A_1462 = vector.broadcast %ge3A_1461 : i32 to vector<16xi32>
    %ge3A_1463 = arith.cmpi sge, %sub3A_1460, %ge3A_1462 : vector<16xi32>
    %lt3A_1464 = arith.constant 200 : i32
    %lt3A_1465 = vector.broadcast %lt3A_1464 : i32 to vector<16xi32>
    %lt3A_1466 = arith.cmpi slt, %sub3A_1460, %lt3A_1465 : vector<16xi32>
    %and3A_1467 = arith.andi %ge3A_1463, %lt3A_1466 : vector<16xi1>
    tpu.vector_store_idx %arg6[%broadcast_in_dim3A_1242, %sub3A_1460, %add3A_1455], %broadcast_in_dim3A_460 masked %and3A_1467 : memref<2x200x256xf32, #tpu.memory_space<vmem>>[vector<16xi32>, vector<16xi32>, vector<16xi32>], vector<16xf32>, vector<16xi1>
    %add3A_1468 = arith.constant 240 : i32
    %add3A_1469 = vector.broadcast %add3A_1468 : i32 to vector<16xi32>
    %add3A_1470 = arith.addi %add3A_1469, %iota3A : vector<16xi32>
    %get3A_1471 = arith.constant 6384 : index
    %get3A_1472 = tpu.vector_load %arg5[%get3A_1471] {strides = array<i32>} : memref<6400xi32, #tpu.memory_space<vmem>>, vector<16xi32>,
    %sub3A_1473 = arith.constant 800 : i32
    %sub3A_1474 = vector.broadcast %sub3A_1473 : i32 to vector<16xi32>
    %sub3A_1475 = arith.subi %get3A_1472, %sub3A_1474 : vector<16xi32>
    %ge3A_1476 = arith.constant 0 : i32
    %ge3A_1477 = vector.broadcast %ge3A_1476 : i32 to vector<16xi32>
    %ge3A_1478 = arith.cmpi sge, %sub3A_1475, %ge3A_1477 : vector<16xi32>
    %lt3A_1479 = arith.constant 200 : i32
    %lt3A_1480 = vector.broadcast %lt3A_1479 : i32 to vector<16xi32>
    %lt3A_1481 = arith.cmpi slt, %sub3A_1475, %lt3A_1480 : vector<16xi32>
    %and3A_1482 = arith.andi %ge3A_1478, %lt3A_1481 : vector<16xi1>
    tpu.vector_store_idx %arg6[%broadcast_in_dim3A_1242, %sub3A_1475, %add3A_1470], %broadcast_in_dim3A_460 masked %and3A_1482 : memref<2x200x256xf32, #tpu.memory_space<vmem>>[vector<16xi32>, vector<16xi32>, vector<16xi32>], vector<16xf32>, vector<16xi1>
    %add3A_1483 = arith.constant 24 : i32
    %add3A_1484 = arith.addi %mul3A_34, %add3A_1483 : i32
    %dma_start3A_1485 = arith.constant 0 : i32
    %dma_start3A_1486 = arith.constant 0 : i32
    %dma_start3A_1487 = arith.constant 0 : i32
    %dma_start3A_1488 = tpu.memref_slice %arg6[%dma_start3A_1485, %dma_start3A_1486, %dma_start3A_1487] : memref<2x200x256xf32, #tpu.memory_space<vmem>> -> memref<1x200x256xf32, #tpu.memory_space<vmem>>
    %dma_start3A_1489 = tpu.memref_squeeze %dma_start3A_1488 : memref<1x200x256xf32, #tpu.memory_space<vmem>> -> memref<200x256xf32, #tpu.memory_space<vmem>>
    %dma_start3A_1490 = arith.constant 800 : i32
    %dma_start3A_1491 = tpu.memref_slice %arg4[%add3A_1484, %dma_start3A_1490, %mul3A_11] : memref<50x1000x4096xf32, #tpu.memory_space<hbm>> -> memref<1x200x256xf32, #tpu.memory_space<hbm>>
    %dma_start3A_1492 = tpu.memref_squeeze %dma_start3A_1491 : memref<1x200x256xf32, #tpu.memory_space<hbm>> -> memref<200x256xf32, #tpu.memory_space<hbm>>
    %dma_start3A_1493 = arith.constant 800 : i32
    %dma_start3A_1494 = tpu.memref_slice %arg4[%add3A_1484, %dma_start3A_1493, %mul3A_11] : memref<50x1000x4096xf32, #tpu.memory_space<hbm>> -> memref<1x200x256xf32, #tpu.memory_space<hbm>>
    %dma_start3A_1495 = tpu.memref_squeeze %dma_start3A_1494 : memref<1x200x256xf32, #tpu.memory_space<hbm>> -> memref<200x256xf32, #tpu.memory_space<hbm>>
    %dma_start3A_1496 = arith.constant 0 : i32
    %dma_start3A_1497 = arith.constant 0 : i32
    %dma_start3A_1498 = tpu.memref_slice %arg6[%dma_start3A_1485, %dma_start3A_1496, %dma_start3A_1497] : memref<2x200x256xf32, #tpu.memory_space<vmem>> -> memref<1x200x256xf32, #tpu.memory_space<vmem>>
    %dma_start3A_1499 = tpu.memref_squeeze %dma_start3A_1498 : memref<1x200x256xf32, #tpu.memory_space<vmem>> -> memref<200x256xf32, #tpu.memory_space<vmem>>
    tpu.enqueue_dma source(%dma_start3A_1499 : memref<200x256xf32, #tpu.memory_space<vmem>>) target(%dma_start3A_1495 : memref<200x256xf32, #tpu.memory_space<hbm>>) target_semaphore(%arg7 : memref<!tpu.dma_semaphore, #tpu.memory_space<semaphore_mem>>)
    %add3A_1500 = arith.constant 24 : i32
    %add3A_1501 = arith.addi %mul3A_34, %add3A_1500 : i32
    %dma_wait3A_1502 = arith.constant 0 : i32
    %dma_wait3A_1503 = arith.constant 0 : i32
    %dma_wait3A_1504 = arith.constant 0 : i32
    %dma_wait3A_1505 = tpu.memref_slice %arg6[%dma_wait3A_1502, %dma_wait3A_1503, %dma_wait3A_1504] : memref<2x200x256xf32, #tpu.memory_space<vmem>> -> memref<1x200x256xf32, #tpu.memory_space<vmem>>
    %dma_wait3A_1506 = tpu.memref_squeeze %dma_wait3A_1505 : memref<1x200x256xf32, #tpu.memory_space<vmem>> -> memref<200x256xf32, #tpu.memory_space<vmem>>
    %dma_wait3A_1507 = arith.constant 600 : i32
    %dma_wait3A_1508 = tpu.memref_slice %arg4[%add3A_1501, %dma_wait3A_1507, %mul3A_11] : memref<50x1000x4096xf32, #tpu.memory_space<hbm>> -> memref<1x200x256xf32, #tpu.memory_space<hbm>>
    %dma_wait3A_1509 = tpu.memref_squeeze %dma_wait3A_1508 : memref<1x200x256xf32, #tpu.memory_space<hbm>> -> memref<200x256xf32, #tpu.memory_space<hbm>>
    %dma_wait3A_1510 = arith.constant 600 : i32
    %dma_wait3A_1511 = tpu.memref_slice %arg4[%add3A_1501, %dma_wait3A_1510, %mul3A_11] : memref<50x1000x4096xf32, #tpu.memory_space<hbm>> -> memref<1x200x256xf32, #tpu.memory_space<hbm>>
    %dma_wait3A_1512 = tpu.memref_squeeze %dma_wait3A_1511 : memref<1x200x256xf32, #tpu.memory_space<hbm>> -> memref<200x256xf32, #tpu.memory_space<hbm>>
    %dma_wait3A_1513 = arith.constant 0 : i32
    %dma_wait3A_1514 = arith.constant 0 : i32
    %dma_wait3A_1515 = tpu.memref_slice %arg6[%dma_wait3A_1502, %dma_wait3A_1513, %dma_wait3A_1514] : memref<2x200x256xf32, #tpu.memory_space<vmem>> -> memref<1x200x256xf32, #tpu.memory_space<vmem>>
    %dma_wait3A_1516 = tpu.memref_squeeze %dma_wait3A_1515 : memref<1x200x256xf32, #tpu.memory_space<vmem>> -> memref<200x256xf32, #tpu.memory_space<vmem>>
    tpu.wait_dma2 semaphore(%arg7 : memref<!tpu.dma_semaphore, #tpu.memory_space<semaphore_mem>>) src(%dma_wait3A_1516 : memref<200x256xf32, #tpu.memory_space<vmem>>) dst(%dma_wait3A_1512 : memref<200x256xf32, #tpu.memory_space<hbm>>)
    %add3A_1517 = arith.constant 24 : i32
    %add3A_1518 = arith.addi %mul3A_34, %add3A_1517 : i32
    %dma_wait3A_1519 = arith.constant 1 : i32
    %dma_wait3A_1520 = arith.constant 0 : i32
    %dma_wait3A_1521 = arith.constant 0 : i32
    %dma_wait3A_1522 = tpu.memref_slice %arg6[%dma_wait3A_1519, %dma_wait3A_1520, %dma_wait3A_1521] : memref<2x200x256xf32, #tpu.memory_space<vmem>> -> memref<1x200x256xf32, #tpu.memory_space<vmem>>
    %dma_wait3A_1523 = tpu.memref_squeeze %dma_wait3A_1522 : memref<1x200x256xf32, #tpu.memory_space<vmem>> -> memref<200x256xf32, #tpu.memory_space<vmem>>
    %dma_wait3A_1524 = arith.constant 800 : i32
    %dma_wait3A_1525 = tpu.memref_slice %arg4[%add3A_1518, %dma_wait3A_1524, %mul3A_11] : memref<50x1000x4096xf32, #tpu.memory_space<hbm>> -> memref<1x200x256xf32, #tpu.memory_space<hbm>>
    %dma_wait3A_1526 = tpu.memref_squeeze %dma_wait3A_1525 : memref<1x200x256xf32, #tpu.memory_space<hbm>> -> memref<200x256xf32, #tpu.memory_space<hbm>>
    %dma_wait3A_1527 = arith.constant 800 : i32
    %dma_wait3A_1528 = tpu.memref_slice %arg4[%add3A_1518, %dma_wait3A_1527, %mul3A_11] : memref<50x1000x4096xf32, #tpu.memory_space<hbm>> -> memref<1x200x256xf32, #tpu.memory_space<hbm>>
    %dma_wait3A_1529 = tpu.memref_squeeze %dma_wait3A_1528 : memref<1x200x256xf32, #tpu.memory_space<hbm>> -> memref<200x256xf32, #tpu.memory_space<hbm>>
    %dma_wait3A_1530 = arith.constant 0 : i32
    %dma_wait3A_1531 = arith.constant 0 : i32
    %dma_wait3A_1532 = tpu.memref_slice %arg6[%dma_wait3A_1519, %dma_wait3A_1530, %dma_wait3A_1531] : memref<2x200x256xf32, #tpu.memory_space<vmem>> -> memref<1x200x256xf32, #tpu.memory_space<vmem>>
    %dma_wait3A_1533 = tpu.memref_squeeze %dma_wait3A_1532 : memref<1x200x256xf32, #tpu.memory_space<vmem>> -> memref<200x256xf32, #tpu.memory_space<vmem>>
    tpu.wait_dma2 semaphore(%arg8 : memref<!tpu.dma_semaphore, #tpu.memory_space<semaphore_mem>>) src(%dma_wait3A_1533 : memref<200x256xf32, #tpu.memory_space<vmem>>) dst(%dma_wait3A_1529 : memref<200x256xf32, #tpu.memory_space<hbm>>)
    return
  }
}

</mosaic_0001>

<sc_bundles>
// kernel: kernel.3.cloned.1.call-start
scs
__scs_entry_jumppad:
0x0: {  	(pc) =	sbr.rel $0x88, $3  }
0x1: {  	(tag) =	ssettag $0x0;
	lr =	simm.s32 $0x1  }
0x2: {  	[smem:$0x3FA0] =	sst lr;
	_ =	strace $0xD0000000  }
0x3: {  	_ = 	snop  }
0x4: {  	_ = 	snop  }
0x5: {  	_ = 	snop  }
0x6: {  	_ = 	snop  }
0x7: {  	_ = 	snop  }
__scs_overlays_trampoline_lowered:
0x8: {  	[smem:$0x3FAF] =	sst s0  }
0x9: {  	[smem:$0x3FB0] =	sst s1  }
0xa: {  	[smem:$0x3FB1] =	sst s2  }
0xb: {  	[smem:$0x3FB2] =	sst s3  }
0xc: {  	[smem:$0x3FB3] =	sst s4  }
0xd: {  	[smem:$0x3FB4] =	sst s5  }
0xe: {  	[smem:$0x3FB5] =	sst s6  }
0xf: {  	[smem:$0x3FB6] =	sst s7  }
0x10: {  	[smem:$0x3FB7] =	sst s8  }
0x11: {  	[smem:$0x3FB8] =	sst s9;
	s0 =	simm.s32 @!p0 $0x0  }
0x12: {  	s1 =	sld [smem:$0x3F9E];
	s0 =	simm.s32 @p0 $0x1  }
0x13: {  	[smem:$0x3FB9] =	sst s0;
	s0 =	simm.s32 @!p1 $0x0  }
0x14: {  	s2 =	sld [smem:$0x3F9D];
	s0 =	simm.s32 @p1 $0x1  }
0x15: {  	[smem:$0x3FBA] =	sst s0;
	s0 =	simm.s32 @!p2 $0x0  }
0x16: {  	s3 =	sld [smem:$0x3FDB];
	s0 =	simm.s32 @p2 $0x1  }
0x17: {  	s4 =	simm.s32 $0x1BF5;
	[smem:$0x3FBC] =	sst s0  }
0x18: {  	s0 =	sld [smem:$0x3F9F];
	_ =	swait.ge [sflag:s4], $0x0  }
0x19: {  	s7 =	sld [smem:$0x3FA0]  }
0x1a: {  	s8 =	sadd.s32 $0xFFFFE003, lr  }
0x1b: {  	s9 =	sadd.s32 $0xFFFFFEF7, lr;
	s5 =	simm.s32 $0xFFFFFFFF;
	p2 =	slt.u32 s8, $0xFFFFF086  }
0x1c: {  	p1 =	slt.u32 s9, $0xF7A;
	s5 =	simm.s32 @!p2 $0x0  }
0x1d: {  	s5 =	simm.s32 @p1 $0x1;
	p0 =	seq.s32 s7, s2  }
0x1e: {  	s7 =	smul.u32 @!p0 $0xF7A, s2;
	p2 =	seq.s32 @!p0 s5, $0x0  }
0x1f: {  	s9 =	smul.u32 $0xF7A, s1;
	s8 =	simm.s32 @!p0 $0x1BF5;
	p2 =	por !p2, p0  }
0x20: {  	[sflag:s8] =	ssyncset.s32 @!p0 $0xFFFFF086;
	s6 =	sadd.s32 @!p0 s3, s7;
	s7 =	simm.s32 @!p0 $0x108  }
0x21: {  	s3 =	sadd.s32 s3, s9;
	s6 =	sadd.s32 @!p0 $0x88, s6;
	s7 =	simm.s32 @p2 $0x1082  }
0x22: {  	[simem:s7], [sflag:s8] =	dma.local @!p0 [hbm:s6], $0xF7A  }
0x23: {  	s9 =	sor.u32 $0xD0000000, s2;
	s6 =	simm.s32 $0x108;
	_ =	swait.ge @!p0 [sflag:s8], $0x0  }
0x24: {  	s3 =	sadd.s32 $0x88, s3;
	s6 =	simm.s32 @!p1 $0x1082;
	[sflag:s4] =	ssyncset.s32 $0xFFFFF086  }
0x25: {  	[simem:s6], [sflag:s4] =	dma.local [hbm:s3], $0xF7A  }
0x26: {  	[smem:$0x3FA0] =	sst s1;
	(tag) =	ssettag s2;
	_ =	strace s9  }
0x27: {  	s1 =	sld [smem:$0x3FB0]  }
0x28: {  	s2 =	sld [smem:$0x3FB1]  }
0x29: {  	s4 =	sld [smem:$0x3FB3]  }
0x2a: {  	p0 =	seq.s32 s5, $0x0;
	s5 =	sld [smem:$0x3FB4]  }
0x2b: {  	s6 =	sld [smem:$0x3FB5]  }
0x2c: {  	s7 =	sld [smem:$0x3FB6]  }
0x2d: {  	s3 =	simm.s32 $0x108;
	s8 =	sld [smem:$0x3FB7]  }
0x2e: {  	s3 =	simm.s32 @!p0 $0x1082;
	s9 =	sld [smem:$0x3FB8]  }
0x2f: {  	lr =	sadd.s32 s0, s3;
	s0 =	sld [smem:$0x3FAF]  }
0x30: {  	s3 =	sld [smem:$0x3FB2]  }
0x31: {  	[smem:$0x3FBB] =	sst s10  }
0x32: {  	s10 =	sld [smem:$0x3FB9];
	_ =	sdelay $0x3  }
0x33: {  	p0 =	seq.s32 s10, $0x1;
	s10 =	sld [smem:$0x3FBB];
	_ =	sdelay $0x3  }
0x34: {  	[smem:$0x3FBB] =	sst s10  }
0x35: {  	s10 =	sld [smem:$0x3FBA];
	_ =	sdelay $0x3  }
0x36: {  	p1 =	seq.s32 s10, $0x1;
	s10 =	sld [smem:$0x3FBB];
	_ =	sdelay $0x3  }
0x37: {  	[smem:$0x3FBB] =	sst s10  }
0x38: {  	s10 =	sld [smem:$0x3FBC]  }
0x39: {  	_ = 	snop;
	(pc) =	sbr.ind lr, $3  }
0x3a: {  	_ = 	snop  }
0x3b: {  	_ = 	snop  }
0x3c: {  	p2 =	seq.s32 s10, $0x1;
	s10 =	sld [smem:$0x3FBB]  }
0x3d: {  	_ =	shalt  }
0x3e: {  	_ =	shalt  }
0x3f: {  	_ =	shalt  }
0x40: {  	_ =	shalt  }
0x41: {  	_ =	shalt  }
0x42: {  	_ =	shalt  }
0x43: {  	_ =	shalt  }
0x44: {  	_ =	shalt  }
0x45: {  	_ =	shalt  }
0x46: {  	_ =	shalt  }
0x47: {  	_ =	shalt  }
0x48: {  	_ =	shalt  }
0x49: {  	_ =	shalt  }
0x4a: {  	_ =	shalt  }
0x4b: {  	_ =	shalt  }
0x4c: {  	_ =	shalt  }
0x4d: {  	_ =	shalt  }
0x4e: {  	_ =	shalt  }
0x4f: {  	_ =	shalt  }
0x50: {  	_ =	shalt  }
0x51: {  	_ =	shalt  }
0x52: {  	_ =	shalt  }
0x53: {  	_ =	shalt  }
0x54: {  	_ =	shalt  }
0x55: {  	_ =	shalt  }
0x56: {  	_ =	shalt  }
0x57: {  	_ =	shalt  }
0x58: {  	_ =	shalt  }
0x59: {  	_ =	shalt  }
0x5a: {  	_ =	shalt  }
0x5b: {  	_ =	shalt  }
0x5c: {  	_ =	shalt  }
0x5d: {  	_ =	shalt  }
0x5e: {  	_ =	shalt  }
0x5f: {  	_ =	shalt  }
0x60: {  	_ =	shalt  }
0x61: {  	_ =	shalt  }
0x62: {  	_ =	shalt  }
0x63: {  	_ =	shalt  }
0x64: {  	_ =	shalt  }
0x65: {  	_ =	shalt  }
0x66: {  	_ =	shalt  }
0x67: {  	_ =	shalt  }
0x68: {  	_ =	shalt  }
0x69: {  	_ =	shalt  }
0x6a: {  	_ =	shalt  }
0x6b: {  	_ =	shalt  }
0x6c: {  	_ =	shalt  }
0x6d: {  	_ =	shalt  }
0x6e: {  	_ =	shalt  }
0x6f: {  	_ =	shalt  }
0x70: {  	_ =	shalt  }
0x71: {  	_ =	shalt  }
0x72: {  	_ =	shalt  }
0x73: {  	_ =	shalt  }
0x74: {  	_ =	shalt  }
0x75: {  	_ =	shalt  }
0x76: {  	_ =	shalt  }
0x77: {  	_ =	shalt  }
0x78: {  	_ =	shalt  }
0x79: {  	_ =	shalt  }
0x7a: {  	_ =	shalt  }
0x7b: {  	_ =	shalt  }
0x7c: {  	_ =	shalt  }
0x7d: {  	_ =	shalt  }
0x7e: {  	_ =	shalt  }
0x7f: {  	_ =	shalt  }
0x80: {  	_ =	shalt  }
0x81: {  	_ =	shalt  }
0x82: {  	_ =	shalt  }
0x83: {  	_ =	shalt  }
0x84: {  	_ =	shalt  }
0x85: {  	_ =	shalt  }
0x86: {  	_ =	shalt  }
0x87: {  	_ =	shalt  }
.Lfunc_end0:
.L_simem_size_0:
called_computation_lowered:
.L_overlay_start_0:
0x88: {  	s2 =	sld [smem:$0x3FD9]  }
0x89: {  	s3 =	sld [smem:$0x3FFE];
	_ =	sdelay $0x1  }
0x8a: {  	s1 =	srdreg.scid  }
0x8b: {  	s0 =	sand.u32 $0x1, s1  }
0x8c: {  	s17 =	sshll.u32 s0, $0xA;
	s2 =	sadd.s32 s3, s2  }
0x8d: {  	s2 =	sadd.s32 s2, s17  }
0x8e: {  	[smem:$0x3FC7] =	sst s2  }
0x8f: {  	_ = 	snop  }
0x90: {  	s2 =	sld [smem:$0x3FD0];
	(tm) =	ssettm $0x1  }
0x91: {  	s18 =	sld [smem:$0x3FFB];
	_ =	sdelay $0x3  }
0x92: {  	_ =	strace s18  }
0x93: {  	s3 =	sld [smem:$0x3FFC];
	_ =	sdelay $0x3  }
0x94: {  	_ =	strace s3  }
0x95: {  	s3 =	sld [smem:$0x3FFD];
	_ =	sdelay $0x3  }
0x96: {  	_ =	strace s3  }
0x97: {  	_ =	strace $0x8FFFFFFF  }
0x98: {  	s19 =	sld [smem:$0x3FDB];
	_ =	sdelay $0x1  }
0x99: {  	s4 =	simm.s32 $_scs_section_size  }
0x9a: {  	s5 =	simm.s32 $_size__tile_overlayer_lowered;
	s6 =	simm.s32 $_tile_overlayer_lowered  }
0x9b: {  	s22 =	simm.s32 $0x1BFF;
	s21 =	sshll.u32 s6, $0x1;
	s3 =	sadd.s32 s4, s19  }
0x9c: {  	s7 =	simm.s32 $0x0;
	s20 =	sshll.u32 s5, $0x1;
	s5 =	sadd.s32 s21, s3  }
0x9d: {  	[timem:s7], [sflag:s22] =	dma.local [hbm:s5], s20  }
0x9e: {  	_ =	swait.ge [sflag:s22], s20  }
0x9f: {  	s4 =	ssub.s32 $0x0, s20;
	[sflag:s22] =	ssyncset.done $0x0  }
0xa0: {  	[sflag:s22] =	ssyncadd.s32 s4;
	_ =	sdelay $0x1  }
0xa1: {  	s23 =	simm.s32 $0x1B8B  }
0xa2: {  	_ =	swait.ge [sflag:s23], $0x1  }
0xa3: {  	[sflag:s23] =	ssyncset.done $0x0  }
0xa4: {  	s25 =	simm.s32 $0x1B8E;
	s24 =	sld [smem:$0x3FFE];
	[sflag:s23] =	ssyncadd.s32 $0xFFFFFFFF  }
0xa5: {  	s26 =	simm.s32 $execute0_lowered;
	[smem:$0x3FD2] =	sst s25  }
0xa6: {  	s5 =	sshll.u32 s26, $0x1;
	_ =	strace $0x80000046;
	[dreg:$0x1] =	wrdreg $0xFFFFFFFF  }
0xa7: {  	s28 =	simm.s32 $_size_execute0_lowered;
	s3 =	sadd.s32 s3, s5;
	[dreg:$0x0] =	wrdreg $0x0  }
0xa8: {  	s5 =	sshll.u32 s28, $0x1;
	[dreg:$0x2] =	wrdreg s3  }
0xa9: {  	[dreg:$0x3] =	wrdreg s5  }
0xaa: {  	[dreg:$0x4] =	wrdreg $0xC0  }
0xab: {  	_ =	task [dreg:s7], $0x5FFFF  }
0xac: {  	[dreg:$0x1] =	wrdreg $0xFFFFFFFF  }
0xad: {  	[dreg:$0x0] =	wrdreg $0x60  }
0xae: {  	[dreg:$0x2] =	wrdreg s24  }
0xaf: {  	[dreg:$0x3] =	wrdreg s2  }
0xb0: {  	[dreg:$0x4] =	wrdreg $0x9  }
0xb1: {  	_ =	task.clear_ibuf [dreg:s7], $0x5FFFF;
	_ =	strace $0x90000046  }
0xb2: {  	s29 =	simm.s32 $0x9;
	_ =	strace $0x80000048  }
0xb3: {  	_ =	swait.ge [sflag:s29], $0x1  }
0xb4: {  	[sflag:s29] =	ssyncadd.s32 $0xFFFFFFFF  }
0xb5: {  	_ =	strace $0x90000048  }
0xb6: {  	_ =	sfence  }
0xb7: {  	s30 =	sld [smem:$0x0];
	_ =	sdelay $0x2  }
0xb8: {  	s31 =	sshll.u32 s1, $0xD;
	s1 =	sshrl.u32 s1, $0x2  }
0xb9: {  	s3 =	sand.u32 $0x4000, s31;
	s1 =	sadd.s32 s1, s30  }
0xba: {  	s0 =	sor.u32 s3, s0;
	s1 =	sshll.u32 s1, $0x11  }
0xbb: {  	s0 =	sor.u32 s1, s0  }
0xbc: {  	s0 =	sadd.s32 $0x8F2B, s0  }
0xbd: {  	[sflag:s0] =	ssyncadd.remote.s32 $0x1  }
0xbe: {  	_ =	sfence.sel $0xFFFF  }
0xbf: {  	[dreg:$0x0] =	wrdreg $0xFFFFFFFF;
	(pc) =	sbr.abs _section_cstart, $3  }
0xc0: {  	[dreg:$0x1] =	wrdreg $0xFFFFFFFF  }
0xc1: {  	_ =	task.clear_ibuf [dreg:s7], $0x2FFFF;
	_ =	strace $0x9FFFFFFF  }
0xc2: {  	(tm) =	ssettm $0x7FFFFFFF  }
0xc3: {  	_ =	shalt  }
tec
execute0_lowered:
.L_overlay_start_1:
0x0: {  	(tag) =	ssettag $0x1  }
0x1: {  	s2 =	stileid.u32  }
0x2: {  	s0 =	srdreg.scid;
	s25 =	rddreg [dreg:$0x0]  }
0x3: {  	s1 =	sshll.u32 s2, $0x1;
	s0 =	sand.u32 $0x1, s0;
	s5 =	sshrl.u32 s2, $0x3  }
0x4: {  	s1 =	sand.u32 $0xE, s1;
	s23 =	ssub.s32 $0x2, s0;
	s24 =	smul.u32 $0x19000, s5  }
0x5: {  	s4 =	sor.u32 s0, s1;
	s6 =	sshrl.u32 s23, $0x1;
	s1 =	smul.u32 $0x19, s5  }
0x6: {  	s5 =	smul.u32 $0x61A8000, s5;
	s3 =	sshll.u32 s4, $0x8;
	s26 =	ssub.s32 s23, s6  }
0x7: {  	s4 =	sshll.u32 s4, $0xB;
	[dreg:$0x13] =	wrdreg s26;
	s0 =	sor.u32 s24, s3  }
0x8: {  	s20 =	sshll.u32 s1, $0xC;
	s7 =	sadd.s32 $0x1000, s0;
	s8 =	sadd.s32 $0x2000, s0  }
0x9: {  	s9 =	sadd.s32 $0x3000, s0;
	s10 =	sadd.s32 $0x4000, s0;
	s11 =	sadd.s32 $0x5000, s0  }
0xa: {  	s12 =	sadd.s32 $0x6000, s0;
	s13 =	sadd.s32 $0x7000, s0;
	s14 =	sadd.s32 $0x8000, s0  }
0xb: {  	s15 =	sadd.s32 $0x9000, s0;
	s16 =	sadd.s32 $0xA000, s0;
	s17 =	sadd.s32 $0xB000, s0  }
0xc: {  	s18 =	sadd.s32 $0xC000, s0;
	s19 =	sadd.s32 $0xD000, s0;
	s21 =	sadd.s32 $0xE000, s0  }
0xd: {  	s22 =	sadd.s32 $0xF000, s0;
	s20 =	sor.u32 s3, s20;
	s23 =	sadd.s32 $0x10000, s0  }
0xe: {  	s24 =	sadd.s32 $0x11000, s0;
	s26 =	sadd.s32 $0x13000, s0;
	s28 =	sadd.s32 $0x14000, s0  }
0xf: {  	s29 =	sadd.s32 $0x15000, s0;
	s30 =	sadd.s32 $0x16000, s0;
	s31 =	sadd.s32 $0x17000, s0  }
0x10: {  	s6 =	sshrl.u32 s0, $0x3;
	s2 =	sadd.s32 $0x18000, s20;
	s20 =	sadd.s32 $0x12000, s0  }
0x11: {  	s7 =	sshrl.u32 s7, $0x3;
	s0 =	sadd.s32 $0x400, s25;
	s8 =	sshrl.u32 s8, $0x3  }
0x12: {  	s9 =	sshrl.u32 s9, $0x3;
	s25 =	sshrl.u32 s10, $0x3;
	s10 =	sshrl.u32 s13, $0x3  }
0x13: {  	s13 =	sshrl.u32 s15, $0x3;
	s21 =	sshrl.u32 s21, $0x3;
	s6 =	sadd.s32 s0, s6  }
0x14: {  	s22 =	sshrl.u32 s22, $0x3;
	s7 =	sadd.s32 s0, s7;
	[dreg:$0x3] =	wrdreg s6  }
0x15: {  	s23 =	sshrl.u32 s23, $0x3;
	[dreg:$0x4] =	wrdreg s7;
	s6 =	sadd.s32 s0, s8  }
0x16: {  	s7 =	sadd.s32 s0, s25;
	s8 =	sshrl.u32 s11, $0x3;
	s11 =	sadd.s32 s0, s10  }
0x17: {  	s25 =	sshrl.u32 s24, $0x3;
	s10 =	sshrl.u32 s29, $0x3;
	[dreg:$0x5] =	wrdreg s6  }
0x18: {  	s6 =	sadd.s32 s0, s9;
	[dreg:$0x7] =	wrdreg s7;
	s9 =	sshrl.u32 s12, $0x3  }
0x19: {  	[dreg:$0xa] =	wrdreg s11;
	s12 =	sshrl.u32 s14, $0x3;
	s14 =	sshrl.u32 s16, $0x3  }
0x1a: {  	s16 =	sshrl.u32 s17, $0x3;
	s17 =	sshrl.u32 s18, $0x3;
	s18 =	sshrl.u32 s19, $0x3  }
0x1b: {  	s7 =	sshrl.u32 s20, $0x3;
	s11 =	sshrl.u32 s30, $0x3;
	[dreg:$0x6] =	wrdreg s6  }
0x1c: {  	s6 =	sadd.s32 s0, s8;
	s15 =	sadd.s32 s0, s14;
	s19 =	sadd.s32 s0, s18  }
0x1d: {  	s18 =	sadd.s32 s0, s23;
	s8 =	sshrl.u32 s26, $0x3;
	s20 =	sadd.s32 s0, s7  }
0x1e: {  	s23 =	sadd.s32 s0, s10;
	s24 =	sadd.s32 s0, s11;
	s14 =	sor.u32 s5, s4  }
0x1f: {  	s4 =	simm.s32 $0x800;
	s7 =	simm.s32 $0x8000;
	[dreg:$0x8] =	wrdreg s6  }
0x20: {  	s10 =	simm.s32 $0x2;
	s11 =	simm.s32 $0x0;
	[dreg:$0xd] =	wrdreg s15  }
0x21: {  	s6 =	sadd.s32 s0, s9;
	[dreg:$0x10] =	wrdreg s19;
	s19 =	sadd.s32 s0, s25  }
0x22: {  	s9 =	sshrl.u32 s28, $0x3;
	s15 =	rddreg [dreg:$0x1];
	s28 =	simm.s32 $0x0  }
0x23: {  	s5 =	sshrl.u32 s14, $0x3;
	[dreg:$0x9] =	wrdreg s6;
	s6 =	sadd.s32 s0, s12  }
0x24: {  	v0 =	vlaneseq.u32;
	v1 =	vimm.f32 $1.000000000e+00;
	s12 =	sshrl.u32 s31, $0x3;
	[smem:$0x7FF] =	sst s28;
	s30 =	sadd.s32 s15, s5  }
0x25: {  	v17 =	vimm.f32 $0.0e+00;
	v2 =	vor.u32 $0x10, v0;
	v3 =	vor.u32 $0x20, v0;
	s31 =	sadd.s32 s15, s3;
	[dreg:$0xb] =	wrdreg s6;
	s6 =	sadd.s32 s0, s13  }
0x26: {  	v4 =	vor.u32 $0x30, v0;
	v5 =	vor.u32 $0x40, v0;
	v6 =	vor.u32 $0x50, v0;
	s5 =	simm.s32 $0x1900;
	[dreg:$0xc] =	wrdreg s6;
	s6 =	sadd.s32 s0, s16  }
0x27: {  	v7 =	vor.u32 $0x60, v0;
	v8 =	vor.u32 $0x70, v0;
	v9 =	vor.u32 $0x400, v0;
	s13 =	sshrl.u32 s2, $0x3;
	[dreg:$0xe] =	wrdreg s6;
	s6 =	sadd.s32 s0, s17  }
0x28: {  	v10 =	vor.u32 $0x410, v0;
	v11 =	vor.u32 $0x420, v0;
	v12 =	vor.u32 $0x430, v0;
	s25 =	sadd.s32 s0, s12;
	[dreg:$0xf] =	wrdreg s6;
	s6 =	sadd.s32 s0, s21  }
0x29: {  	v13 =	vor.u32 $0x440, v0;
	v14 =	vor.u32 $0x450, v0;
	v15 =	vor.u32 $0x460, v0;
	s3 =	sadd.s32 $0x19000, s30;
	[dreg:$0x11] =	wrdreg s6;
	s6 =	sadd.s32 s0, s22  }
0x2a: {  	v16 =	vor.u32 $0x470, v0;
	v18 =	vor.u32 $0xC800, v0;
	v19 =	vor.u32 $0xC810, v0;
	s26 =	sadd.s32 s0, s13;
	s21 =	sadd.s32 s0, s8;
	[dreg:$0x12] =	wrdreg s6  }
0x2b: {  	v20 =	vor.u32 $0xC820, v0;
	v21 =	vor.u32 $0xC830, v0;
	v22 =	vor.u32 $0xC840, v0;
	s8 =	simm.s32 $0xE100;
	s22 =	sadd.s32 s0, s9;
	_ =	strace $0x80000047  }
0x2c: {  	v23 =	vor.u32 $0xC850, v0;
	v24 =	vor.u32 $0xC860, v0;
	v25 =	vor.u32 $0xC870, v0;
	s0 =	sadd.s32 $0x60E0000, s14;
	s9 =	simm.s32 $0x1;
	s16 =	rddreg [dreg:$0x0]  }
0x2d: {  	v26 =	vor.u32 $0xCC00, v0;
	v27 =	vor.u32 $0xCC10, v0;
	v28 =	vor.u32 $0xCC20, v0;
	s0 =	sshrl.u32 s0, $0x3;
	s6 =	simm.s32 $0x3;
	s17 =	rddreg [dreg:$0x13]  }
0x2e: {  	v29 =	vor.u32 $0xCC30, v0;
	v30 =	vor.u32 $0xCC40, v0;
	v31 =	vor.u32 $0xCC50, v0;
	s29 =	sadd.s32 s15, s0;
	s0 =	sadd.s32 $0x6800, s16;
	s2 =	smax.u32 s17, $0x1  }
.LBB2_1:
0x2f: {  	s12 =	rddreg [dreg:$0x3]  }
0x30: {  	[tilespmem:s28], [sflag:$0x3] =	stream.linear.gather [hbm4b:s12+s28], $0x100, $0x38;
	[tilespmem:$0x1A900] =	vst v63  }
0x31: {  	s15 =	rddreg [dreg:$0x4];
	s13 =	simm.s32 $0x100  }
0x32: {  	[tilespmem:s13], [sflag:$0x3] =	stream.linear.gather [hbm4b:s15+s28], $0x100, $0x38;
	[tilespmem:$0x1A900] =	vst v63  }
0x33: {  	s16 =	rddreg [dreg:$0x5];
	s17 =	simm.s32 $0x200  }
0x34: {  	[tilespmem:s17], [sflag:$0x3] =	stream.linear.gather [hbm4b:s16+s28], $0x100, $0x38;
	[tilespmem:$0x1A900] =	vst v63  }
0x35: {  	s14 =	rddreg [dreg:$0x6];
	s15 =	simm.s32 $0x300  }
0x36: {  	[tilespmem:s15], [sflag:$0x3] =	stream.linear.gather [hbm4b:s14+s28], $0x100, $0x38;
	[tilespmem:$0x1A900] =	vst v63  }
0x37: {  	s16 =	rddreg [dreg:$0x7];
	s17 =	simm.s32 $0x400  }
0x38: {  	[tilespmem:s17], [sflag:$0x3] =	stream.linear.gather [hbm4b:s16+s28], $0x100, $0x38;
	[tilespmem:$0x1A900] =	vst v63  }
0x39: {  	s14 =	rddreg [dreg:$0x8];
	s15 =	simm.s32 $0x500  }
0x3a: {  	[tilespmem:s15], [sflag:$0x3] =	stream.linear.gather [hbm4b:s14+s28], $0x100, $0x38;
	[tilespmem:$0x1A900] =	vst v63  }
0x3b: {  	s16 =	rddreg [dreg:$0x9];
	s17 =	simm.s32 $0x600  }
0x3c: {  	[tilespmem:s17], [sflag:$0x3] =	stream.linear.gather [hbm4b:s16+s28], $0x100, $0x38;
	[tilespmem:$0x1A900] =	vst v63  }
0x3d: {  	s13 =	rddreg [dreg:$0xa];
	s14 =	simm.s32 $0x700  }
0x3e: {  	[tilespmem:s14], [sflag:$0x3] =	stream.linear.gather [hbm4b:s13+s28], $0x100, $0x38;
	[tilespmem:$0x1A900] =	vst v63  }
0x3f: {  	s15 =	rddreg [dreg:$0xb]  }
0x40: {  	[tilespmem:s4], [sflag:$0x3] =	stream.linear.gather [hbm4b:s15+s28], $0x100, $0x38;
	[tilespmem:$0x1A900] =	vst v63  }
0x41: {  	s16 =	rddreg [dreg:$0xc];
	s17 =	simm.s32 $0x900  }
0x42: {  	[tilespmem:s17], [sflag:$0x3] =	stream.linear.gather [hbm4b:s16+s28], $0x100, $0x38;
	[tilespmem:$0x1A900] =	vst v63  }
0x43: {  	s14 =	rddreg [dreg:$0xd];
	s15 =	simm.s32 $0xA00  }
0x44: {  	[tilespmem:s15], [sflag:$0x3] =	stream.linear.gather [hbm4b:s14+s28], $0x100, $0x38;
	[tilespmem:$0x1A900] =	vst v63  }
0x45: {  	s16 =	rddreg [dreg:$0xe];
	s17 =	simm.s32 $0xB00  }
0x46: {  	[tilespmem:s17], [sflag:$0x3] =	stream.linear.gather [hbm4b:s16+s28], $0x100, $0x38;
	[tilespmem:$0x1A900] =	vst v63  }
0x47: {  	s14 =	rddreg [dreg:$0xf];
	s15 =	simm.s32 $0xC00  }
0x48: {  	[tilespmem:s15], [sflag:$0x3] =	stream.linear.gather [hbm4b:s14+s28], $0x100, $0x38;
	[tilespmem:$0x1A900] =	vst v63  }
0x49: {  	s16 =	rddreg [dreg:$0x10];
	s17 =	simm.s32 $0xD00  }
0x4a: {  	[tilespmem:s17], [sflag:$0x3] =	stream.linear.gather [hbm4b:s16+s28], $0x100, $0x38;
	[tilespmem:$0x1A900] =	vst v63  }
0x4b: {  	s14 =	rddreg [dreg:$0x11];
	s15 =	simm.s32 $0xE00  }
0x4c: {  	[tilespmem:s15], [sflag:$0x3] =	stream.linear.gather [hbm4b:s14+s28], $0x100, $0x38;
	[tilespmem:$0x1A900] =	vst v63  }
0x4d: {  	s16 =	rddreg [dreg:$0x12];
	s17 =	simm.s32 $0xF00  }
0x4e: {  	[tilespmem:s17], [sflag:$0x3] =	stream.linear.gather [hbm4b:s16+s28], $0x100, $0x38;
	[tilespmem:$0x1A900] =	vst v63  }
0x4f: {  	s14 =	simm.s32 $0x1000  }
0x50: {  	[tilespmem:s14], [sflag:$0x3] =	stream.linear.gather [hbm4b:s18+s28], $0x100, $0x38;
	[tilespmem:$0x1A900] =	vst v63  }
0x51: {  	s15 =	simm.s32 $0x1100  }
0x52: {  	[tilespmem:s15], [sflag:$0x3] =	stream.linear.gather [hbm4b:s19+s28], $0x100, $0x38;
	[tilespmem:$0x1A900] =	vst v63  }
0x53: {  	s16 =	simm.s32 $0x1200  }
0x54: {  	[tilespmem:s16], [sflag:$0x3] =	stream.linear.gather [hbm4b:s20+s28], $0x100, $0x38;
	[tilespmem:$0x1A900] =	vst v63  }
0x55: {  	s17 =	simm.s32 $0x1300  }
0x56: {  	[tilespmem:s17], [sflag:$0x3] =	stream.linear.gather [hbm4b:s21+s28], $0x100, $0x38;
	[tilespmem:$0x1A900] =	vst v63  }
0x57: {  	s13 =	simm.s32 $0x1400  }
0x58: {  	[tilespmem:s13], [sflag:$0x3] =	stream.linear.gather [hbm4b:s22+s28], $0x100, $0x38;
	[tilespmem:$0x1A900] =	vst v63  }
0x59: {  	s14 =	simm.s32 $0x1500  }
0x5a: {  	[tilespmem:s14], [sflag:$0x3] =	stream.linear.gather [hbm4b:s23+s28], $0x100, $0x38;
	[tilespmem:$0x1A900] =	vst v63  }
0x5b: {  	s15 =	simm.s32 $0x1600  }
0x5c: {  	[tilespmem:s15], [sflag:$0x3] =	stream.linear.gather [hbm4b:s24+s28], $0x100, $0x38;
	[tilespmem:$0x1A900] =	vst v63  }
0x5d: {  	s16 =	simm.s32 $0x1700  }
0x5e: {  	[tilespmem:s16], [sflag:$0x3] =	stream.linear.gather [hbm4b:s25+s28], $0x100, $0x38;
	[tilespmem:$0x1A900] =	vst v63  }
0x5f: {  	s17 =	simm.s32 $0x1800  }
0x60: {  	[tilespmem:s17], [sflag:$0x3] =	stream.linear.gather [hbm4b:s26+s28], $0x100, $0x38;
	[tilespmem:$0x1A900] =	vst v63  }
0x61: {  	_ = 	snop  }
0x62: {  	[tilespmem:s5], [sflag:$0x1] =	stream.linear.gather [hbm4b:s0+s28], $0x19000, $0x38;
	[tilespmem:$0x1A900] =	vst v63  }
0x63: {  	_ =	swait.ge [sflag:s6], $0x100  }
0x64: {  	[sflag:s6] =	ssyncset.done $0x0  }
0x65: {  	[sflag:s6] =	ssyncadd.s32 $0xFFFFFF00  }
0x66: {  	_ =	swait.ge [sflag:s6], $0x100  }
0x67: {  	[sflag:s6] =	ssyncset.done $0x0  }
0x68: {  	[sflag:s6] =	ssyncadd.s32 $0xFFFFFF00  }
0x69: {  	_ =	swait.ge [sflag:s6], $0x100  }
0x6a: {  	[sflag:s6] =	ssyncset.done $0x0  }
0x6b: {  	[sflag:s6] =	ssyncadd.s32 $0xFFFFFF00  }
0x6c: {  	_ =	swait.ge [sflag:s6], $0x100  }
0x6d: {  	[sflag:s6] =	ssyncset.done $0x0  }
0x6e: {  	[sflag:s6] =	ssyncadd.s32 $0xFFFFFF00  }
0x6f: {  	_ =	swait.ge [sflag:s6], $0x100  }
0x70: {  	[sflag:s6] =	ssyncset.done $0x0  }
0x71: {  	[sflag:s6] =	ssyncadd.s32 $0xFFFFFF00  }
0x72: {  	_ =	swait.ge [sflag:s6], $0x100  }
0x73: {  	[sflag:s6] =	ssyncset.done $0x0  }
0x74: {  	[sflag:s6] =	ssyncadd.s32 $0xFFFFFF00  }
0x75: {  	_ =	swait.ge [sflag:s6], $0x100  }
0x76: {  	[sflag:s6] =	ssyncset.done $0x0  }
0x77: {  	[sflag:s6] =	ssyncadd.s32 $0xFFFFFF00  }
0x78: {  	_ =	swait.ge [sflag:s6], $0x100  }
0x79: {  	[sflag:s6] =	ssyncset.done $0x0  }
0x7a: {  	[sflag:s6] =	ssyncadd.s32 $0xFFFFFF00  }
0x7b: {  	_ =	swait.ge [sflag:s6], $0x100  }
0x7c: {  	[sflag:s6] =	ssyncset.done $0x0  }
0x7d: {  	[sflag:s6] =	ssyncadd.s32 $0xFFFFFF00  }
0x7e: {  	_ =	swait.ge [sflag:s6], $0x100  }
0x7f: {  	[sflag:s6] =	ssyncset.done $0x0  }
0x80: {  	[sflag:s6] =	ssyncadd.s32 $0xFFFFFF00  }
0x81: {  	_ =	swait.ge [sflag:s6], $0x100  }
0x82: {  	[sflag:s6] =	ssyncset.done $0x0  }
0x83: {  	[sflag:s6] =	ssyncadd.s32 $0xFFFFFF00  }
0x84: {  	_ =	swait.ge [sflag:s6], $0x100  }
0x85: {  	[sflag:s6] =	ssyncset.done $0x0  }
0x86: {  	[sflag:s6] =	ssyncadd.s32 $0xFFFFFF00  }
0x87: {  	_ =	swait.ge [sflag:s6], $0x100  }
0x88: {  	[sflag:s6] =	ssyncset.done $0x0  }
0x89: {  	[sflag:s6] =	ssyncadd.s32 $0xFFFFFF00  }
0x8a: {  	_ =	swait.ge [sflag:s6], $0x100  }
0x8b: {  	[sflag:s6] =	ssyncset.done $0x0  }
0x8c: {  	[sflag:s6] =	ssyncadd.s32 $0xFFFFFF00  }
0x8d: {  	_ =	swait.ge [sflag:s6], $0x100  }
0x8e: {  	[sflag:s6] =	ssyncset.done $0x0  }
0x8f: {  	[sflag:s6] =	ssyncadd.s32 $0xFFFFFF00  }
0x90: {  	_ =	swait.ge [sflag:s6], $0x100  }
0x91: {  	[sflag:s6] =	ssyncset.done $0x0  }
0x92: {  	[sflag:s6] =	ssyncadd.s32 $0xFFFFFF00  }
0x93: {  	_ =	swait.ge [sflag:s6], $0x100  }
0x94: {  	[sflag:s6] =	ssyncset.done $0x0  }
0x95: {  	[sflag:s6] =	ssyncadd.s32 $0xFFFFFF00  }
0x96: {  	_ =	swait.ge [sflag:s6], $0x100  }
0x97: {  	[sflag:s6] =	ssyncset.done $0x0  }
0x98: {  	[sflag:s6] =	ssyncadd.s32 $0xFFFFFF00  }
0x99: {  	_ =	swait.ge [sflag:s6], $0x100  }
0x9a: {  	[sflag:s6] =	ssyncset.done $0x0  }
0x9b: {  	[sflag:s6] =	ssyncadd.s32 $0xFFFFFF00  }
0x9c: {  	_ =	swait.ge [sflag:s6], $0x100  }
0x9d: {  	[sflag:s6] =	ssyncset.done $0x0  }
0x9e: {  	[sflag:s6] =	ssyncadd.s32 $0xFFFFFF00  }
0x9f: {  	_ =	swait.ge [sflag:s6], $0x100  }
0xa0: {  	[sflag:s6] =	ssyncset.done $0x0  }
0xa1: {  	[sflag:s6] =	ssyncadd.s32 $0xFFFFFF00  }
0xa2: {  	_ =	swait.ge [sflag:s6], $0x100  }
0xa3: {  	[sflag:s6] =	ssyncset.done $0x0  }
0xa4: {  	[sflag:s6] =	ssyncadd.s32 $0xFFFFFF00  }
0xa5: {  	_ =	swait.ge [sflag:s6], $0x100  }
0xa6: {  	[sflag:s6] =	ssyncset.done $0x0  }
0xa7: {  	[sflag:s6] =	ssyncadd.s32 $0xFFFFFF00  }
0xa8: {  	_ =	swait.ge [sflag:s6], $0x100  }
0xa9: {  	[sflag:s6] =	ssyncset.done $0x0  }
0xaa: {  	[sflag:s6] =	ssyncadd.s32 $0xFFFFFF00  }
0xab: {  	_ =	swait.ge [sflag:s6], $0x100  }
0xac: {  	[sflag:s6] =	ssyncset.done $0x0  }
0xad: {  	[sflag:s6] =	ssyncadd.s32 $0xFFFFFF00  }
0xae: {  	_ =	swait.ge [sflag:s9], $0x19000  }
0xaf: {  	[sflag:s9] =	ssyncset.done $0x0  }
0xb0: {  	[sflag:s9] =	ssyncadd.s32 $0xFFFE7000  }
0xb1: {  	v32 =	vld [tilespmem:$0x0];
	_ =	sdelay $0x4  }
0xb2: {  	v33 =	vshll.u32 v32, $0x8;
	v34 =	vshll.u32 v32, $0x7  }
0xb3: {  	v33 =	vand.u32 $0xFFFFF800, v33;
	v34 =	vand.u32 $0x380, v34  }
0xb4: {  	vm0 =	vlt.u32 v32, $0xC8;
	v54 =	vor.u32 v33, v34  }
0xb5: {  	v32 =	vor.u32 v0, v54;
	_ =	sdelay $0x4  }
0xb6: {  	[tilespmem:v32+s5+$0x0] =	vst.idx.msk vm0, v1  }
0xb7: {  	v32 =	vld [tilespmem:$0x10];
	_ =	sdelay $0x4  }
0xb8: {  	v55 =	vshll.u32 v32, $0x8;
	v56 =	vshll.u32 v32, $0x7  }
0xb9: {  	v33 =	vand.u32 $0xFFFFF800, v55;
	v34 =	vand.u32 $0x380, v56  }
0xba: {  	vm9 =	vlt.u32 v32, $0xC8;
	v57 =	vor.u32 v33, v34  }
0xbb: {  	v32 =	vor.u32 v2, v57;
	_ =	sdelay $0x4  }
0xbc: {  	[tilespmem:v32+s5+$0x0] =	vst.idx.msk vm9, v1  }
0xbd: {  	v32 =	vld [tilespmem:$0x20];
	_ =	sdelay $0x4  }
0xbe: {  	v58 =	vshll.u32 v32, $0x8;
	v59 =	vshll.u32 v32, $0x7  }
0xbf: {  	v33 =	vand.u32 $0xFFFFF800, v58;
	v34 =	vand.u32 $0x380, v59  }
0xc0: {  	vm10 =	vlt.u32 v32, $0xC8;
	v60 =	vor.u32 v33, v34  }
0xc1: {  	v32 =	vor.u32 v3, v60;
	_ =	sdelay $0x4  }
0xc2: {  	[tilespmem:v32+s5+$0x0] =	vst.idx.msk vm10, v1  }
0xc3: {  	v32 =	vld [tilespmem:$0x30];
	_ =	sdelay $0x4  }
0xc4: {  	v61 =	vshll.u32 v32, $0x8;
	v62 =	vshll.u32 v32, $0x7  }
0xc5: {  	v33 =	vand.u32 $0xFFFFF800, v61;
	v34 =	vand.u32 $0x380, v62  }
0xc6: {  	vm11 =	vlt.u32 v32, $0xC8;
	v63 =	vor.u32 v33, v34  }
0xc7: {  	v32 =	vor.u32 v4, v63;
	_ =	sdelay $0x4  }
0xc8: {  	[tilespmem:v32+s5+$0x0] =	vst.idx.msk vm11, v1  }
0xc9: {  	v32 =	vld [tilespmem:$0x40];
	_ =	sdelay $0x4  }
0xca: {  	v36 =	vshll.u32 v32, $0x8;
	v37 =	vshll.u32 v32, $0x7  }
0xcb: {  	v33 =	vand.u32 $0xFFFFF800, v36;
	v34 =	vand.u32 $0x380, v37  }
0xcc: {  	vm12 =	vlt.u32 v32, $0xC8;
	v38 =	vor.u32 v33, v34  }
0xcd: {  	v32 =	vor.u32 v5, v38;
	_ =	sdelay $0x4  }
0xce: {  	[tilespmem:v32+s5+$0x0] =	vst.idx.msk vm12, v1  }
0xcf: {  	v32 =	vld [tilespmem:$0x50];
	_ =	sdelay $0x4  }
0xd0: {  	v39 =	vshll.u32 v32, $0x8;
	v40 =	vshll.u32 v32, $0x7  }
0xd1: {  	v33 =	vand.u32 $0xFFFFF800, v39;
	v34 =	vand.u32 $0x380, v40  }
0xd2: {  	vm13 =	vlt.u32 v32, $0xC8;
	v41 =	vor.u32 v33, v34  }
0xd3: {  	v32 =	vor.u32 v6, v41;
	_ =	sdelay $0x4  }
0xd4: {  	[tilespmem:v32+s5+$0x0] =	vst.idx.msk vm13, v1  }
0xd5: {  	v32 =	vld [tilespmem:$0x60];
	_ =	sdelay $0x4  }
0xd6: {  	v42 =	vshll.u32 v32, $0x8;
	v43 =	vshll.u32 v32, $0x7  }
0xd7: {  	v33 =	vand.u32 $0xFFFFF800, v42;
	v34 =	vand.u32 $0x380, v43  }
0xd8: {  	vm14 =	vlt.u32 v32, $0xC8;
	v44 =	vor.u32 v33, v34  }
0xd9: {  	v32 =	vor.u32 v7, v44;
	_ =	sdelay $0x4  }
0xda: {  	[tilespmem:v32+s5+$0x0] =	vst.idx.msk vm14, v1  }
0xdb: {  	v32 =	vld [tilespmem:$0x70];
	_ =	sdelay $0x4  }
0xdc: {  	v45 =	vshll.u32 v32, $0x8;
	v46 =	vshll.u32 v32, $0x7  }
0xdd: {  	v33 =	vand.u32 $0xFFFFF800, v45;
	v34 =	vand.u32 $0x380, v46  }
0xde: {  	vm15 =	vlt.u32 v32, $0xC8;
	v47 =	vor.u32 v33, v34  }
0xdf: {  	v32 =	vor.u32 v8, v47;
	_ =	sdelay $0x4  }
0xe0: {  	[tilespmem:v32+s5+$0x0] =	vst.idx.msk vm15, v1  }
0xe1: {  	v32 =	vld [tilespmem:$0x80];
	_ =	sdelay $0x4  }
0xe2: {  	v48 =	vshll.u32 v32, $0x8;
	v49 =	vshll.u32 v32, $0x7  }
0xe3: {  	v33 =	vand.u32 $0xFFFFF800, v48;
	v34 =	vand.u32 $0x380, v49  }
0xe4: {  	vm4 =	vlt.u32 v32, $0xC8;
	v50 =	vor.u32 v34, v33  }
0xe5: {  	v32 =	vor.u32 v9, v50;
	_ =	sdelay $0x4  }
0xe6: {  	[tilespmem:v32+s5+$0x0] =	vst.idx.msk vm4, v1  }
0xe7: {  	v32 =	vld [tilespmem:$0x90];
	_ =	sdelay $0x4  }
0xe8: {  	v51 =	vshll.u32 v32, $0x8;
	v52 =	vshll.u32 v32, $0x7  }
0xe9: {  	v33 =	vand.u32 $0xFFFFF800, v51;
	v34 =	vand.u32 $0x380, v52  }
0xea: {  	vm5 =	vlt.u32 v32, $0xC8;
	v53 =	vor.u32 v34, v33  }
0xeb: {  	v32 =	vor.u32 v10, v53;
	_ =	sdelay $0x4  }
0xec: {  	[tilespmem:v32+s5+$0x0] =	vst.idx.msk vm5, v1  }
0xed: {  	v32 =	vld [tilespmem:$0xA0];
	_ =	sdelay $0x4  }
0xee: {  	v54 =	vshll.u32 v32, $0x8;
	v55 =	vshll.u32 v32, $0x7  }
0xef: {  	v33 =	vand.u32 $0xFFFFF800, v54;
	v34 =	vand.u32 $0x380, v55  }
0xf0: {  	vm6 =	vlt.u32 v32, $0xC8;
	v56 =	vor.u32 v34, v33  }
0xf1: {  	v32 =	vor.u32 v11, v56;
	_ =	sdelay $0x4  }
0xf2: {  	[tilespmem:v32+s5+$0x0] =	vst.idx.msk vm6, v1  }
0xf3: {  	v32 =	vld [tilespmem:$0xB0];
	_ =	sdelay $0x4  }
0xf4: {  	v57 =	vshll.u32 v32, $0x8;
	v58 =	vshll.u32 v32, $0x7  }
0xf5: {  	v33 =	vand.u32 $0xFFFFF800, v57;
	v34 =	vand.u32 $0x380, v58  }
0xf6: {  	vm7 =	vlt.u32 v32, $0xC8;
	v59 =	vor.u32 v34, v33  }
0xf7: {  	v32 =	vor.u32 v12, v59;
	_ =	sdelay $0x4  }
0xf8: {  	[tilespmem:v32+s5+$0x0] =	vst.idx.msk vm7, v1  }
0xf9: {  	v32 =	vld [tilespmem:$0xC0];
	_ =	sdelay $0x4  }
0xfa: {  	v60 =	vshll.u32 v32, $0x8;
	v61 =	vshll.u32 v32, $0x7  }
0xfb: {  	v33 =	vand.u32 $0xFFFFF800, v60;
	v34 =	vand.u32 $0x380, v61  }
0xfc: {  	vm8 =	vlt.u32 v32, $0xC8;
	v62 =	vor.u32 v34, v33  }
0xfd: {  	v32 =	vor.u32 v13, v62;
	_ =	sdelay $0x4  }
0xfe: {  	[tilespmem:v32+s5+$0x0] =	vst.idx.msk vm8, v1  }
0xff: {  	v32 =	vld [tilespmem:$0xD0];
	_ =	sdelay $0x4  }
0x100: {  	v63 =	vshll.u32 v32, $0x8;
	v36 =	vshll.u32 v32, $0x7  }
0x101: {  	v33 =	vand.u32 $0xFFFFF800, v63;
	v34 =	vand.u32 $0x380, v36  }
0x102: {  	vm9 =	vlt.u32 v32, $0xC8;
	v37 =	vor.u32 v34, v33  }
0x103: {  	v32 =	vor.u32 v14, v37;
	_ =	sdelay $0x4  }
0x104: {  	[tilespmem:v32+s5+$0x0] =	vst.idx.msk vm9, v1  }
0x105: {  	v32 =	vld [tilespmem:$0xE0];
	_ =	sdelay $0x4  }
0x106: {  	v38 =	vshll.u32 v32, $0x8;
	v39 =	vshll.u32 v32, $0x7  }
0x107: {  	v33 =	vand.u32 $0xFFFFF800, v38;
	v34 =	vand.u32 $0x380, v39  }
0x108: {  	vm10 =	vlt.u32 v32, $0xC8;
	v40 =	vor.u32 v34, v33  }
0x109: {  	v32 =	vor.u32 v15, v40;
	_ =	sdelay $0x4  }
0x10a: {  	[tilespmem:v32+s5+$0x0] =	vst.idx.msk vm10, v1  }
0x10b: {  	v32 =	vld [tilespmem:$0xF0];
	_ =	sdelay $0x4  }
0x10c: {  	v41 =	vshll.u32 v32, $0x8;
	v42 =	vshll.u32 v32, $0x7  }
0x10d: {  	v33 =	vand.u32 $0xFFFFF800, v41;
	v34 =	vand.u32 $0x380, v42  }
0x10e: {  	vm11 =	vlt.u32 v32, $0xC8;
	v43 =	vor.u32 v34, v33  }
0x10f: {  	v32 =	vor.u32 v16, v43;
	_ =	sdelay $0x4  }
0x110: {  	[tilespmem:v32+s5+$0x0] =	vst.idx.msk vm11, v1  }
0x111: {  	[hbm4b:s30+s4] =	stream.strided.scatter [tilespmem:s5], [sflag:$0x1], $0xC800, s7, s4, $0x38;
	[tilespmem:$0x1A900] =	vst v63  }
0x112: {  	v32 =	vld [tilespmem:$0x0];
	_ =	sdelay $0x4  }
0x113: {  	v44 =	vshll.u32 v32, $0x8;
	v45 =	vshll.u32 v32, $0x7  }
0x114: {  	v32 =	vadd.s32 $0xFFFFFF38, v32;
	v33 =	vand.u32 $0xFFFFF800, v44;
	v34 =	vand.u32 $0x380, v45  }
0x115: {  	vm12 =	vlt.u32 v32, $0xC8;
	v46 =	vor.u32 v33, v34  }
0x116: {  	v32 =	vor.u32 v0, v46;
	_ =	sdelay $0x4  }
0x117: {  	[tilespmem:v32+s5+$0x0] =	vst.idx.msk vm12, v1  }
0x118: {  	v32 =	vld [tilespmem:$0x10];
	_ =	sdelay $0x4  }
0x119: {  	v47 =	vshll.u32 v32, $0x8;
	v48 =	vshll.u32 v32, $0x7  }
0x11a: {  	v32 =	vadd.s32 $0xFFFFFF38, v32;
	v33 =	vand.u32 $0xFFFFF800, v47;
	v34 =	vand.u32 $0x380, v48  }
0x11b: {  	vm13 =	vlt.u32 v32, $0xC8;
	v49 =	vor.u32 v33, v34  }
0x11c: {  	v32 =	vor.u32 v2, v49;
	_ =	sdelay $0x4  }
0x11d: {  	[tilespmem:v32+s5+$0x0] =	vst.idx.msk vm13, v1  }
0x11e: {  	v32 =	vld [tilespmem:$0x20];
	_ =	sdelay $0x4  }
0x11f: {  	v50 =	vshll.u32 v32, $0x8;
	v51 =	vshll.u32 v32, $0x7  }
0x120: {  	v32 =	vadd.s32 $0xFFFFFF38, v32;
	v33 =	vand.u32 $0xFFFFF800, v50;
	v34 =	vand.u32 $0x380, v51  }
0x121: {  	vm14 =	vlt.u32 v32, $0xC8;
	v52 =	vor.u32 v33, v34  }
0x122: {  	v32 =	vor.u32 v3, v52;
	_ =	sdelay $0x4  }
0x123: {  	[tilespmem:v32+s5+$0x0] =	vst.idx.msk vm14, v1  }
0x124: {  	v32 =	vld [tilespmem:$0x30];
	_ =	sdelay $0x4  }
0x125: {  	v53 =	vshll.u32 v32, $0x8;
	v54 =	vshll.u32 v32, $0x7  }
0x126: {  	v32 =	vadd.s32 $0xFFFFFF38, v32;
	v33 =	vand.u32 $0xFFFFF800, v53;
	v34 =	vand.u32 $0x380, v54  }
0x127: {  	vm15 =	vlt.u32 v32, $0xC8;
	v55 =	vor.u32 v33, v34  }
0x128: {  	v32 =	vor.u32 v4, v55;
	_ =	sdelay $0x4  }
0x129: {  	[tilespmem:v32+s5+$0x0] =	vst.idx.msk vm15, v1  }
0x12a: {  	v32 =	vld [tilespmem:$0x40];
	_ =	sdelay $0x4  }
0x12b: {  	v56 =	vshll.u32 v32, $0x8;
	v57 =	vshll.u32 v32, $0x7  }
0x12c: {  	v32 =	vadd.s32 $0xFFFFFF38, v32;
	v33 =	vand.u32 $0xFFFFF800, v56;
	v34 =	vand.u32 $0x380, v57  }
0x12d: {  	vm4 =	vlt.u32 v32, $0xC8;
	v58 =	vor.u32 v33, v34  }
0x12e: {  	v32 =	vor.u32 v5, v58;
	_ =	sdelay $0x4  }
0x12f: {  	[tilespmem:v32+s5+$0x0] =	vst.idx.msk vm4, v1  }
0x130: {  	v32 =	vld [tilespmem:$0x50];
	_ =	sdelay $0x4  }
0x131: {  	v59 =	vshll.u32 v32, $0x8;
	v60 =	vshll.u32 v32, $0x7  }
0x132: {  	v32 =	vadd.s32 $0xFFFFFF38, v32;
	v33 =	vand.u32 $0xFFFFF800, v59;
	v34 =	vand.u32 $0x380, v60  }
0x133: {  	vm5 =	vlt.u32 v32, $0xC8;
	v61 =	vor.u32 v33, v34  }
0x134: {  	v32 =	vor.u32 v6, v61;
	_ =	sdelay $0x4  }
0x135: {  	[tilespmem:v32+s5+$0x0] =	vst.idx.msk vm5, v1  }
0x136: {  	v32 =	vld [tilespmem:$0x60];
	_ =	sdelay $0x4  }
0x137: {  	v62 =	vshll.u32 v32, $0x8;
	v63 =	vshll.u32 v32, $0x7  }
0x138: {  	v32 =	vadd.s32 $0xFFFFFF38, v32;
	v33 =	vand.u32 $0xFFFFF800, v62;
	v34 =	vand.u32 $0x380, v63  }
0x139: {  	vm6 =	vlt.u32 v32, $0xC8;
	v36 =	vor.u32 v33, v34  }
0x13a: {  	v32 =	vor.u32 v7, v36;
	_ =	sdelay $0x4  }
0x13b: {  	[tilespmem:v32+s5+$0x0] =	vst.idx.msk vm6, v1  }
0x13c: {  	v32 =	vld [tilespmem:$0x70];
	_ =	sdelay $0x4  }
0x13d: {  	v37 =	vshll.u32 v32, $0x8;
	v38 =	vshll.u32 v32, $0x7  }
0x13e: {  	v32 =	vadd.s32 $0xFFFFFF38, v32;
	v33 =	vand.u32 $0xFFFFF800, v37;
	v34 =	vand.u32 $0x380, v38  }
0x13f: {  	vm7 =	vlt.u32 v32, $0xC8;
	v39 =	vor.u32 v33, v34  }
0x140: {  	v32 =	vor.u32 v8, v39;
	_ =	sdelay $0x4  }
0x141: {  	[tilespmem:v32+s5+$0x0] =	vst.idx.msk vm7, v1  }
0x142: {  	v32 =	vld [tilespmem:$0x80];
	_ =	sdelay $0x4  }
0x143: {  	v40 =	vshll.u32 v32, $0x8;
	v41 =	vshll.u32 v32, $0x7  }
0x144: {  	v32 =	vadd.s32 $0xFFFFFF38, v32;
	v33 =	vand.u32 $0xFFFFF800, v40;
	v34 =	vand.u32 $0x380, v41  }
0x145: {  	vm8 =	vlt.u32 v32, $0xC8;
	v42 =	vor.u32 v34, v33  }
0x146: {  	v32 =	vor.u32 v9, v42;
	_ =	sdelay $0x4  }
0x147: {  	[tilespmem:v32+s5+$0x0] =	vst.idx.msk vm8, v1  }
0x148: {  	v32 =	vld [tilespmem:$0x90];
	_ =	sdelay $0x4  }
0x149: {  	v43 =	vshll.u32 v32, $0x8;
	v44 =	vshll.u32 v32, $0x7  }
0x14a: {  	v32 =	vadd.s32 $0xFFFFFF38, v32;
	v33 =	vand.u32 $0xFFFFF800, v43;
	v34 =	vand.u32 $0x380, v44  }
0x14b: {  	vm9 =	vlt.u32 v32, $0xC8;
	v45 =	vor.u32 v34, v33  }
0x14c: {  	v32 =	vor.u32 v10, v45;
	_ =	sdelay $0x4  }
0x14d: {  	[tilespmem:v32+s5+$0x0] =	vst.idx.msk vm9, v1  }
0x14e: {  	v32 =	vld [tilespmem:$0xA0];
	_ =	sdelay $0x4  }
0x14f: {  	v46 =	vshll.u32 v32, $0x8;
	v47 =	vshll.u32 v32, $0x7  }
0x150: {  	v32 =	vadd.s32 $0xFFFFFF38, v32;
	v33 =	vand.u32 $0xFFFFF800, v46;
	v34 =	vand.u32 $0x380, v47  }
0x151: {  	vm10 =	vlt.u32 v32, $0xC8;
	v48 =	vor.u32 v34, v33  }
0x152: {  	v32 =	vor.u32 v11, v48;
	_ =	sdelay $0x4  }
0x153: {  	[tilespmem:v32+s5+$0x0] =	vst.idx.msk vm10, v1  }
0x154: {  	v32 =	vld [tilespmem:$0xB0];
	_ =	sdelay $0x4  }
0x155: {  	v49 =	vshll.u32 v32, $0x8;
	v50 =	vshll.u32 v32, $0x7  }
0x156: {  	v32 =	vadd.s32 $0xFFFFFF38, v32;
	v33 =	vand.u32 $0xFFFFF800, v49;
	v34 =	vand.u32 $0x380, v50  }
0x157: {  	vm11 =	vlt.u32 v32, $0xC8;
	v51 =	vor.u32 v34, v33  }
0x158: {  	v32 =	vor.u32 v12, v51;
	_ =	sdelay $0x4  }
0x159: {  	[tilespmem:v32+s5+$0x0] =	vst.idx.msk vm11, v1  }
0x15a: {  	v32 =	vld [tilespmem:$0xC0];
	_ =	sdelay $0x4  }
0x15b: {  	v52 =	vshll.u32 v32, $0x8;
	v53 =	vshll.u32 v32, $0x7  }
0x15c: {  	v32 =	vadd.s32 $0xFFFFFF38, v32;
	v33 =	vand.u32 $0xFFFFF800, v52;
	v34 =	vand.u32 $0x380, v53  }
0x15d: {  	vm12 =	vlt.u32 v32, $0xC8;
	v54 =	vor.u32 v34, v33  }
0x15e: {  	v32 =	vor.u32 v13, v54;
	_ =	sdelay $0x4  }
0x15f: {  	[tilespmem:v32+s5+$0x0] =	vst.idx.msk vm12, v1  }
0x160: {  	v32 =	vld [tilespmem:$0xD0];
	_ =	sdelay $0x4  }
0x161: {  	v55 =	vshll.u32 v32, $0x8;
	v56 =	vshll.u32 v32, $0x7  }
0x162: {  	v32 =	vadd.s32 $0xFFFFFF38, v32;
	v33 =	vand.u32 $0xFFFFF800, v55;
	v34 =	vand.u32 $0x380, v56  }
0x163: {  	vm13 =	vlt.u32 v32, $0xC8;
	v57 =	vor.u32 v34, v33  }
0x164: {  	v32 =	vor.u32 v14, v57;
	_ =	sdelay $0x4  }
0x165: {  	[tilespmem:v32+s5+$0x0] =	vst.idx.msk vm13, v1  }
0x166: {  	v32 =	vld [tilespmem:$0xE0];
	_ =	sdelay $0x4  }
0x167: {  	v58 =	vshll.u32 v32, $0x8;
	v59 =	vshll.u32 v32, $0x7  }
0x168: {  	v32 =	vadd.s32 $0xFFFFFF38, v32;
	v33 =	vand.u32 $0xFFFFF800, v58;
	v34 =	vand.u32 $0x380, v59  }
0x169: {  	vm14 =	vlt.u32 v32, $0xC8;
	v60 =	vor.u32 v34, v33  }
0x16a: {  	v32 =	vor.u32 v15, v60;
	_ =	sdelay $0x4  }
0x16b: {  	[tilespmem:v32+s5+$0x0] =	vst.idx.msk vm14, v1  }
0x16c: {  	v32 =	vld [tilespmem:$0xF0];
	_ =	sdelay $0x4  }
0x16d: {  	v61 =	vshll.u32 v32, $0x8;
	v62 =	vshll.u32 v32, $0x7  }
0x16e: {  	v32 =	vadd.s32 $0xFFFFFF38, v32;
	v33 =	vand.u32 $0xFFFFF800, v61;
	v34 =	vand.u32 $0x380, v62  }
0x16f: {  	vm15 =	vlt.u32 v32, $0xC8;
	v63 =	vor.u32 v34, v33  }
0x170: {  	v32 =	vor.u32 v16, v63;
	_ =	sdelay $0x4  }
0x171: {  	s12 =	simm.s32 $0x1;
	[tilespmem:v32+s5+$0x0] =	vst.idx.msk vm15, v1  }
0x172: {  	[hbm4b:s3+s4] =	stream.strided.scatter [tilespmem:s8], [sflag:$0x2], $0xC800, s7, s4, $0x38;
	[tilespmem:$0x1A900] =	vst v63  }
.LBB2_2:
0x173: {  	s13 =	sshll.u32 s12, $0x1  }
0x174: {  	s14 =	sadd.s32 $0xFFFFFFFE, s13  }
0x175: {  	s15 =	sshll.u32 s14, $0x18  }
0x176: {  	s15 =	sshra.s32 s15, $0x18  }
0x177: {  	s15 =	smul.u32 $0x67, s15;
	_ =	sdelay $0x1  }
0x178: {  	s16 =	sshrl.u32 s15, $0x1F;
	s15 =	sshra.s32 s15, $0x9  }
0x179: {  	s15 =	sadd.s32 s16, s15  }
0x17a: {  	s16 =	smul.u32 $0xFFFFFFFB, s15;
	_ =	sdelay $0x1  }
0x17b: {  	s14 =	sadd.s32 s14, s16  }
0x17c: {  	s16 =	sand.u32 $0xFF, s14  }
0x17d: {  	p0 =	slt.u32 s12, $0x2;
	p1 =	sne.s32 s16, $0x0  }
0x17e: {  	p0 =	por !p0, !p1  }
0x17f: {  	s16 =	simm.s32 $0x1;
	p0 =	por !p0, !p0  }
0x180: {  	s16 =	simm.s32 @!p0 $0x0  }
0x181: {  	_ =	swait.ge [sflag:s9], $0xC800;
	s15 =	ssub.s32 s15, s16  }
0x182: {  	[sflag:s9] =	ssyncset.done $0x0;
	s14 =	sshll.u32 s14, $0x18;
	s15 =	sshll.u32 s15, $0xA  }
0x183: {  	[sflag:s9] =	ssyncadd.s32 $0xFFFF3800;
	s16 =	sshra.s32 s14, $0x18;
	s17 =	sshra.s32 s15, $0x2  }
0x184: {  	p0 =	slt.s32 s16, $0x0;
	s15 =	sadd.s32 $0x5, s16;
	v33 =	vld [tilespmem:s17+$0x0]  }
0x185: {  	s16 =	smov.u32 @p0 s15  }
0x186: {  	s15 =	smul.u32 $0xC8, s16;
	_ =	sdelay $0x1  }
0x187: {  	v32 =	vmov s15  }
0x188: {  	v34 =	vsub.s32 v33, v32  }
0x189: {  	v33 =	vshll.u32 v33, $0x7;
	v35 =	vshll.u32 v34, $0x8  }
0x18a: {  	v33 =	vand.u32 $0x380, v33;
	v35 =	vand.u32 $0xFFFFF800, v35  }
0x18b: {  	vm0 =	vlt.u32 v34, $0xC8;
	v33 =	vor.u32 v35, v33  }
0x18c: {  	v33 =	vor.u32 v0, v33;
	_ =	sdelay $0x4  }
0x18d: {  	[tilespmem:v33+s5+$0x0] =	vst.idx.msk vm0, v17  }
0x18e: {  	v33 =	vld [tilespmem:s17+$0x10];
	_ =	sdelay $0x4  }
0x18f: {  	v46 =	vsub.s32 v33, v32  }
0x190: {  	v33 =	vshll.u32 v33, $0x7;
	v47 =	vshll.u32 v46, $0x8  }
0x191: {  	v33 =	vand.u32 $0x380, v33;
	v35 =	vand.u32 $0xFFFFF800, v47  }
0x192: {  	vm13 =	vlt.u32 v46, $0xC8;
	v33 =	vor.u32 v35, v33  }
0x193: {  	v33 =	vor.u32 v2, v33;
	_ =	sdelay $0x4  }
0x194: {  	[tilespmem:v33+s5+$0x0] =	vst.idx.msk vm13, v17  }
0x195: {  	v33 =	vld [tilespmem:s17+$0x20];
	_ =	sdelay $0x4  }
0x196: {  	v48 =	vsub.s32 v33, v32  }
0x197: {  	v33 =	vshll.u32 v33, $0x7;
	v49 =	vshll.u32 v48, $0x8  }
0x198: {  	v33 =	vand.u32 $0x380, v33;
	v35 =	vand.u32 $0xFFFFF800, v49  }
0x199: {  	vm14 =	vlt.u32 v48, $0xC8;
	v33 =	vor.u32 v35, v33  }
0x19a: {  	v33 =	vor.u32 v3, v33;
	_ =	sdelay $0x4  }
0x19b: {  	[tilespmem:v33+s5+$0x0] =	vst.idx.msk vm14, v17  }
0x19c: {  	v33 =	vld [tilespmem:s17+$0x30];
	_ =	sdelay $0x4  }
0x19d: {  	v50 =	vsub.s32 v33, v32  }
0x19e: {  	v33 =	vshll.u32 v33, $0x7;
	v51 =	vshll.u32 v50, $0x8  }
0x19f: {  	v33 =	vand.u32 $0x380, v33;
	v35 =	vand.u32 $0xFFFFF800, v51  }
0x1a0: {  	vm15 =	vlt.u32 v50, $0xC8;
	v33 =	vor.u32 v35, v33  }
0x1a1: {  	v33 =	vor.u32 v4, v33;
	_ =	sdelay $0x4  }
0x1a2: {  	[tilespmem:v33+s5+$0x0] =	vst.idx.msk vm15, v17  }
0x1a3: {  	v33 =	vld [tilespmem:s17+$0x40];
	_ =	sdelay $0x4  }
0x1a4: {  	v52 =	vsub.s32 v33, v32  }
0x1a5: {  	v33 =	vshll.u32 v33, $0x7;
	v53 =	vshll.u32 v52, $0x8  }
0x1a6: {  	v33 =	vand.u32 $0x380, v33;
	v35 =	vand.u32 $0xFFFFF800, v53  }
0x1a7: {  	vm4 =	vlt.u32 v52, $0xC8;
	v33 =	vor.u32 v35, v33  }
0x1a8: {  	v33 =	vor.u32 v5, v33;
	_ =	sdelay $0x4  }
0x1a9: {  	[tilespmem:v33+s5+$0x0] =	vst.idx.msk vm4, v17  }
0x1aa: {  	v33 =	vld [tilespmem:s17+$0x50];
	_ =	sdelay $0x4  }
0x1ab: {  	v54 =	vsub.s32 v33, v32  }
0x1ac: {  	v33 =	vshll.u32 v33, $0x7;
	v55 =	vshll.u32 v54, $0x8  }
0x1ad: {  	v33 =	vand.u32 $0x380, v33;
	v35 =	vand.u32 $0xFFFFF800, v55  }
0x1ae: {  	vm5 =	vlt.u32 v54, $0xC8;
	v33 =	vor.u32 v35, v33  }
0x1af: {  	v33 =	vor.u32 v6, v33;
	_ =	sdelay $0x4  }
0x1b0: {  	[tilespmem:v33+s5+$0x0] =	vst.idx.msk vm5, v17  }
0x1b1: {  	v33 =	vld [tilespmem:s17+$0x60];
	_ =	sdelay $0x4  }
0x1b2: {  	v56 =	vsub.s32 v33, v32  }
0x1b3: {  	v33 =	vshll.u32 v33, $0x7;
	v57 =	vshll.u32 v56, $0x8  }
0x1b4: {  	v33 =	vand.u32 $0x380, v33;
	v35 =	vand.u32 $0xFFFFF800, v57  }
0x1b5: {  	vm6 =	vlt.u32 v56, $0xC8;
	v33 =	vor.u32 v35, v33  }
0x1b6: {  	v33 =	vor.u32 v7, v33;
	_ =	sdelay $0x4  }
0x1b7: {  	[tilespmem:v33+s5+$0x0] =	vst.idx.msk vm6, v17  }
0x1b8: {  	v33 =	vld [tilespmem:s17+$0x70];
	_ =	sdelay $0x4  }
0x1b9: {  	v58 =	vsub.s32 v33, v32  }
0x1ba: {  	v33 =	vshll.u32 v33, $0x7;
	v59 =	vshll.u32 v58, $0x8  }
0x1bb: {  	v33 =	vand.u32 $0x380, v33;
	v35 =	vand.u32 $0xFFFFF800, v59  }
0x1bc: {  	vm7 =	vlt.u32 v58, $0xC8;
	v33 =	vor.u32 v35, v33  }
0x1bd: {  	v33 =	vor.u32 v8, v33;
	_ =	sdelay $0x4  }
0x1be: {  	[tilespmem:v33+s5+$0x0] =	vst.idx.msk vm7, v17  }
0x1bf: {  	v33 =	vld [tilespmem:s17+$0x80];
	_ =	sdelay $0x4  }
0x1c0: {  	v60 =	vsub.s32 v33, v32  }
0x1c1: {  	v33 =	vshll.u32 v33, $0x7;
	v61 =	vshll.u32 v60, $0x8  }
0x1c2: {  	v33 =	vand.u32 $0x380, v33;
	v35 =	vand.u32 $0xFFFFF800, v61  }
0x1c3: {  	vm8 =	vlt.u32 v60, $0xC8;
	v33 =	vor.u32 v35, v33  }
0x1c4: {  	v33 =	vor.u32 v9, v33;
	_ =	sdelay $0x4  }
0x1c5: {  	[tilespmem:v33+s5+$0x0] =	vst.idx.msk vm8, v17  }
0x1c6: {  	v33 =	vld [tilespmem:s17+$0x90];
	_ =	sdelay $0x4  }
0x1c7: {  	v62 =	vsub.s32 v33, v32  }
0x1c8: {  	v33 =	vshll.u32 v33, $0x7;
	v63 =	vshll.u32 v62, $0x8  }
0x1c9: {  	v33 =	vand.u32 $0x380, v33;
	v35 =	vand.u32 $0xFFFFF800, v63  }
0x1ca: {  	vm9 =	vlt.u32 v62, $0xC8;
	v33 =	vor.u32 v35, v33  }
0x1cb: {  	v33 =	vor.u32 v10, v33;
	_ =	sdelay $0x4  }
0x1cc: {  	[tilespmem:v33+s5+$0x0] =	vst.idx.msk vm9, v17  }
0x1cd: {  	v33 =	vld [tilespmem:s17+$0xA0];
	_ =	sdelay $0x4  }
0x1ce: {  	v36 =	vsub.s32 v33, v32  }
0x1cf: {  	v33 =	vshll.u32 v33, $0x7;
	v37 =	vshll.u32 v36, $0x8  }
0x1d0: {  	v33 =	vand.u32 $0x380, v33;
	v35 =	vand.u32 $0xFFFFF800, v37  }
0x1d1: {  	vm10 =	vlt.u32 v36, $0xC8;
	v33 =	vor.u32 v35, v33  }
0x1d2: {  	v33 =	vor.u32 v11, v33;
	_ =	sdelay $0x4  }
0x1d3: {  	[tilespmem:v33+s5+$0x0] =	vst.idx.msk vm10, v17  }
0x1d4: {  	v33 =	vld [tilespmem:s17+$0xB0];
	_ =	sdelay $0x4  }
0x1d5: {  	v38 =	vsub.s32 v33, v32  }
0x1d6: {  	v33 =	vshll.u32 v33, $0x7;
	v39 =	vshll.u32 v38, $0x8  }
0x1d7: {  	v33 =	vand.u32 $0x380, v33;
	v35 =	vand.u32 $0xFFFFF800, v39  }
0x1d8: {  	vm11 =	vlt.u32 v38, $0xC8;
	v33 =	vor.u32 v35, v33  }
0x1d9: {  	v33 =	vor.u32 v12, v33;
	_ =	sdelay $0x4  }
0x1da: {  	[tilespmem:v33+s5+$0x0] =	vst.idx.msk vm11, v17  }
0x1db: {  	v33 =	vld [tilespmem:s17+$0xC0];
	_ =	sdelay $0x4  }
0x1dc: {  	v40 =	vsub.s32 v33, v32  }
0x1dd: {  	v33 =	vshll.u32 v33, $0x7;
	v41 =	vshll.u32 v40, $0x8  }
0x1de: {  	v33 =	vand.u32 $0x380, v33;
	v35 =	vand.u32 $0xFFFFF800, v41  }
0x1df: {  	vm12 =	vlt.u32 v40, $0xC8;
	v33 =	vor.u32 v35, v33  }
0x1e0: {  	v33 =	vor.u32 v13, v33;
	_ =	sdelay $0x4  }
0x1e1: {  	[tilespmem:v33+s5+$0x0] =	vst.idx.msk vm12, v17  }
0x1e2: {  	v33 =	vld [tilespmem:s17+$0xD0];
	_ =	sdelay $0x4  }
0x1e3: {  	v42 =	vsub.s32 v33, v32  }
0x1e4: {  	v33 =	vshll.u32 v33, $0x7;
	v43 =	vshll.u32 v42, $0x8  }
0x1e5: {  	v33 =	vand.u32 $0x380, v33;
	v35 =	vand.u32 $0xFFFFF800, v43  }
0x1e6: {  	vm13 =	vlt.u32 v42, $0xC8;
	v33 =	vor.u32 v35, v33  }
0x1e7: {  	v33 =	vor.u32 v14, v33;
	_ =	sdelay $0x4  }
0x1e8: {  	[tilespmem:v33+s5+$0x0] =	vst.idx.msk vm13, v17  }
0x1e9: {  	v33 =	vld [tilespmem:s17+$0xE0];
	_ =	sdelay $0x4  }
0x1ea: {  	v44 =	vsub.s32 v33, v32  }
0x1eb: {  	v33 =	vshll.u32 v33, $0x7;
	v45 =	vshll.u32 v44, $0x8  }
0x1ec: {  	v33 =	vand.u32 $0x380, v33;
	v35 =	vand.u32 $0xFFFFF800, v45  }
0x1ed: {  	vm14 =	vlt.u32 v44, $0xC8;
	v33 =	vor.u32 v35, v33  }
0x1ee: {  	v33 =	vor.u32 v15, v33;
	_ =	sdelay $0x4  }
0x1ef: {  	[tilespmem:v33+s5+$0x0] =	vst.idx.msk vm14, v17  }
0x1f0: {  	v33 =	vld [tilespmem:s17+$0xF0];
	_ =	sdelay $0x4  }
0x1f1: {  	v32 =	vsub.s32 v33, v32  }
0x1f2: {  	v33 =	vshll.u32 v33, $0x7;
	v46 =	vshll.u32 v32, $0x8  }
0x1f3: {  	v33 =	vand.u32 $0x380, v33;
	v34 =	vand.u32 $0xFFFFF800, v46  }
0x1f4: {  	vm15 =	vlt.u32 v32, $0xC8;
	v47 =	vor.u32 v34, v33  }
0x1f5: {  	s16 =	sand.u32 $0xFE, s13;
	v32 =	vor.u32 v16, v47  }
0x1f6: {  	s14 =	smul.u32 $0xCD, s16;
	_ =	sdelay $0x1  }
0x1f7: {  	s15 =	sshrl.u32 s14, $0xA  }
0x1f8: {  	s14 =	smul.u32 $0x5, s15  }
0x1f9: {  	s16 =	sshll.u32 s15, $0x8;
	[tilespmem:v32+s5+$0x0] =	vst.idx.msk vm15, v17  }
0x1fa: {  	s14 =	ssub.s32 s13, s14;
	v48 =	vld [tilespmem:s16+$0x0]  }
0x1fb: {  	s14 =	sand.u32 $0xFF, s14  }
0x1fc: {  	s17 =	smul.u32 $0xC8, s14;
	_ =	sdelay $0x1  }
0x1fd: {  	v32 =	vmov s17  }
0x1fe: {  	v49 =	vsub.s32 v48, v32  }
0x1ff: {  	v33 =	vshll.u32 v48, $0x7;
	v50 =	vshll.u32 v49, $0x8  }
0x200: {  	v33 =	vand.u32 $0x380, v33;
	v35 =	vand.u32 $0xFFFFF800, v50  }
0x201: {  	vm4 =	vlt.u32 v49, $0xC8;
	v33 =	vor.u32 v35, v33  }
0x202: {  	v33 =	vor.u32 v0, v33;
	_ =	sdelay $0x4  }
0x203: {  	[tilespmem:v33+s5+$0x0] =	vst.idx.msk vm4, v1  }
0x204: {  	v33 =	vld [tilespmem:s16+$0x10];
	_ =	sdelay $0x4  }
0x205: {  	v51 =	vsub.s32 v33, v32  }
0x206: {  	v33 =	vshll.u32 v33, $0x7;
	v52 =	vshll.u32 v51, $0x8  }
0x207: {  	v33 =	vand.u32 $0x380, v33;
	v35 =	vand.u32 $0xFFFFF800, v52  }
0x208: {  	vm5 =	vlt.u32 v51, $0xC8;
	v33 =	vor.u32 v35, v33  }
0x209: {  	v33 =	vor.u32 v2, v33;
	_ =	sdelay $0x4  }
0x20a: {  	[tilespmem:v33+s5+$0x0] =	vst.idx.msk vm5, v1  }
0x20b: {  	v33 =	vld [tilespmem:s16+$0x20];
	_ =	sdelay $0x4  }
0x20c: {  	v53 =	vsub.s32 v33, v32  }
0x20d: {  	v33 =	vshll.u32 v33, $0x7;
	v54 =	vshll.u32 v53, $0x8  }
0x20e: {  	v33 =	vand.u32 $0x380, v33;
	v35 =	vand.u32 $0xFFFFF800, v54  }
0x20f: {  	vm6 =	vlt.u32 v53, $0xC8;
	v33 =	vor.u32 v35, v33  }
0x210: {  	v33 =	vor.u32 v3, v33;
	_ =	sdelay $0x4  }
0x211: {  	[tilespmem:v33+s5+$0x0] =	vst.idx.msk vm6, v1  }
0x212: {  	v33 =	vld [tilespmem:s16+$0x30];
	_ =	sdelay $0x4  }
0x213: {  	v55 =	vsub.s32 v33, v32  }
0x214: {  	v33 =	vshll.u32 v33, $0x7;
	v56 =	vshll.u32 v55, $0x8  }
0x215: {  	v33 =	vand.u32 $0x380, v33;
	v35 =	vand.u32 $0xFFFFF800, v56  }
0x216: {  	vm7 =	vlt.u32 v55, $0xC8;
	v33 =	vor.u32 v35, v33  }
0x217: {  	v33 =	vor.u32 v4, v33;
	_ =	sdelay $0x4  }
0x218: {  	[tilespmem:v33+s5+$0x0] =	vst.idx.msk vm7, v1  }
0x219: {  	v33 =	vld [tilespmem:s16+$0x40];
	_ =	sdelay $0x4  }
0x21a: {  	v57 =	vsub.s32 v33, v32  }
0x21b: {  	v33 =	vshll.u32 v33, $0x7;
	v58 =	vshll.u32 v57, $0x8  }
0x21c: {  	v33 =	vand.u32 $0x380, v33;
	v35 =	vand.u32 $0xFFFFF800, v58  }
0x21d: {  	vm8 =	vlt.u32 v57, $0xC8;
	v33 =	vor.u32 v35, v33  }
0x21e: {  	v33 =	vor.u32 v5, v33;
	_ =	sdelay $0x4  }
0x21f: {  	[tilespmem:v33+s5+$0x0] =	vst.idx.msk vm8, v1  }
0x220: {  	v33 =	vld [tilespmem:s16+$0x50];
	_ =	sdelay $0x4  }
0x221: {  	v59 =	vsub.s32 v33, v32  }
0x222: {  	v33 =	vshll.u32 v33, $0x7;
	v60 =	vshll.u32 v59, $0x8  }
0x223: {  	v33 =	vand.u32 $0x380, v33;
	v35 =	vand.u32 $0xFFFFF800, v60  }
0x224: {  	vm9 =	vlt.u32 v59, $0xC8;
	v33 =	vor.u32 v35, v33  }
0x225: {  	v33 =	vor.u32 v6, v33;
	_ =	sdelay $0x4  }
0x226: {  	[tilespmem:v33+s5+$0x0] =	vst.idx.msk vm9, v1  }
0x227: {  	v33 =	vld [tilespmem:s16+$0x60];
	_ =	sdelay $0x4  }
0x228: {  	v61 =	vsub.s32 v33, v32  }
0x229: {  	v33 =	vshll.u32 v33, $0x7;
	v62 =	vshll.u32 v61, $0x8  }
0x22a: {  	v33 =	vand.u32 $0x380, v33;
	v35 =	vand.u32 $0xFFFFF800, v62  }
0x22b: {  	vm10 =	vlt.u32 v61, $0xC8;
	v33 =	vor.u32 v35, v33  }
0x22c: {  	v33 =	vor.u32 v7, v33;
	_ =	sdelay $0x4  }
0x22d: {  	[tilespmem:v33+s5+$0x0] =	vst.idx.msk vm10, v1  }
0x22e: {  	v33 =	vld [tilespmem:s16+$0x70];
	_ =	sdelay $0x4  }
0x22f: {  	v63 =	vsub.s32 v33, v32  }
0x230: {  	v33 =	vshll.u32 v33, $0x7;
	v36 =	vshll.u32 v63, $0x8  }
0x231: {  	v33 =	vand.u32 $0x380, v33;
	v35 =	vand.u32 $0xFFFFF800, v36  }
0x232: {  	vm11 =	vlt.u32 v63, $0xC8;
	v33 =	vor.u32 v35, v33  }
0x233: {  	v33 =	vor.u32 v8, v33;
	_ =	sdelay $0x4  }
0x234: {  	[tilespmem:v33+s5+$0x0] =	vst.idx.msk vm11, v1  }
0x235: {  	v33 =	vld [tilespmem:s16+$0x80];
	_ =	sdelay $0x4  }
0x236: {  	v37 =	vsub.s32 v33, v32  }
0x237: {  	v33 =	vshll.u32 v33, $0x7;
	v38 =	vshll.u32 v37, $0x8  }
0x238: {  	v33 =	vand.u32 $0x380, v33;
	v35 =	vand.u32 $0xFFFFF800, v38  }
0x239: {  	vm12 =	vlt.u32 v37, $0xC8;
	v33 =	vor.u32 v35, v33  }
0x23a: {  	v33 =	vor.u32 v9, v33;
	_ =	sdelay $0x4  }
0x23b: {  	[tilespmem:v33+s5+$0x0] =	vst.idx.msk vm12, v1  }
0x23c: {  	v33 =	vld [tilespmem:s16+$0x90];
	_ =	sdelay $0x4  }
0x23d: {  	v39 =	vsub.s32 v33, v32  }
0x23e: {  	v33 =	vshll.u32 v33, $0x7;
	v40 =	vshll.u32 v39, $0x8  }
0x23f: {  	v33 =	vand.u32 $0x380, v33;
	v35 =	vand.u32 $0xFFFFF800, v40  }
0x240: {  	vm13 =	vlt.u32 v39, $0xC8;
	v33 =	vor.u32 v35, v33  }
0x241: {  	v33 =	vor.u32 v10, v33;
	_ =	sdelay $0x4  }
0x242: {  	[tilespmem:v33+s5+$0x0] =	vst.idx.msk vm13, v1  }
0x243: {  	v33 =	vld [tilespmem:s16+$0xA0];
	_ =	sdelay $0x4  }
0x244: {  	v41 =	vsub.s32 v33, v32  }
0x245: {  	v33 =	vshll.u32 v33, $0x7;
	v42 =	vshll.u32 v41, $0x8  }
0x246: {  	v33 =	vand.u32 $0x380, v33;
	v35 =	vand.u32 $0xFFFFF800, v42  }
0x247: {  	vm14 =	vlt.u32 v41, $0xC8;
	v33 =	vor.u32 v35, v33  }
0x248: {  	v33 =	vor.u32 v11, v33;
	_ =	sdelay $0x4  }
0x249: {  	[tilespmem:v33+s5+$0x0] =	vst.idx.msk vm14, v1  }
0x24a: {  	v33 =	vld [tilespmem:s16+$0xB0];
	_ =	sdelay $0x4  }
0x24b: {  	v43 =	vsub.s32 v33, v32  }
0x24c: {  	v33 =	vshll.u32 v33, $0x7;
	v44 =	vshll.u32 v43, $0x8  }
0x24d: {  	v33 =	vand.u32 $0x380, v33;
	v35 =	vand.u32 $0xFFFFF800, v44  }
0x24e: {  	vm15 =	vlt.u32 v43, $0xC8;
	v33 =	vor.u32 v35, v33  }
0x24f: {  	v33 =	vor.u32 v12, v33;
	_ =	sdelay $0x4  }
0x250: {  	[tilespmem:v33+s5+$0x0] =	vst.idx.msk vm15, v1  }
0x251: {  	v33 =	vld [tilespmem:s16+$0xC0];
	_ =	sdelay $0x4  }
0x252: {  	v45 =	vsub.s32 v33, v32  }
0x253: {  	v33 =	vshll.u32 v33, $0x7;
	v46 =	vshll.u32 v45, $0x8  }
0x254: {  	v33 =	vand.u32 $0x380, v33;
	v35 =	vand.u32 $0xFFFFF800, v46  }
0x255: {  	vm4 =	vlt.u32 v45, $0xC8;
	v33 =	vor.u32 v35, v33  }
0x256: {  	v33 =	vor.u32 v13, v33;
	_ =	sdelay $0x4  }
0x257: {  	[tilespmem:v33+s5+$0x0] =	vst.idx.msk vm4, v1  }
0x258: {  	v33 =	vld [tilespmem:s16+$0xD0];
	_ =	sdelay $0x4  }
0x259: {  	v47 =	vsub.s32 v33, v32  }
0x25a: {  	v33 =	vshll.u32 v33, $0x7;
	v48 =	vshll.u32 v47, $0x8  }
0x25b: {  	v33 =	vand.u32 $0x380, v33;
	v35 =	vand.u32 $0xFFFFF800, v48  }
0x25c: {  	vm5 =	vlt.u32 v47, $0xC8;
	v33 =	vor.u32 v35, v33  }
0x25d: {  	v33 =	vor.u32 v14, v33;
	_ =	sdelay $0x4  }
0x25e: {  	[tilespmem:v33+s5+$0x0] =	vst.idx.msk vm5, v1  }
0x25f: {  	v33 =	vld [tilespmem:s16+$0xE0];
	_ =	sdelay $0x4  }
0x260: {  	v49 =	vsub.s32 v33, v32  }
0x261: {  	v33 =	vshll.u32 v33, $0x7;
	v50 =	vshll.u32 v49, $0x8  }
0x262: {  	v33 =	vand.u32 $0x380, v33;
	v35 =	vand.u32 $0xFFFFF800, v50  }
0x263: {  	vm6 =	vlt.u32 v49, $0xC8;
	v33 =	vor.u32 v35, v33  }
0x264: {  	v33 =	vor.u32 v15, v33;
	_ =	sdelay $0x4  }
0x265: {  	[tilespmem:v33+s5+$0x0] =	vst.idx.msk vm6, v1  }
0x266: {  	v33 =	vld [tilespmem:s16+$0xF0];
	_ =	sdelay $0x4  }
0x267: {  	v32 =	vsub.s32 v33, v32  }
0x268: {  	v33 =	vshll.u32 v33, $0x7;
	v51 =	vshll.u32 v32, $0x8  }
0x269: {  	s15 =	sadd.s32 s15, s1;
	s13 =	sadd.s32 $0xFFFFFFFF, s13;
	v33 =	vand.u32 $0x380, v33;
	v34 =	vand.u32 $0xFFFFF800, v51  }
0x26a: {  	s15 =	smul.u32 $0x3E8000, s15;
	s17 =	sshll.u32 s13, $0x18;
	vm7 =	vlt.u32 v32, $0xC8;
	v52 =	vor.u32 v34, v33  }
0x26b: {  	s14 =	smul.u32 $0xC8000, s14;
	s16 =	sshra.s32 s17, $0x18;
	v32 =	vor.u32 v16, v52  }
0x26c: {  	s16 =	smul.u32 $0x67, s16;
	_ =	sdelay $0x1  }
0x26d: {  	s14 =	sadd.s32 s14, s15;
	s17 =	sshrl.u32 s16, $0x1F;
	s16 =	sshra.s32 s16, $0x9  }
0x26e: {  	s14 =	sshrl.u32 s14, $0x3;
	s15 =	sadd.s32 s17, s16  }
0x26f: {  	s14 =	sadd.s32 s14, s31;
	s16 =	smul.u32 $0xFFFFFFFB, s15;
	[tilespmem:v32+s5+$0x0] =	vst.idx.msk vm7, v1  }
0x270: {  	[hbm4b:s14+s4] =	stream.strided.scatter [tilespmem:s5], [sflag:$0x1], $0xC800, s7, s4, $0x38;
	[tilespmem:$0x1A900] =	vst v63  }
0x271: {  	s13 =	sadd.s32 s13, s16;
	_ =	swait.ge [sflag:s10], $0xC800  }
0x272: {  	s16 =	sshll.u32 s15, $0xA;
	s13 =	sshll.u32 s13, $0x18;
	[sflag:s10] =	ssyncset.done $0x0  }
0x273: {  	s17 =	sshra.s32 s16, $0x2;
	s15 =	sshra.s32 s13, $0x18;
	[sflag:s10] =	ssyncadd.s32 $0xFFFF3800  }
0x274: {  	p0 =	slt.s32 s15, $0x0;
	s14 =	sadd.s32 $0x5, s15;
	v53 =	vld [tilespmem:s17+$0x0]  }
0x275: {  	s15 =	smov.u32 @p0 s14  }
0x276: {  	s14 =	smul.u32 $0xC8, s15;
	_ =	sdelay $0x1  }
0x277: {  	v33 =	vmov s14  }
0x278: {  	v54 =	vsub.s32 v53, v33  }
0x279: {  	v32 =	vshll.u32 v53, $0x7;
	v55 =	vshll.u32 v54, $0x8  }
0x27a: {  	v32 =	vand.u32 $0x380, v32;
	v35 =	vand.u32 $0xFFFFF800, v55  }
0x27b: {  	vm8 =	vlt.u32 v54, $0xC8;
	v32 =	vor.u32 v32, v35  }
0x27c: {  	v32 =	vadd.s32 v18, v32;
	_ =	sdelay $0x4  }
0x27d: {  	[tilespmem:v32+s5+$0x0] =	vst.idx.msk vm8, v17  }
0x27e: {  	v32 =	vld [tilespmem:s17+$0x10];
	_ =	sdelay $0x4  }
0x27f: {  	v56 =	vsub.s32 v32, v33  }
0x280: {  	v32 =	vshll.u32 v32, $0x7;
	v57 =	vshll.u32 v56, $0x8  }
0x281: {  	v32 =	vand.u32 $0x380, v32;
	v35 =	vand.u32 $0xFFFFF800, v57  }
0x282: {  	vm9 =	vlt.u32 v56, $0xC8;
	v32 =	vor.u32 v32, v35  }
0x283: {  	v32 =	vadd.s32 v19, v32;
	_ =	sdelay $0x4  }
0x284: {  	[tilespmem:v32+s5+$0x0] =	vst.idx.msk vm9, v17  }
0x285: {  	v32 =	vld [tilespmem:s17+$0x20];
	_ =	sdelay $0x4  }
0x286: {  	v58 =	vsub.s32 v32, v33  }
0x287: {  	v32 =	vshll.u32 v32, $0x7;
	v59 =	vshll.u32 v58, $0x8  }
0x288: {  	v32 =	vand.u32 $0x380, v32;
	v35 =	vand.u32 $0xFFFFF800, v59  }
0x289: {  	vm10 =	vlt.u32 v58, $0xC8;
	v32 =	vor.u32 v32, v35  }
0x28a: {  	v32 =	vadd.s32 v20, v32;
	_ =	sdelay $0x4  }
0x28b: {  	[tilespmem:v32+s5+$0x0] =	vst.idx.msk vm10, v17  }
0x28c: {  	v32 =	vld [tilespmem:s17+$0x30];
	_ =	sdelay $0x4  }
0x28d: {  	v60 =	vsub.s32 v32, v33  }
0x28e: {  	v32 =	vshll.u32 v32, $0x7;
	v61 =	vshll.u32 v60, $0x8  }
0x28f: {  	v32 =	vand.u32 $0x380, v32;
	v35 =	vand.u32 $0xFFFFF800, v61  }
0x290: {  	vm11 =	vlt.u32 v60, $0xC8;
	v32 =	vor.u32 v32, v35  }
0x291: {  	v32 =	vadd.s32 v21, v32;
	_ =	sdelay $0x4  }
0x292: {  	[tilespmem:v32+s5+$0x0] =	vst.idx.msk vm11, v17  }
0x293: {  	v32 =	vld [tilespmem:s17+$0x40];
	_ =	sdelay $0x4  }
0x294: {  	v62 =	vsub.s32 v32, v33  }
0x295: {  	v32 =	vshll.u32 v32, $0x7;
	v63 =	vshll.u32 v62, $0x8  }
0x296: {  	v32 =	vand.u32 $0x380, v32;
	v35 =	vand.u32 $0xFFFFF800, v63  }
0x297: {  	vm12 =	vlt.u32 v62, $0xC8;
	v32 =	vor.u32 v32, v35  }
0x298: {  	v32 =	vadd.s32 v22, v32;
	_ =	sdelay $0x4  }
0x299: {  	[tilespmem:v32+s5+$0x0] =	vst.idx.msk vm12, v17  }
0x29a: {  	v32 =	vld [tilespmem:s17+$0x50];
	_ =	sdelay $0x4  }
0x29b: {  	v36 =	vsub.s32 v32, v33  }
0x29c: {  	v32 =	vshll.u32 v32, $0x7;
	v37 =	vshll.u32 v36, $0x8  }
0x29d: {  	v32 =	vand.u32 $0x380, v32;
	v35 =	vand.u32 $0xFFFFF800, v37  }
0x29e: {  	vm13 =	vlt.u32 v36, $0xC8;
	v32 =	vor.u32 v32, v35  }
0x29f: {  	v32 =	vadd.s32 v23, v32;
	_ =	sdelay $0x4  }
0x2a0: {  	[tilespmem:v32+s5+$0x0] =	vst.idx.msk vm13, v17  }
0x2a1: {  	v32 =	vld [tilespmem:s17+$0x60];
	_ =	sdelay $0x4  }
0x2a2: {  	v38 =	vsub.s32 v32, v33  }
0x2a3: {  	v32 =	vshll.u32 v32, $0x7;
	v39 =	vshll.u32 v38, $0x8  }
0x2a4: {  	v32 =	vand.u32 $0x380, v32;
	v35 =	vand.u32 $0xFFFFF800, v39  }
0x2a5: {  	vm14 =	vlt.u32 v38, $0xC8;
	v32 =	vor.u32 v32, v35  }
0x2a6: {  	v32 =	vadd.s32 v24, v32;
	_ =	sdelay $0x4  }
0x2a7: {  	[tilespmem:v32+s5+$0x0] =	vst.idx.msk vm14, v17  }
0x2a8: {  	v32 =	vld [tilespmem:s17+$0x70];
	_ =	sdelay $0x4  }
0x2a9: {  	v40 =	vsub.s32 v32, v33  }
0x2aa: {  	v32 =	vshll.u32 v32, $0x7;
	v41 =	vshll.u32 v40, $0x8  }
0x2ab: {  	v32 =	vand.u32 $0x380, v32;
	v35 =	vand.u32 $0xFFFFF800, v41  }
0x2ac: {  	vm15 =	vlt.u32 v40, $0xC8;
	v32 =	vor.u32 v32, v35  }
0x2ad: {  	v32 =	vadd.s32 v25, v32;
	_ =	sdelay $0x4  }
0x2ae: {  	[tilespmem:v32+s5+$0x0] =	vst.idx.msk vm15, v17  }
0x2af: {  	v32 =	vld [tilespmem:s17+$0x80];
	_ =	sdelay $0x4  }
0x2b0: {  	v42 =	vsub.s32 v32, v33  }
0x2b1: {  	v32 =	vshll.u32 v32, $0x7;
	v43 =	vshll.u32 v42, $0x8  }
0x2b2: {  	v32 =	vand.u32 $0x380, v32;
	v35 =	vand.u32 $0xFFFFF800, v43  }
0x2b3: {  	vm4 =	vlt.u32 v42, $0xC8;
	v32 =	vor.u32 v32, v35  }
0x2b4: {  	v32 =	vadd.s32 v26, v32;
	_ =	sdelay $0x4  }
0x2b5: {  	[tilespmem:v32+s5+$0x0] =	vst.idx.msk vm4, v17  }
0x2b6: {  	v32 =	vld [tilespmem:s17+$0x90];
	_ =	sdelay $0x4  }
0x2b7: {  	v44 =	vsub.s32 v32, v33  }
0x2b8: {  	v32 =	vshll.u32 v32, $0x7;
	v45 =	vshll.u32 v44, $0x8  }
0x2b9: {  	v32 =	vand.u32 $0x380, v32;
	v35 =	vand.u32 $0xFFFFF800, v45  }
0x2ba: {  	vm5 =	vlt.u32 v44, $0xC8;
	v32 =	vor.u32 v32, v35  }
0x2bb: {  	v32 =	vadd.s32 v27, v32;
	_ =	sdelay $0x4  }
0x2bc: {  	[tilespmem:v32+s5+$0x0] =	vst.idx.msk vm5, v17  }
0x2bd: {  	v32 =	vld [tilespmem:s17+$0xA0];
	_ =	sdelay $0x4  }
0x2be: {  	v46 =	vsub.s32 v32, v33  }
0x2bf: {  	v32 =	vshll.u32 v32, $0x7;
	v47 =	vshll.u32 v46, $0x8  }
0x2c0: {  	v32 =	vand.u32 $0x380, v32;
	v35 =	vand.u32 $0xFFFFF800, v47  }
0x2c1: {  	vm6 =	vlt.u32 v46, $0xC8;
	v32 =	vor.u32 v32, v35  }
0x2c2: {  	v32 =	vadd.s32 v28, v32;
	_ =	sdelay $0x4  }
0x2c3: {  	[tilespmem:v32+s5+$0x0] =	vst.idx.msk vm6, v17  }
0x2c4: {  	v32 =	vld [tilespmem:s17+$0xB0];
	_ =	sdelay $0x4  }
0x2c5: {  	v48 =	vsub.s32 v32, v33  }
0x2c6: {  	v32 =	vshll.u32 v32, $0x7;
	v49 =	vshll.u32 v48, $0x8  }
0x2c7: {  	v32 =	vand.u32 $0x380, v32;
	v35 =	vand.u32 $0xFFFFF800, v49  }
0x2c8: {  	vm7 =	vlt.u32 v48, $0xC8;
	v32 =	vor.u32 v32, v35  }
0x2c9: {  	v32 =	vadd.s32 v29, v32;
	_ =	sdelay $0x4  }
0x2ca: {  	[tilespmem:v32+s5+$0x0] =	vst.idx.msk vm7, v17  }
0x2cb: {  	v32 =	vld [tilespmem:s17+$0xC0];
	_ =	sdelay $0x4  }
0x2cc: {  	v50 =	vsub.s32 v32, v33  }
0x2cd: {  	v32 =	vshll.u32 v32, $0x7;
	v51 =	vshll.u32 v50, $0x8  }
0x2ce: {  	v32 =	vand.u32 $0x380, v32;
	v35 =	vand.u32 $0xFFFFF800, v51  }
0x2cf: {  	vm8 =	vlt.u32 v50, $0xC8;
	v32 =	vor.u32 v32, v35  }
0x2d0: {  	v32 =	vadd.s32 v30, v32;
	_ =	sdelay $0x4  }
0x2d1: {  	[tilespmem:v32+s5+$0x0] =	vst.idx.msk vm8, v17  }
0x2d2: {  	v32 =	vld [tilespmem:s17+$0xD0];
	_ =	sdelay $0x4  }
0x2d3: {  	v52 =	vsub.s32 v32, v33  }
0x2d4: {  	v32 =	vshll.u32 v32, $0x7;
	v53 =	vshll.u32 v52, $0x8  }
0x2d5: {  	v32 =	vand.u32 $0x380, v32;
	v35 =	vand.u32 $0xFFFFF800, v53  }
0x2d6: {  	vm9 =	vlt.u32 v52, $0xC8;
	v32 =	vor.u32 v32, v35  }
0x2d7: {  	v32 =	vadd.s32 v31, v32;
	_ =	sdelay $0x4  }
0x2d8: {  	[tilespmem:v32+s5+$0x0] =	vst.idx.msk vm9, v17  }
0x2d9: {  	v32 =	vld [tilespmem:s17+$0xE0];
	_ =	sdelay $0x4  }
0x2da: {  	v54 =	vsub.s32 v32, v33  }
0x2db: {  	v32 =	vshll.u32 v32, $0x7;
	v55 =	vshll.u32 v54, $0x8  }
0x2dc: {  	v32 =	vand.u32 $0x380, v32;
	v35 =	vand.u32 $0xFFFFF800, v55  }
0x2dd: {  	vm10 =	vlt.u32 v54, $0xC8;
	v56 =	vor.u32 v32, v35;
	v32 =	vor.u32 $0xCC60, v0  }
0x2de: {  	v34 =	vadd.s32 v32, v56;
	_ =	sdelay $0x4  }
0x2df: {  	[tilespmem:v34+s5+$0x0] =	vst.idx.msk vm10, v17  }
0x2e0: {  	v34 =	vld [tilespmem:s17+$0xF0];
	_ =	sdelay $0x4  }
0x2e1: {  	v33 =	vsub.s32 v34, v33  }
0x2e2: {  	v34 =	vshll.u32 v34, $0x7;
	v57 =	vshll.u32 v33, $0x8  }
0x2e3: {  	v34 =	vand.u32 $0x380, v34;
	v35 =	vand.u32 $0xFFFFF800, v57  }
0x2e4: {  	s14 =	sshllo.u32 s12, $0x1;
	vm11 =	vlt.u32 v33, $0xC8;
	v33 =	vor.u32 $0xCC70, v0;
	v34 =	vor.u32 v34, v35  }
0x2e5: {  	s16 =	sand.u32 $0xFF, s14;
	v34 =	vadd.s32 v33, v34  }
0x2e6: {  	s13 =	smul.u32 $0xCD, s16;
	_ =	sdelay $0x1  }
0x2e7: {  	s13 =	sshrl.u32 s13, $0xA  }
0x2e8: {  	s17 =	smul.u32 $0x5, s13  }
0x2e9: {  	s15 =	sshll.u32 s13, $0x8;
	[tilespmem:v34+s5+$0x0] =	vst.idx.msk vm11, v17  }
0x2ea: {  	s14 =	ssub.s32 s14, s17;
	v58 =	vld [tilespmem:s15+$0x0]  }
0x2eb: {  	s14 =	sand.u32 $0xFF, s14  }
0x2ec: {  	s17 =	smul.u32 $0xC8, s14;
	_ =	sdelay $0x1  }
0x2ed: {  	v34 =	vmov s17  }
0x2ee: {  	v36 =	vsub.s32 v58, v34  }
0x2ef: {  	v35 =	vshll.u32 v58, $0x7;
	v37 =	vshll.u32 v36, $0x8  }
0x2f0: {  	v35 =	vand.u32 $0x380, v35;
	v37 =	vand.u32 $0xFFFFF800, v37  }
0x2f1: {  	vm12 =	vlt.u32 v36, $0xC8;
	v35 =	vor.u32 v35, v37  }
0x2f2: {  	v35 =	vadd.s32 v18, v35;
	_ =	sdelay $0x4  }
0x2f3: {  	[tilespmem:v35+s5+$0x0] =	vst.idx.msk vm12, v1  }
0x2f4: {  	v35 =	vld [tilespmem:s15+$0x10];
	_ =	sdelay $0x4  }
0x2f5: {  	v59 =	vsub.s32 v35, v34  }
0x2f6: {  	v35 =	vshll.u32 v35, $0x7;
	v60 =	vshll.u32 v59, $0x8  }
0x2f7: {  	v35 =	vand.u32 $0x380, v35;
	v37 =	vand.u32 $0xFFFFF800, v60  }
0x2f8: {  	vm13 =	vlt.u32 v59, $0xC8;
	v35 =	vor.u32 v35, v37  }
0x2f9: {  	v35 =	vadd.s32 v19, v35;
	_ =	sdelay $0x4  }
0x2fa: {  	[tilespmem:v35+s5+$0x0] =	vst.idx.msk vm13, v1  }
0x2fb: {  	v35 =	vld [tilespmem:s15+$0x20];
	_ =	sdelay $0x4  }
0x2fc: {  	v61 =	vsub.s32 v35, v34  }
0x2fd: {  	v35 =	vshll.u32 v35, $0x7;
	v62 =	vshll.u32 v61, $0x8  }
0x2fe: {  	v35 =	vand.u32 $0x380, v35;
	v37 =	vand.u32 $0xFFFFF800, v62  }
0x2ff: {  	vm14 =	vlt.u32 v61, $0xC8;
	v35 =	vor.u32 v35, v37  }
0x300: {  	v35 =	vadd.s32 v20, v35;
	_ =	sdelay $0x4  }
0x301: {  	[tilespmem:v35+s5+$0x0] =	vst.idx.msk vm14, v1  }
0x302: {  	v35 =	vld [tilespmem:s15+$0x30];
	_ =	sdelay $0x4  }
0x303: {  	v63 =	vsub.s32 v35, v34  }
0x304: {  	v35 =	vshll.u32 v35, $0x7;
	v40 =	vshll.u32 v63, $0x8  }
0x305: {  	v35 =	vand.u32 $0x380, v35;
	v37 =	vand.u32 $0xFFFFF800, v40  }
0x306: {  	vm15 =	vlt.u32 v63, $0xC8;
	v35 =	vor.u32 v35, v37  }
0x307: {  	v35 =	vadd.s32 v21, v35;
	_ =	sdelay $0x4  }
0x308: {  	[tilespmem:v35+s5+$0x0] =	vst.idx.msk vm15, v1  }
0x309: {  	v35 =	vld [tilespmem:s15+$0x40];
	_ =	sdelay $0x4  }
0x30a: {  	v41 =	vsub.s32 v35, v34  }
0x30b: {  	v35 =	vshll.u32 v35, $0x7;
	v42 =	vshll.u32 v41, $0x8  }
0x30c: {  	v35 =	vand.u32 $0x380, v35;
	v37 =	vand.u32 $0xFFFFF800, v42  }
0x30d: {  	vm4 =	vlt.u32 v41, $0xC8;
	v35 =	vor.u32 v35, v37  }
0x30e: {  	v35 =	vadd.s32 v22, v35;
	_ =	sdelay $0x4  }
0x30f: {  	[tilespmem:v35+s5+$0x0] =	vst.idx.msk vm4, v1  }
0x310: {  	v35 =	vld [tilespmem:s15+$0x50];
	_ =	sdelay $0x4  }
0x311: {  	v43 =	vsub.s32 v35, v34  }
0x312: {  	v35 =	vshll.u32 v35, $0x7;
	v44 =	vshll.u32 v43, $0x8  }
0x313: {  	v35 =	vand.u32 $0x380, v35;
	v37 =	vand.u32 $0xFFFFF800, v44  }
0x314: {  	vm5 =	vlt.u32 v43, $0xC8;
	v35 =	vor.u32 v35, v37  }
0x315: {  	v35 =	vadd.s32 v23, v35;
	_ =	sdelay $0x4  }
0x316: {  	[tilespmem:v35+s5+$0x0] =	vst.idx.msk vm5, v1  }
0x317: {  	v35 =	vld [tilespmem:s15+$0x60];
	_ =	sdelay $0x4  }
0x318: {  	v45 =	vsub.s32 v35, v34  }
0x319: {  	v35 =	vshll.u32 v35, $0x7;
	v46 =	vshll.u32 v45, $0x8  }
0x31a: {  	v35 =	vand.u32 $0x380, v35;
	v37 =	vand.u32 $0xFFFFF800, v46  }
0x31b: {  	vm6 =	vlt.u32 v45, $0xC8;
	v35 =	vor.u32 v35, v37  }
0x31c: {  	v35 =	vadd.s32 v24, v35;
	_ =	sdelay $0x4  }
0x31d: {  	[tilespmem:v35+s5+$0x0] =	vst.idx.msk vm6, v1  }
0x31e: {  	v35 =	vld [tilespmem:s15+$0x70];
	_ =	sdelay $0x4  }
0x31f: {  	v47 =	vsub.s32 v35, v34  }
0x320: {  	v35 =	vshll.u32 v35, $0x7;
	v48 =	vshll.u32 v47, $0x8  }
0x321: {  	v35 =	vand.u32 $0x380, v35;
	v37 =	vand.u32 $0xFFFFF800, v48  }
0x322: {  	vm7 =	vlt.u32 v47, $0xC8;
	v35 =	vor.u32 v35, v37  }
0x323: {  	v35 =	vadd.s32 v25, v35;
	_ =	sdelay $0x4  }
0x324: {  	[tilespmem:v35+s5+$0x0] =	vst.idx.msk vm7, v1  }
0x325: {  	v35 =	vld [tilespmem:s15+$0x80];
	_ =	sdelay $0x4  }
0x326: {  	v49 =	vsub.s32 v35, v34  }
0x327: {  	v35 =	vshll.u32 v35, $0x7;
	v50 =	vshll.u32 v49, $0x8  }
0x328: {  	v35 =	vand.u32 $0x380, v35;
	v37 =	vand.u32 $0xFFFFF800, v50  }
0x329: {  	vm8 =	vlt.u32 v49, $0xC8;
	v35 =	vor.u32 v35, v37  }
0x32a: {  	v35 =	vadd.s32 v26, v35;
	_ =	sdelay $0x4  }
0x32b: {  	[tilespmem:v35+s5+$0x0] =	vst.idx.msk vm8, v1  }
0x32c: {  	v35 =	vld [tilespmem:s15+$0x90];
	_ =	sdelay $0x4  }
0x32d: {  	v51 =	vsub.s32 v35, v34  }
0x32e: {  	v35 =	vshll.u32 v35, $0x7;
	v52 =	vshll.u32 v51, $0x8  }
0x32f: {  	v35 =	vand.u32 $0x380, v35;
	v37 =	vand.u32 $0xFFFFF800, v52  }
0x330: {  	vm9 =	vlt.u32 v51, $0xC8;
	v35 =	vor.u32 v35, v37  }
0x331: {  	v35 =	vadd.s32 v27, v35;
	_ =	sdelay $0x4  }
0x332: {  	[tilespmem:v35+s5+$0x0] =	vst.idx.msk vm9, v1  }
0x333: {  	v35 =	vld [tilespmem:s15+$0xA0];
	_ =	sdelay $0x4  }
0x334: {  	v53 =	vsub.s32 v35, v34  }
0x335: {  	v35 =	vshll.u32 v35, $0x7;
	v54 =	vshll.u32 v53, $0x8  }
0x336: {  	v35 =	vand.u32 $0x380, v35;
	v37 =	vand.u32 $0xFFFFF800, v54  }
0x337: {  	vm10 =	vlt.u32 v53, $0xC8;
	v35 =	vor.u32 v35, v37  }
0x338: {  	v35 =	vadd.s32 v28, v35;
	_ =	sdelay $0x4  }
0x339: {  	[tilespmem:v35+s5+$0x0] =	vst.idx.msk vm10, v1  }
0x33a: {  	v35 =	vld [tilespmem:s15+$0xB0];
	_ =	sdelay $0x4  }
0x33b: {  	v55 =	vsub.s32 v35, v34  }
0x33c: {  	v35 =	vshll.u32 v35, $0x7;
	v56 =	vshll.u32 v55, $0x8  }
0x33d: {  	v35 =	vand.u32 $0x380, v35;
	v37 =	vand.u32 $0xFFFFF800, v56  }
0x33e: {  	vm11 =	vlt.u32 v55, $0xC8;
	v35 =	vor.u32 v35, v37  }
0x33f: {  	v35 =	vadd.s32 v29, v35;
	_ =	sdelay $0x4  }
0x340: {  	[tilespmem:v35+s5+$0x0] =	vst.idx.msk vm11, v1  }
0x341: {  	v35 =	vld [tilespmem:s15+$0xC0];
	_ =	sdelay $0x4  }
0x342: {  	v57 =	vsub.s32 v35, v34  }
0x343: {  	v35 =	vshll.u32 v35, $0x7;
	v58 =	vshll.u32 v57, $0x8  }
0x344: {  	v35 =	vand.u32 $0x380, v35;
	v37 =	vand.u32 $0xFFFFF800, v58  }
0x345: {  	vm12 =	vlt.u32 v57, $0xC8;
	v35 =	vor.u32 v35, v37  }
0x346: {  	v35 =	vadd.s32 v30, v35;
	_ =	sdelay $0x4  }
0x347: {  	[tilespmem:v35+s5+$0x0] =	vst.idx.msk vm12, v1  }
0x348: {  	v35 =	vld [tilespmem:s15+$0xD0];
	_ =	sdelay $0x4  }
0x349: {  	v59 =	vsub.s32 v35, v34  }
0x34a: {  	v35 =	vshll.u32 v35, $0x7;
	v60 =	vshll.u32 v59, $0x8  }
0x34b: {  	v35 =	vand.u32 $0x380, v35;
	v37 =	vand.u32 $0xFFFFF800, v60  }
0x34c: {  	vm13 =	vlt.u32 v59, $0xC8;
	v35 =	vor.u32 v35, v37  }
0x34d: {  	v35 =	vadd.s32 v31, v35;
	_ =	sdelay $0x4  }
0x34e: {  	[tilespmem:v35+s5+$0x0] =	vst.idx.msk vm13, v1  }
0x34f: {  	v35 =	vld [tilespmem:s15+$0xE0];
	_ =	sdelay $0x4  }
0x350: {  	v61 =	vsub.s32 v35, v34  }
0x351: {  	v35 =	vshll.u32 v35, $0x7;
	v62 =	vshll.u32 v61, $0x8  }
0x352: {  	v35 =	vand.u32 $0x380, v35;
	v37 =	vand.u32 $0xFFFFF800, v62  }
0x353: {  	vm14 =	vlt.u32 v61, $0xC8;
	v35 =	vor.u32 v35, v37  }
0x354: {  	v32 =	vadd.s32 v32, v35;
	_ =	sdelay $0x4  }
0x355: {  	[tilespmem:v32+s5+$0x0] =	vst.idx.msk vm14, v1  }
0x356: {  	v32 =	vld [tilespmem:s15+$0xF0];
	_ =	sdelay $0x4  }
0x357: {  	v34 =	vsub.s32 v32, v34  }
0x358: {  	v32 =	vshll.u32 v32, $0x7;
	v63 =	vshll.u32 v34, $0x8  }
0x359: {  	v32 =	vand.u32 $0x380, v32;
	v35 =	vand.u32 $0xFFFFF800, v63  }
0x35a: {  	s13 =	sadd.s32 s13, s1;
	vm15 =	vlt.u32 v34, $0xC8;
	v32 =	vor.u32 v32, v35  }
0x35b: {  	s13 =	smul.u32 $0x3E8000, s13;
	v32 =	vadd.s32 v33, v32  }
0x35c: {  	p0 =	sne.s32 s12, $0x3D;
	s14 =	smul.u32 $0xC8000, s14  }
.Ltmp0:
0x35d: {  	_ = 	snop;
	(pc) =	sbr.rel @p0 .LBB2_2-.Ltmp0, $4  }
0x35e: {  	s13 =	sadd.s32 s14, s13  }
0x35f: {  	s13 =	sshrl.u32 s13, $0x3  }
0x360: {  	s12 =	sadd.s32 $0x1, s12;
	s13 =	sadd.s32 s13, s31;
	[tilespmem:v32+s5+$0x0] =	vst.idx.msk vm15, v1  }
0x361: {  	[hbm4b:s13+s4] =	stream.strided.scatter [tilespmem:s8], [sflag:$0x2], $0xC800, s7, s4, $0x38;
	[tilespmem:$0x1A900] =	vst v63  }
0x362: {  	_ =	swait.ge [sflag:s9], $0xC800  }
0x363: {  	[sflag:s9] =	ssyncset.done $0x0  }
0x364: {  	[sflag:s9] =	ssyncadd.s32 $0xFFFF3800  }
0x365: {  	v32 =	vld [tilespmem:$0x1800];
	_ =	sdelay $0x4  }
0x366: {  	v33 =	vshll.u32 v32, $0x8;
	v34 =	vshll.u32 v32, $0x7  }
0x367: {  	v33 =	vand.u32 $0xFFFFF800, v33;
	v34 =	vand.u32 $0x380, v34  }
0x368: {  	v32 =	vadd.s32 $0xFFFFFE70, v32;
	v33 =	vor.u32 v34, v33  }
0x369: {  	vm0 =	vlt.u32 v32, $0xC8;
	v58 =	vor.u32 v0, v33  }
0x36a: {  	v32 =	vadd.s32 $0xFFFE7000, v58;
	_ =	sdelay $0x4  }
0x36b: {  	[tilespmem:v32+s5+$0x0] =	vst.idx.msk vm0, v17  }
0x36c: {  	v32 =	vld [tilespmem:$0x1810];
	_ =	sdelay $0x4  }
0x36d: {  	v59 =	vshll.u32 v32, $0x8;
	v60 =	vshll.u32 v32, $0x7  }
0x36e: {  	v33 =	vand.u32 $0xFFFFF800, v59;
	v34 =	vand.u32 $0x380, v60  }
0x36f: {  	v32 =	vadd.s32 $0xFFFFFE70, v32;
	v33 =	vor.u32 v34, v33  }
0x370: {  	vm9 =	vlt.u32 v32, $0xC8;
	v61 =	vor.u32 v2, v33  }
0x371: {  	v32 =	vadd.s32 $0xFFFE7000, v61;
	_ =	sdelay $0x4  }
0x372: {  	[tilespmem:v32+s5+$0x0] =	vst.idx.msk vm9, v17  }
0x373: {  	v32 =	vld [tilespmem:$0x1820];
	_ =	sdelay $0x4  }
0x374: {  	v62 =	vshll.u32 v32, $0x8;
	v63 =	vshll.u32 v32, $0x7  }
0x375: {  	v33 =	vand.u32 $0xFFFFF800, v62;
	v34 =	vand.u32 $0x380, v63  }
0x376: {  	v32 =	vadd.s32 $0xFFFFFE70, v32;
	v33 =	vor.u32 v34, v33  }
0x377: {  	vm10 =	vlt.u32 v32, $0xC8;
	v36 =	vor.u32 v3, v33  }
0x378: {  	v32 =	vadd.s32 $0xFFFE7000, v36;
	_ =	sdelay $0x4  }
0x379: {  	[tilespmem:v32+s5+$0x0] =	vst.idx.msk vm10, v17  }
0x37a: {  	v32 =	vld [tilespmem:$0x1830];
	_ =	sdelay $0x4  }
0x37b: {  	v37 =	vshll.u32 v32, $0x8;
	v38 =	vshll.u32 v32, $0x7  }
0x37c: {  	v33 =	vand.u32 $0xFFFFF800, v37;
	v34 =	vand.u32 $0x380, v38  }
0x37d: {  	v32 =	vadd.s32 $0xFFFFFE70, v32;
	v33 =	vor.u32 v34, v33  }
0x37e: {  	vm11 =	vlt.u32 v32, $0xC8;
	v39 =	vor.u32 v4, v33  }
0x37f: {  	v32 =	vadd.s32 $0xFFFE7000, v39;
	_ =	sdelay $0x4  }
0x380: {  	[tilespmem:v32+s5+$0x0] =	vst.idx.msk vm11, v17  }
0x381: {  	v32 =	vld [tilespmem:$0x1840];
	_ =	sdelay $0x4  }
0x382: {  	v40 =	vshll.u32 v32, $0x8;
	v41 =	vshll.u32 v32, $0x7  }
0x383: {  	v33 =	vand.u32 $0xFFFFF800, v40;
	v34 =	vand.u32 $0x380, v41  }
0x384: {  	v32 =	vadd.s32 $0xFFFFFE70, v32;
	v33 =	vor.u32 v34, v33  }
0x385: {  	vm12 =	vlt.u32 v32, $0xC8;
	v42 =	vor.u32 v5, v33  }
0x386: {  	v32 =	vadd.s32 $0xFFFE7000, v42;
	_ =	sdelay $0x4  }
0x387: {  	[tilespmem:v32+s5+$0x0] =	vst.idx.msk vm12, v17  }
0x388: {  	v32 =	vld [tilespmem:$0x1850];
	_ =	sdelay $0x4  }
0x389: {  	v43 =	vshll.u32 v32, $0x8;
	v44 =	vshll.u32 v32, $0x7  }
0x38a: {  	v33 =	vand.u32 $0xFFFFF800, v43;
	v34 =	vand.u32 $0x380, v44  }
0x38b: {  	v32 =	vadd.s32 $0xFFFFFE70, v32;
	v33 =	vor.u32 v34, v33  }
0x38c: {  	vm13 =	vlt.u32 v32, $0xC8;
	v45 =	vor.u32 v6, v33  }
0x38d: {  	v32 =	vadd.s32 $0xFFFE7000, v45;
	_ =	sdelay $0x4  }
0x38e: {  	[tilespmem:v32+s5+$0x0] =	vst.idx.msk vm13, v17  }
0x38f: {  	v32 =	vld [tilespmem:$0x1860];
	_ =	sdelay $0x4  }
0x390: {  	v46 =	vshll.u32 v32, $0x8;
	v47 =	vshll.u32 v32, $0x7  }
0x391: {  	v33 =	vand.u32 $0xFFFFF800, v46;
	v34 =	vand.u32 $0x380, v47  }
0x392: {  	v32 =	vadd.s32 $0xFFFFFE70, v32;
	v33 =	vor.u32 v34, v33  }
0x393: {  	vm14 =	vlt.u32 v32, $0xC8;
	v48 =	vor.u32 v7, v33  }
0x394: {  	v32 =	vadd.s32 $0xFFFE7000, v48;
	_ =	sdelay $0x4  }
0x395: {  	[tilespmem:v32+s5+$0x0] =	vst.idx.msk vm14, v17  }
0x396: {  	v32 =	vld [tilespmem:$0x1870];
	_ =	sdelay $0x4  }
0x397: {  	v49 =	vshll.u32 v32, $0x8;
	v50 =	vshll.u32 v32, $0x7  }
0x398: {  	v33 =	vand.u32 $0xFFFFF800, v49;
	v34 =	vand.u32 $0x380, v50  }
0x399: {  	v32 =	vadd.s32 $0xFFFFFE70, v32;
	v33 =	vor.u32 v34, v33  }
0x39a: {  	vm15 =	vlt.u32 v32, $0xC8;
	v51 =	vor.u32 v8, v33  }
0x39b: {  	v32 =	vadd.s32 $0xFFFE7000, v51;
	_ =	sdelay $0x4  }
0x39c: {  	[tilespmem:v32+s5+$0x0] =	vst.idx.msk vm15, v17  }
0x39d: {  	v32 =	vld [tilespmem:$0x1880];
	_ =	sdelay $0x4  }
0x39e: {  	v52 =	vshll.u32 v32, $0x8;
	v53 =	vshll.u32 v32, $0x7  }
0x39f: {  	v32 =	vadd.s32 $0xFFFFFE70, v32;
	v33 =	vand.u32 $0xFFFFF800, v52;
	v34 =	vand.u32 $0x380, v53  }
0x3a0: {  	v55 =	vor.u32 $0xFFFE7400, v0;
	vm4 =	vlt.u32 v32, $0xC8;
	v54 =	vor.u32 v34, v33  }
0x3a1: {  	v32 =	vadd.s32 v55, v54;
	_ =	sdelay $0x4  }
0x3a2: {  	[tilespmem:v32+s5+$0x0] =	vst.idx.msk vm4, v17  }
0x3a3: {  	v32 =	vld [tilespmem:$0x1890];
	_ =	sdelay $0x4  }
0x3a4: {  	v56 =	vshll.u32 v32, $0x8;
	v57 =	vshll.u32 v32, $0x7  }
0x3a5: {  	v32 =	vadd.s32 $0xFFFFFE70, v32;
	v33 =	vand.u32 $0xFFFFF800, v56;
	v34 =	vand.u32 $0x380, v57  }
0x3a6: {  	v59 =	vor.u32 $0xFFFE7410, v0;
	vm5 =	vlt.u32 v32, $0xC8;
	v58 =	vor.u32 v34, v33  }
0x3a7: {  	v32 =	vadd.s32 v59, v58;
	_ =	sdelay $0x4  }
0x3a8: {  	[tilespmem:v32+s5+$0x0] =	vst.idx.msk vm5, v17  }
0x3a9: {  	v32 =	vld [tilespmem:$0x18A0];
	_ =	sdelay $0x4  }
0x3aa: {  	v60 =	vshll.u32 v32, $0x8;
	v61 =	vshll.u32 v32, $0x7  }
0x3ab: {  	v32 =	vadd.s32 $0xFFFFFE70, v32;
	v33 =	vand.u32 $0xFFFFF800, v60;
	v34 =	vand.u32 $0x380, v61  }
0x3ac: {  	v63 =	vor.u32 $0xFFFE7420, v0;
	vm6 =	vlt.u32 v32, $0xC8;
	v62 =	vor.u32 v34, v33  }
0x3ad: {  	v32 =	vadd.s32 v63, v62;
	_ =	sdelay $0x4  }
0x3ae: {  	[tilespmem:v32+s5+$0x0] =	vst.idx.msk vm6, v17  }
0x3af: {  	v32 =	vld [tilespmem:$0x18B0];
	_ =	sdelay $0x4  }
0x3b0: {  	v36 =	vshll.u32 v32, $0x8;
	v37 =	vshll.u32 v32, $0x7  }
0x3b1: {  	v32 =	vadd.s32 $0xFFFFFE70, v32;
	v33 =	vand.u32 $0xFFFFF800, v36;
	v34 =	vand.u32 $0x380, v37  }
0x3b2: {  	v39 =	vor.u32 $0xFFFE7430, v0;
	vm7 =	vlt.u32 v32, $0xC8;
	v38 =	vor.u32 v34, v33  }
0x3b3: {  	v32 =	vadd.s32 v39, v38;
	_ =	sdelay $0x4  }
0x3b4: {  	[tilespmem:v32+s5+$0x0] =	vst.idx.msk vm7, v17  }
0x3b5: {  	v32 =	vld [tilespmem:$0x18C0];
	_ =	sdelay $0x4  }
0x3b6: {  	v40 =	vshll.u32 v32, $0x8;
	v41 =	vshll.u32 v32, $0x7  }
0x3b7: {  	v32 =	vadd.s32 $0xFFFFFE70, v32;
	v33 =	vand.u32 $0xFFFFF800, v40;
	v34 =	vand.u32 $0x380, v41  }
0x3b8: {  	v43 =	vor.u32 $0xFFFE7440, v0;
	vm8 =	vlt.u32 v32, $0xC8;
	v42 =	vor.u32 v34, v33  }
0x3b9: {  	v32 =	vadd.s32 v43, v42;
	_ =	sdelay $0x4  }
0x3ba: {  	[tilespmem:v32+s5+$0x0] =	vst.idx.msk vm8, v17  }
0x3bb: {  	v32 =	vld [tilespmem:$0x18D0];
	_ =	sdelay $0x4  }
0x3bc: {  	v44 =	vshll.u32 v32, $0x8;
	v45 =	vshll.u32 v32, $0x7  }
0x3bd: {  	v32 =	vadd.s32 $0xFFFFFE70, v32;
	v33 =	vand.u32 $0xFFFFF800, v44;
	v34 =	vand.u32 $0x380, v45  }
0x3be: {  	v47 =	vor.u32 $0xFFFE7450, v0;
	vm9 =	vlt.u32 v32, $0xC8;
	v46 =	vor.u32 v34, v33  }
0x3bf: {  	v32 =	vadd.s32 v47, v46;
	_ =	sdelay $0x4  }
0x3c0: {  	[tilespmem:v32+s5+$0x0] =	vst.idx.msk vm9, v17  }
0x3c1: {  	v32 =	vld [tilespmem:$0x18E0];
	_ =	sdelay $0x4  }
0x3c2: {  	v48 =	vshll.u32 v32, $0x8;
	v49 =	vshll.u32 v32, $0x7  }
0x3c3: {  	v32 =	vadd.s32 $0xFFFFFE70, v32;
	v33 =	vand.u32 $0xFFFFF800, v48;
	v34 =	vand.u32 $0x380, v49  }
0x3c4: {  	v51 =	vor.u32 $0xFFFE7460, v0;
	vm10 =	vlt.u32 v32, $0xC8;
	v50 =	vor.u32 v34, v33  }
0x3c5: {  	v32 =	vadd.s32 v51, v50;
	_ =	sdelay $0x4  }
0x3c6: {  	[tilespmem:v32+s5+$0x0] =	vst.idx.msk vm10, v17  }
0x3c7: {  	v32 =	vld [tilespmem:$0x18F0];
	_ =	sdelay $0x4  }
0x3c8: {  	v52 =	vshll.u32 v32, $0x8;
	v53 =	vshll.u32 v32, $0x7  }
0x3c9: {  	v32 =	vadd.s32 $0xFFFFFE70, v32;
	v33 =	vand.u32 $0xFFFFF800, v52;
	v34 =	vand.u32 $0x380, v53  }
0x3ca: {  	v55 =	vor.u32 $0xFFFE7470, v0;
	vm11 =	vlt.u32 v32, $0xC8;
	v54 =	vor.u32 v34, v33  }
0x3cb: {  	v32 =	vadd.s32 v55, v54;
	_ =	sdelay $0x4  }
0x3cc: {  	[tilespmem:v32+s5+$0x0] =	vst.idx.msk vm11, v17  }
0x3cd: {  	v32 =	vld [tilespmem:$0x1800];
	_ =	sdelay $0x4  }
0x3ce: {  	v56 =	vshll.u32 v32, $0x8;
	v57 =	vshll.u32 v32, $0x7  }
0x3cf: {  	v32 =	vadd.s32 $0xFFFFFCE0, v32;
	v33 =	vand.u32 $0xFFFFF800, v56;
	v34 =	vand.u32 $0x380, v57  }
0x3d0: {  	v59 =	vor.u32 $0xFFFCE000, v0;
	vm12 =	vlt.u32 v32, $0xC8;
	v58 =	vor.u32 v34, v33  }
0x3d1: {  	v32 =	vadd.s32 v59, v58;
	_ =	sdelay $0x4  }
0x3d2: {  	[tilespmem:v32+s5+$0x0] =	vst.idx.msk vm12, v1  }
0x3d3: {  	v32 =	vld [tilespmem:$0x1810];
	_ =	sdelay $0x4  }
0x3d4: {  	v60 =	vshll.u32 v32, $0x8;
	v61 =	vshll.u32 v32, $0x7  }
0x3d5: {  	v32 =	vadd.s32 $0xFFFFFCE0, v32;
	v33 =	vand.u32 $0xFFFFF800, v60;
	v34 =	vand.u32 $0x380, v61  }
0x3d6: {  	v63 =	vor.u32 $0xFFFCE010, v0;
	vm13 =	vlt.u32 v32, $0xC8;
	v62 =	vor.u32 v34, v33  }
0x3d7: {  	v32 =	vadd.s32 v63, v62;
	_ =	sdelay $0x4  }
0x3d8: {  	[tilespmem:v32+s5+$0x0] =	vst.idx.msk vm13, v1  }
0x3d9: {  	v32 =	vld [tilespmem:$0x1820];
	_ =	sdelay $0x4  }
0x3da: {  	v36 =	vshll.u32 v32, $0x8;
	v37 =	vshll.u32 v32, $0x7  }
0x3db: {  	v32 =	vadd.s32 $0xFFFFFCE0, v32;
	v33 =	vand.u32 $0xFFFFF800, v36;
	v34 =	vand.u32 $0x380, v37  }
0x3dc: {  	v39 =	vor.u32 $0xFFFCE020, v0;
	vm14 =	vlt.u32 v32, $0xC8;
	v38 =	vor.u32 v34, v33  }
0x3dd: {  	v32 =	vadd.s32 v39, v38;
	_ =	sdelay $0x4  }
0x3de: {  	[tilespmem:v32+s5+$0x0] =	vst.idx.msk vm14, v1  }
0x3df: {  	v32 =	vld [tilespmem:$0x1830];
	_ =	sdelay $0x4  }
0x3e0: {  	v40 =	vshll.u32 v32, $0x8;
	v41 =	vshll.u32 v32, $0x7  }
0x3e1: {  	v32 =	vadd.s32 $0xFFFFFCE0, v32;
	v33 =	vand.u32 $0xFFFFF800, v40;
	v34 =	vand.u32 $0x380, v41  }
0x3e2: {  	v43 =	vor.u32 $0xFFFCE030, v0;
	vm15 =	vlt.u32 v32, $0xC8;
	v42 =	vor.u32 v34, v33  }
0x3e3: {  	v32 =	vadd.s32 v43, v42;
	_ =	sdelay $0x4  }
0x3e4: {  	[tilespmem:v32+s5+$0x0] =	vst.idx.msk vm15, v1  }
0x3e5: {  	v32 =	vld [tilespmem:$0x1840];
	_ =	sdelay $0x4  }
0x3e6: {  	v44 =	vshll.u32 v32, $0x8;
	v45 =	vshll.u32 v32, $0x7  }
0x3e7: {  	v32 =	vadd.s32 $0xFFFFFCE0, v32;
	v33 =	vand.u32 $0xFFFFF800, v44;
	v34 =	vand.u32 $0x380, v45  }
0x3e8: {  	v47 =	vor.u32 $0xFFFCE040, v0;
	vm4 =	vlt.u32 v32, $0xC8;
	v46 =	vor.u32 v34, v33  }
0x3e9: {  	v32 =	vadd.s32 v47, v46;
	_ =	sdelay $0x4  }
0x3ea: {  	[tilespmem:v32+s5+$0x0] =	vst.idx.msk vm4, v1  }
0x3eb: {  	v32 =	vld [tilespmem:$0x1850];
	_ =	sdelay $0x4  }
0x3ec: {  	v48 =	vshll.u32 v32, $0x8;
	v49 =	vshll.u32 v32, $0x7  }
0x3ed: {  	v32 =	vadd.s32 $0xFFFFFCE0, v32;
	v33 =	vand.u32 $0xFFFFF800, v48;
	v34 =	vand.u32 $0x380, v49  }
0x3ee: {  	v51 =	vor.u32 $0xFFFCE050, v0;
	vm5 =	vlt.u32 v32, $0xC8;
	v50 =	vor.u32 v34, v33  }
0x3ef: {  	v32 =	vadd.s32 v51, v50;
	_ =	sdelay $0x4  }
0x3f0: {  	[tilespmem:v32+s5+$0x0] =	vst.idx.msk vm5, v1  }
0x3f1: {  	v32 =	vld [tilespmem:$0x1860];
	_ =	sdelay $0x4  }
0x3f2: {  	v52 =	vshll.u32 v32, $0x8;
	v53 =	vshll.u32 v32, $0x7  }
0x3f3: {  	v32 =	vadd.s32 $0xFFFFFCE0, v32;
	v33 =	vand.u32 $0xFFFFF800, v52;
	v34 =	vand.u32 $0x380, v53  }
0x3f4: {  	v55 =	vor.u32 $0xFFFCE060, v0;
	vm6 =	vlt.u32 v32, $0xC8;
	v54 =	vor.u32 v34, v33  }
0x3f5: {  	v32 =	vadd.s32 v55, v54;
	_ =	sdelay $0x4  }
0x3f6: {  	[tilespmem:v32+s5+$0x0] =	vst.idx.msk vm6, v1  }
0x3f7: {  	v32 =	vld [tilespmem:$0x1870];
	_ =	sdelay $0x4  }
0x3f8: {  	v56 =	vshll.u32 v32, $0x8;
	v57 =	vshll.u32 v32, $0x7  }
0x3f9: {  	v32 =	vadd.s32 $0xFFFFFCE0, v32;
	v33 =	vand.u32 $0xFFFFF800, v56;
	v34 =	vand.u32 $0x380, v57  }
0x3fa: {  	v59 =	vor.u32 $0xFFFCE070, v0;
	vm7 =	vlt.u32 v32, $0xC8;
	v58 =	vor.u32 v34, v33  }
0x3fb: {  	v32 =	vadd.s32 v59, v58;
	_ =	sdelay $0x4  }
0x3fc: {  	[tilespmem:v32+s5+$0x0] =	vst.idx.msk vm7, v1  }
0x3fd: {  	v32 =	vld [tilespmem:$0x1880];
	_ =	sdelay $0x4  }
0x3fe: {  	v60 =	vshll.u32 v32, $0x8;
	v61 =	vshll.u32 v32, $0x7  }
0x3ff: {  	v32 =	vadd.s32 $0xFFFFFCE0, v32;
	v33 =	vand.u32 $0xFFFFF800, v60;
	v34 =	vand.u32 $0x380, v61  }
0x400: {  	v63 =	vor.u32 $0xFFFCE400, v0;
	vm8 =	vlt.u32 v32, $0xC8;
	v62 =	vor.u32 v34, v33  }
0x401: {  	v32 =	vadd.s32 v63, v62;
	_ =	sdelay $0x4  }
0x402: {  	[tilespmem:v32+s5+$0x0] =	vst.idx.msk vm8, v1  }
0x403: {  	v32 =	vld [tilespmem:$0x1890];
	_ =	sdelay $0x4  }
0x404: {  	v36 =	vshll.u32 v32, $0x8;
	v37 =	vshll.u32 v32, $0x7  }
0x405: {  	v32 =	vadd.s32 $0xFFFFFCE0, v32;
	v33 =	vand.u32 $0xFFFFF800, v36;
	v34 =	vand.u32 $0x380, v37  }
0x406: {  	v39 =	vor.u32 $0xFFFCE410, v0;
	vm9 =	vlt.u32 v32, $0xC8;
	v38 =	vor.u32 v34, v33  }
0x407: {  	v32 =	vadd.s32 v39, v38;
	_ =	sdelay $0x4  }
0x408: {  	[tilespmem:v32+s5+$0x0] =	vst.idx.msk vm9, v1  }
0x409: {  	v32 =	vld [tilespmem:$0x18A0];
	_ =	sdelay $0x4  }
0x40a: {  	v40 =	vshll.u32 v32, $0x8;
	v41 =	vshll.u32 v32, $0x7  }
0x40b: {  	v32 =	vadd.s32 $0xFFFFFCE0, v32;
	v33 =	vand.u32 $0xFFFFF800, v40;
	v34 =	vand.u32 $0x380, v41  }
0x40c: {  	v43 =	vor.u32 $0xFFFCE420, v0;
	vm10 =	vlt.u32 v32, $0xC8;
	v42 =	vor.u32 v34, v33  }
0x40d: {  	v32 =	vadd.s32 v43, v42;
	_ =	sdelay $0x4  }
0x40e: {  	[tilespmem:v32+s5+$0x0] =	vst.idx.msk vm10, v1  }
0x40f: {  	v32 =	vld [tilespmem:$0x18B0];
	_ =	sdelay $0x4  }
0x410: {  	v44 =	vshll.u32 v32, $0x8;
	v45 =	vshll.u32 v32, $0x7  }
0x411: {  	v32 =	vadd.s32 $0xFFFFFCE0, v32;
	v33 =	vand.u32 $0xFFFFF800, v44;
	v34 =	vand.u32 $0x380, v45  }
0x412: {  	v47 =	vor.u32 $0xFFFCE430, v0;
	vm11 =	vlt.u32 v32, $0xC8;
	v46 =	vor.u32 v34, v33  }
0x413: {  	v32 =	vadd.s32 v47, v46;
	_ =	sdelay $0x4  }
0x414: {  	[tilespmem:v32+s5+$0x0] =	vst.idx.msk vm11, v1  }
0x415: {  	v32 =	vld [tilespmem:$0x18C0];
	_ =	sdelay $0x4  }
0x416: {  	v48 =	vshll.u32 v32, $0x8;
	v49 =	vshll.u32 v32, $0x7  }
0x417: {  	v32 =	vadd.s32 $0xFFFFFCE0, v32;
	v33 =	vand.u32 $0xFFFFF800, v48;
	v34 =	vand.u32 $0x380, v49  }
0x418: {  	v51 =	vor.u32 $0xFFFCE440, v0;
	vm12 =	vlt.u32 v32, $0xC8;
	v50 =	vor.u32 v34, v33  }
0x419: {  	v32 =	vadd.s32 v51, v50;
	_ =	sdelay $0x4  }
0x41a: {  	[tilespmem:v32+s5+$0x0] =	vst.idx.msk vm12, v1  }
0x41b: {  	v32 =	vld [tilespmem:$0x18D0];
	_ =	sdelay $0x4  }
0x41c: {  	v52 =	vshll.u32 v32, $0x8;
	v53 =	vshll.u32 v32, $0x7  }
0x41d: {  	v32 =	vadd.s32 $0xFFFFFCE0, v32;
	v33 =	vand.u32 $0xFFFFF800, v52;
	v34 =	vand.u32 $0x380, v53  }
0x41e: {  	v55 =	vor.u32 $0xFFFCE450, v0;
	vm13 =	vlt.u32 v32, $0xC8;
	v54 =	vor.u32 v34, v33  }
0x41f: {  	v32 =	vadd.s32 v55, v54;
	_ =	sdelay $0x4  }
0x420: {  	[tilespmem:v32+s5+$0x0] =	vst.idx.msk vm13, v1  }
0x421: {  	v32 =	vld [tilespmem:$0x18E0];
	_ =	sdelay $0x4  }
0x422: {  	v56 =	vshll.u32 v32, $0x8;
	v57 =	vshll.u32 v32, $0x7  }
0x423: {  	v32 =	vadd.s32 $0xFFFFFCE0, v32;
	v33 =	vand.u32 $0xFFFFF800, v56;
	v34 =	vand.u32 $0x380, v57  }
0x424: {  	v59 =	vor.u32 $0xFFFCE460, v0;
	vm14 =	vlt.u32 v32, $0xC8;
	v58 =	vor.u32 v34, v33  }
0x425: {  	v32 =	vadd.s32 v59, v58;
	_ =	sdelay $0x4  }
0x426: {  	[tilespmem:v32+s5+$0x0] =	vst.idx.msk vm14, v1  }
0x427: {  	v32 =	vld [tilespmem:$0x18F0];
	_ =	sdelay $0x4  }
0x428: {  	v60 =	vshll.u32 v32, $0x8;
	v61 =	vshll.u32 v32, $0x7  }
0x429: {  	v32 =	vadd.s32 $0xFFFFFCE0, v32;
	v33 =	vand.u32 $0xFFFFF800, v60;
	v34 =	vand.u32 $0x380, v61  }
0x42a: {  	v63 =	vor.u32 $0xFFFCE470, v0;
	vm15 =	vlt.u32 v32, $0xC8;
	v62 =	vor.u32 v34, v33  }
0x42b: {  	v32 =	vadd.s32 v63, v62;
	_ =	sdelay $0x4  }
0x42c: {  	s11 =	sadd.s32 $0x1, s11;
	[tilespmem:v32+s5+$0x0] =	vst.idx.msk vm15, v1  }
0x42d: {  	[hbm4b:s29+s4] =	stream.strided.scatter [tilespmem:s5], [sflag:$0x1], $0xC800, s7, s4, $0x38;
	[tilespmem:$0x1A900] =	vst v63  }
0x42e: {  	p0 =	sne.s32 s11, s2;
	_ =	swait.ge [sflag:s9], $0xC800  }
.Ltmp1:
0x42f: {  	[sflag:s9] =	ssyncset.done $0x0;
	(pc) =	sbr.rel @p0 .LBB2_1-.Ltmp1, $4  }
0x430: {  	[sflag:s9] =	ssyncadd.s32 $0xFFFF3800  }
0x431: {  	_ =	swait.ge [sflag:s10], $0xC800  }
0x432: {  	[sflag:s10] =	ssyncset.done $0x0  }
0x433: {  	[sflag:s10] =	ssyncadd.s32 $0xFFFF3800  }
0x434: {  	_ =	sfence.sel $0x180000  }
0x435: {  	[bflag:$0x0] =	sbarrier.arrive $0xFFFF  }
0x436: {  	_ =	strace $0x90000047  }
0x437: {  	s0 =	stileid.u32;
	[bflag:$0x2] =	sbarrier.arrive $0xFFFF  }
0x438: {  	p0 =	sne.s32 s0, $0x0;
	s0 =	rddreg [dreg:$0x2]  }
0x439: {  	s0 =	sadd.s32 @!p0 $0x100000, s0  }
0x43a: {  	[sflag:s0] =	ssyncadd.tile.s32 @!p0 $0x1;
	_ =	shalt  }
.Lfunc_end2:
_tile_overlayer_lowered:
.L_overlay_start_2:
0x43b: {  	(tag) =	ssettag $0x2  }
0x43c: {  	s0 =	rddreg [dreg:$0x0];
	s2 =	stileid.u32  }
0x43d: {  	s1 =	rddreg [dreg:$0x1];
	p0 =	sne.s32 s2, $0x0  }
0x43e: {  	s3 =	rddreg [dreg:$0x2];
	[bflag:$0x3] =	sbarrier.arrive $0xFFFF;
	s2 =	simm.s32 @!p0 $0x1C04  }
0x43f: {  	[timem:s3], [sflag:s2] =	dma.local @!p0 [hbm:s0], s1  }
0x440: {  	s0 =	simm.s32 @!p0 $0x4  }
0x441: {  	_ =	swait.ge @!p0 [sflag:s0], s1  }
0x442: {  	s1 =	ssub.s32 @!p0 $0x0, s1;
	[sflag:s0] =	ssyncset.done @!p0 $0x0  }
0x443: {  	[sflag:s0] =	ssyncadd.s32 @!p0 s1  }
0x444: {  	[bflag:$0x3] =	sbarrier.arrive $0xFFFF  }
0x445: {  	_ =	shalt  }

</sc_bundles>
